<compile_context>
chip_gen: v7x
topology: tpu7x:2x2x1
jax: 0.10.2.dev20260603
libtpu: 0.0.44.dev20260713+nightly
codegen_flags: <defaults>
</compile_context>

<pallas_src>
import jax
import jax.numpy as jnp
from jax import lax
from jax.experimental import pallas as pl
from jax.experimental.pallas import tpu as pltpu, tpu_sc as plsc

VOCAB = 1000000
EMBED_DIM = 64
BATCH = 4096
HIST = 200

NC = 2
NS = 16
NW = NC * NS

TH = HIST // 8
TB = BATCH // 128
HL = 8
BL = 128
TE = EMBED_DIM // 8
R = 8
L = 128

NCOL = VOCAB // 128
VTAIL = NCOL * 128
COLS_PER_W = 245


def _relayout_body(tab_hbm, tail_hbm, out_hbm, col0, col1, ob0, ob1,
                   gsem0, gsem1, wsem0, wsem1):
  w = lax.axis_index("s") * NC + lax.axis_index("c")
  base = w * COLS_PER_W

  lanes = lax.iota(jnp.int32, 16)

  def col_of(i):
    return jnp.minimum(base + i, NCOL - 1)

  def fire_in(i, buf, sem):
    pltpu.async_copy(tab_hbm.at[:, pl.ds(col_of(i) * 128, 128)], buf, sem)

  def drain_in(buf, sem):
    pltpu.make_async_copy(tab_hbm.at[:, pl.ds(0, 128)], buf, sem).wait()

  half = lax.bitwise_and(lanes, 1) * 64

  def transpose_col(src, dst):
    @plsc.parallel_loop(0, 16)
    def kstep(k):
      perm = lax.bitwise_and(lanes + k, 15)
      cperm = perm + half
      for b0 in range(0, 128, 16):
        rvec = lax.shift_right_logical(b0 + lanes, 1)
        for e0 in range(0, EMBED_DIM, 16):
          vals = plsc.load_gather(src, [e0 + perm, b0 + lanes])
          plsc.store_scatter(dst, [rvec, e0 + cperm], vals)

  def fire_out(i, buf, sem):
    pltpu.async_copy(buf, out_hbm.at[pl.ds(col_of(i) * 64, 64)], sem)

  def drain_out(buf, sem):
    pltpu.make_async_copy(buf, out_hbm.at[pl.ds(0, 64)], sem).wait()

  fire_in(0, col0, gsem0)

  def pair_body(i, carry):
    i0 = 2 * i
    drain_in(col0, gsem0)

    @pl.when(i > 0)
    def _():
      drain_out(ob0, wsem0)

    fire_in(i0 + 1, col1, gsem1)
    transpose_col(col0, ob0)
    fire_out(i0, ob0, wsem0)
    drain_in(col1, gsem1)

    @pl.when(i < COLS_PER_W // 2 - 1)
    def _():
      fire_in(i0 + 2, col0, gsem0)

    @pl.when(i > 0)
    def _():
      drain_out(ob1, wsem1)

    transpose_col(col1, ob1)
    fire_out(i0 + 1, ob1, wsem1)
    return carry

  lax.fori_loop(0, COLS_PER_W // 2, pair_body, 0)
  drain_out(ob0, wsem0)
  fire_in(COLS_PER_W - 1, col0, gsem0)
  drain_in(col0, gsem0)
  transpose_col(col0, ob0)
  fire_out(COLS_PER_W - 1, ob0, wsem0)
  drain_out(ob0, wsem0)
  drain_out(ob1, wsem1)

  @pl.when(w == NW - 1)
  def _():
    pltpu.sync_copy(tail_hbm, out_hbm.at[pl.ds(VTAIL // 2, 32)])


@jax.jit
def _relayout(tab_t, tail128):
  mesh = plsc.VectorSubcoreMesh(
      core_axis_name="c", subcore_axis_name="s", num_cores=NC, num_subcores=NS
  )
  f = pl.kernel(
      _relayout_body,
      out_type=jax.ShapeDtypeStruct((VOCAB // 2, 128), jnp.float32),
      mesh=mesh,
      scratch_types=[
          pltpu.VMEM((EMBED_DIM, 128), jnp.float32),
          pltpu.VMEM((EMBED_DIM, 128), jnp.float32),
          pltpu.VMEM((EMBED_DIM, 128), jnp.float32),
          pltpu.VMEM((EMBED_DIM, 128), jnp.float32),
          pltpu.SemaphoreType.DMA,
          pltpu.SemaphoreType.DMA,
          pltpu.SemaphoreType.DMA,
          pltpu.SemaphoreType.DMA,
      ],
      compiler_params=pltpu.CompilerParams(
          use_tc_tiling_on_sc=True, needs_layout_passes=False),
  )
  return f(tab_t, tail128)


def _emb_body(idx_hbm, table_hbm, out_hbm, idx_v, rows0, rows1, tb0, tb1,
              gsem0, gsem1, wsem0, wsem1):
  w = lax.axis_index("s") * NC + lax.axis_index("c")

  for th in range(TH):
    pltpu.async_copy(idx_hbm.at[th, w], idx_v.at[th], gsem0)
  for th in range(TH):
    pltpu.make_async_copy(idx_hbm.at[th, w], idx_v.at[th], gsem0).wait()

  lanes = lax.iota(jnp.int32, 16)

  def fire_gather(h, rows, sem):
    pltpu.async_copy(table_hbm.at[idx_v.at[h // HL, h % HL]], rows, sem)

  def drain_gather(rows, sem):
    pltpu.make_async_copy(table_hbm.at[idx_v.at[0, 0]], rows, sem).wait()

  def transpose_unit(rows, tbuf):
    @plsc.parallel_loop(0, 16)
    def kstep(k):
      perm = lax.bitwise_and(lanes + k, 15)
      for b0 in range(0, BL, 16):
        for e0 in range(0, EMBED_DIM, 16):
          vals = plsc.load_gather(rows, [b0 + lanes, e0 + perm])
          plsc.store_scatter(tbuf, [e0 + perm, b0 + lanes], vals)

  def fire_writes(h, tbuf, sem):
    for te in range(TE):
      pltpu.async_copy(tbuf.at[pl.ds(te * R, R)], out_hbm.at[h, te, w], sem)

  def drain_writes(h, tbuf, sem):
    for te in range(TE):
      pltpu.make_async_copy(
          tbuf.at[pl.ds(te * R, R)], out_hbm.at[h, te, w], sem).wait()

  fire_gather(0, rows0, gsem0)

  def pair_body(i, carry):
    h0 = 2 * i
    drain_gather(rows0, gsem0)

    @pl.when(i > 0)
    def _():
      drain_writes(h0, tb0, wsem0)

    fire_gather(h0 + 1, rows1, gsem1)
    transpose_unit(rows0, tb0)
    fire_writes(h0, tb0, wsem0)
    drain_gather(rows1, gsem1)

    @pl.when(i < HIST // 2 - 1)
    def _():
      fire_gather(h0 + 2, rows0, gsem0)

    @pl.when(i > 0)
    def _():
      drain_writes(h0, tb1, wsem1)

    transpose_unit(rows1, tb1)
    fire_writes(h0 + 1, tb1, wsem1)
    return carry

  lax.fori_loop(0, HIST // 2, pair_body, 0)
  drain_writes(0, tb0, wsem0)
  drain_writes(0, tb1, wsem1)


@jax.jit
def _emb_lookup(idx, table):
  mesh = plsc.VectorSubcoreMesh(
      core_axis_name="c", subcore_axis_name="s", num_cores=NC, num_subcores=NS
  )
  f = pl.kernel(
      _emb_body,
      out_type=jax.ShapeDtypeStruct((HIST, TE, TB, R, L), jnp.float32),
      mesh=mesh,
      scratch_types=[
          pltpu.VMEM((TH, HL, BL), jnp.int32),
          pltpu.VMEM((BL, EMBED_DIM), jnp.float32),
          pltpu.VMEM((BL, EMBED_DIM), jnp.float32),
          pltpu.VMEM((EMBED_DIM, BL), jnp.float32),
          pltpu.VMEM((EMBED_DIM, BL), jnp.float32),
          pltpu.SemaphoreType.DMA,
          pltpu.SemaphoreType.DMA,
          pltpu.SemaphoreType.DMA,
          pltpu.SemaphoreType.DMA,
      ],
      compiler_params=pltpu.CompilerParams(
          use_tc_tiling_on_sc=False, needs_layout_passes=False),
  )
  return f(idx, table)


def kernel(input, embed_vecs):
  idx = input.astype(jnp.int32).reshape(TB, BL, TH, HL).transpose(2, 0, 3, 1)
  tab_t = embed_vecs.T
  tail = embed_vecs[VTAIL:].reshape(32, 128)
  scratch = _relayout(tab_t, tail)
  out5 = _emb_lookup(idx, scratch.reshape(VOCAB, EMBED_DIM))
  return out5.transpose(2, 4, 0, 1, 3).reshape(BATCH, HIST, EMBED_DIM)

# --- scband reference (transcript-rebuilt; emitter-appended) ---
"""Pipeline reference for scband-embedding-12214886990675 (READ-ONLY COPY).

The authoritative reference and input builder live on the scoring server;
editing this copy changes nothing except your own understanding.
"""

import jax, jax.numpy as jnp
import numpy as np

VOCAB = 1000000
EMBED_DIM = 64
BATCH = 4096
HIST = 200

def setup_inputs(seed: int = 0) -> dict:
    key = jax.random.key(seed)
    k1, k2 = jax.random.split(key)
    embed_vecs = jax.random.normal(k1, (VOCAB, EMBED_DIM), dtype=jnp.float32)
    # padding_idx=0: row 0 acts as padding row (values kept as pretrained in torch)
    indices = jax.random.randint(k2, (BATCH, HIST), 0, VOCAB)
    return {"input": indices, "embed_vecs": embed_vecs}

def reference(input, embed_vecs):
    # nn.Embedding.from_pretrained lookup -> gather rows of the table
    out = jnp.take(embed_vecs, input, axis=0)
    # dropout p=0.0 -> identity (deterministic; matches eval/inference behavior)
    return out

if __name__ == "__main__":
    import jax
    _d = setup_inputs()
    print(jax.jit(kernel)(*tuple(_d.values())))

</pallas_src>

<mosaic_0001>
#map = affine_map<(d0, d1) -> (0, 0)>
module attributes {stable_mosaic.version = 14 : i64} {
  func.func @_relayout_body(%arg0: i32, %arg1: i32, %arg2: memref<64x1000000xf32, #tpu.memory_space<hbm>>, %arg3: memref<32x128xf32, #tpu.memory_space<hbm>>, %arg4: memref<500000x128xf32, #tpu.memory_space<hbm>>, %arg5: memref<64x128xf32, #tpu.memory_space<vmem>>, %arg6: memref<64x128xf32, #tpu.memory_space<vmem>>, %arg7: memref<64x128xf32, #tpu.memory_space<vmem>>, %arg8: memref<64x128xf32, #tpu.memory_space<vmem>>, %arg9: memref<!tpu.dma_semaphore, #tpu.memory_space<semaphore_mem>>, %arg10: memref<!tpu.dma_semaphore, #tpu.memory_space<semaphore_mem>>, %arg11: memref<!tpu.dma_semaphore, #tpu.memory_space<semaphore_mem>>, %arg12: memref<!tpu.dma_semaphore, #tpu.memory_space<semaphore_mem>>) attributes {dimension_semantics = [#tpu.dimension_semantics<core_parallel>, #tpu.dimension_semantics<subcore_parallel>], iteration_bounds = array<i64: 2, 16>, scalar_prefetch = 0 : i64, scratch_operands = 8 : i64, tpu.core_type = #tpu.core_type<sc_vector_subcore>, window_params = [{transform_indices = #map}, {transform_indices = #map}, {transform_indices = #map}]} {
    %mul3A = arith.constant 2 : i32
    %mul3A_0 = arith.muli %arg1, %mul3A : i32
    %add3A = arith.addi %mul3A_0, %arg0 : i32
    %mul3A_1 = arith.constant 245 : i32
    %mul3A_2 = arith.muli %add3A, %mul3A_1 : i32
    %iota3A = tpu.iota {dimensions = array<i32: 0>} : vector<16xi32>
    %and3A = arith.constant 1 : i32
    %and3A_3 = vector.broadcast %and3A : i32 to vector<16xi32>
    %and3A_4 = arith.andi %iota3A, %and3A_3 : vector<16xi32>
    %mul3A_5 = arith.constant 64 : i32
    %mul3A_6 = vector.broadcast %mul3A_5 : i32 to vector<16xi32>
    %mul3A_7 = arith.muli %and3A_4, %mul3A_6 : vector<16xi32>
    %add3A_8 = arith.constant 0 : i32
    %add3A_9 = arith.addi %mul3A_2, %add3A_8 : i32
    %min3A = arith.constant 7811 : i32
    %min3A_10 = arith.minsi %add3A_9, %min3A : i32
    %mul3A_11 = arith.constant 128 : i32
    %mul3A_12 = arith.muli %min3A_10, %mul3A_11 : i32
    %dma_start3A = arith.constant 0 : i32
    %dma_start3A_13 = tpu.memref_slice %arg2[%dma_start3A, %mul3A_12] : memref<64x1000000xf32, #tpu.memory_space<hbm>> -> memref<64x128xf32, #tpu.memory_space<hbm>>
    %dma_start3A_14 = arith.constant 0 : i32
    %dma_start3A_15 = tpu.memref_slice %arg2[%dma_start3A_14, %mul3A_12] : memref<64x1000000xf32, #tpu.memory_space<hbm>> -> memref<64x128xf32, #tpu.memory_space<hbm>>
    tpu.enqueue_dma source(%dma_start3A_15 : memref<64x128xf32, #tpu.memory_space<hbm>>) target(%arg5 : memref<64x128xf32, #tpu.memory_space<vmem>>) target_semaphore(%arg9 : memref<!tpu.dma_semaphore, #tpu.memory_space<semaphore_mem>>)
    %scan3A = arith.constant 0 : i32
    %scan3A_16 = arith.constant 0 : i32
    %scan3A_17 = arith.constant 122 : i32
    %scan3A_18 = arith.addi %scan3A_16, %scan3A_17 : i32
    %scan3A_19 = arith.constant 1 : i32
    scf.for %scan3A_68 = %scan3A_16 to %scan3A_18 step %scan3A_19  : i32 {
      %mul3A_69 = arith.constant 2 : i32
      %mul3A_70 = arith.muli %mul3A_69, %scan3A_68 : i32
      %dma_wait3A_71 = arith.constant 0 : i32
      %dma_wait3A_72 = arith.constant 0 : i32
      %dma_wait3A_73 = tpu.memref_slice %arg2[%dma_wait3A_71, %dma_wait3A_72] : memref<64x1000000xf32, #tpu.memory_space<hbm>> -> memref<64x128xf32, #tpu.memory_space<hbm>>
      %dma_wait3A_74 = arith.constant 0 : i32
      %dma_wait3A_75 = arith.constant 0 : i32
      %dma_wait3A_76 = tpu.memref_slice %arg2[%dma_wait3A_74, %dma_wait3A_75] : memref<64x1000000xf32, #tpu.memory_space<hbm>> -> memref<64x128xf32, #tpu.memory_space<hbm>>
      tpu.wait_dma2 semaphore(%arg9 : memref<!tpu.dma_semaphore, #tpu.memory_space<semaphore_mem>>) src(%dma_wait3A_76 : memref<64x128xf32, #tpu.memory_space<hbm>>) dst(%arg5 : memref<64x128xf32, #tpu.memory_space<vmem>>)
      %gt3A = arith.constant 0 : i32
      %gt3A_77 = arith.cmpi sgt, %scan3A_68, %gt3A : i32
      %convert_element_type3A_78 = arith.extui %gt3A_77 : i1 to i32
      %cond3A_79 = arith.constant 0 : i32
      %cond3A_80 = arith.cmpi ne, %convert_element_type3A_78, %cond3A_79 : i32
      scf.if %cond3A_80 {
        %dma_wait3A_133 = arith.constant 0 : i32
        %dma_wait3A_134 = arith.constant 0 : i32
        %dma_wait3A_135 = tpu.memref_slice %arg4[%dma_wait3A_133, %dma_wait3A_134] : memref<500000x128xf32, #tpu.memory_space<hbm>> -> memref<64x128xf32, #tpu.memory_space<hbm>>
        %dma_wait3A_136 = arith.constant 0 : i32
        %dma_wait3A_137 = arith.constant 0 : i32
        %dma_wait3A_138 = tpu.memref_slice %arg4[%dma_wait3A_136, %dma_wait3A_137] : memref<500000x128xf32, #tpu.memory_space<hbm>> -> memref<64x128xf32, #tpu.memory_space<hbm>>
        tpu.wait_dma2 semaphore(%arg11 : memref<!tpu.dma_semaphore, #tpu.memory_space<semaphore_mem>>) src(%arg7 : memref<64x128xf32, #tpu.memory_space<vmem>>) dst(%dma_wait3A_138 : memref<64x128xf32, #tpu.memory_space<hbm>>)
      } else {
      }
      %add3A_81 = arith.constant 1 : i32
      %add3A_82 = arith.addi %mul3A_70, %add3A_81 : i32
      %add3A_83 = arith.addi %mul3A_2, %add3A_82 : i32
      %min3A_84 = arith.constant 7811 : i32
      %min3A_85 = arith.minsi %add3A_83, %min3A_84 : i32
      %mul3A_86 = arith.constant 128 : i32
      %mul3A_87 = arith.muli %min3A_85, %mul3A_86 : i32
      %dma_start3A_88 = arith.constant 0 : i32
      %dma_start3A_89 = tpu.memref_slice %arg2[%dma_start3A_88, %mul3A_87] : memref<64x1000000xf32, #tpu.memory_space<hbm>> -> memref<64x128xf32, #tpu.memory_space<hbm>>
      %dma_start3A_90 = arith.constant 0 : i32
      %dma_start3A_91 = tpu.memref_slice %arg2[%dma_start3A_90, %mul3A_87] : memref<64x1000000xf32, #tpu.memory_space<hbm>> -> memref<64x128xf32, #tpu.memory_space<hbm>>
      tpu.enqueue_dma source(%dma_start3A_91 : memref<64x128xf32, #tpu.memory_space<hbm>>) target(%arg6 : memref<64x128xf32, #tpu.memory_space<vmem>>) target_semaphore(%arg10 : memref<!tpu.dma_semaphore, #tpu.memory_space<semaphore_mem>>)
      %parallel_loop3A_92 = arith.constant 0 : i32
      %parallel_loop3A_93 = arith.constant 16 : i32
      %parallel_loop3A_94 = arith.constant 1 : i32
      scf.for %parallel_loop3A_133 = %parallel_loop3A_92 to %parallel_loop3A_93 step %parallel_loop3A_94  : i32 {
        %parallel_loop3A_134 = vector.broadcast %parallel_loop3A_133 : i32 to vector<16xi32>
        %parallel_loop3A_135 = arith.addi %iota3A, %parallel_loop3A_134 : vector<16xi32>
        %parallel_loop3A_136 = arith.constant 15 : i32
        %parallel_loop3A_137 = vector.broadcast %parallel_loop3A_136 : i32 to vector<16xi32>
        %parallel_loop3A_138 = arith.andi %parallel_loop3A_135, %parallel_loop3A_137 : vector<16xi32>
        %parallel_loop3A_139 = arith.addi %parallel_loop3A_138, %mul3A_7 : vector<16xi32>
        %parallel_loop3A_140 = arith.constant 0 : i32
        %parallel_loop3A_141 = vector.broadcast %parallel_loop3A_140 : i32 to vector<16xi32>
        %parallel_loop3A_142 = arith.addi %parallel_loop3A_141, %iota3A : vector<16xi32>
        %parallel_loop3A_143 = arith.constant 1 : i32
        %parallel_loop3A_144 = vector.broadcast %parallel_loop3A_143 : i32 to vector<16xi32>
        %parallel_loop3A_145 = arith.shrui %parallel_loop3A_142, %parallel_loop3A_144 : vector<16xi32>
        %parallel_loop3A_146 = arith.constant 0 : i32
        %parallel_loop3A_147 = vector.broadcast %parallel_loop3A_146 : i32 to vector<16xi32>
        %parallel_loop3A_148 = arith.addi %parallel_loop3A_147, %parallel_loop3A_138 : vector<16xi32>
        %parallel_loop3A_149 = arith.constant 0 : i32
        %parallel_loop3A_150 = vector.broadcast %parallel_loop3A_149 : i32 to vector<16xi32>
        %parallel_loop3A_151 = arith.addi %parallel_loop3A_150, %iota3A : vector<16xi32>
        %parallel_loop3A_152 = tpu.vector_load_idx %arg5[%parallel_loop3A_148, %parallel_loop3A_151] : memref<64x128xf32, #tpu.memory_space<vmem>>[vector<16xi32>, vector<16xi32>], vector<16xf32>,
        %parallel_loop3A_153 = arith.constant 0 : i32
        %parallel_loop3A_154 = vector.broadcast %parallel_loop3A_153 : i32 to vector<16xi32>
        %parallel_loop3A_155 = arith.addi %parallel_loop3A_154, %parallel_loop3A_139 : vector<16xi32>
        tpu.vector_store_idx %arg7[%parallel_loop3A_145, %parallel_loop3A_155], %parallel_loop3A_152 : memref<64x128xf32, #tpu.memory_space<vmem>>[vector<16xi32>, vector<16xi32>], vector<16xf32>,
        %parallel_loop3A_156 = arith.constant 16 : i32
        %parallel_loop3A_157 = vector.broadcast %parallel_loop3A_156 : i32 to vector<16xi32>
        %parallel_loop3A_158 = arith.addi %parallel_loop3A_157, %parallel_loop3A_138 : vector<16xi32>
        %parallel_loop3A_159 = arith.constant 0 : i32
        %parallel_loop3A_160 = vector.broadcast %parallel_loop3A_159 : i32 to vector<16xi32>
        %parallel_loop3A_161 = arith.addi %parallel_loop3A_160, %iota3A : vector<16xi32>
        %parallel_loop3A_162 = tpu.vector_load_idx %arg5[%parallel_loop3A_158, %parallel_loop3A_161] : memref<64x128xf32, #tpu.memory_space<vmem>>[vector<16xi32>, vector<16xi32>], vector<16xf32>,
        %parallel_loop3A_163 = arith.constant 16 : i32
        %parallel_loop3A_164 = vector.broadcast %parallel_loop3A_163 : i32 to vector<16xi32>
        %parallel_loop3A_165 = arith.addi %parallel_loop3A_164, %parallel_loop3A_139 : vector<16xi32>
        tpu.vector_store_idx %arg7[%parallel_loop3A_145, %parallel_loop3A_165], %parallel_loop3A_162 : memref<64x128xf32, #tpu.memory_space<vmem>>[vector<16xi32>, vector<16xi32>], vector<16xf32>,
        %parallel_loop3A_166 = arith.constant 32 : i32
        %parallel_loop3A_167 = vector.broadcast %parallel_loop3A_166 : i32 to vector<16xi32>
        %parallel_loop3A_168 = arith.addi %parallel_loop3A_167, %parallel_loop3A_138 : vector<16xi32>
        %parallel_loop3A_169 = arith.constant 0 : i32
        %parallel_loop3A_170 = vector.broadcast %parallel_loop3A_169 : i32 to vector<16xi32>
        %parallel_loop3A_171 = arith.addi %parallel_loop3A_170, %iota3A : vector<16xi32>
        %parallel_loop3A_172 = tpu.vector_load_idx %arg5[%parallel_loop3A_168, %parallel_loop3A_171] : memref<64x128xf32, #tpu.memory_space<vmem>>[vector<16xi32>, vector<16xi32>], vector<16xf32>,
        %parallel_loop3A_173 = arith.constant 32 : i32
        %parallel_loop3A_174 = vector.broadcast %parallel_loop3A_173 : i32 to vector<16xi32>
        %parallel_loop3A_175 = arith.addi %parallel_loop3A_174, %parallel_loop3A_139 : vector<16xi32>
        tpu.vector_store_idx %arg7[%parallel_loop3A_145, %parallel_loop3A_175], %parallel_loop3A_172 : memref<64x128xf32, #tpu.memory_space<vmem>>[vector<16xi32>, vector<16xi32>], vector<16xf32>,
        %parallel_loop3A_176 = arith.constant 48 : i32
        %parallel_loop3A_177 = vector.broadcast %parallel_loop3A_176 : i32 to vector<16xi32>
        %parallel_loop3A_178 = arith.addi %parallel_loop3A_177, %parallel_loop3A_138 : vector<16xi32>
        %parallel_loop3A_179 = arith.constant 0 : i32
        %parallel_loop3A_180 = vector.broadcast %parallel_loop3A_179 : i32 to vector<16xi32>
        %parallel_loop3A_181 = arith.addi %parallel_loop3A_180, %iota3A : vector<16xi32>
        %parallel_loop3A_182 = tpu.vector_load_idx %arg5[%parallel_loop3A_178, %parallel_loop3A_181] : memref<64x128xf32, #tpu.memory_space<vmem>>[vector<16xi32>, vector<16xi32>], vector<16xf32>,
        %parallel_loop3A_183 = arith.constant 48 : i32
        %parallel_loop3A_184 = vector.broadcast %parallel_loop3A_183 : i32 to vector<16xi32>
        %parallel_loop3A_185 = arith.addi %parallel_loop3A_184, %parallel_loop3A_139 : vector<16xi32>
        tpu.vector_store_idx %arg7[%parallel_loop3A_145, %parallel_loop3A_185], %parallel_loop3A_182 : memref<64x128xf32, #tpu.memory_space<vmem>>[vector<16xi32>, vector<16xi32>], vector<16xf32>,
        %parallel_loop3A_186 = arith.constant 16 : i32
        %parallel_loop3A_187 = vector.broadcast %parallel_loop3A_186 : i32 to vector<16xi32>
        %parallel_loop3A_188 = arith.addi %parallel_loop3A_187, %iota3A : vector<16xi32>
        %parallel_loop3A_189 = arith.constant 1 : i32
        %parallel_loop3A_190 = vector.broadcast %parallel_loop3A_189 : i32 to vector<16xi32>
        %parallel_loop3A_191 = arith.shrui %parallel_loop3A_188, %parallel_loop3A_190 : vector<16xi32>
        %parallel_loop3A_192 = arith.constant 0 : i32
        %parallel_loop3A_193 = vector.broadcast %parallel_loop3A_192 : i32 to vector<16xi32>
        %parallel_loop3A_194 = arith.addi %parallel_loop3A_193, %parallel_loop3A_138 : vector<16xi32>
        %parallel_loop3A_195 = arith.constant 16 : i32
        %parallel_loop3A_196 = vector.broadcast %parallel_loop3A_195 : i32 to vector<16xi32>
        %parallel_loop3A_197 = arith.addi %parallel_loop3A_196, %iota3A : vector<16xi32>
        %parallel_loop3A_198 = tpu.vector_load_idx %arg5[%parallel_loop3A_194, %parallel_loop3A_197] : memref<64x128xf32, #tpu.memory_space<vmem>>[vector<16xi32>, vector<16xi32>], vector<16xf32>,
        %parallel_loop3A_199 = arith.constant 0 : i32
        %parallel_loop3A_200 = vector.broadcast %parallel_loop3A_199 : i32 to vector<16xi32>
        %parallel_loop3A_201 = arith.addi %parallel_loop3A_200, %parallel_loop3A_139 : vector<16xi32>
        tpu.vector_store_idx %arg7[%parallel_loop3A_191, %parallel_loop3A_201], %parallel_loop3A_198 : memref<64x128xf32, #tpu.memory_space<vmem>>[vector<16xi32>, vector<16xi32>], vector<16xf32>,
        %parallel_loop3A_202 = arith.constant 16 : i32
        %parallel_loop3A_203 = vector.broadcast %parallel_loop3A_202 : i32 to vector<16xi32>
        %parallel_loop3A_204 = arith.addi %parallel_loop3A_203, %parallel_loop3A_138 : vector<16xi32>
        %parallel_loop3A_205 = arith.constant 16 : i32
        %parallel_loop3A_206 = vector.broadcast %parallel_loop3A_205 : i32 to vector<16xi32>
        %parallel_loop3A_207 = arith.addi %parallel_loop3A_206, %iota3A : vector<16xi32>
        %parallel_loop3A_208 = tpu.vector_load_idx %arg5[%parallel_loop3A_204, %parallel_loop3A_207] : memref<64x128xf32, #tpu.memory_space<vmem>>[vector<16xi32>, vector<16xi32>], vector<16xf32>,
        %parallel_loop3A_209 = arith.constant 16 : i32
        %parallel_loop3A_210 = vector.broadcast %parallel_loop3A_209 : i32 to vector<16xi32>
        %parallel_loop3A_211 = arith.addi %parallel_loop3A_210, %parallel_loop3A_139 : vector<16xi32>
        tpu.vector_store_idx %arg7[%parallel_loop3A_191, %parallel_loop3A_211], %parallel_loop3A_208 : memref<64x128xf32, #tpu.memory_space<vmem>>[vector<16xi32>, vector<16xi32>], vector<16xf32>,
        %parallel_loop3A_212 = arith.constant 32 : i32
        %parallel_loop3A_213 = vector.broadcast %parallel_loop3A_212 : i32 to vector<16xi32>
        %parallel_loop3A_214 = arith.addi %parallel_loop3A_213, %parallel_loop3A_138 : vector<16xi32>
        %parallel_loop3A_215 = arith.constant 16 : i32
        %parallel_loop3A_216 = vector.broadcast %parallel_loop3A_215 : i32 to vector<16xi32>
        %parallel_loop3A_217 = arith.addi %parallel_loop3A_216, %iota3A : vector<16xi32>
        %parallel_loop3A_218 = tpu.vector_load_idx %arg5[%parallel_loop3A_214, %parallel_loop3A_217] : memref<64x128xf32, #tpu.memory_space<vmem>>[vector<16xi32>, vector<16xi32>], vector<16xf32>,
        %parallel_loop3A_219 = arith.constant 32 : i32
        %parallel_loop3A_220 = vector.broadcast %parallel_loop3A_219 : i32 to vector<16xi32>
        %parallel_loop3A_221 = arith.addi %parallel_loop3A_220, %parallel_loop3A_139 : vector<16xi32>
        tpu.vector_store_idx %arg7[%parallel_loop3A_191, %parallel_loop3A_221], %parallel_loop3A_218 : memref<64x128xf32, #tpu.memory_space<vmem>>[vector<16xi32>, vector<16xi32>], vector<16xf32>,
        %parallel_loop3A_222 = arith.constant 48 : i32
        %parallel_loop3A_223 = vector.broadcast %parallel_loop3A_222 : i32 to vector<16xi32>
        %parallel_loop3A_224 = arith.addi %parallel_loop3A_223, %parallel_loop3A_138 : vector<16xi32>
        %parallel_loop3A_225 = arith.constant 16 : i32
        %parallel_loop3A_226 = vector.broadcast %parallel_loop3A_225 : i32 to vector<16xi32>
        %parallel_loop3A_227 = arith.addi %parallel_loop3A_226, %iota3A : vector<16xi32>
        %parallel_loop3A_228 = tpu.vector_load_idx %arg5[%parallel_loop3A_224, %parallel_loop3A_227] : memref<64x128xf32, #tpu.memory_space<vmem>>[vector<16xi32>, vector<16xi32>], vector<16xf32>,
        %parallel_loop3A_229 = arith.constant 48 : i32
        %parallel_loop3A_230 = vector.broadcast %parallel_loop3A_229 : i32 to vector<16xi32>
        %parallel_loop3A_231 = arith.addi %parallel_loop3A_230, %parallel_loop3A_139 : vector<16xi32>
        tpu.vector_store_idx %arg7[%parallel_loop3A_191, %parallel_loop3A_231], %parallel_loop3A_228 : memref<64x128xf32, #tpu.memory_space<vmem>>[vector<16xi32>, vector<16xi32>], vector<16xf32>,
        %parallel_loop3A_232 = arith.constant 32 : i32
        %parallel_loop3A_233 = vector.broadcast %parallel_loop3A_232 : i32 to vector<16xi32>
        %parallel_loop3A_234 = arith.addi %parallel_loop3A_233, %iota3A : vector<16xi32>
        %parallel_loop3A_235 = arith.constant 1 : i32
        %parallel_loop3A_236 = vector.broadcast %parallel_loop3A_235 : i32 to vector<16xi32>
        %parallel_loop3A_237 = arith.shrui %parallel_loop3A_234, %parallel_loop3A_236 : vector<16xi32>
        %parallel_loop3A_238 = arith.constant 0 : i32
        %parallel_loop3A_239 = vector.broadcast %parallel_loop3A_238 : i32 to vector<16xi32>
        %parallel_loop3A_240 = arith.addi %parallel_loop3A_239, %parallel_loop3A_138 : vector<16xi32>
        %parallel_loop3A_241 = arith.constant 32 : i32
        %parallel_loop3A_242 = vector.broadcast %parallel_loop3A_241 : i32 to vector<16xi32>
        %parallel_loop3A_243 = arith.addi %parallel_loop3A_242, %iota3A : vector<16xi32>
        %parallel_loop3A_244 = tpu.vector_load_idx %arg5[%parallel_loop3A_240, %parallel_loop3A_243] : memref<64x128xf32, #tpu.memory_space<vmem>>[vector<16xi32>, vector<16xi32>], vector<16xf32>,
        %parallel_loop3A_245 = arith.constant 0 : i32
        %parallel_loop3A_246 = vector.broadcast %parallel_loop3A_245 : i32 to vector<16xi32>
        %parallel_loop3A_247 = arith.addi %parallel_loop3A_246, %parallel_loop3A_139 : vector<16xi32>
        tpu.vector_store_idx %arg7[%parallel_loop3A_237, %parallel_loop3A_247], %parallel_loop3A_244 : memref<64x128xf32, #tpu.memory_space<vmem>>[vector<16xi32>, vector<16xi32>], vector<16xf32>,
        %parallel_loop3A_248 = arith.constant 16 : i32
        %parallel_loop3A_249 = vector.broadcast %parallel_loop3A_248 : i32 to vector<16xi32>
        %parallel_loop3A_250 = arith.addi %parallel_loop3A_249, %parallel_loop3A_138 : vector<16xi32>
        %parallel_loop3A_251 = arith.constant 32 : i32
        %parallel_loop3A_252 = vector.broadcast %parallel_loop3A_251 : i32 to vector<16xi32>
        %parallel_loop3A_253 = arith.addi %parallel_loop3A_252, %iota3A : vector<16xi32>
        %parallel_loop3A_254 = tpu.vector_load_idx %arg5[%parallel_loop3A_250, %parallel_loop3A_253] : memref<64x128xf32, #tpu.memory_space<vmem>>[vector<16xi32>, vector<16xi32>], vector<16xf32>,
        %parallel_loop3A_255 = arith.constant 16 : i32
        %parallel_loop3A_256 = vector.broadcast %parallel_loop3A_255 : i32 to vector<16xi32>
        %parallel_loop3A_257 = arith.addi %parallel_loop3A_256, %parallel_loop3A_139 : vector<16xi32>
        tpu.vector_store_idx %arg7[%parallel_loop3A_237, %parallel_loop3A_257], %parallel_loop3A_254 : memref<64x128xf32, #tpu.memory_space<vmem>>[vector<16xi32>, vector<16xi32>], vector<16xf32>,
        %parallel_loop3A_258 = arith.constant 32 : i32
        %parallel_loop3A_259 = vector.broadcast %parallel_loop3A_258 : i32 to vector<16xi32>
        %parallel_loop3A_260 = arith.addi %parallel_loop3A_259, %parallel_loop3A_138 : vector<16xi32>
        %parallel_loop3A_261 = arith.constant 32 : i32
        %parallel_loop3A_262 = vector.broadcast %parallel_loop3A_261 : i32 to vector<16xi32>
        %parallel_loop3A_263 = arith.addi %parallel_loop3A_262, %iota3A : vector<16xi32>
        %parallel_loop3A_264 = tpu.vector_load_idx %arg5[%parallel_loop3A_260, %parallel_loop3A_263] : memref<64x128xf32, #tpu.memory_space<vmem>>[vector<16xi32>, vector<16xi32>], vector<16xf32>,
        %parallel_loop3A_265 = arith.constant 32 : i32
        %parallel_loop3A_266 = vector.broadcast %parallel_loop3A_265 : i32 to vector<16xi32>
        %parallel_loop3A_267 = arith.addi %parallel_loop3A_266, %parallel_loop3A_139 : vector<16xi32>
        tpu.vector_store_idx %arg7[%parallel_loop3A_237, %parallel_loop3A_267], %parallel_loop3A_264 : memref<64x128xf32, #tpu.memory_space<vmem>>[vector<16xi32>, vector<16xi32>], vector<16xf32>,
        %parallel_loop3A_268 = arith.constant 48 : i32
        %parallel_loop3A_269 = vector.broadcast %parallel_loop3A_268 : i32 to vector<16xi32>
        %parallel_loop3A_270 = arith.addi %parallel_loop3A_269, %parallel_loop3A_138 : vector<16xi32>
        %parallel_loop3A_271 = arith.constant 32 : i32
        %parallel_loop3A_272 = vector.broadcast %parallel_loop3A_271 : i32 to vector<16xi32>
        %parallel_loop3A_273 = arith.addi %parallel_loop3A_272, %iota3A : vector<16xi32>
        %parallel_loop3A_274 = tpu.vector_load_idx %arg5[%parallel_loop3A_270, %parallel_loop3A_273] : memref<64x128xf32, #tpu.memory_space<vmem>>[vector<16xi32>, vector<16xi32>], vector<16xf32>,
        %parallel_loop3A_275 = arith.constant 48 : i32
        %parallel_loop3A_276 = vector.broadcast %parallel_loop3A_275 : i32 to vector<16xi32>
        %parallel_loop3A_277 = arith.addi %parallel_loop3A_276, %parallel_loop3A_139 : vector<16xi32>
        tpu.vector_store_idx %arg7[%parallel_loop3A_237, %parallel_loop3A_277], %parallel_loop3A_274 : memref<64x128xf32, #tpu.memory_space<vmem>>[vector<16xi32>, vector<16xi32>], vector<16xf32>,
        %parallel_loop3A_278 = arith.constant 48 : i32
        %parallel_loop3A_279 = vector.broadcast %parallel_loop3A_278 : i32 to vector<16xi32>
        %parallel_loop3A_280 = arith.addi %parallel_loop3A_279, %iota3A : vector<16xi32>
        %parallel_loop3A_281 = arith.constant 1 : i32
        %parallel_loop3A_282 = vector.broadcast %parallel_loop3A_281 : i32 to vector<16xi32>
        %parallel_loop3A_283 = arith.shrui %parallel_loop3A_280, %parallel_loop3A_282 : vector<16xi32>
        %parallel_loop3A_284 = arith.constant 0 : i32
        %parallel_loop3A_285 = vector.broadcast %parallel_loop3A_284 : i32 to vector<16xi32>
        %parallel_loop3A_286 = arith.addi %parallel_loop3A_285, %parallel_loop3A_138 : vector<16xi32>
        %parallel_loop3A_287 = arith.constant 48 : i32
        %parallel_loop3A_288 = vector.broadcast %parallel_loop3A_287 : i32 to vector<16xi32>
        %parallel_loop3A_289 = arith.addi %parallel_loop3A_288, %iota3A : vector<16xi32>
        %parallel_loop3A_290 = tpu.vector_load_idx %arg5[%parallel_loop3A_286, %parallel_loop3A_289] : memref<64x128xf32, #tpu.memory_space<vmem>>[vector<16xi32>, vector<16xi32>], vector<16xf32>,
        %parallel_loop3A_291 = arith.constant 0 : i32
        %parallel_loop3A_292 = vector.broadcast %parallel_loop3A_291 : i32 to vector<16xi32>
        %parallel_loop3A_293 = arith.addi %parallel_loop3A_292, %parallel_loop3A_139 : vector<16xi32>
        tpu.vector_store_idx %arg7[%parallel_loop3A_283, %parallel_loop3A_293], %parallel_loop3A_290 : memref<64x128xf32, #tpu.memory_space<vmem>>[vector<16xi32>, vector<16xi32>], vector<16xf32>,
        %parallel_loop3A_294 = arith.constant 16 : i32
        %parallel_loop3A_295 = vector.broadcast %parallel_loop3A_294 : i32 to vector<16xi32>
        %parallel_loop3A_296 = arith.addi %parallel_loop3A_295, %parallel_loop3A_138 : vector<16xi32>
        %parallel_loop3A_297 = arith.constant 48 : i32
        %parallel_loop3A_298 = vector.broadcast %parallel_loop3A_297 : i32 to vector<16xi32>
        %parallel_loop3A_299 = arith.addi %parallel_loop3A_298, %iota3A : vector<16xi32>
        %parallel_loop3A_300 = tpu.vector_load_idx %arg5[%parallel_loop3A_296, %parallel_loop3A_299] : memref<64x128xf32, #tpu.memory_space<vmem>>[vector<16xi32>, vector<16xi32>], vector<16xf32>,
        %parallel_loop3A_301 = arith.constant 16 : i32
        %parallel_loop3A_302 = vector.broadcast %parallel_loop3A_301 : i32 to vector<16xi32>
        %parallel_loop3A_303 = arith.addi %parallel_loop3A_302, %parallel_loop3A_139 : vector<16xi32>
        tpu.vector_store_idx %arg7[%parallel_loop3A_283, %parallel_loop3A_303], %parallel_loop3A_300 : memref<64x128xf32, #tpu.memory_space<vmem>>[vector<16xi32>, vector<16xi32>], vector<16xf32>,
        %parallel_loop3A_304 = arith.constant 32 : i32
        %parallel_loop3A_305 = vector.broadcast %parallel_loop3A_304 : i32 to vector<16xi32>
        %parallel_loop3A_306 = arith.addi %parallel_loop3A_305, %parallel_loop3A_138 : vector<16xi32>
        %parallel_loop3A_307 = arith.constant 48 : i32
        %parallel_loop3A_308 = vector.broadcast %parallel_loop3A_307 : i32 to vector<16xi32>
        %parallel_loop3A_309 = arith.addi %parallel_loop3A_308, %iota3A : vector<16xi32>
        %parallel_loop3A_310 = tpu.vector_load_idx %arg5[%parallel_loop3A_306, %parallel_loop3A_309] : memref<64x128xf32, #tpu.memory_space<vmem>>[vector<16xi32>, vector<16xi32>], vector<16xf32>,
        %parallel_loop3A_311 = arith.constant 32 : i32
        %parallel_loop3A_312 = vector.broadcast %parallel_loop3A_311 : i32 to vector<16xi32>
        %parallel_loop3A_313 = arith.addi %parallel_loop3A_312, %parallel_loop3A_139 : vector<16xi32>
        tpu.vector_store_idx %arg7[%parallel_loop3A_283, %parallel_loop3A_313], %parallel_loop3A_310 : memref<64x128xf32, #tpu.memory_space<vmem>>[vector<16xi32>, vector<16xi32>], vector<16xf32>,
        %parallel_loop3A_314 = arith.constant 48 : i32
        %parallel_loop3A_315 = vector.broadcast %parallel_loop3A_314 : i32 to vector<16xi32>
        %parallel_loop3A_316 = arith.addi %parallel_loop3A_315, %parallel_loop3A_138 : vector<16xi32>
        %parallel_loop3A_317 = arith.constant 48 : i32
        %parallel_loop3A_318 = vector.broadcast %parallel_loop3A_317 : i32 to vector<16xi32>
        %parallel_loop3A_319 = arith.addi %parallel_loop3A_318, %iota3A : vector<16xi32>
        %parallel_loop3A_320 = tpu.vector_load_idx %arg5[%parallel_loop3A_316, %parallel_loop3A_319] : memref<64x128xf32, #tpu.memory_space<vmem>>[vector<16xi32>, vector<16xi32>], vector<16xf32>,
        %parallel_loop3A_321 = arith.constant 48 : i32
        %parallel_loop3A_322 = vector.broadcast %parallel_loop3A_321 : i32 to vector<16xi32>
        %parallel_loop3A_323 = arith.addi %parallel_loop3A_322, %parallel_loop3A_139 : vector<16xi32>
        tpu.vector_store_idx %arg7[%parallel_loop3A_283, %parallel_loop3A_323], %parallel_loop3A_320 : memref<64x128xf32, #tpu.memory_space<vmem>>[vector<16xi32>, vector<16xi32>], vector<16xf32>,
        %parallel_loop3A_324 = arith.constant 64 : i32
        %parallel_loop3A_325 = vector.broadcast %parallel_loop3A_324 : i32 to vector<16xi32>
        %parallel_loop3A_326 = arith.addi %parallel_loop3A_325, %iota3A : vector<16xi32>
        %parallel_loop3A_327 = arith.constant 1 : i32
        %parallel_loop3A_328 = vector.broadcast %parallel_loop3A_327 : i32 to vector<16xi32>
        %parallel_loop3A_329 = arith.shrui %parallel_loop3A_326, %parallel_loop3A_328 : vector<16xi32>
        %parallel_loop3A_330 = arith.constant 0 : i32
        %parallel_loop3A_331 = vector.broadcast %parallel_loop3A_330 : i32 to vector<16xi32>
        %parallel_loop3A_332 = arith.addi %parallel_loop3A_331, %parallel_loop3A_138 : vector<16xi32>
        %parallel_loop3A_333 = arith.constant 64 : i32
        %parallel_loop3A_334 = vector.broadcast %parallel_loop3A_333 : i32 to vector<16xi32>
        %parallel_loop3A_335 = arith.addi %parallel_loop3A_334, %iota3A : vector<16xi32>
        %parallel_loop3A_336 = tpu.vector_load_idx %arg5[%parallel_loop3A_332, %parallel_loop3A_335] : memref<64x128xf32, #tpu.memory_space<vmem>>[vector<16xi32>, vector<16xi32>], vector<16xf32>,
        %parallel_loop3A_337 = arith.constant 0 : i32
        %parallel_loop3A_338 = vector.broadcast %parallel_loop3A_337 : i32 to vector<16xi32>
        %parallel_loop3A_339 = arith.addi %parallel_loop3A_338, %parallel_loop3A_139 : vector<16xi32>
        tpu.vector_store_idx %arg7[%parallel_loop3A_329, %parallel_loop3A_339], %parallel_loop3A_336 : memref<64x128xf32, #tpu.memory_space<vmem>>[vector<16xi32>, vector<16xi32>], vector<16xf32>,
        %parallel_loop3A_340 = arith.constant 16 : i32
        %parallel_loop3A_341 = vector.broadcast %parallel_loop3A_340 : i32 to vector<16xi32>
        %parallel_loop3A_342 = arith.addi %parallel_loop3A_341, %parallel_loop3A_138 : vector<16xi32>
        %parallel_loop3A_343 = arith.constant 64 : i32
        %parallel_loop3A_344 = vector.broadcast %parallel_loop3A_343 : i32 to vector<16xi32>
        %parallel_loop3A_345 = arith.addi %parallel_loop3A_344, %iota3A : vector<16xi32>
        %parallel_loop3A_346 = tpu.vector_load_idx %arg5[%parallel_loop3A_342, %parallel_loop3A_345] : memref<64x128xf32, #tpu.memory_space<vmem>>[vector<16xi32>, vector<16xi32>], vector<16xf32>,
        %parallel_loop3A_347 = arith.constant 16 : i32
        %parallel_loop3A_348 = vector.broadcast %parallel_loop3A_347 : i32 to vector<16xi32>
        %parallel_loop3A_349 = arith.addi %parallel_loop3A_348, %parallel_loop3A_139 : vector<16xi32>
        tpu.vector_store_idx %arg7[%parallel_loop3A_329, %parallel_loop3A_349], %parallel_loop3A_346 : memref<64x128xf32, #tpu.memory_space<vmem>>[vector<16xi32>, vector<16xi32>], vector<16xf32>,
        %parallel_loop3A_350 = arith.constant 32 : i32
        %parallel_loop3A_351 = vector.broadcast %parallel_loop3A_350 : i32 to vector<16xi32>
        %parallel_loop3A_352 = arith.addi %parallel_loop3A_351, %parallel_loop3A_138 : vector<16xi32>
        %parallel_loop3A_353 = arith.constant 64 : i32
        %parallel_loop3A_354 = vector.broadcast %parallel_loop3A_353 : i32 to vector<16xi32>
        %parallel_loop3A_355 = arith.addi %parallel_loop3A_354, %iota3A : vector<16xi32>
        %parallel_loop3A_356 = tpu.vector_load_idx %arg5[%parallel_loop3A_352, %parallel_loop3A_355] : memref<64x128xf32, #tpu.memory_space<vmem>>[vector<16xi32>, vector<16xi32>], vector<16xf32>,
        %parallel_loop3A_357 = arith.constant 32 : i32
        %parallel_loop3A_358 = vector.broadcast %parallel_loop3A_357 : i32 to vector<16xi32>
        %parallel_loop3A_359 = arith.addi %parallel_loop3A_358, %parallel_loop3A_139 : vector<16xi32>
        tpu.vector_store_idx %arg7[%parallel_loop3A_329, %parallel_loop3A_359], %parallel_loop3A_356 : memref<64x128xf32, #tpu.memory_space<vmem>>[vector<16xi32>, vector<16xi32>], vector<16xf32>,
        %parallel_loop3A_360 = arith.constant 48 : i32
        %parallel_loop3A_361 = vector.broadcast %parallel_loop3A_360 : i32 to vector<16xi32>
        %parallel_loop3A_362 = arith.addi %parallel_loop3A_361, %parallel_loop3A_138 : vector<16xi32>
        %parallel_loop3A_363 = arith.constant 64 : i32
        %parallel_loop3A_364 = vector.broadcast %parallel_loop3A_363 : i32 to vector<16xi32>
        %parallel_loop3A_365 = arith.addi %parallel_loop3A_364, %iota3A : vector<16xi32>
        %parallel_loop3A_366 = tpu.vector_load_idx %arg5[%parallel_loop3A_362, %parallel_loop3A_365] : memref<64x128xf32, #tpu.memory_space<vmem>>[vector<16xi32>, vector<16xi32>], vector<16xf32>,
        %parallel_loop3A_367 = arith.constant 48 : i32
        %parallel_loop3A_368 = vector.broadcast %parallel_loop3A_367 : i32 to vector<16xi32>
        %parallel_loop3A_369 = arith.addi %parallel_loop3A_368, %parallel_loop3A_139 : vector<16xi32>
        tpu.vector_store_idx %arg7[%parallel_loop3A_329, %parallel_loop3A_369], %parallel_loop3A_366 : memref<64x128xf32, #tpu.memory_space<vmem>>[vector<16xi32>, vector<16xi32>], vector<16xf32>,
        %parallel_loop3A_370 = arith.constant 80 : i32
        %parallel_loop3A_371 = vector.broadcast %parallel_loop3A_370 : i32 to vector<16xi32>
        %parallel_loop3A_372 = arith.addi %parallel_loop3A_371, %iota3A : vector<16xi32>
        %parallel_loop3A_373 = arith.constant 1 : i32
        %parallel_loop3A_374 = vector.broadcast %parallel_loop3A_373 : i32 to vector<16xi32>
        %parallel_loop3A_375 = arith.shrui %parallel_loop3A_372, %parallel_loop3A_374 : vector<16xi32>
        %parallel_loop3A_376 = arith.constant 0 : i32
        %parallel_loop3A_377 = vector.broadcast %parallel_loop3A_376 : i32 to vector<16xi32>
        %parallel_loop3A_378 = arith.addi %parallel_loop3A_377, %parallel_loop3A_138 : vector<16xi32>
        %parallel_loop3A_379 = arith.constant 80 : i32
        %parallel_loop3A_380 = vector.broadcast %parallel_loop3A_379 : i32 to vector<16xi32>
        %parallel_loop3A_381 = arith.addi %parallel_loop3A_380, %iota3A : vector<16xi32>
        %parallel_loop3A_382 = tpu.vector_load_idx %arg5[%parallel_loop3A_378, %parallel_loop3A_381] : memref<64x128xf32, #tpu.memory_space<vmem>>[vector<16xi32>, vector<16xi32>], vector<16xf32>,
        %parallel_loop3A_383 = arith.constant 0 : i32
        %parallel_loop3A_384 = vector.broadcast %parallel_loop3A_383 : i32 to vector<16xi32>
        %parallel_loop3A_385 = arith.addi %parallel_loop3A_384, %parallel_loop3A_139 : vector<16xi32>
        tpu.vector_store_idx %arg7[%parallel_loop3A_375, %parallel_loop3A_385], %parallel_loop3A_382 : memref<64x128xf32, #tpu.memory_space<vmem>>[vector<16xi32>, vector<16xi32>], vector<16xf32>,
        %parallel_loop3A_386 = arith.constant 16 : i32
        %parallel_loop3A_387 = vector.broadcast %parallel_loop3A_386 : i32 to vector<16xi32>
        %parallel_loop3A_388 = arith.addi %parallel_loop3A_387, %parallel_loop3A_138 : vector<16xi32>
        %parallel_loop3A_389 = arith.constant 80 : i32
        %parallel_loop3A_390 = vector.broadcast %parallel_loop3A_389 : i32 to vector<16xi32>
        %parallel_loop3A_391 = arith.addi %parallel_loop3A_390, %iota3A : vector<16xi32>
        %parallel_loop3A_392 = tpu.vector_load_idx %arg5[%parallel_loop3A_388, %parallel_loop3A_391] : memref<64x128xf32, #tpu.memory_space<vmem>>[vector<16xi32>, vector<16xi32>], vector<16xf32>,
        %parallel_loop3A_393 = arith.constant 16 : i32
        %parallel_loop3A_394 = vector.broadcast %parallel_loop3A_393 : i32 to vector<16xi32>
        %parallel_loop3A_395 = arith.addi %parallel_loop3A_394, %parallel_loop3A_139 : vector<16xi32>
        tpu.vector_store_idx %arg7[%parallel_loop3A_375, %parallel_loop3A_395], %parallel_loop3A_392 : memref<64x128xf32, #tpu.memory_space<vmem>>[vector<16xi32>, vector<16xi32>], vector<16xf32>,
        %parallel_loop3A_396 = arith.constant 32 : i32
        %parallel_loop3A_397 = vector.broadcast %parallel_loop3A_396 : i32 to vector<16xi32>
        %parallel_loop3A_398 = arith.addi %parallel_loop3A_397, %parallel_loop3A_138 : vector<16xi32>
        %parallel_loop3A_399 = arith.constant 80 : i32
        %parallel_loop3A_400 = vector.broadcast %parallel_loop3A_399 : i32 to vector<16xi32>
        %parallel_loop3A_401 = arith.addi %parallel_loop3A_400, %iota3A : vector<16xi32>
        %parallel_loop3A_402 = tpu.vector_load_idx %arg5[%parallel_loop3A_398, %parallel_loop3A_401] : memref<64x128xf32, #tpu.memory_space<vmem>>[vector<16xi32>, vector<16xi32>], vector<16xf32>,
        %parallel_loop3A_403 = arith.constant 32 : i32
        %parallel_loop3A_404 = vector.broadcast %parallel_loop3A_403 : i32 to vector<16xi32>
        %parallel_loop3A_405 = arith.addi %parallel_loop3A_404, %parallel_loop3A_139 : vector<16xi32>
        tpu.vector_store_idx %arg7[%parallel_loop3A_375, %parallel_loop3A_405], %parallel_loop3A_402 : memref<64x128xf32, #tpu.memory_space<vmem>>[vector<16xi32>, vector<16xi32>], vector<16xf32>,
        %parallel_loop3A_406 = arith.constant 48 : i32
        %parallel_loop3A_407 = vector.broadcast %parallel_loop3A_406 : i32 to vector<16xi32>
        %parallel_loop3A_408 = arith.addi %parallel_loop3A_407, %parallel_loop3A_138 : vector<16xi32>
        %parallel_loop3A_409 = arith.constant 80 : i32
        %parallel_loop3A_410 = vector.broadcast %parallel_loop3A_409 : i32 to vector<16xi32>
        %parallel_loop3A_411 = arith.addi %parallel_loop3A_410, %iota3A : vector<16xi32>
        %parallel_loop3A_412 = tpu.vector_load_idx %arg5[%parallel_loop3A_408, %parallel_loop3A_411] : memref<64x128xf32, #tpu.memory_space<vmem>>[vector<16xi32>, vector<16xi32>], vector<16xf32>,
        %parallel_loop3A_413 = arith.constant 48 : i32
        %parallel_loop3A_414 = vector.broadcast %parallel_loop3A_413 : i32 to vector<16xi32>
        %parallel_loop3A_415 = arith.addi %parallel_loop3A_414, %parallel_loop3A_139 : vector<16xi32>
        tpu.vector_store_idx %arg7[%parallel_loop3A_375, %parallel_loop3A_415], %parallel_loop3A_412 : memref<64x128xf32, #tpu.memory_space<vmem>>[vector<16xi32>, vector<16xi32>], vector<16xf32>,
        %parallel_loop3A_416 = arith.constant 96 : i32
        %parallel_loop3A_417 = vector.broadcast %parallel_loop3A_416 : i32 to vector<16xi32>
        %parallel_loop3A_418 = arith.addi %parallel_loop3A_417, %iota3A : vector<16xi32>
        %parallel_loop3A_419 = arith.constant 1 : i32
        %parallel_loop3A_420 = vector.broadcast %parallel_loop3A_419 : i32 to vector<16xi32>
        %parallel_loop3A_421 = arith.shrui %parallel_loop3A_418, %parallel_loop3A_420 : vector<16xi32>
        %parallel_loop3A_422 = arith.constant 0 : i32
        %parallel_loop3A_423 = vector.broadcast %parallel_loop3A_422 : i32 to vector<16xi32>
        %parallel_loop3A_424 = arith.addi %parallel_loop3A_423, %parallel_loop3A_138 : vector<16xi32>
        %parallel_loop3A_425 = arith.constant 96 : i32
        %parallel_loop3A_426 = vector.broadcast %parallel_loop3A_425 : i32 to vector<16xi32>
        %parallel_loop3A_427 = arith.addi %parallel_loop3A_426, %iota3A : vector<16xi32>
        %parallel_loop3A_428 = tpu.vector_load_idx %arg5[%parallel_loop3A_424, %parallel_loop3A_427] : memref<64x128xf32, #tpu.memory_space<vmem>>[vector<16xi32>, vector<16xi32>], vector<16xf32>,
        %parallel_loop3A_429 = arith.constant 0 : i32
        %parallel_loop3A_430 = vector.broadcast %parallel_loop3A_429 : i32 to vector<16xi32>
        %parallel_loop3A_431 = arith.addi %parallel_loop3A_430, %parallel_loop3A_139 : vector<16xi32>
        tpu.vector_store_idx %arg7[%parallel_loop3A_421, %parallel_loop3A_431], %parallel_loop3A_428 : memref<64x128xf32, #tpu.memory_space<vmem>>[vector<16xi32>, vector<16xi32>], vector<16xf32>,
        %parallel_loop3A_432 = arith.constant 16 : i32
        %parallel_loop3A_433 = vector.broadcast %parallel_loop3A_432 : i32 to vector<16xi32>
        %parallel_loop3A_434 = arith.addi %parallel_loop3A_433, %parallel_loop3A_138 : vector<16xi32>
        %parallel_loop3A_435 = arith.constant 96 : i32
        %parallel_loop3A_436 = vector.broadcast %parallel_loop3A_435 : i32 to vector<16xi32>
        %parallel_loop3A_437 = arith.addi %parallel_loop3A_436, %iota3A : vector<16xi32>
        %parallel_loop3A_438 = tpu.vector_load_idx %arg5[%parallel_loop3A_434, %parallel_loop3A_437] : memref<64x128xf32, #tpu.memory_space<vmem>>[vector<16xi32>, vector<16xi32>], vector<16xf32>,
        %parallel_loop3A_439 = arith.constant 16 : i32
        %parallel_loop3A_440 = vector.broadcast %parallel_loop3A_439 : i32 to vector<16xi32>
        %parallel_loop3A_441 = arith.addi %parallel_loop3A_440, %parallel_loop3A_139 : vector<16xi32>
        tpu.vector_store_idx %arg7[%parallel_loop3A_421, %parallel_loop3A_441], %parallel_loop3A_438 : memref<64x128xf32, #tpu.memory_space<vmem>>[vector<16xi32>, vector<16xi32>], vector<16xf32>,
        %parallel_loop3A_442 = arith.constant 32 : i32
        %parallel_loop3A_443 = vector.broadcast %parallel_loop3A_442 : i32 to vector<16xi32>
        %parallel_loop3A_444 = arith.addi %parallel_loop3A_443, %parallel_loop3A_138 : vector<16xi32>
        %parallel_loop3A_445 = arith.constant 96 : i32
        %parallel_loop3A_446 = vector.broadcast %parallel_loop3A_445 : i32 to vector<16xi32>
        %parallel_loop3A_447 = arith.addi %parallel_loop3A_446, %iota3A : vector<16xi32>
        %parallel_loop3A_448 = tpu.vector_load_idx %arg5[%parallel_loop3A_444, %parallel_loop3A_447] : memref<64x128xf32, #tpu.memory_space<vmem>>[vector<16xi32>, vector<16xi32>], vector<16xf32>,
        %parallel_loop3A_449 = arith.constant 32 : i32
        %parallel_loop3A_450 = vector.broadcast %parallel_loop3A_449 : i32 to vector<16xi32>
        %parallel_loop3A_451 = arith.addi %parallel_loop3A_450, %parallel_loop3A_139 : vector<16xi32>
        tpu.vector_store_idx %arg7[%parallel_loop3A_421, %parallel_loop3A_451], %parallel_loop3A_448 : memref<64x128xf32, #tpu.memory_space<vmem>>[vector<16xi32>, vector<16xi32>], vector<16xf32>,
        %parallel_loop3A_452 = arith.constant 48 : i32
        %parallel_loop3A_453 = vector.broadcast %parallel_loop3A_452 : i32 to vector<16xi32>
        %parallel_loop3A_454 = arith.addi %parallel_loop3A_453, %parallel_loop3A_138 : vector<16xi32>
        %parallel_loop3A_455 = arith.constant 96 : i32
        %parallel_loop3A_456 = vector.broadcast %parallel_loop3A_455 : i32 to vector<16xi32>
        %parallel_loop3A_457 = arith.addi %parallel_loop3A_456, %iota3A : vector<16xi32>
        %parallel_loop3A_458 = tpu.vector_load_idx %arg5[%parallel_loop3A_454, %parallel_loop3A_457] : memref<64x128xf32, #tpu.memory_space<vmem>>[vector<16xi32>, vector<16xi32>], vector<16xf32>,
        %parallel_loop3A_459 = arith.constant 48 : i32
        %parallel_loop3A_460 = vector.broadcast %parallel_loop3A_459 : i32 to vector<16xi32>
        %parallel_loop3A_461 = arith.addi %parallel_loop3A_460, %parallel_loop3A_139 : vector<16xi32>
        tpu.vector_store_idx %arg7[%parallel_loop3A_421, %parallel_loop3A_461], %parallel_loop3A_458 : memref<64x128xf32, #tpu.memory_space<vmem>>[vector<16xi32>, vector<16xi32>], vector<16xf32>,
        %parallel_loop3A_462 = arith.constant 112 : i32
        %parallel_loop3A_463 = vector.broadcast %parallel_loop3A_462 : i32 to vector<16xi32>
        %parallel_loop3A_464 = arith.addi %parallel_loop3A_463, %iota3A : vector<16xi32>
        %parallel_loop3A_465 = arith.constant 1 : i32
        %parallel_loop3A_466 = vector.broadcast %parallel_loop3A_465 : i32 to vector<16xi32>
        %parallel_loop3A_467 = arith.shrui %parallel_loop3A_464, %parallel_loop3A_466 : vector<16xi32>
        %parallel_loop3A_468 = arith.constant 0 : i32
        %parallel_loop3A_469 = vector.broadcast %parallel_loop3A_468 : i32 to vector<16xi32>
        %parallel_loop3A_470 = arith.addi %parallel_loop3A_469, %parallel_loop3A_138 : vector<16xi32>
        %parallel_loop3A_471 = arith.constant 112 : i32
        %parallel_loop3A_472 = vector.broadcast %parallel_loop3A_471 : i32 to vector<16xi32>
        %parallel_loop3A_473 = arith.addi %parallel_loop3A_472, %iota3A : vector<16xi32>
        %parallel_loop3A_474 = tpu.vector_load_idx %arg5[%parallel_loop3A_470, %parallel_loop3A_473] : memref<64x128xf32, #tpu.memory_space<vmem>>[vector<16xi32>, vector<16xi32>], vector<16xf32>,
        %parallel_loop3A_475 = arith.constant 0 : i32
        %parallel_loop3A_476 = vector.broadcast %parallel_loop3A_475 : i32 to vector<16xi32>
        %parallel_loop3A_477 = arith.addi %parallel_loop3A_476, %parallel_loop3A_139 : vector<16xi32>
        tpu.vector_store_idx %arg7[%parallel_loop3A_467, %parallel_loop3A_477], %parallel_loop3A_474 : memref<64x128xf32, #tpu.memory_space<vmem>>[vector<16xi32>, vector<16xi32>], vector<16xf32>,
        %parallel_loop3A_478 = arith.constant 16 : i32
        %parallel_loop3A_479 = vector.broadcast %parallel_loop3A_478 : i32 to vector<16xi32>
        %parallel_loop3A_480 = arith.addi %parallel_loop3A_479, %parallel_loop3A_138 : vector<16xi32>
        %parallel_loop3A_481 = arith.constant 112 : i32
        %parallel_loop3A_482 = vector.broadcast %parallel_loop3A_481 : i32 to vector<16xi32>
        %parallel_loop3A_483 = arith.addi %parallel_loop3A_482, %iota3A : vector<16xi32>
        %parallel_loop3A_484 = tpu.vector_load_idx %arg5[%parallel_loop3A_480, %parallel_loop3A_483] : memref<64x128xf32, #tpu.memory_space<vmem>>[vector<16xi32>, vector<16xi32>], vector<16xf32>,
        %parallel_loop3A_485 = arith.constant 16 : i32
        %parallel_loop3A_486 = vector.broadcast %parallel_loop3A_485 : i32 to vector<16xi32>
        %parallel_loop3A_487 = arith.addi %parallel_loop3A_486, %parallel_loop3A_139 : vector<16xi32>
        tpu.vector_store_idx %arg7[%parallel_loop3A_467, %parallel_loop3A_487], %parallel_loop3A_484 : memref<64x128xf32, #tpu.memory_space<vmem>>[vector<16xi32>, vector<16xi32>], vector<16xf32>,
        %parallel_loop3A_488 = arith.constant 32 : i32
        %parallel_loop3A_489 = vector.broadcast %parallel_loop3A_488 : i32 to vector<16xi32>
        %parallel_loop3A_490 = arith.addi %parallel_loop3A_489, %parallel_loop3A_138 : vector<16xi32>
        %parallel_loop3A_491 = arith.constant 112 : i32
        %parallel_loop3A_492 = vector.broadcast %parallel_loop3A_491 : i32 to vector<16xi32>
        %parallel_loop3A_493 = arith.addi %parallel_loop3A_492, %iota3A : vector<16xi32>
        %parallel_loop3A_494 = tpu.vector_load_idx %arg5[%parallel_loop3A_490, %parallel_loop3A_493] : memref<64x128xf32, #tpu.memory_space<vmem>>[vector<16xi32>, vector<16xi32>], vector<16xf32>,
        %parallel_loop3A_495 = arith.constant 32 : i32
        %parallel_loop3A_496 = vector.broadcast %parallel_loop3A_495 : i32 to vector<16xi32>
        %parallel_loop3A_497 = arith.addi %parallel_loop3A_496, %parallel_loop3A_139 : vector<16xi32>
        tpu.vector_store_idx %arg7[%parallel_loop3A_467, %parallel_loop3A_497], %parallel_loop3A_494 : memref<64x128xf32, #tpu.memory_space<vmem>>[vector<16xi32>, vector<16xi32>], vector<16xf32>,
        %parallel_loop3A_498 = arith.constant 48 : i32
        %parallel_loop3A_499 = vector.broadcast %parallel_loop3A_498 : i32 to vector<16xi32>
        %parallel_loop3A_500 = arith.addi %parallel_loop3A_499, %parallel_loop3A_138 : vector<16xi32>
        %parallel_loop3A_501 = arith.constant 112 : i32
        %parallel_loop3A_502 = vector.broadcast %parallel_loop3A_501 : i32 to vector<16xi32>
        %parallel_loop3A_503 = arith.addi %parallel_loop3A_502, %iota3A : vector<16xi32>
        %parallel_loop3A_504 = tpu.vector_load_idx %arg5[%parallel_loop3A_500, %parallel_loop3A_503] : memref<64x128xf32, #tpu.memory_space<vmem>>[vector<16xi32>, vector<16xi32>], vector<16xf32>,
        %parallel_loop3A_505 = arith.constant 48 : i32
        %parallel_loop3A_506 = vector.broadcast %parallel_loop3A_505 : i32 to vector<16xi32>
        %parallel_loop3A_507 = arith.addi %parallel_loop3A_506, %parallel_loop3A_139 : vector<16xi32>
        tpu.vector_store_idx %arg7[%parallel_loop3A_467, %parallel_loop3A_507], %parallel_loop3A_504 : memref<64x128xf32, #tpu.memory_space<vmem>>[vector<16xi32>, vector<16xi32>], vector<16xf32>,
      } {sc.loop_unroll_factor = 1 : i64, sc.parallel_access}
      %add3A_95 = arith.addi %mul3A_2, %mul3A_70 : i32
      %min3A_96 = arith.constant 7811 : i32
      %min3A_97 = arith.minsi %add3A_95, %min3A_96 : i32
      %mul3A_98 = arith.constant 64 : i32
      %mul3A_99 = arith.muli %min3A_97, %mul3A_98 : i32
      %dma_start3A_100 = arith.constant 0 : i32
      %dma_start3A_101 = tpu.memref_slice %arg4[%mul3A_99, %dma_start3A_100] : memref<500000x128xf32, #tpu.memory_space<hbm>> -> memref<64x128xf32, #tpu.memory_space<hbm>>
      %dma_start3A_102 = arith.constant 0 : i32
      %dma_start3A_103 = tpu.memref_slice %arg4[%mul3A_99, %dma_start3A_102] : memref<500000x128xf32, #tpu.memory_space<hbm>> -> memref<64x128xf32, #tpu.memory_space<hbm>>
      tpu.enqueue_dma source(%arg7 : memref<64x128xf32, #tpu.memory_space<vmem>>) target(%dma_start3A_103 : memref<64x128xf32, #tpu.memory_space<hbm>>) target_semaphore(%arg11 : memref<!tpu.dma_semaphore, #tpu.memory_space<semaphore_mem>>)
      %dma_wait3A_104 = arith.constant 0 : i32
      %dma_wait3A_105 = arith.constant 0 : i32
      %dma_wait3A_106 = tpu.memref_slice %arg2[%dma_wait3A_104, %dma_wait3A_105] : memref<64x1000000xf32, #tpu.memory_space<hbm>> -> memref<64x128xf32, #tpu.memory_space<hbm>>
      %dma_wait3A_107 = arith.constant 0 : i32
      %dma_wait3A_108 = arith.constant 0 : i32
      %dma_wait3A_109 = tpu.memref_slice %arg2[%dma_wait3A_107, %dma_wait3A_108] : memref<64x1000000xf32, #tpu.memory_space<hbm>> -> memref<64x128xf32, #tpu.memory_space<hbm>>
      tpu.wait_dma2 semaphore(%arg10 : memref<!tpu.dma_semaphore, #tpu.memory_space<semaphore_mem>>) src(%dma_wait3A_109 : memref<64x128xf32, #tpu.memory_space<hbm>>) dst(%arg6 : memref<64x128xf32, #tpu.memory_space<vmem>>)
      %lt3A = arith.constant 121 : i32
      %lt3A_110 = arith.cmpi slt, %scan3A_68, %lt3A : i32
      %convert_element_type3A_111 = arith.extui %lt3A_110 : i1 to i32
      %cond3A_112 = arith.constant 0 : i32
      %cond3A_113 = arith.cmpi ne, %convert_element_type3A_111, %cond3A_112 : i32
      scf.if %cond3A_113 {
        %add3A_133 = arith.constant 2 : i32
        %add3A_134 = arith.addi %mul3A_70, %add3A_133 : i32
        %add3A_135 = arith.addi %mul3A_2, %add3A_134 : i32
        %min3A_136 = arith.constant 7811 : i32
        %min3A_137 = arith.minsi %add3A_135, %min3A_136 : i32
        %mul3A_138 = arith.constant 128 : i32
        %mul3A_139 = arith.muli %min3A_137, %mul3A_138 : i32
        %dma_start3A_140 = arith.constant 0 : i32
        %dma_start3A_141 = tpu.memref_slice %arg2[%dma_start3A_140, %mul3A_139] : memref<64x1000000xf32, #tpu.memory_space<hbm>> -> memref<64x128xf32, #tpu.memory_space<hbm>>
        %dma_start3A_142 = arith.constant 0 : i32
        %dma_start3A_143 = tpu.memref_slice %arg2[%dma_start3A_142, %mul3A_139] : memref<64x1000000xf32, #tpu.memory_space<hbm>> -> memref<64x128xf32, #tpu.memory_space<hbm>>
        tpu.enqueue_dma source(%dma_start3A_143 : memref<64x128xf32, #tpu.memory_space<hbm>>) target(%arg5 : memref<64x128xf32, #tpu.memory_space<vmem>>) target_semaphore(%arg9 : memref<!tpu.dma_semaphore, #tpu.memory_space<semaphore_mem>>)
      } else {
      }
      %gt3A_114 = arith.constant 0 : i32
      %gt3A_115 = arith.cmpi sgt, %scan3A_68, %gt3A_114 : i32
      %convert_element_type3A_116 = arith.extui %gt3A_115 : i1 to i32
      %cond3A_117 = arith.constant 0 : i32
      %cond3A_118 = arith.cmpi ne, %convert_element_type3A_116, %cond3A_117 : i32
      scf.if %cond3A_118 {
        %dma_wait3A_133 = arith.constant 0 : i32
        %dma_wait3A_134 = arith.constant 0 : i32
        %dma_wait3A_135 = tpu.memref_slice %arg4[%dma_wait3A_133, %dma_wait3A_134] : memref<500000x128xf32, #tpu.memory_space<hbm>> -> memref<64x128xf32, #tpu.memory_space<hbm>>
        %dma_wait3A_136 = arith.constant 0 : i32
        %dma_wait3A_137 = arith.constant 0 : i32
        %dma_wait3A_138 = tpu.memref_slice %arg4[%dma_wait3A_136, %dma_wait3A_137] : memref<500000x128xf32, #tpu.memory_space<hbm>> -> memref<64x128xf32, #tpu.memory_space<hbm>>
        tpu.wait_dma2 semaphore(%arg12 : memref<!tpu.dma_semaphore, #tpu.memory_space<semaphore_mem>>) src(%arg8 : memref<64x128xf32, #tpu.memory_space<vmem>>) dst(%dma_wait3A_138 : memref<64x128xf32, #tpu.memory_space<hbm>>)
      } else {
      }
      %parallel_loop3A_119 = arith.constant 0 : i32
      %parallel_loop3A_120 = arith.constant 16 : i32
      %parallel_loop3A_121 = arith.constant 1 : i32
      scf.for %parallel_loop3A_133 = %parallel_loop3A_119 to %parallel_loop3A_120 step %parallel_loop3A_121  : i32 {
        %parallel_loop3A_134 = vector.broadcast %parallel_loop3A_133 : i32 to vector<16xi32>
        %parallel_loop3A_135 = arith.addi %iota3A, %parallel_loop3A_134 : vector<16xi32>
        %parallel_loop3A_136 = arith.constant 15 : i32
        %parallel_loop3A_137 = vector.broadcast %parallel_loop3A_136 : i32 to vector<16xi32>
        %parallel_loop3A_138 = arith.andi %parallel_loop3A_135, %parallel_loop3A_137 : vector<16xi32>
        %parallel_loop3A_139 = arith.addi %parallel_loop3A_138, %mul3A_7 : vector<16xi32>
        %parallel_loop3A_140 = arith.constant 0 : i32
        %parallel_loop3A_141 = vector.broadcast %parallel_loop3A_140 : i32 to vector<16xi32>
        %parallel_loop3A_142 = arith.addi %parallel_loop3A_141, %iota3A : vector<16xi32>
        %parallel_loop3A_143 = arith.constant 1 : i32
        %parallel_loop3A_144 = vector.broadcast %parallel_loop3A_143 : i32 to vector<16xi32>
        %parallel_loop3A_145 = arith.shrui %parallel_loop3A_142, %parallel_loop3A_144 : vector<16xi32>
        %parallel_loop3A_146 = arith.constant 0 : i32
        %parallel_loop3A_147 = vector.broadcast %parallel_loop3A_146 : i32 to vector<16xi32>
        %parallel_loop3A_148 = arith.addi %parallel_loop3A_147, %parallel_loop3A_138 : vector<16xi32>
        %parallel_loop3A_149 = arith.constant 0 : i32
        %parallel_loop3A_150 = vector.broadcast %parallel_loop3A_149 : i32 to vector<16xi32>
        %parallel_loop3A_151 = arith.addi %parallel_loop3A_150, %iota3A : vector<16xi32>
        %parallel_loop3A_152 = tpu.vector_load_idx %arg6[%parallel_loop3A_148, %parallel_loop3A_151] : memref<64x128xf32, #tpu.memory_space<vmem>>[vector<16xi32>, vector<16xi32>], vector<16xf32>,
        %parallel_loop3A_153 = arith.constant 0 : i32
        %parallel_loop3A_154 = vector.broadcast %parallel_loop3A_153 : i32 to vector<16xi32>
        %parallel_loop3A_155 = arith.addi %parallel_loop3A_154, %parallel_loop3A_139 : vector<16xi32>
        tpu.vector_store_idx %arg8[%parallel_loop3A_145, %parallel_loop3A_155], %parallel_loop3A_152 : memref<64x128xf32, #tpu.memory_space<vmem>>[vector<16xi32>, vector<16xi32>], vector<16xf32>,
        %parallel_loop3A_156 = arith.constant 16 : i32
        %parallel_loop3A_157 = vector.broadcast %parallel_loop3A_156 : i32 to vector<16xi32>
        %parallel_loop3A_158 = arith.addi %parallel_loop3A_157, %parallel_loop3A_138 : vector<16xi32>
        %parallel_loop3A_159 = arith.constant 0 : i32
        %parallel_loop3A_160 = vector.broadcast %parallel_loop3A_159 : i32 to vector<16xi32>
        %parallel_loop3A_161 = arith.addi %parallel_loop3A_160, %iota3A : vector<16xi32>
        %parallel_loop3A_162 = tpu.vector_load_idx %arg6[%parallel_loop3A_158, %parallel_loop3A_161] : memref<64x128xf32, #tpu.memory_space<vmem>>[vector<16xi32>, vector<16xi32>], vector<16xf32>,
        %parallel_loop3A_163 = arith.constant 16 : i32
        %parallel_loop3A_164 = vector.broadcast %parallel_loop3A_163 : i32 to vector<16xi32>
        %parallel_loop3A_165 = arith.addi %parallel_loop3A_164, %parallel_loop3A_139 : vector<16xi32>
        tpu.vector_store_idx %arg8[%parallel_loop3A_145, %parallel_loop3A_165], %parallel_loop3A_162 : memref<64x128xf32, #tpu.memory_space<vmem>>[vector<16xi32>, vector<16xi32>], vector<16xf32>,
        %parallel_loop3A_166 = arith.constant 32 : i32
        %parallel_loop3A_167 = vector.broadcast %parallel_loop3A_166 : i32 to vector<16xi32>
        %parallel_loop3A_168 = arith.addi %parallel_loop3A_167, %parallel_loop3A_138 : vector<16xi32>
        %parallel_loop3A_169 = arith.constant 0 : i32
        %parallel_loop3A_170 = vector.broadcast %parallel_loop3A_169 : i32 to vector<16xi32>
        %parallel_loop3A_171 = arith.addi %parallel_loop3A_170, %iota3A : vector<16xi32>
        %parallel_loop3A_172 = tpu.vector_load_idx %arg6[%parallel_loop3A_168, %parallel_loop3A_171] : memref<64x128xf32, #tpu.memory_space<vmem>>[vector<16xi32>, vector<16xi32>], vector<16xf32>,
        %parallel_loop3A_173 = arith.constant 32 : i32
        %parallel_loop3A_174 = vector.broadcast %parallel_loop3A_173 : i32 to vector<16xi32>
        %parallel_loop3A_175 = arith.addi %parallel_loop3A_174, %parallel_loop3A_139 : vector<16xi32>
        tpu.vector_store_idx %arg8[%parallel_loop3A_145, %parallel_loop3A_175], %parallel_loop3A_172 : memref<64x128xf32, #tpu.memory_space<vmem>>[vector<16xi32>, vector<16xi32>], vector<16xf32>,
        %parallel_loop3A_176 = arith.constant 48 : i32
        %parallel_loop3A_177 = vector.broadcast %parallel_loop3A_176 : i32 to vector<16xi32>
        %parallel_loop3A_178 = arith.addi %parallel_loop3A_177, %parallel_loop3A_138 : vector<16xi32>
        %parallel_loop3A_179 = arith.constant 0 : i32
        %parallel_loop3A_180 = vector.broadcast %parallel_loop3A_179 : i32 to vector<16xi32>
        %parallel_loop3A_181 = arith.addi %parallel_loop3A_180, %iota3A : vector<16xi32>
        %parallel_loop3A_182 = tpu.vector_load_idx %arg6[%parallel_loop3A_178, %parallel_loop3A_181] : memref<64x128xf32, #tpu.memory_space<vmem>>[vector<16xi32>, vector<16xi32>], vector<16xf32>,
        %parallel_loop3A_183 = arith.constant 48 : i32
        %parallel_loop3A_184 = vector.broadcast %parallel_loop3A_183 : i32 to vector<16xi32>
        %parallel_loop3A_185 = arith.addi %parallel_loop3A_184, %parallel_loop3A_139 : vector<16xi32>
        tpu.vector_store_idx %arg8[%parallel_loop3A_145, %parallel_loop3A_185], %parallel_loop3A_182 : memref<64x128xf32, #tpu.memory_space<vmem>>[vector<16xi32>, vector<16xi32>], vector<16xf32>,
        %parallel_loop3A_186 = arith.constant 16 : i32
        %parallel_loop3A_187 = vector.broadcast %parallel_loop3A_186 : i32 to vector<16xi32>
        %parallel_loop3A_188 = arith.addi %parallel_loop3A_187, %iota3A : vector<16xi32>
        %parallel_loop3A_189 = arith.constant 1 : i32
        %parallel_loop3A_190 = vector.broadcast %parallel_loop3A_189 : i32 to vector<16xi32>
        %parallel_loop3A_191 = arith.shrui %parallel_loop3A_188, %parallel_loop3A_190 : vector<16xi32>
        %parallel_loop3A_192 = arith.constant 0 : i32
        %parallel_loop3A_193 = vector.broadcast %parallel_loop3A_192 : i32 to vector<16xi32>
        %parallel_loop3A_194 = arith.addi %parallel_loop3A_193, %parallel_loop3A_138 : vector<16xi32>
        %parallel_loop3A_195 = arith.constant 16 : i32
        %parallel_loop3A_196 = vector.broadcast %parallel_loop3A_195 : i32 to vector<16xi32>
        %parallel_loop3A_197 = arith.addi %parallel_loop3A_196, %iota3A : vector<16xi32>
        %parallel_loop3A_198 = tpu.vector_load_idx %arg6[%parallel_loop3A_194, %parallel_loop3A_197] : memref<64x128xf32, #tpu.memory_space<vmem>>[vector<16xi32>, vector<16xi32>], vector<16xf32>,
        %parallel_loop3A_199 = arith.constant 0 : i32
        %parallel_loop3A_200 = vector.broadcast %parallel_loop3A_199 : i32 to vector<16xi32>
        %parallel_loop3A_201 = arith.addi %parallel_loop3A_200, %parallel_loop3A_139 : vector<16xi32>
        tpu.vector_store_idx %arg8[%parallel_loop3A_191, %parallel_loop3A_201], %parallel_loop3A_198 : memref<64x128xf32, #tpu.memory_space<vmem>>[vector<16xi32>, vector<16xi32>], vector<16xf32>,
        %parallel_loop3A_202 = arith.constant 16 : i32
        %parallel_loop3A_203 = vector.broadcast %parallel_loop3A_202 : i32 to vector<16xi32>
        %parallel_loop3A_204 = arith.addi %parallel_loop3A_203, %parallel_loop3A_138 : vector<16xi32>
        %parallel_loop3A_205 = arith.constant 16 : i32
        %parallel_loop3A_206 = vector.broadcast %parallel_loop3A_205 : i32 to vector<16xi32>
        %parallel_loop3A_207 = arith.addi %parallel_loop3A_206, %iota3A : vector<16xi32>
        %parallel_loop3A_208 = tpu.vector_load_idx %arg6[%parallel_loop3A_204, %parallel_loop3A_207] : memref<64x128xf32, #tpu.memory_space<vmem>>[vector<16xi32>, vector<16xi32>], vector<16xf32>,
        %parallel_loop3A_209 = arith.constant 16 : i32
        %parallel_loop3A_210 = vector.broadcast %parallel_loop3A_209 : i32 to vector<16xi32>
        %parallel_loop3A_211 = arith.addi %parallel_loop3A_210, %parallel_loop3A_139 : vector<16xi32>
        tpu.vector_store_idx %arg8[%parallel_loop3A_191, %parallel_loop3A_211], %parallel_loop3A_208 : memref<64x128xf32, #tpu.memory_space<vmem>>[vector<16xi32>, vector<16xi32>], vector<16xf32>,
        %parallel_loop3A_212 = arith.constant 32 : i32
        %parallel_loop3A_213 = vector.broadcast %parallel_loop3A_212 : i32 to vector<16xi32>
        %parallel_loop3A_214 = arith.addi %parallel_loop3A_213, %parallel_loop3A_138 : vector<16xi32>
        %parallel_loop3A_215 = arith.constant 16 : i32
        %parallel_loop3A_216 = vector.broadcast %parallel_loop3A_215 : i32 to vector<16xi32>
        %parallel_loop3A_217 = arith.addi %parallel_loop3A_216, %iota3A : vector<16xi32>
        %parallel_loop3A_218 = tpu.vector_load_idx %arg6[%parallel_loop3A_214, %parallel_loop3A_217] : memref<64x128xf32, #tpu.memory_space<vmem>>[vector<16xi32>, vector<16xi32>], vector<16xf32>,
        %parallel_loop3A_219 = arith.constant 32 : i32
        %parallel_loop3A_220 = vector.broadcast %parallel_loop3A_219 : i32 to vector<16xi32>
        %parallel_loop3A_221 = arith.addi %parallel_loop3A_220, %parallel_loop3A_139 : vector<16xi32>
        tpu.vector_store_idx %arg8[%parallel_loop3A_191, %parallel_loop3A_221], %parallel_loop3A_218 : memref<64x128xf32, #tpu.memory_space<vmem>>[vector<16xi32>, vector<16xi32>], vector<16xf32>,
        %parallel_loop3A_222 = arith.constant 48 : i32
        %parallel_loop3A_223 = vector.broadcast %parallel_loop3A_222 : i32 to vector<16xi32>
        %parallel_loop3A_224 = arith.addi %parallel_loop3A_223, %parallel_loop3A_138 : vector<16xi32>
        %parallel_loop3A_225 = arith.constant 16 : i32
        %parallel_loop3A_226 = vector.broadcast %parallel_loop3A_225 : i32 to vector<16xi32>
        %parallel_loop3A_227 = arith.addi %parallel_loop3A_226, %iota3A : vector<16xi32>
        %parallel_loop3A_228 = tpu.vector_load_idx %arg6[%parallel_loop3A_224, %parallel_loop3A_227] : memref<64x128xf32, #tpu.memory_space<vmem>>[vector<16xi32>, vector<16xi32>], vector<16xf32>,
        %parallel_loop3A_229 = arith.constant 48 : i32
        %parallel_loop3A_230 = vector.broadcast %parallel_loop3A_229 : i32 to vector<16xi32>
        %parallel_loop3A_231 = arith.addi %parallel_loop3A_230, %parallel_loop3A_139 : vector<16xi32>
        tpu.vector_store_idx %arg8[%parallel_loop3A_191, %parallel_loop3A_231], %parallel_loop3A_228 : memref<64x128xf32, #tpu.memory_space<vmem>>[vector<16xi32>, vector<16xi32>], vector<16xf32>,
        %parallel_loop3A_232 = arith.constant 32 : i32
        %parallel_loop3A_233 = vector.broadcast %parallel_loop3A_232 : i32 to vector<16xi32>
        %parallel_loop3A_234 = arith.addi %parallel_loop3A_233, %iota3A : vector<16xi32>
        %parallel_loop3A_235 = arith.constant 1 : i32
        %parallel_loop3A_236 = vector.broadcast %parallel_loop3A_235 : i32 to vector<16xi32>
        %parallel_loop3A_237 = arith.shrui %parallel_loop3A_234, %parallel_loop3A_236 : vector<16xi32>
        %parallel_loop3A_238 = arith.constant 0 : i32
        %parallel_loop3A_239 = vector.broadcast %parallel_loop3A_238 : i32 to vector<16xi32>
        %parallel_loop3A_240 = arith.addi %parallel_loop3A_239, %parallel_loop3A_138 : vector<16xi32>
        %parallel_loop3A_241 = arith.constant 32 : i32
        %parallel_loop3A_242 = vector.broadcast %parallel_loop3A_241 : i32 to vector<16xi32>
        %parallel_loop3A_243 = arith.addi %parallel_loop3A_242, %iota3A : vector<16xi32>
        %parallel_loop3A_244 = tpu.vector_load_idx %arg6[%parallel_loop3A_240, %parallel_loop3A_243] : memref<64x128xf32, #tpu.memory_space<vmem>>[vector<16xi32>, vector<16xi32>], vector<16xf32>,
        %parallel_loop3A_245 = arith.constant 0 : i32
        %parallel_loop3A_246 = vector.broadcast %parallel_loop3A_245 : i32 to vector<16xi32>
        %parallel_loop3A_247 = arith.addi %parallel_loop3A_246, %parallel_loop3A_139 : vector<16xi32>
        tpu.vector_store_idx %arg8[%parallel_loop3A_237, %parallel_loop3A_247], %parallel_loop3A_244 : memref<64x128xf32, #tpu.memory_space<vmem>>[vector<16xi32>, vector<16xi32>], vector<16xf32>,
        %parallel_loop3A_248 = arith.constant 16 : i32
        %parallel_loop3A_249 = vector.broadcast %parallel_loop3A_248 : i32 to vector<16xi32>
        %parallel_loop3A_250 = arith.addi %parallel_loop3A_249, %parallel_loop3A_138 : vector<16xi32>
        %parallel_loop3A_251 = arith.constant 32 : i32
        %parallel_loop3A_252 = vector.broadcast %parallel_loop3A_251 : i32 to vector<16xi32>
        %parallel_loop3A_253 = arith.addi %parallel_loop3A_252, %iota3A : vector<16xi32>
        %parallel_loop3A_254 = tpu.vector_load_idx %arg6[%parallel_loop3A_250, %parallel_loop3A_253] : memref<64x128xf32, #tpu.memory_space<vmem>>[vector<16xi32>, vector<16xi32>], vector<16xf32>,
        %parallel_loop3A_255 = arith.constant 16 : i32
        %parallel_loop3A_256 = vector.broadcast %parallel_loop3A_255 : i32 to vector<16xi32>
        %parallel_loop3A_257 = arith.addi %parallel_loop3A_256, %parallel_loop3A_139 : vector<16xi32>
        tpu.vector_store_idx %arg8[%parallel_loop3A_237, %parallel_loop3A_257], %parallel_loop3A_254 : memref<64x128xf32, #tpu.memory_space<vmem>>[vector<16xi32>, vector<16xi32>], vector<16xf32>,
        %parallel_loop3A_258 = arith.constant 32 : i32
        %parallel_loop3A_259 = vector.broadcast %parallel_loop3A_258 : i32 to vector<16xi32>
        %parallel_loop3A_260 = arith.addi %parallel_loop3A_259, %parallel_loop3A_138 : vector<16xi32>
        %parallel_loop3A_261 = arith.constant 32 : i32
        %parallel_loop3A_262 = vector.broadcast %parallel_loop3A_261 : i32 to vector<16xi32>
        %parallel_loop3A_263 = arith.addi %parallel_loop3A_262, %iota3A : vector<16xi32>
        %parallel_loop3A_264 = tpu.vector_load_idx %arg6[%parallel_loop3A_260, %parallel_loop3A_263] : memref<64x128xf32, #tpu.memory_space<vmem>>[vector<16xi32>, vector<16xi32>], vector<16xf32>,
        %parallel_loop3A_265 = arith.constant 32 : i32
        %parallel_loop3A_266 = vector.broadcast %parallel_loop3A_265 : i32 to vector<16xi32>
        %parallel_loop3A_267 = arith.addi %parallel_loop3A_266, %parallel_loop3A_139 : vector<16xi32>
        tpu.vector_store_idx %arg8[%parallel_loop3A_237, %parallel_loop3A_267], %parallel_loop3A_264 : memref<64x128xf32, #tpu.memory_space<vmem>>[vector<16xi32>, vector<16xi32>], vector<16xf32>,
        %parallel_loop3A_268 = arith.constant 48 : i32
        %parallel_loop3A_269 = vector.broadcast %parallel_loop3A_268 : i32 to vector<16xi32>
        %parallel_loop3A_270 = arith.addi %parallel_loop3A_269, %parallel_loop3A_138 : vector<16xi32>
        %parallel_loop3A_271 = arith.constant 32 : i32
        %parallel_loop3A_272 = vector.broadcast %parallel_loop3A_271 : i32 to vector<16xi32>
        %parallel_loop3A_273 = arith.addi %parallel_loop3A_272, %iota3A : vector<16xi32>
        %parallel_loop3A_274 = tpu.vector_load_idx %arg6[%parallel_loop3A_270, %parallel_loop3A_273] : memref<64x128xf32, #tpu.memory_space<vmem>>[vector<16xi32>, vector<16xi32>], vector<16xf32>,
        %parallel_loop3A_275 = arith.constant 48 : i32
        %parallel_loop3A_276 = vector.broadcast %parallel_loop3A_275 : i32 to vector<16xi32>
        %parallel_loop3A_277 = arith.addi %parallel_loop3A_276, %parallel_loop3A_139 : vector<16xi32>
        tpu.vector_store_idx %arg8[%parallel_loop3A_237, %parallel_loop3A_277], %parallel_loop3A_274 : memref<64x128xf32, #tpu.memory_space<vmem>>[vector<16xi32>, vector<16xi32>], vector<16xf32>,
        %parallel_loop3A_278 = arith.constant 48 : i32
        %parallel_loop3A_279 = vector.broadcast %parallel_loop3A_278 : i32 to vector<16xi32>
        %parallel_loop3A_280 = arith.addi %parallel_loop3A_279, %iota3A : vector<16xi32>
        %parallel_loop3A_281 = arith.constant 1 : i32
        %parallel_loop3A_282 = vector.broadcast %parallel_loop3A_281 : i32 to vector<16xi32>
        %parallel_loop3A_283 = arith.shrui %parallel_loop3A_280, %parallel_loop3A_282 : vector<16xi32>
        %parallel_loop3A_284 = arith.constant 0 : i32
        %parallel_loop3A_285 = vector.broadcast %parallel_loop3A_284 : i32 to vector<16xi32>
        %parallel_loop3A_286 = arith.addi %parallel_loop3A_285, %parallel_loop3A_138 : vector<16xi32>
        %parallel_loop3A_287 = arith.constant 48 : i32
        %parallel_loop3A_288 = vector.broadcast %parallel_loop3A_287 : i32 to vector<16xi32>
        %parallel_loop3A_289 = arith.addi %parallel_loop3A_288, %iota3A : vector<16xi32>
        %parallel_loop3A_290 = tpu.vector_load_idx %arg6[%parallel_loop3A_286, %parallel_loop3A_289] : memref<64x128xf32, #tpu.memory_space<vmem>>[vector<16xi32>, vector<16xi32>], vector<16xf32>,
        %parallel_loop3A_291 = arith.constant 0 : i32
        %parallel_loop3A_292 = vector.broadcast %parallel_loop3A_291 : i32 to vector<16xi32>
        %parallel_loop3A_293 = arith.addi %parallel_loop3A_292, %parallel_loop3A_139 : vector<16xi32>
        tpu.vector_store_idx %arg8[%parallel_loop3A_283, %parallel_loop3A_293], %parallel_loop3A_290 : memref<64x128xf32, #tpu.memory_space<vmem>>[vector<16xi32>, vector<16xi32>], vector<16xf32>,
        %parallel_loop3A_294 = arith.constant 16 : i32
        %parallel_loop3A_295 = vector.broadcast %parallel_loop3A_294 : i32 to vector<16xi32>
        %parallel_loop3A_296 = arith.addi %parallel_loop3A_295, %parallel_loop3A_138 : vector<16xi32>
        %parallel_loop3A_297 = arith.constant 48 : i32
        %parallel_loop3A_298 = vector.broadcast %parallel_loop3A_297 : i32 to vector<16xi32>
        %parallel_loop3A_299 = arith.addi %parallel_loop3A_298, %iota3A : vector<16xi32>
        %parallel_loop3A_300 = tpu.vector_load_idx %arg6[%parallel_loop3A_296, %parallel_loop3A_299] : memref<64x128xf32, #tpu.memory_space<vmem>>[vector<16xi32>, vector<16xi32>], vector<16xf32>,
        %parallel_loop3A_301 = arith.constant 16 : i32
        %parallel_loop3A_302 = vector.broadcast %parallel_loop3A_301 : i32 to vector<16xi32>
        %parallel_loop3A_303 = arith.addi %parallel_loop3A_302, %parallel_loop3A_139 : vector<16xi32>
        tpu.vector_store_idx %arg8[%parallel_loop3A_283, %parallel_loop3A_303], %parallel_loop3A_300 : memref<64x128xf32, #tpu.memory_space<vmem>>[vector<16xi32>, vector<16xi32>], vector<16xf32>,
        %parallel_loop3A_304 = arith.constant 32 : i32
        %parallel_loop3A_305 = vector.broadcast %parallel_loop3A_304 : i32 to vector<16xi32>
        %parallel_loop3A_306 = arith.addi %parallel_loop3A_305, %parallel_loop3A_138 : vector<16xi32>
        %parallel_loop3A_307 = arith.constant 48 : i32
        %parallel_loop3A_308 = vector.broadcast %parallel_loop3A_307 : i32 to vector<16xi32>
        %parallel_loop3A_309 = arith.addi %parallel_loop3A_308, %iota3A : vector<16xi32>
        %parallel_loop3A_310 = tpu.vector_load_idx %arg6[%parallel_loop3A_306, %parallel_loop3A_309] : memref<64x128xf32, #tpu.memory_space<vmem>>[vector<16xi32>, vector<16xi32>], vector<16xf32>,
        %parallel_loop3A_311 = arith.constant 32 : i32
        %parallel_loop3A_312 = vector.broadcast %parallel_loop3A_311 : i32 to vector<16xi32>
        %parallel_loop3A_313 = arith.addi %parallel_loop3A_312, %parallel_loop3A_139 : vector<16xi32>
        tpu.vector_store_idx %arg8[%parallel_loop3A_283, %parallel_loop3A_313], %parallel_loop3A_310 : memref<64x128xf32, #tpu.memory_space<vmem>>[vector<16xi32>, vector<16xi32>], vector<16xf32>,
        %parallel_loop3A_314 = arith.constant 48 : i32
        %parallel_loop3A_315 = vector.broadcast %parallel_loop3A_314 : i32 to vector<16xi32>
        %parallel_loop3A_316 = arith.addi %parallel_loop3A_315, %parallel_loop3A_138 : vector<16xi32>
        %parallel_loop3A_317 = arith.constant 48 : i32
        %parallel_loop3A_318 = vector.broadcast %parallel_loop3A_317 : i32 to vector<16xi32>
        %parallel_loop3A_319 = arith.addi %parallel_loop3A_318, %iota3A : vector<16xi32>
        %parallel_loop3A_320 = tpu.vector_load_idx %arg6[%parallel_loop3A_316, %parallel_loop3A_319] : memref<64x128xf32, #tpu.memory_space<vmem>>[vector<16xi32>, vector<16xi32>], vector<16xf32>,
        %parallel_loop3A_321 = arith.constant 48 : i32
        %parallel_loop3A_322 = vector.broadcast %parallel_loop3A_321 : i32 to vector<16xi32>
        %parallel_loop3A_323 = arith.addi %parallel_loop3A_322, %parallel_loop3A_139 : vector<16xi32>
        tpu.vector_store_idx %arg8[%parallel_loop3A_283, %parallel_loop3A_323], %parallel_loop3A_320 : memref<64x128xf32, #tpu.memory_space<vmem>>[vector<16xi32>, vector<16xi32>], vector<16xf32>,
        %parallel_loop3A_324 = arith.constant 64 : i32
        %parallel_loop3A_325 = vector.broadcast %parallel_loop3A_324 : i32 to vector<16xi32>
        %parallel_loop3A_326 = arith.addi %parallel_loop3A_325, %iota3A : vector<16xi32>
        %parallel_loop3A_327 = arith.constant 1 : i32
        %parallel_loop3A_328 = vector.broadcast %parallel_loop3A_327 : i32 to vector<16xi32>
        %parallel_loop3A_329 = arith.shrui %parallel_loop3A_326, %parallel_loop3A_328 : vector<16xi32>
        %parallel_loop3A_330 = arith.constant 0 : i32
        %parallel_loop3A_331 = vector.broadcast %parallel_loop3A_330 : i32 to vector<16xi32>
        %parallel_loop3A_332 = arith.addi %parallel_loop3A_331, %parallel_loop3A_138 : vector<16xi32>
        %parallel_loop3A_333 = arith.constant 64 : i32
        %parallel_loop3A_334 = vector.broadcast %parallel_loop3A_333 : i32 to vector<16xi32>
        %parallel_loop3A_335 = arith.addi %parallel_loop3A_334, %iota3A : vector<16xi32>
        %parallel_loop3A_336 = tpu.vector_load_idx %arg6[%parallel_loop3A_332, %parallel_loop3A_335] : memref<64x128xf32, #tpu.memory_space<vmem>>[vector<16xi32>, vector<16xi32>], vector<16xf32>,
        %parallel_loop3A_337 = arith.constant 0 : i32
        %parallel_loop3A_338 = vector.broadcast %parallel_loop3A_337 : i32 to vector<16xi32>
        %parallel_loop3A_339 = arith.addi %parallel_loop3A_338, %parallel_loop3A_139 : vector<16xi32>
        tpu.vector_store_idx %arg8[%parallel_loop3A_329, %parallel_loop3A_339], %parallel_loop3A_336 : memref<64x128xf32, #tpu.memory_space<vmem>>[vector<16xi32>, vector<16xi32>], vector<16xf32>,
        %parallel_loop3A_340 = arith.constant 16 : i32
        %parallel_loop3A_341 = vector.broadcast %parallel_loop3A_340 : i32 to vector<16xi32>
        %parallel_loop3A_342 = arith.addi %parallel_loop3A_341, %parallel_loop3A_138 : vector<16xi32>
        %parallel_loop3A_343 = arith.constant 64 : i32
        %parallel_loop3A_344 = vector.broadcast %parallel_loop3A_343 : i32 to vector<16xi32>
        %parallel_loop3A_345 = arith.addi %parallel_loop3A_344, %iota3A : vector<16xi32>
        %parallel_loop3A_346 = tpu.vector_load_idx %arg6[%parallel_loop3A_342, %parallel_loop3A_345] : memref<64x128xf32, #tpu.memory_space<vmem>>[vector<16xi32>, vector<16xi32>], vector<16xf32>,
        %parallel_loop3A_347 = arith.constant 16 : i32
        %parallel_loop3A_348 = vector.broadcast %parallel_loop3A_347 : i32 to vector<16xi32>
        %parallel_loop3A_349 = arith.addi %parallel_loop3A_348, %parallel_loop3A_139 : vector<16xi32>
        tpu.vector_store_idx %arg8[%parallel_loop3A_329, %parallel_loop3A_349], %parallel_loop3A_346 : memref<64x128xf32, #tpu.memory_space<vmem>>[vector<16xi32>, vector<16xi32>], vector<16xf32>,
        %parallel_loop3A_350 = arith.constant 32 : i32
        %parallel_loop3A_351 = vector.broadcast %parallel_loop3A_350 : i32 to vector<16xi32>
        %parallel_loop3A_352 = arith.addi %parallel_loop3A_351, %parallel_loop3A_138 : vector<16xi32>
        %parallel_loop3A_353 = arith.constant 64 : i32
        %parallel_loop3A_354 = vector.broadcast %parallel_loop3A_353 : i32 to vector<16xi32>
        %parallel_loop3A_355 = arith.addi %parallel_loop3A_354, %iota3A : vector<16xi32>
        %parallel_loop3A_356 = tpu.vector_load_idx %arg6[%parallel_loop3A_352, %parallel_loop3A_355] : memref<64x128xf32, #tpu.memory_space<vmem>>[vector<16xi32>, vector<16xi32>], vector<16xf32>,
        %parallel_loop3A_357 = arith.constant 32 : i32
        %parallel_loop3A_358 = vector.broadcast %parallel_loop3A_357 : i32 to vector<16xi32>
        %parallel_loop3A_359 = arith.addi %parallel_loop3A_358, %parallel_loop3A_139 : vector<16xi32>
        tpu.vector_store_idx %arg8[%parallel_loop3A_329, %parallel_loop3A_359], %parallel_loop3A_356 : memref<64x128xf32, #tpu.memory_space<vmem>>[vector<16xi32>, vector<16xi32>], vector<16xf32>,
        %parallel_loop3A_360 = arith.constant 48 : i32
        %parallel_loop3A_361 = vector.broadcast %parallel_loop3A_360 : i32 to vector<16xi32>
        %parallel_loop3A_362 = arith.addi %parallel_loop3A_361, %parallel_loop3A_138 : vector<16xi32>
        %parallel_loop3A_363 = arith.constant 64 : i32
        %parallel_loop3A_364 = vector.broadcast %parallel_loop3A_363 : i32 to vector<16xi32>
        %parallel_loop3A_365 = arith.addi %parallel_loop3A_364, %iota3A : vector<16xi32>
        %parallel_loop3A_366 = tpu.vector_load_idx %arg6[%parallel_loop3A_362, %parallel_loop3A_365] : memref<64x128xf32, #tpu.memory_space<vmem>>[vector<16xi32>, vector<16xi32>], vector<16xf32>,
        %parallel_loop3A_367 = arith.constant 48 : i32
        %parallel_loop3A_368 = vector.broadcast %parallel_loop3A_367 : i32 to vector<16xi32>
        %parallel_loop3A_369 = arith.addi %parallel_loop3A_368, %parallel_loop3A_139 : vector<16xi32>
        tpu.vector_store_idx %arg8[%parallel_loop3A_329, %parallel_loop3A_369], %parallel_loop3A_366 : memref<64x128xf32, #tpu.memory_space<vmem>>[vector<16xi32>, vector<16xi32>], vector<16xf32>,
        %parallel_loop3A_370 = arith.constant 80 : i32
        %parallel_loop3A_371 = vector.broadcast %parallel_loop3A_370 : i32 to vector<16xi32>
        %parallel_loop3A_372 = arith.addi %parallel_loop3A_371, %iota3A : vector<16xi32>
        %parallel_loop3A_373 = arith.constant 1 : i32
        %parallel_loop3A_374 = vector.broadcast %parallel_loop3A_373 : i32 to vector<16xi32>
        %parallel_loop3A_375 = arith.shrui %parallel_loop3A_372, %parallel_loop3A_374 : vector<16xi32>
        %parallel_loop3A_376 = arith.constant 0 : i32
        %parallel_loop3A_377 = vector.broadcast %parallel_loop3A_376 : i32 to vector<16xi32>
        %parallel_loop3A_378 = arith.addi %parallel_loop3A_377, %parallel_loop3A_138 : vector<16xi32>
        %parallel_loop3A_379 = arith.constant 80 : i32
        %parallel_loop3A_380 = vector.broadcast %parallel_loop3A_379 : i32 to vector<16xi32>
        %parallel_loop3A_381 = arith.addi %parallel_loop3A_380, %iota3A : vector<16xi32>
        %parallel_loop3A_382 = tpu.vector_load_idx %arg6[%parallel_loop3A_378, %parallel_loop3A_381] : memref<64x128xf32, #tpu.memory_space<vmem>>[vector<16xi32>, vector<16xi32>], vector<16xf32>,
        %parallel_loop3A_383 = arith.constant 0 : i32
        %parallel_loop3A_384 = vector.broadcast %parallel_loop3A_383 : i32 to vector<16xi32>
        %parallel_loop3A_385 = arith.addi %parallel_loop3A_384, %parallel_loop3A_139 : vector<16xi32>
        tpu.vector_store_idx %arg8[%parallel_loop3A_375, %parallel_loop3A_385], %parallel_loop3A_382 : memref<64x128xf32, #tpu.memory_space<vmem>>[vector<16xi32>, vector<16xi32>], vector<16xf32>,
        %parallel_loop3A_386 = arith.constant 16 : i32
        %parallel_loop3A_387 = vector.broadcast %parallel_loop3A_386 : i32 to vector<16xi32>
        %parallel_loop3A_388 = arith.addi %parallel_loop3A_387, %parallel_loop3A_138 : vector<16xi32>
        %parallel_loop3A_389 = arith.constant 80 : i32
        %parallel_loop3A_390 = vector.broadcast %parallel_loop3A_389 : i32 to vector<16xi32>
        %parallel_loop3A_391 = arith.addi %parallel_loop3A_390, %iota3A : vector<16xi32>
        %parallel_loop3A_392 = tpu.vector_load_idx %arg6[%parallel_loop3A_388, %parallel_loop3A_391] : memref<64x128xf32, #tpu.memory_space<vmem>>[vector<16xi32>, vector<16xi32>], vector<16xf32>,
        %parallel_loop3A_393 = arith.constant 16 : i32
        %parallel_loop3A_394 = vector.broadcast %parallel_loop3A_393 : i32 to vector<16xi32>
        %parallel_loop3A_395 = arith.addi %parallel_loop3A_394, %parallel_loop3A_139 : vector<16xi32>
        tpu.vector_store_idx %arg8[%parallel_loop3A_375, %parallel_loop3A_395], %parallel_loop3A_392 : memref<64x128xf32, #tpu.memory_space<vmem>>[vector<16xi32>, vector<16xi32>], vector<16xf32>,
        %parallel_loop3A_396 = arith.constant 32 : i32
        %parallel_loop3A_397 = vector.broadcast %parallel_loop3A_396 : i32 to vector<16xi32>
        %parallel_loop3A_398 = arith.addi %parallel_loop3A_397, %parallel_loop3A_138 : vector<16xi32>
        %parallel_loop3A_399 = arith.constant 80 : i32
        %parallel_loop3A_400 = vector.broadcast %parallel_loop3A_399 : i32 to vector<16xi32>
        %parallel_loop3A_401 = arith.addi %parallel_loop3A_400, %iota3A : vector<16xi32>
        %parallel_loop3A_402 = tpu.vector_load_idx %arg6[%parallel_loop3A_398, %parallel_loop3A_401] : memref<64x128xf32, #tpu.memory_space<vmem>>[vector<16xi32>, vector<16xi32>], vector<16xf32>,
        %parallel_loop3A_403 = arith.constant 32 : i32
        %parallel_loop3A_404 = vector.broadcast %parallel_loop3A_403 : i32 to vector<16xi32>
        %parallel_loop3A_405 = arith.addi %parallel_loop3A_404, %parallel_loop3A_139 : vector<16xi32>
        tpu.vector_store_idx %arg8[%parallel_loop3A_375, %parallel_loop3A_405], %parallel_loop3A_402 : memref<64x128xf32, #tpu.memory_space<vmem>>[vector<16xi32>, vector<16xi32>], vector<16xf32>,
        %parallel_loop3A_406 = arith.constant 48 : i32
        %parallel_loop3A_407 = vector.broadcast %parallel_loop3A_406 : i32 to vector<16xi32>
        %parallel_loop3A_408 = arith.addi %parallel_loop3A_407, %parallel_loop3A_138 : vector<16xi32>
        %parallel_loop3A_409 = arith.constant 80 : i32
        %parallel_loop3A_410 = vector.broadcast %parallel_loop3A_409 : i32 to vector<16xi32>
        %parallel_loop3A_411 = arith.addi %parallel_loop3A_410, %iota3A : vector<16xi32>
        %parallel_loop3A_412 = tpu.vector_load_idx %arg6[%parallel_loop3A_408, %parallel_loop3A_411] : memref<64x128xf32, #tpu.memory_space<vmem>>[vector<16xi32>, vector<16xi32>], vector<16xf32>,
        %parallel_loop3A_413 = arith.constant 48 : i32
        %parallel_loop3A_414 = vector.broadcast %parallel_loop3A_413 : i32 to vector<16xi32>
        %parallel_loop3A_415 = arith.addi %parallel_loop3A_414, %parallel_loop3A_139 : vector<16xi32>
        tpu.vector_store_idx %arg8[%parallel_loop3A_375, %parallel_loop3A_415], %parallel_loop3A_412 : memref<64x128xf32, #tpu.memory_space<vmem>>[vector<16xi32>, vector<16xi32>], vector<16xf32>,
        %parallel_loop3A_416 = arith.constant 96 : i32
        %parallel_loop3A_417 = vector.broadcast %parallel_loop3A_416 : i32 to vector<16xi32>
        %parallel_loop3A_418 = arith.addi %parallel_loop3A_417, %iota3A : vector<16xi32>
        %parallel_loop3A_419 = arith.constant 1 : i32
        %parallel_loop3A_420 = vector.broadcast %parallel_loop3A_419 : i32 to vector<16xi32>
        %parallel_loop3A_421 = arith.shrui %parallel_loop3A_418, %parallel_loop3A_420 : vector<16xi32>
        %parallel_loop3A_422 = arith.constant 0 : i32
        %parallel_loop3A_423 = vector.broadcast %parallel_loop3A_422 : i32 to vector<16xi32>
        %parallel_loop3A_424 = arith.addi %parallel_loop3A_423, %parallel_loop3A_138 : vector<16xi32>
        %parallel_loop3A_425 = arith.constant 96 : i32
        %parallel_loop3A_426 = vector.broadcast %parallel_loop3A_425 : i32 to vector<16xi32>
        %parallel_loop3A_427 = arith.addi %parallel_loop3A_426, %iota3A : vector<16xi32>
        %parallel_loop3A_428 = tpu.vector_load_idx %arg6[%parallel_loop3A_424, %parallel_loop3A_427] : memref<64x128xf32, #tpu.memory_space<vmem>>[vector<16xi32>, vector<16xi32>], vector<16xf32>,
        %parallel_loop3A_429 = arith.constant 0 : i32
        %parallel_loop3A_430 = vector.broadcast %parallel_loop3A_429 : i32 to vector<16xi32>
        %parallel_loop3A_431 = arith.addi %parallel_loop3A_430, %parallel_loop3A_139 : vector<16xi32>
        tpu.vector_store_idx %arg8[%parallel_loop3A_421, %parallel_loop3A_431], %parallel_loop3A_428 : memref<64x128xf32, #tpu.memory_space<vmem>>[vector<16xi32>, vector<16xi32>], vector<16xf32>,
        %parallel_loop3A_432 = arith.constant 16 : i32
        %parallel_loop3A_433 = vector.broadcast %parallel_loop3A_432 : i32 to vector<16xi32>
        %parallel_loop3A_434 = arith.addi %parallel_loop3A_433, %parallel_loop3A_138 : vector<16xi32>
        %parallel_loop3A_435 = arith.constant 96 : i32
        %parallel_loop3A_436 = vector.broadcast %parallel_loop3A_435 : i32 to vector<16xi32>
        %parallel_loop3A_437 = arith.addi %parallel_loop3A_436, %iota3A : vector<16xi32>
        %parallel_loop3A_438 = tpu.vector_load_idx %arg6[%parallel_loop3A_434, %parallel_loop3A_437] : memref<64x128xf32, #tpu.memory_space<vmem>>[vector<16xi32>, vector<16xi32>], vector<16xf32>,
        %parallel_loop3A_439 = arith.constant 16 : i32
        %parallel_loop3A_440 = vector.broadcast %parallel_loop3A_439 : i32 to vector<16xi32>
        %parallel_loop3A_441 = arith.addi %parallel_loop3A_440, %parallel_loop3A_139 : vector<16xi32>
        tpu.vector_store_idx %arg8[%parallel_loop3A_421, %parallel_loop3A_441], %parallel_loop3A_438 : memref<64x128xf32, #tpu.memory_space<vmem>>[vector<16xi32>, vector<16xi32>], vector<16xf32>,
        %parallel_loop3A_442 = arith.constant 32 : i32
        %parallel_loop3A_443 = vector.broadcast %parallel_loop3A_442 : i32 to vector<16xi32>
        %parallel_loop3A_444 = arith.addi %parallel_loop3A_443, %parallel_loop3A_138 : vector<16xi32>
        %parallel_loop3A_445 = arith.constant 96 : i32
        %parallel_loop3A_446 = vector.broadcast %parallel_loop3A_445 : i32 to vector<16xi32>
        %parallel_loop3A_447 = arith.addi %parallel_loop3A_446, %iota3A : vector<16xi32>
        %parallel_loop3A_448 = tpu.vector_load_idx %arg6[%parallel_loop3A_444, %parallel_loop3A_447] : memref<64x128xf32, #tpu.memory_space<vmem>>[vector<16xi32>, vector<16xi32>], vector<16xf32>,
        %parallel_loop3A_449 = arith.constant 32 : i32
        %parallel_loop3A_450 = vector.broadcast %parallel_loop3A_449 : i32 to vector<16xi32>
        %parallel_loop3A_451 = arith.addi %parallel_loop3A_450, %parallel_loop3A_139 : vector<16xi32>
        tpu.vector_store_idx %arg8[%parallel_loop3A_421, %parallel_loop3A_451], %parallel_loop3A_448 : memref<64x128xf32, #tpu.memory_space<vmem>>[vector<16xi32>, vector<16xi32>], vector<16xf32>,
        %parallel_loop3A_452 = arith.constant 48 : i32
        %parallel_loop3A_453 = vector.broadcast %parallel_loop3A_452 : i32 to vector<16xi32>
        %parallel_loop3A_454 = arith.addi %parallel_loop3A_453, %parallel_loop3A_138 : vector<16xi32>
        %parallel_loop3A_455 = arith.constant 96 : i32
        %parallel_loop3A_456 = vector.broadcast %parallel_loop3A_455 : i32 to vector<16xi32>
        %parallel_loop3A_457 = arith.addi %parallel_loop3A_456, %iota3A : vector<16xi32>
        %parallel_loop3A_458 = tpu.vector_load_idx %arg6[%parallel_loop3A_454, %parallel_loop3A_457] : memref<64x128xf32, #tpu.memory_space<vmem>>[vector<16xi32>, vector<16xi32>], vector<16xf32>,
        %parallel_loop3A_459 = arith.constant 48 : i32
        %parallel_loop3A_460 = vector.broadcast %parallel_loop3A_459 : i32 to vector<16xi32>
        %parallel_loop3A_461 = arith.addi %parallel_loop3A_460, %parallel_loop3A_139 : vector<16xi32>
        tpu.vector_store_idx %arg8[%parallel_loop3A_421, %parallel_loop3A_461], %parallel_loop3A_458 : memref<64x128xf32, #tpu.memory_space<vmem>>[vector<16xi32>, vector<16xi32>], vector<16xf32>,
        %parallel_loop3A_462 = arith.constant 112 : i32
        %parallel_loop3A_463 = vector.broadcast %parallel_loop3A_462 : i32 to vector<16xi32>
        %parallel_loop3A_464 = arith.addi %parallel_loop3A_463, %iota3A : vector<16xi32>
        %parallel_loop3A_465 = arith.constant 1 : i32
        %parallel_loop3A_466 = vector.broadcast %parallel_loop3A_465 : i32 to vector<16xi32>
        %parallel_loop3A_467 = arith.shrui %parallel_loop3A_464, %parallel_loop3A_466 : vector<16xi32>
        %parallel_loop3A_468 = arith.constant 0 : i32
        %parallel_loop3A_469 = vector.broadcast %parallel_loop3A_468 : i32 to vector<16xi32>
        %parallel_loop3A_470 = arith.addi %parallel_loop3A_469, %parallel_loop3A_138 : vector<16xi32>
        %parallel_loop3A_471 = arith.constant 112 : i32
        %parallel_loop3A_472 = vector.broadcast %parallel_loop3A_471 : i32 to vector<16xi32>
        %parallel_loop3A_473 = arith.addi %parallel_loop3A_472, %iota3A : vector<16xi32>
        %parallel_loop3A_474 = tpu.vector_load_idx %arg6[%parallel_loop3A_470, %parallel_loop3A_473] : memref<64x128xf32, #tpu.memory_space<vmem>>[vector<16xi32>, vector<16xi32>], vector<16xf32>,
        %parallel_loop3A_475 = arith.constant 0 : i32
        %parallel_loop3A_476 = vector.broadcast %parallel_loop3A_475 : i32 to vector<16xi32>
        %parallel_loop3A_477 = arith.addi %parallel_loop3A_476, %parallel_loop3A_139 : vector<16xi32>
        tpu.vector_store_idx %arg8[%parallel_loop3A_467, %parallel_loop3A_477], %parallel_loop3A_474 : memref<64x128xf32, #tpu.memory_space<vmem>>[vector<16xi32>, vector<16xi32>], vector<16xf32>,
        %parallel_loop3A_478 = arith.constant 16 : i32
        %parallel_loop3A_479 = vector.broadcast %parallel_loop3A_478 : i32 to vector<16xi32>
        %parallel_loop3A_480 = arith.addi %parallel_loop3A_479, %parallel_loop3A_138 : vector<16xi32>
        %parallel_loop3A_481 = arith.constant 112 : i32
        %parallel_loop3A_482 = vector.broadcast %parallel_loop3A_481 : i32 to vector<16xi32>
        %parallel_loop3A_483 = arith.addi %parallel_loop3A_482, %iota3A : vector<16xi32>
        %parallel_loop3A_484 = tpu.vector_load_idx %arg6[%parallel_loop3A_480, %parallel_loop3A_483] : memref<64x128xf32, #tpu.memory_space<vmem>>[vector<16xi32>, vector<16xi32>], vector<16xf32>,
        %parallel_loop3A_485 = arith.constant 16 : i32
        %parallel_loop3A_486 = vector.broadcast %parallel_loop3A_485 : i32 to vector<16xi32>
        %parallel_loop3A_487 = arith.addi %parallel_loop3A_486, %parallel_loop3A_139 : vector<16xi32>
        tpu.vector_store_idx %arg8[%parallel_loop3A_467, %parallel_loop3A_487], %parallel_loop3A_484 : memref<64x128xf32, #tpu.memory_space<vmem>>[vector<16xi32>, vector<16xi32>], vector<16xf32>,
        %parallel_loop3A_488 = arith.constant 32 : i32
        %parallel_loop3A_489 = vector.broadcast %parallel_loop3A_488 : i32 to vector<16xi32>
        %parallel_loop3A_490 = arith.addi %parallel_loop3A_489, %parallel_loop3A_138 : vector<16xi32>
        %parallel_loop3A_491 = arith.constant 112 : i32
        %parallel_loop3A_492 = vector.broadcast %parallel_loop3A_491 : i32 to vector<16xi32>
        %parallel_loop3A_493 = arith.addi %parallel_loop3A_492, %iota3A : vector<16xi32>
        %parallel_loop3A_494 = tpu.vector_load_idx %arg6[%parallel_loop3A_490, %parallel_loop3A_493] : memref<64x128xf32, #tpu.memory_space<vmem>>[vector<16xi32>, vector<16xi32>], vector<16xf32>,
        %parallel_loop3A_495 = arith.constant 32 : i32
        %parallel_loop3A_496 = vector.broadcast %parallel_loop3A_495 : i32 to vector<16xi32>
        %parallel_loop3A_497 = arith.addi %parallel_loop3A_496, %parallel_loop3A_139 : vector<16xi32>
        tpu.vector_store_idx %arg8[%parallel_loop3A_467, %parallel_loop3A_497], %parallel_loop3A_494 : memref<64x128xf32, #tpu.memory_space<vmem>>[vector<16xi32>, vector<16xi32>], vector<16xf32>,
        %parallel_loop3A_498 = arith.constant 48 : i32
        %parallel_loop3A_499 = vector.broadcast %parallel_loop3A_498 : i32 to vector<16xi32>
        %parallel_loop3A_500 = arith.addi %parallel_loop3A_499, %parallel_loop3A_138 : vector<16xi32>
        %parallel_loop3A_501 = arith.constant 112 : i32
        %parallel_loop3A_502 = vector.broadcast %parallel_loop3A_501 : i32 to vector<16xi32>
        %parallel_loop3A_503 = arith.addi %parallel_loop3A_502, %iota3A : vector<16xi32>
        %parallel_loop3A_504 = tpu.vector_load_idx %arg6[%parallel_loop3A_500, %parallel_loop3A_503] : memref<64x128xf32, #tpu.memory_space<vmem>>[vector<16xi32>, vector<16xi32>], vector<16xf32>,
        %parallel_loop3A_505 = arith.constant 48 : i32
        %parallel_loop3A_506 = vector.broadcast %parallel_loop3A_505 : i32 to vector<16xi32>
        %parallel_loop3A_507 = arith.addi %parallel_loop3A_506, %parallel_loop3A_139 : vector<16xi32>
        tpu.vector_store_idx %arg8[%parallel_loop3A_467, %parallel_loop3A_507], %parallel_loop3A_504 : memref<64x128xf32, #tpu.memory_space<vmem>>[vector<16xi32>, vector<16xi32>], vector<16xf32>,
      } {sc.loop_unroll_factor = 1 : i64, sc.parallel_access}
      %add3A_122 = arith.constant 1 : i32
      %add3A_123 = arith.addi %mul3A_70, %add3A_122 : i32
      %add3A_124 = arith.addi %mul3A_2, %add3A_123 : i32
      %min3A_125 = arith.constant 7811 : i32
      %min3A_126 = arith.minsi %add3A_124, %min3A_125 : i32
      %mul3A_127 = arith.constant 64 : i32
      %mul3A_128 = arith.muli %min3A_126, %mul3A_127 : i32
      %dma_start3A_129 = arith.constant 0 : i32
      %dma_start3A_130 = tpu.memref_slice %arg4[%mul3A_128, %dma_start3A_129] : memref<500000x128xf32, #tpu.memory_space<hbm>> -> memref<64x128xf32, #tpu.memory_space<hbm>>
      %dma_start3A_131 = arith.constant 0 : i32
      %dma_start3A_132 = tpu.memref_slice %arg4[%mul3A_128, %dma_start3A_131] : memref<500000x128xf32, #tpu.memory_space<hbm>> -> memref<64x128xf32, #tpu.memory_space<hbm>>
      tpu.enqueue_dma source(%arg8 : memref<64x128xf32, #tpu.memory_space<vmem>>) target(%dma_start3A_132 : memref<64x128xf32, #tpu.memory_space<hbm>>) target_semaphore(%arg12 : memref<!tpu.dma_semaphore, #tpu.memory_space<semaphore_mem>>)
    }
    %scan3A_20 = arith.constant 122 : i32
    %dma_wait3A = arith.constant 0 : i32
    %dma_wait3A_21 = arith.constant 0 : i32
    %dma_wait3A_22 = tpu.memref_slice %arg4[%dma_wait3A, %dma_wait3A_21] : memref<500000x128xf32, #tpu.memory_space<hbm>> -> memref<64x128xf32, #tpu.memory_space<hbm>>
    %dma_wait3A_23 = arith.constant 0 : i32
    %dma_wait3A_24 = arith.constant 0 : i32
    %dma_wait3A_25 = tpu.memref_slice %arg4[%dma_wait3A_23, %dma_wait3A_24] : memref<500000x128xf32, #tpu.memory_space<hbm>> -> memref<64x128xf32, #tpu.memory_space<hbm>>
    tpu.wait_dma2 semaphore(%arg11 : memref<!tpu.dma_semaphore, #tpu.memory_space<semaphore_mem>>) src(%arg7 : memref<64x128xf32, #tpu.memory_space<vmem>>) dst(%dma_wait3A_25 : memref<64x128xf32, #tpu.memory_space<hbm>>)
    %add3A_26 = arith.constant 244 : i32
    %add3A_27 = arith.addi %mul3A_2, %add3A_26 : i32
    %min3A_28 = arith.constant 7811 : i32
    %min3A_29 = arith.minsi %add3A_27, %min3A_28 : i32
    %mul3A_30 = arith.constant 128 : i32
    %mul3A_31 = arith.muli %min3A_29, %mul3A_30 : i32
    %dma_start3A_32 = arith.constant 0 : i32
    %dma_start3A_33 = tpu.memref_slice %arg2[%dma_start3A_32, %mul3A_31] : memref<64x1000000xf32, #tpu.memory_space<hbm>> -> memref<64x128xf32, #tpu.memory_space<hbm>>
    %dma_start3A_34 = arith.constant 0 : i32
    %dma_start3A_35 = tpu.memref_slice %arg2[%dma_start3A_34, %mul3A_31] : memref<64x1000000xf32, #tpu.memory_space<hbm>> -> memref<64x128xf32, #tpu.memory_space<hbm>>
    tpu.enqueue_dma source(%dma_start3A_35 : memref<64x128xf32, #tpu.memory_space<hbm>>) target(%arg5 : memref<64x128xf32, #tpu.memory_space<vmem>>) target_semaphore(%arg9 : memref<!tpu.dma_semaphore, #tpu.memory_space<semaphore_mem>>)
    %dma_wait3A_36 = arith.constant 0 : i32
    %dma_wait3A_37 = arith.constant 0 : i32
    %dma_wait3A_38 = tpu.memref_slice %arg2[%dma_wait3A_36, %dma_wait3A_37] : memref<64x1000000xf32, #tpu.memory_space<hbm>> -> memref<64x128xf32, #tpu.memory_space<hbm>>
    %dma_wait3A_39 = arith.constant 0 : i32
    %dma_wait3A_40 = arith.constant 0 : i32
    %dma_wait3A_41 = tpu.memref_slice %arg2[%dma_wait3A_39, %dma_wait3A_40] : memref<64x1000000xf32, #tpu.memory_space<hbm>> -> memref<64x128xf32, #tpu.memory_space<hbm>>
    tpu.wait_dma2 semaphore(%arg9 : memref<!tpu.dma_semaphore, #tpu.memory_space<semaphore_mem>>) src(%dma_wait3A_41 : memref<64x128xf32, #tpu.memory_space<hbm>>) dst(%arg5 : memref<64x128xf32, #tpu.memory_space<vmem>>)
    %parallel_loop3A = arith.constant 0 : i32
    %parallel_loop3A_42 = arith.constant 16 : i32
    %parallel_loop3A_43 = arith.constant 1 : i32
    scf.for %parallel_loop3A_68 = %parallel_loop3A to %parallel_loop3A_42 step %parallel_loop3A_43  : i32 {
      %parallel_loop3A_69 = vector.broadcast %parallel_loop3A_68 : i32 to vector<16xi32>
      %parallel_loop3A_70 = arith.addi %iota3A, %parallel_loop3A_69 : vector<16xi32>
      %parallel_loop3A_71 = arith.constant 15 : i32
      %parallel_loop3A_72 = vector.broadcast %parallel_loop3A_71 : i32 to vector<16xi32>
      %parallel_loop3A_73 = arith.andi %parallel_loop3A_70, %parallel_loop3A_72 : vector<16xi32>
      %parallel_loop3A_74 = arith.addi %parallel_loop3A_73, %mul3A_7 : vector<16xi32>
      %parallel_loop3A_75 = arith.constant 0 : i32
      %parallel_loop3A_76 = vector.broadcast %parallel_loop3A_75 : i32 to vector<16xi32>
      %parallel_loop3A_77 = arith.addi %parallel_loop3A_76, %iota3A : vector<16xi32>
      %parallel_loop3A_78 = arith.constant 1 : i32
      %parallel_loop3A_79 = vector.broadcast %parallel_loop3A_78 : i32 to vector<16xi32>
      %parallel_loop3A_80 = arith.shrui %parallel_loop3A_77, %parallel_loop3A_79 : vector<16xi32>
      %parallel_loop3A_81 = arith.constant 0 : i32
      %parallel_loop3A_82 = vector.broadcast %parallel_loop3A_81 : i32 to vector<16xi32>
      %parallel_loop3A_83 = arith.addi %parallel_loop3A_82, %parallel_loop3A_73 : vector<16xi32>
      %parallel_loop3A_84 = arith.constant 0 : i32
      %parallel_loop3A_85 = vector.broadcast %parallel_loop3A_84 : i32 to vector<16xi32>
      %parallel_loop3A_86 = arith.addi %parallel_loop3A_85, %iota3A : vector<16xi32>
      %parallel_loop3A_87 = tpu.vector_load_idx %arg5[%parallel_loop3A_83, %parallel_loop3A_86] : memref<64x128xf32, #tpu.memory_space<vmem>>[vector<16xi32>, vector<16xi32>], vector<16xf32>,
      %parallel_loop3A_88 = arith.constant 0 : i32
      %parallel_loop3A_89 = vector.broadcast %parallel_loop3A_88 : i32 to vector<16xi32>
      %parallel_loop3A_90 = arith.addi %parallel_loop3A_89, %parallel_loop3A_74 : vector<16xi32>
      tpu.vector_store_idx %arg7[%parallel_loop3A_80, %parallel_loop3A_90], %parallel_loop3A_87 : memref<64x128xf32, #tpu.memory_space<vmem>>[vector<16xi32>, vector<16xi32>], vector<16xf32>,
      %parallel_loop3A_91 = arith.constant 16 : i32
      %parallel_loop3A_92 = vector.broadcast %parallel_loop3A_91 : i32 to vector<16xi32>
      %parallel_loop3A_93 = arith.addi %parallel_loop3A_92, %parallel_loop3A_73 : vector<16xi32>
      %parallel_loop3A_94 = arith.constant 0 : i32
      %parallel_loop3A_95 = vector.broadcast %parallel_loop3A_94 : i32 to vector<16xi32>
      %parallel_loop3A_96 = arith.addi %parallel_loop3A_95, %iota3A : vector<16xi32>
      %parallel_loop3A_97 = tpu.vector_load_idx %arg5[%parallel_loop3A_93, %parallel_loop3A_96] : memref<64x128xf32, #tpu.memory_space<vmem>>[vector<16xi32>, vector<16xi32>], vector<16xf32>,
      %parallel_loop3A_98 = arith.constant 16 : i32
      %parallel_loop3A_99 = vector.broadcast %parallel_loop3A_98 : i32 to vector<16xi32>
      %parallel_loop3A_100 = arith.addi %parallel_loop3A_99, %parallel_loop3A_74 : vector<16xi32>
      tpu.vector_store_idx %arg7[%parallel_loop3A_80, %parallel_loop3A_100], %parallel_loop3A_97 : memref<64x128xf32, #tpu.memory_space<vmem>>[vector<16xi32>, vector<16xi32>], vector<16xf32>,
      %parallel_loop3A_101 = arith.constant 32 : i32
      %parallel_loop3A_102 = vector.broadcast %parallel_loop3A_101 : i32 to vector<16xi32>
      %parallel_loop3A_103 = arith.addi %parallel_loop3A_102, %parallel_loop3A_73 : vector<16xi32>
      %parallel_loop3A_104 = arith.constant 0 : i32
      %parallel_loop3A_105 = vector.broadcast %parallel_loop3A_104 : i32 to vector<16xi32>
      %parallel_loop3A_106 = arith.addi %parallel_loop3A_105, %iota3A : vector<16xi32>
      %parallel_loop3A_107 = tpu.vector_load_idx %arg5[%parallel_loop3A_103, %parallel_loop3A_106] : memref<64x128xf32, #tpu.memory_space<vmem>>[vector<16xi32>, vector<16xi32>], vector<16xf32>,
      %parallel_loop3A_108 = arith.constant 32 : i32
      %parallel_loop3A_109 = vector.broadcast %parallel_loop3A_108 : i32 to vector<16xi32>
      %parallel_loop3A_110 = arith.addi %parallel_loop3A_109, %parallel_loop3A_74 : vector<16xi32>
      tpu.vector_store_idx %arg7[%parallel_loop3A_80, %parallel_loop3A_110], %parallel_loop3A_107 : memref<64x128xf32, #tpu.memory_space<vmem>>[vector<16xi32>, vector<16xi32>], vector<16xf32>,
      %parallel_loop3A_111 = arith.constant 48 : i32
      %parallel_loop3A_112 = vector.broadcast %parallel_loop3A_111 : i32 to vector<16xi32>
      %parallel_loop3A_113 = arith.addi %parallel_loop3A_112, %parallel_loop3A_73 : vector<16xi32>
      %parallel_loop3A_114 = arith.constant 0 : i32
      %parallel_loop3A_115 = vector.broadcast %parallel_loop3A_114 : i32 to vector<16xi32>
      %parallel_loop3A_116 = arith.addi %parallel_loop3A_115, %iota3A : vector<16xi32>
      %parallel_loop3A_117 = tpu.vector_load_idx %arg5[%parallel_loop3A_113, %parallel_loop3A_116] : memref<64x128xf32, #tpu.memory_space<vmem>>[vector<16xi32>, vector<16xi32>], vector<16xf32>,
      %parallel_loop3A_118 = arith.constant 48 : i32
      %parallel_loop3A_119 = vector.broadcast %parallel_loop3A_118 : i32 to vector<16xi32>
      %parallel_loop3A_120 = arith.addi %parallel_loop3A_119, %parallel_loop3A_74 : vector<16xi32>
      tpu.vector_store_idx %arg7[%parallel_loop3A_80, %parallel_loop3A_120], %parallel_loop3A_117 : memref<64x128xf32, #tpu.memory_space<vmem>>[vector<16xi32>, vector<16xi32>], vector<16xf32>,
      %parallel_loop3A_121 = arith.constant 16 : i32
      %parallel_loop3A_122 = vector.broadcast %parallel_loop3A_121 : i32 to vector<16xi32>
      %parallel_loop3A_123 = arith.addi %parallel_loop3A_122, %iota3A : vector<16xi32>
      %parallel_loop3A_124 = arith.constant 1 : i32
      %parallel_loop3A_125 = vector.broadcast %parallel_loop3A_124 : i32 to vector<16xi32>
      %parallel_loop3A_126 = arith.shrui %parallel_loop3A_123, %parallel_loop3A_125 : vector<16xi32>
      %parallel_loop3A_127 = arith.constant 0 : i32
      %parallel_loop3A_128 = vector.broadcast %parallel_loop3A_127 : i32 to vector<16xi32>
      %parallel_loop3A_129 = arith.addi %parallel_loop3A_128, %parallel_loop3A_73 : vector<16xi32>
      %parallel_loop3A_130 = arith.constant 16 : i32
      %parallel_loop3A_131 = vector.broadcast %parallel_loop3A_130 : i32 to vector<16xi32>
      %parallel_loop3A_132 = arith.addi %parallel_loop3A_131, %iota3A : vector<16xi32>
      %parallel_loop3A_133 = tpu.vector_load_idx %arg5[%parallel_loop3A_129, %parallel_loop3A_132] : memref<64x128xf32, #tpu.memory_space<vmem>>[vector<16xi32>, vector<16xi32>], vector<16xf32>,
      %parallel_loop3A_134 = arith.constant 0 : i32
      %parallel_loop3A_135 = vector.broadcast %parallel_loop3A_134 : i32 to vector<16xi32>
      %parallel_loop3A_136 = arith.addi %parallel_loop3A_135, %parallel_loop3A_74 : vector<16xi32>
      tpu.vector_store_idx %arg7[%parallel_loop3A_126, %parallel_loop3A_136], %parallel_loop3A_133 : memref<64x128xf32, #tpu.memory_space<vmem>>[vector<16xi32>, vector<16xi32>], vector<16xf32>,
      %parallel_loop3A_137 = arith.constant 16 : i32
      %parallel_loop3A_138 = vector.broadcast %parallel_loop3A_137 : i32 to vector<16xi32>
      %parallel_loop3A_139 = arith.addi %parallel_loop3A_138, %parallel_loop3A_73 : vector<16xi32>
      %parallel_loop3A_140 = arith.constant 16 : i32
      %parallel_loop3A_141 = vector.broadcast %parallel_loop3A_140 : i32 to vector<16xi32>
      %parallel_loop3A_142 = arith.addi %parallel_loop3A_141, %iota3A : vector<16xi32>
      %parallel_loop3A_143 = tpu.vector_load_idx %arg5[%parallel_loop3A_139, %parallel_loop3A_142] : memref<64x128xf32, #tpu.memory_space<vmem>>[vector<16xi32>, vector<16xi32>], vector<16xf32>,
      %parallel_loop3A_144 = arith.constant 16 : i32
      %parallel_loop3A_145 = vector.broadcast %parallel_loop3A_144 : i32 to vector<16xi32>
      %parallel_loop3A_146 = arith.addi %parallel_loop3A_145, %parallel_loop3A_74 : vector<16xi32>
      tpu.vector_store_idx %arg7[%parallel_loop3A_126, %parallel_loop3A_146], %parallel_loop3A_143 : memref<64x128xf32, #tpu.memory_space<vmem>>[vector<16xi32>, vector<16xi32>], vector<16xf32>,
      %parallel_loop3A_147 = arith.constant 32 : i32
      %parallel_loop3A_148 = vector.broadcast %parallel_loop3A_147 : i32 to vector<16xi32>
      %parallel_loop3A_149 = arith.addi %parallel_loop3A_148, %parallel_loop3A_73 : vector<16xi32>
      %parallel_loop3A_150 = arith.constant 16 : i32
      %parallel_loop3A_151 = vector.broadcast %parallel_loop3A_150 : i32 to vector<16xi32>
      %parallel_loop3A_152 = arith.addi %parallel_loop3A_151, %iota3A : vector<16xi32>
      %parallel_loop3A_153 = tpu.vector_load_idx %arg5[%parallel_loop3A_149, %parallel_loop3A_152] : memref<64x128xf32, #tpu.memory_space<vmem>>[vector<16xi32>, vector<16xi32>], vector<16xf32>,
      %parallel_loop3A_154 = arith.constant 32 : i32
      %parallel_loop3A_155 = vector.broadcast %parallel_loop3A_154 : i32 to vector<16xi32>
      %parallel_loop3A_156 = arith.addi %parallel_loop3A_155, %parallel_loop3A_74 : vector<16xi32>
      tpu.vector_store_idx %arg7[%parallel_loop3A_126, %parallel_loop3A_156], %parallel_loop3A_153 : memref<64x128xf32, #tpu.memory_space<vmem>>[vector<16xi32>, vector<16xi32>], vector<16xf32>,
      %parallel_loop3A_157 = arith.constant 48 : i32
      %parallel_loop3A_158 = vector.broadcast %parallel_loop3A_157 : i32 to vector<16xi32>
      %parallel_loop3A_159 = arith.addi %parallel_loop3A_158, %parallel_loop3A_73 : vector<16xi32>
      %parallel_loop3A_160 = arith.constant 16 : i32
      %parallel_loop3A_161 = vector.broadcast %parallel_loop3A_160 : i32 to vector<16xi32>
      %parallel_loop3A_162 = arith.addi %parallel_loop3A_161, %iota3A : vector<16xi32>
      %parallel_loop3A_163 = tpu.vector_load_idx %arg5[%parallel_loop3A_159, %parallel_loop3A_162] : memref<64x128xf32, #tpu.memory_space<vmem>>[vector<16xi32>, vector<16xi32>], vector<16xf32>,
      %parallel_loop3A_164 = arith.constant 48 : i32
      %parallel_loop3A_165 = vector.broadcast %parallel_loop3A_164 : i32 to vector<16xi32>
      %parallel_loop3A_166 = arith.addi %parallel_loop3A_165, %parallel_loop3A_74 : vector<16xi32>
      tpu.vector_store_idx %arg7[%parallel_loop3A_126, %parallel_loop3A_166], %parallel_loop3A_163 : memref<64x128xf32, #tpu.memory_space<vmem>>[vector<16xi32>, vector<16xi32>], vector<16xf32>,
      %parallel_loop3A_167 = arith.constant 32 : i32
      %parallel_loop3A_168 = vector.broadcast %parallel_loop3A_167 : i32 to vector<16xi32>
      %parallel_loop3A_169 = arith.addi %parallel_loop3A_168, %iota3A : vector<16xi32>
      %parallel_loop3A_170 = arith.constant 1 : i32
      %parallel_loop3A_171 = vector.broadcast %parallel_loop3A_170 : i32 to vector<16xi32>
      %parallel_loop3A_172 = arith.shrui %parallel_loop3A_169, %parallel_loop3A_171 : vector<16xi32>
      %parallel_loop3A_173 = arith.constant 0 : i32
      %parallel_loop3A_174 = vector.broadcast %parallel_loop3A_173 : i32 to vector<16xi32>
      %parallel_loop3A_175 = arith.addi %parallel_loop3A_174, %parallel_loop3A_73 : vector<16xi32>
      %parallel_loop3A_176 = arith.constant 32 : i32
      %parallel_loop3A_177 = vector.broadcast %parallel_loop3A_176 : i32 to vector<16xi32>
      %parallel_loop3A_178 = arith.addi %parallel_loop3A_177, %iota3A : vector<16xi32>
      %parallel_loop3A_179 = tpu.vector_load_idx %arg5[%parallel_loop3A_175, %parallel_loop3A_178] : memref<64x128xf32, #tpu.memory_space<vmem>>[vector<16xi32>, vector<16xi32>], vector<16xf32>,
      %parallel_loop3A_180 = arith.constant 0 : i32
      %parallel_loop3A_181 = vector.broadcast %parallel_loop3A_180 : i32 to vector<16xi32>
      %parallel_loop3A_182 = arith.addi %parallel_loop3A_181, %parallel_loop3A_74 : vector<16xi32>
      tpu.vector_store_idx %arg7[%parallel_loop3A_172, %parallel_loop3A_182], %parallel_loop3A_179 : memref<64x128xf32, #tpu.memory_space<vmem>>[vector<16xi32>, vector<16xi32>], vector<16xf32>,
      %parallel_loop3A_183 = arith.constant 16 : i32
      %parallel_loop3A_184 = vector.broadcast %parallel_loop3A_183 : i32 to vector<16xi32>
      %parallel_loop3A_185 = arith.addi %parallel_loop3A_184, %parallel_loop3A_73 : vector<16xi32>
      %parallel_loop3A_186 = arith.constant 32 : i32
      %parallel_loop3A_187 = vector.broadcast %parallel_loop3A_186 : i32 to vector<16xi32>
      %parallel_loop3A_188 = arith.addi %parallel_loop3A_187, %iota3A : vector<16xi32>
      %parallel_loop3A_189 = tpu.vector_load_idx %arg5[%parallel_loop3A_185, %parallel_loop3A_188] : memref<64x128xf32, #tpu.memory_space<vmem>>[vector<16xi32>, vector<16xi32>], vector<16xf32>,
      %parallel_loop3A_190 = arith.constant 16 : i32
      %parallel_loop3A_191 = vector.broadcast %parallel_loop3A_190 : i32 to vector<16xi32>
      %parallel_loop3A_192 = arith.addi %parallel_loop3A_191, %parallel_loop3A_74 : vector<16xi32>
      tpu.vector_store_idx %arg7[%parallel_loop3A_172, %parallel_loop3A_192], %parallel_loop3A_189 : memref<64x128xf32, #tpu.memory_space<vmem>>[vector<16xi32>, vector<16xi32>], vector<16xf32>,
      %parallel_loop3A_193 = arith.constant 32 : i32
      %parallel_loop3A_194 = vector.broadcast %parallel_loop3A_193 : i32 to vector<16xi32>
      %parallel_loop3A_195 = arith.addi %parallel_loop3A_194, %parallel_loop3A_73 : vector<16xi32>
      %parallel_loop3A_196 = arith.constant 32 : i32
      %parallel_loop3A_197 = vector.broadcast %parallel_loop3A_196 : i32 to vector<16xi32>
      %parallel_loop3A_198 = arith.addi %parallel_loop3A_197, %iota3A : vector<16xi32>
      %parallel_loop3A_199 = tpu.vector_load_idx %arg5[%parallel_loop3A_195, %parallel_loop3A_198] : memref<64x128xf32, #tpu.memory_space<vmem>>[vector<16xi32>, vector<16xi32>], vector<16xf32>,
      %parallel_loop3A_200 = arith.constant 32 : i32
      %parallel_loop3A_201 = vector.broadcast %parallel_loop3A_200 : i32 to vector<16xi32>
      %parallel_loop3A_202 = arith.addi %parallel_loop3A_201, %parallel_loop3A_74 : vector<16xi32>
      tpu.vector_store_idx %arg7[%parallel_loop3A_172, %parallel_loop3A_202], %parallel_loop3A_199 : memref<64x128xf32, #tpu.memory_space<vmem>>[vector<16xi32>, vector<16xi32>], vector<16xf32>,
      %parallel_loop3A_203 = arith.constant 48 : i32
      %parallel_loop3A_204 = vector.broadcast %parallel_loop3A_203 : i32 to vector<16xi32>
      %parallel_loop3A_205 = arith.addi %parallel_loop3A_204, %parallel_loop3A_73 : vector<16xi32>
      %parallel_loop3A_206 = arith.constant 32 : i32
      %parallel_loop3A_207 = vector.broadcast %parallel_loop3A_206 : i32 to vector<16xi32>
      %parallel_loop3A_208 = arith.addi %parallel_loop3A_207, %iota3A : vector<16xi32>
      %parallel_loop3A_209 = tpu.vector_load_idx %arg5[%parallel_loop3A_205, %parallel_loop3A_208] : memref<64x128xf32, #tpu.memory_space<vmem>>[vector<16xi32>, vector<16xi32>], vector<16xf32>,
      %parallel_loop3A_210 = arith.constant 48 : i32
      %parallel_loop3A_211 = vector.broadcast %parallel_loop3A_210 : i32 to vector<16xi32>
      %parallel_loop3A_212 = arith.addi %parallel_loop3A_211, %parallel_loop3A_74 : vector<16xi32>
      tpu.vector_store_idx %arg7[%parallel_loop3A_172, %parallel_loop3A_212], %parallel_loop3A_209 : memref<64x128xf32, #tpu.memory_space<vmem>>[vector<16xi32>, vector<16xi32>], vector<16xf32>,
      %parallel_loop3A_213 = arith.constant 48 : i32
      %parallel_loop3A_214 = vector.broadcast %parallel_loop3A_213 : i32 to vector<16xi32>
      %parallel_loop3A_215 = arith.addi %parallel_loop3A_214, %iota3A : vector<16xi32>
      %parallel_loop3A_216 = arith.constant 1 : i32
      %parallel_loop3A_217 = vector.broadcast %parallel_loop3A_216 : i32 to vector<16xi32>
      %parallel_loop3A_218 = arith.shrui %parallel_loop3A_215, %parallel_loop3A_217 : vector<16xi32>
      %parallel_loop3A_219 = arith.constant 0 : i32
      %parallel_loop3A_220 = vector.broadcast %parallel_loop3A_219 : i32 to vector<16xi32>
      %parallel_loop3A_221 = arith.addi %parallel_loop3A_220, %parallel_loop3A_73 : vector<16xi32>
      %parallel_loop3A_222 = arith.constant 48 : i32
      %parallel_loop3A_223 = vector.broadcast %parallel_loop3A_222 : i32 to vector<16xi32>
      %parallel_loop3A_224 = arith.addi %parallel_loop3A_223, %iota3A : vector<16xi32>
      %parallel_loop3A_225 = tpu.vector_load_idx %arg5[%parallel_loop3A_221, %parallel_loop3A_224] : memref<64x128xf32, #tpu.memory_space<vmem>>[vector<16xi32>, vector<16xi32>], vector<16xf32>,
      %parallel_loop3A_226 = arith.constant 0 : i32
      %parallel_loop3A_227 = vector.broadcast %parallel_loop3A_226 : i32 to vector<16xi32>
      %parallel_loop3A_228 = arith.addi %parallel_loop3A_227, %parallel_loop3A_74 : vector<16xi32>
      tpu.vector_store_idx %arg7[%parallel_loop3A_218, %parallel_loop3A_228], %parallel_loop3A_225 : memref<64x128xf32, #tpu.memory_space<vmem>>[vector<16xi32>, vector<16xi32>], vector<16xf32>,
      %parallel_loop3A_229 = arith.constant 16 : i32
      %parallel_loop3A_230 = vector.broadcast %parallel_loop3A_229 : i32 to vector<16xi32>
      %parallel_loop3A_231 = arith.addi %parallel_loop3A_230, %parallel_loop3A_73 : vector<16xi32>
      %parallel_loop3A_232 = arith.constant 48 : i32
      %parallel_loop3A_233 = vector.broadcast %parallel_loop3A_232 : i32 to vector<16xi32>
      %parallel_loop3A_234 = arith.addi %parallel_loop3A_233, %iota3A : vector<16xi32>
      %parallel_loop3A_235 = tpu.vector_load_idx %arg5[%parallel_loop3A_231, %parallel_loop3A_234] : memref<64x128xf32, #tpu.memory_space<vmem>>[vector<16xi32>, vector<16xi32>], vector<16xf32>,
      %parallel_loop3A_236 = arith.constant 16 : i32
      %parallel_loop3A_237 = vector.broadcast %parallel_loop3A_236 : i32 to vector<16xi32>
      %parallel_loop3A_238 = arith.addi %parallel_loop3A_237, %parallel_loop3A_74 : vector<16xi32>
      tpu.vector_store_idx %arg7[%parallel_loop3A_218, %parallel_loop3A_238], %parallel_loop3A_235 : memref<64x128xf32, #tpu.memory_space<vmem>>[vector<16xi32>, vector<16xi32>], vector<16xf32>,
      %parallel_loop3A_239 = arith.constant 32 : i32
      %parallel_loop3A_240 = vector.broadcast %parallel_loop3A_239 : i32 to vector<16xi32>
      %parallel_loop3A_241 = arith.addi %parallel_loop3A_240, %parallel_loop3A_73 : vector<16xi32>
      %parallel_loop3A_242 = arith.constant 48 : i32
      %parallel_loop3A_243 = vector.broadcast %parallel_loop3A_242 : i32 to vector<16xi32>
      %parallel_loop3A_244 = arith.addi %parallel_loop3A_243, %iota3A : vector<16xi32>
      %parallel_loop3A_245 = tpu.vector_load_idx %arg5[%parallel_loop3A_241, %parallel_loop3A_244] : memref<64x128xf32, #tpu.memory_space<vmem>>[vector<16xi32>, vector<16xi32>], vector<16xf32>,
      %parallel_loop3A_246 = arith.constant 32 : i32
      %parallel_loop3A_247 = vector.broadcast %parallel_loop3A_246 : i32 to vector<16xi32>
      %parallel_loop3A_248 = arith.addi %parallel_loop3A_247, %parallel_loop3A_74 : vector<16xi32>
      tpu.vector_store_idx %arg7[%parallel_loop3A_218, %parallel_loop3A_248], %parallel_loop3A_245 : memref<64x128xf32, #tpu.memory_space<vmem>>[vector<16xi32>, vector<16xi32>], vector<16xf32>,
      %parallel_loop3A_249 = arith.constant 48 : i32
      %parallel_loop3A_250 = vector.broadcast %parallel_loop3A_249 : i32 to vector<16xi32>
      %parallel_loop3A_251 = arith.addi %parallel_loop3A_250, %parallel_loop3A_73 : vector<16xi32>
      %parallel_loop3A_252 = arith.constant 48 : i32
      %parallel_loop3A_253 = vector.broadcast %parallel_loop3A_252 : i32 to vector<16xi32>
      %parallel_loop3A_254 = arith.addi %parallel_loop3A_253, %iota3A : vector<16xi32>
      %parallel_loop3A_255 = tpu.vector_load_idx %arg5[%parallel_loop3A_251, %parallel_loop3A_254] : memref<64x128xf32, #tpu.memory_space<vmem>>[vector<16xi32>, vector<16xi32>], vector<16xf32>,
      %parallel_loop3A_256 = arith.constant 48 : i32
      %parallel_loop3A_257 = vector.broadcast %parallel_loop3A_256 : i32 to vector<16xi32>
      %parallel_loop3A_258 = arith.addi %parallel_loop3A_257, %parallel_loop3A_74 : vector<16xi32>
      tpu.vector_store_idx %arg7[%parallel_loop3A_218, %parallel_loop3A_258], %parallel_loop3A_255 : memref<64x128xf32, #tpu.memory_space<vmem>>[vector<16xi32>, vector<16xi32>], vector<16xf32>,
      %parallel_loop3A_259 = arith.constant 64 : i32
      %parallel_loop3A_260 = vector.broadcast %parallel_loop3A_259 : i32 to vector<16xi32>
      %parallel_loop3A_261 = arith.addi %parallel_loop3A_260, %iota3A : vector<16xi32>
      %parallel_loop3A_262 = arith.constant 1 : i32
      %parallel_loop3A_263 = vector.broadcast %parallel_loop3A_262 : i32 to vector<16xi32>
      %parallel_loop3A_264 = arith.shrui %parallel_loop3A_261, %parallel_loop3A_263 : vector<16xi32>
      %parallel_loop3A_265 = arith.constant 0 : i32
      %parallel_loop3A_266 = vector.broadcast %parallel_loop3A_265 : i32 to vector<16xi32>
      %parallel_loop3A_267 = arith.addi %parallel_loop3A_266, %parallel_loop3A_73 : vector<16xi32>
      %parallel_loop3A_268 = arith.constant 64 : i32
      %parallel_loop3A_269 = vector.broadcast %parallel_loop3A_268 : i32 to vector<16xi32>
      %parallel_loop3A_270 = arith.addi %parallel_loop3A_269, %iota3A : vector<16xi32>
      %parallel_loop3A_271 = tpu.vector_load_idx %arg5[%parallel_loop3A_267, %parallel_loop3A_270] : memref<64x128xf32, #tpu.memory_space<vmem>>[vector<16xi32>, vector<16xi32>], vector<16xf32>,
      %parallel_loop3A_272 = arith.constant 0 : i32
      %parallel_loop3A_273 = vector.broadcast %parallel_loop3A_272 : i32 to vector<16xi32>
      %parallel_loop3A_274 = arith.addi %parallel_loop3A_273, %parallel_loop3A_74 : vector<16xi32>
      tpu.vector_store_idx %arg7[%parallel_loop3A_264, %parallel_loop3A_274], %parallel_loop3A_271 : memref<64x128xf32, #tpu.memory_space<vmem>>[vector<16xi32>, vector<16xi32>], vector<16xf32>,
      %parallel_loop3A_275 = arith.constant 16 : i32
      %parallel_loop3A_276 = vector.broadcast %parallel_loop3A_275 : i32 to vector<16xi32>
      %parallel_loop3A_277 = arith.addi %parallel_loop3A_276, %parallel_loop3A_73 : vector<16xi32>
      %parallel_loop3A_278 = arith.constant 64 : i32
      %parallel_loop3A_279 = vector.broadcast %parallel_loop3A_278 : i32 to vector<16xi32>
      %parallel_loop3A_280 = arith.addi %parallel_loop3A_279, %iota3A : vector<16xi32>
      %parallel_loop3A_281 = tpu.vector_load_idx %arg5[%parallel_loop3A_277, %parallel_loop3A_280] : memref<64x128xf32, #tpu.memory_space<vmem>>[vector<16xi32>, vector<16xi32>], vector<16xf32>,
      %parallel_loop3A_282 = arith.constant 16 : i32
      %parallel_loop3A_283 = vector.broadcast %parallel_loop3A_282 : i32 to vector<16xi32>
      %parallel_loop3A_284 = arith.addi %parallel_loop3A_283, %parallel_loop3A_74 : vector<16xi32>
      tpu.vector_store_idx %arg7[%parallel_loop3A_264, %parallel_loop3A_284], %parallel_loop3A_281 : memref<64x128xf32, #tpu.memory_space<vmem>>[vector<16xi32>, vector<16xi32>], vector<16xf32>,
      %parallel_loop3A_285 = arith.constant 32 : i32
      %parallel_loop3A_286 = vector.broadcast %parallel_loop3A_285 : i32 to vector<16xi32>
      %parallel_loop3A_287 = arith.addi %parallel_loop3A_286, %parallel_loop3A_73 : vector<16xi32>
      %parallel_loop3A_288 = arith.constant 64 : i32
      %parallel_loop3A_289 = vector.broadcast %parallel_loop3A_288 : i32 to vector<16xi32>
      %parallel_loop3A_290 = arith.addi %parallel_loop3A_289, %iota3A : vector<16xi32>
      %parallel_loop3A_291 = tpu.vector_load_idx %arg5[%parallel_loop3A_287, %parallel_loop3A_290] : memref<64x128xf32, #tpu.memory_space<vmem>>[vector<16xi32>, vector<16xi32>], vector<16xf32>,
      %parallel_loop3A_292 = arith.constant 32 : i32
      %parallel_loop3A_293 = vector.broadcast %parallel_loop3A_292 : i32 to vector<16xi32>
      %parallel_loop3A_294 = arith.addi %parallel_loop3A_293, %parallel_loop3A_74 : vector<16xi32>
      tpu.vector_store_idx %arg7[%parallel_loop3A_264, %parallel_loop3A_294], %parallel_loop3A_291 : memref<64x128xf32, #tpu.memory_space<vmem>>[vector<16xi32>, vector<16xi32>], vector<16xf32>,
      %parallel_loop3A_295 = arith.constant 48 : i32
      %parallel_loop3A_296 = vector.broadcast %parallel_loop3A_295 : i32 to vector<16xi32>
      %parallel_loop3A_297 = arith.addi %parallel_loop3A_296, %parallel_loop3A_73 : vector<16xi32>
      %parallel_loop3A_298 = arith.constant 64 : i32
      %parallel_loop3A_299 = vector.broadcast %parallel_loop3A_298 : i32 to vector<16xi32>
      %parallel_loop3A_300 = arith.addi %parallel_loop3A_299, %iota3A : vector<16xi32>
      %parallel_loop3A_301 = tpu.vector_load_idx %arg5[%parallel_loop3A_297, %parallel_loop3A_300] : memref<64x128xf32, #tpu.memory_space<vmem>>[vector<16xi32>, vector<16xi32>], vector<16xf32>,
      %parallel_loop3A_302 = arith.constant 48 : i32
      %parallel_loop3A_303 = vector.broadcast %parallel_loop3A_302 : i32 to vector<16xi32>
      %parallel_loop3A_304 = arith.addi %parallel_loop3A_303, %parallel_loop3A_74 : vector<16xi32>
      tpu.vector_store_idx %arg7[%parallel_loop3A_264, %parallel_loop3A_304], %parallel_loop3A_301 : memref<64x128xf32, #tpu.memory_space<vmem>>[vector<16xi32>, vector<16xi32>], vector<16xf32>,
      %parallel_loop3A_305 = arith.constant 80 : i32
      %parallel_loop3A_306 = vector.broadcast %parallel_loop3A_305 : i32 to vector<16xi32>
      %parallel_loop3A_307 = arith.addi %parallel_loop3A_306, %iota3A : vector<16xi32>
      %parallel_loop3A_308 = arith.constant 1 : i32
      %parallel_loop3A_309 = vector.broadcast %parallel_loop3A_308 : i32 to vector<16xi32>
      %parallel_loop3A_310 = arith.shrui %parallel_loop3A_307, %parallel_loop3A_309 : vector<16xi32>
      %parallel_loop3A_311 = arith.constant 0 : i32
      %parallel_loop3A_312 = vector.broadcast %parallel_loop3A_311 : i32 to vector<16xi32>
      %parallel_loop3A_313 = arith.addi %parallel_loop3A_312, %parallel_loop3A_73 : vector<16xi32>
      %parallel_loop3A_314 = arith.constant 80 : i32
      %parallel_loop3A_315 = vector.broadcast %parallel_loop3A_314 : i32 to vector<16xi32>
      %parallel_loop3A_316 = arith.addi %parallel_loop3A_315, %iota3A : vector<16xi32>
      %parallel_loop3A_317 = tpu.vector_load_idx %arg5[%parallel_loop3A_313, %parallel_loop3A_316] : memref<64x128xf32, #tpu.memory_space<vmem>>[vector<16xi32>, vector<16xi32>], vector<16xf32>,
      %parallel_loop3A_318 = arith.constant 0 : i32
      %parallel_loop3A_319 = vector.broadcast %parallel_loop3A_318 : i32 to vector<16xi32>
      %parallel_loop3A_320 = arith.addi %parallel_loop3A_319, %parallel_loop3A_74 : vector<16xi32>
      tpu.vector_store_idx %arg7[%parallel_loop3A_310, %parallel_loop3A_320], %parallel_loop3A_317 : memref<64x128xf32, #tpu.memory_space<vmem>>[vector<16xi32>, vector<16xi32>], vector<16xf32>,
      %parallel_loop3A_321 = arith.constant 16 : i32
      %parallel_loop3A_322 = vector.broadcast %parallel_loop3A_321 : i32 to vector<16xi32>
      %parallel_loop3A_323 = arith.addi %parallel_loop3A_322, %parallel_loop3A_73 : vector<16xi32>
      %parallel_loop3A_324 = arith.constant 80 : i32
      %parallel_loop3A_325 = vector.broadcast %parallel_loop3A_324 : i32 to vector<16xi32>
      %parallel_loop3A_326 = arith.addi %parallel_loop3A_325, %iota3A : vector<16xi32>
      %parallel_loop3A_327 = tpu.vector_load_idx %arg5[%parallel_loop3A_323, %parallel_loop3A_326] : memref<64x128xf32, #tpu.memory_space<vmem>>[vector<16xi32>, vector<16xi32>], vector<16xf32>,
      %parallel_loop3A_328 = arith.constant 16 : i32
      %parallel_loop3A_329 = vector.broadcast %parallel_loop3A_328 : i32 to vector<16xi32>
      %parallel_loop3A_330 = arith.addi %parallel_loop3A_329, %parallel_loop3A_74 : vector<16xi32>
      tpu.vector_store_idx %arg7[%parallel_loop3A_310, %parallel_loop3A_330], %parallel_loop3A_327 : memref<64x128xf32, #tpu.memory_space<vmem>>[vector<16xi32>, vector<16xi32>], vector<16xf32>,
      %parallel_loop3A_331 = arith.constant 32 : i32
      %parallel_loop3A_332 = vector.broadcast %parallel_loop3A_331 : i32 to vector<16xi32>
      %parallel_loop3A_333 = arith.addi %parallel_loop3A_332, %parallel_loop3A_73 : vector<16xi32>
      %parallel_loop3A_334 = arith.constant 80 : i32
      %parallel_loop3A_335 = vector.broadcast %parallel_loop3A_334 : i32 to vector<16xi32>
      %parallel_loop3A_336 = arith.addi %parallel_loop3A_335, %iota3A : vector<16xi32>
      %parallel_loop3A_337 = tpu.vector_load_idx %arg5[%parallel_loop3A_333, %parallel_loop3A_336] : memref<64x128xf32, #tpu.memory_space<vmem>>[vector<16xi32>, vector<16xi32>], vector<16xf32>,
      %parallel_loop3A_338 = arith.constant 32 : i32
      %parallel_loop3A_339 = vector.broadcast %parallel_loop3A_338 : i32 to vector<16xi32>
      %parallel_loop3A_340 = arith.addi %parallel_loop3A_339, %parallel_loop3A_74 : vector<16xi32>
      tpu.vector_store_idx %arg7[%parallel_loop3A_310, %parallel_loop3A_340], %parallel_loop3A_337 : memref<64x128xf32, #tpu.memory_space<vmem>>[vector<16xi32>, vector<16xi32>], vector<16xf32>,
      %parallel_loop3A_341 = arith.constant 48 : i32
      %parallel_loop3A_342 = vector.broadcast %parallel_loop3A_341 : i32 to vector<16xi32>
      %parallel_loop3A_343 = arith.addi %parallel_loop3A_342, %parallel_loop3A_73 : vector<16xi32>
      %parallel_loop3A_344 = arith.constant 80 : i32
      %parallel_loop3A_345 = vector.broadcast %parallel_loop3A_344 : i32 to vector<16xi32>
      %parallel_loop3A_346 = arith.addi %parallel_loop3A_345, %iota3A : vector<16xi32>
      %parallel_loop3A_347 = tpu.vector_load_idx %arg5[%parallel_loop3A_343, %parallel_loop3A_346] : memref<64x128xf32, #tpu.memory_space<vmem>>[vector<16xi32>, vector<16xi32>], vector<16xf32>,
      %parallel_loop3A_348 = arith.constant 48 : i32
      %parallel_loop3A_349 = vector.broadcast %parallel_loop3A_348 : i32 to vector<16xi32>
      %parallel_loop3A_350 = arith.addi %parallel_loop3A_349, %parallel_loop3A_74 : vector<16xi32>
      tpu.vector_store_idx %arg7[%parallel_loop3A_310, %parallel_loop3A_350], %parallel_loop3A_347 : memref<64x128xf32, #tpu.memory_space<vmem>>[vector<16xi32>, vector<16xi32>], vector<16xf32>,
      %parallel_loop3A_351 = arith.constant 96 : i32
      %parallel_loop3A_352 = vector.broadcast %parallel_loop3A_351 : i32 to vector<16xi32>
      %parallel_loop3A_353 = arith.addi %parallel_loop3A_352, %iota3A : vector<16xi32>
      %parallel_loop3A_354 = arith.constant 1 : i32
      %parallel_loop3A_355 = vector.broadcast %parallel_loop3A_354 : i32 to vector<16xi32>
      %parallel_loop3A_356 = arith.shrui %parallel_loop3A_353, %parallel_loop3A_355 : vector<16xi32>
      %parallel_loop3A_357 = arith.constant 0 : i32
      %parallel_loop3A_358 = vector.broadcast %parallel_loop3A_357 : i32 to vector<16xi32>
      %parallel_loop3A_359 = arith.addi %parallel_loop3A_358, %parallel_loop3A_73 : vector<16xi32>
      %parallel_loop3A_360 = arith.constant 96 : i32
      %parallel_loop3A_361 = vector.broadcast %parallel_loop3A_360 : i32 to vector<16xi32>
      %parallel_loop3A_362 = arith.addi %parallel_loop3A_361, %iota3A : vector<16xi32>
      %parallel_loop3A_363 = tpu.vector_load_idx %arg5[%parallel_loop3A_359, %parallel_loop3A_362] : memref<64x128xf32, #tpu.memory_space<vmem>>[vector<16xi32>, vector<16xi32>], vector<16xf32>,
      %parallel_loop3A_364 = arith.constant 0 : i32
      %parallel_loop3A_365 = vector.broadcast %parallel_loop3A_364 : i32 to vector<16xi32>
      %parallel_loop3A_366 = arith.addi %parallel_loop3A_365, %parallel_loop3A_74 : vector<16xi32>
      tpu.vector_store_idx %arg7[%parallel_loop3A_356, %parallel_loop3A_366], %parallel_loop3A_363 : memref<64x128xf32, #tpu.memory_space<vmem>>[vector<16xi32>, vector<16xi32>], vector<16xf32>,
      %parallel_loop3A_367 = arith.constant 16 : i32
      %parallel_loop3A_368 = vector.broadcast %parallel_loop3A_367 : i32 to vector<16xi32>
      %parallel_loop3A_369 = arith.addi %parallel_loop3A_368, %parallel_loop3A_73 : vector<16xi32>
      %parallel_loop3A_370 = arith.constant 96 : i32
      %parallel_loop3A_371 = vector.broadcast %parallel_loop3A_370 : i32 to vector<16xi32>
      %parallel_loop3A_372 = arith.addi %parallel_loop3A_371, %iota3A : vector<16xi32>
      %parallel_loop3A_373 = tpu.vector_load_idx %arg5[%parallel_loop3A_369, %parallel_loop3A_372] : memref<64x128xf32, #tpu.memory_space<vmem>>[vector<16xi32>, vector<16xi32>], vector<16xf32>,
      %parallel_loop3A_374 = arith.constant 16 : i32
      %parallel_loop3A_375 = vector.broadcast %parallel_loop3A_374 : i32 to vector<16xi32>
      %parallel_loop3A_376 = arith.addi %parallel_loop3A_375, %parallel_loop3A_74 : vector<16xi32>
      tpu.vector_store_idx %arg7[%parallel_loop3A_356, %parallel_loop3A_376], %parallel_loop3A_373 : memref<64x128xf32, #tpu.memory_space<vmem>>[vector<16xi32>, vector<16xi32>], vector<16xf32>,
      %parallel_loop3A_377 = arith.constant 32 : i32
      %parallel_loop3A_378 = vector.broadcast %parallel_loop3A_377 : i32 to vector<16xi32>
      %parallel_loop3A_379 = arith.addi %parallel_loop3A_378, %parallel_loop3A_73 : vector<16xi32>
      %parallel_loop3A_380 = arith.constant 96 : i32
      %parallel_loop3A_381 = vector.broadcast %parallel_loop3A_380 : i32 to vector<16xi32>
      %parallel_loop3A_382 = arith.addi %parallel_loop3A_381, %iota3A : vector<16xi32>
      %parallel_loop3A_383 = tpu.vector_load_idx %arg5[%parallel_loop3A_379, %parallel_loop3A_382] : memref<64x128xf32, #tpu.memory_space<vmem>>[vector<16xi32>, vector<16xi32>], vector<16xf32>,
      %parallel_loop3A_384 = arith.constant 32 : i32
      %parallel_loop3A_385 = vector.broadcast %parallel_loop3A_384 : i32 to vector<16xi32>
      %parallel_loop3A_386 = arith.addi %parallel_loop3A_385, %parallel_loop3A_74 : vector<16xi32>
      tpu.vector_store_idx %arg7[%parallel_loop3A_356, %parallel_loop3A_386], %parallel_loop3A_383 : memref<64x128xf32, #tpu.memory_space<vmem>>[vector<16xi32>, vector<16xi32>], vector<16xf32>,
      %parallel_loop3A_387 = arith.constant 48 : i32
      %parallel_loop3A_388 = vector.broadcast %parallel_loop3A_387 : i32 to vector<16xi32>
      %parallel_loop3A_389 = arith.addi %parallel_loop3A_388, %parallel_loop3A_73 : vector<16xi32>
      %parallel_loop3A_390 = arith.constant 96 : i32
      %parallel_loop3A_391 = vector.broadcast %parallel_loop3A_390 : i32 to vector<16xi32>
      %parallel_loop3A_392 = arith.addi %parallel_loop3A_391, %iota3A : vector<16xi32>
      %parallel_loop3A_393 = tpu.vector_load_idx %arg5[%parallel_loop3A_389, %parallel_loop3A_392] : memref<64x128xf32, #tpu.memory_space<vmem>>[vector<16xi32>, vector<16xi32>], vector<16xf32>,
      %parallel_loop3A_394 = arith.constant 48 : i32
      %parallel_loop3A_395 = vector.broadcast %parallel_loop3A_394 : i32 to vector<16xi32>
      %parallel_loop3A_396 = arith.addi %parallel_loop3A_395, %parallel_loop3A_74 : vector<16xi32>
      tpu.vector_store_idx %arg7[%parallel_loop3A_356, %parallel_loop3A_396], %parallel_loop3A_393 : memref<64x128xf32, #tpu.memory_space<vmem>>[vector<16xi32>, vector<16xi32>], vector<16xf32>,
      %parallel_loop3A_397 = arith.constant 112 : i32
      %parallel_loop3A_398 = vector.broadcast %parallel_loop3A_397 : i32 to vector<16xi32>
      %parallel_loop3A_399 = arith.addi %parallel_loop3A_398, %iota3A : vector<16xi32>
      %parallel_loop3A_400 = arith.constant 1 : i32
      %parallel_loop3A_401 = vector.broadcast %parallel_loop3A_400 : i32 to vector<16xi32>
      %parallel_loop3A_402 = arith.shrui %parallel_loop3A_399, %parallel_loop3A_401 : vector<16xi32>
      %parallel_loop3A_403 = arith.constant 0 : i32
      %parallel_loop3A_404 = vector.broadcast %parallel_loop3A_403 : i32 to vector<16xi32>
      %parallel_loop3A_405 = arith.addi %parallel_loop3A_404, %parallel_loop3A_73 : vector<16xi32>
      %parallel_loop3A_406 = arith.constant 112 : i32
      %parallel_loop3A_407 = vector.broadcast %parallel_loop3A_406 : i32 to vector<16xi32>
      %parallel_loop3A_408 = arith.addi %parallel_loop3A_407, %iota3A : vector<16xi32>
      %parallel_loop3A_409 = tpu.vector_load_idx %arg5[%parallel_loop3A_405, %parallel_loop3A_408] : memref<64x128xf32, #tpu.memory_space<vmem>>[vector<16xi32>, vector<16xi32>], vector<16xf32>,
      %parallel_loop3A_410 = arith.constant 0 : i32
      %parallel_loop3A_411 = vector.broadcast %parallel_loop3A_410 : i32 to vector<16xi32>
      %parallel_loop3A_412 = arith.addi %parallel_loop3A_411, %parallel_loop3A_74 : vector<16xi32>
      tpu.vector_store_idx %arg7[%parallel_loop3A_402, %parallel_loop3A_412], %parallel_loop3A_409 : memref<64x128xf32, #tpu.memory_space<vmem>>[vector<16xi32>, vector<16xi32>], vector<16xf32>,
      %parallel_loop3A_413 = arith.constant 16 : i32
      %parallel_loop3A_414 = vector.broadcast %parallel_loop3A_413 : i32 to vector<16xi32>
      %parallel_loop3A_415 = arith.addi %parallel_loop3A_414, %parallel_loop3A_73 : vector<16xi32>
      %parallel_loop3A_416 = arith.constant 112 : i32
      %parallel_loop3A_417 = vector.broadcast %parallel_loop3A_416 : i32 to vector<16xi32>
      %parallel_loop3A_418 = arith.addi %parallel_loop3A_417, %iota3A : vector<16xi32>
      %parallel_loop3A_419 = tpu.vector_load_idx %arg5[%parallel_loop3A_415, %parallel_loop3A_418] : memref<64x128xf32, #tpu.memory_space<vmem>>[vector<16xi32>, vector<16xi32>], vector<16xf32>,
      %parallel_loop3A_420 = arith.constant 16 : i32
      %parallel_loop3A_421 = vector.broadcast %parallel_loop3A_420 : i32 to vector<16xi32>
      %parallel_loop3A_422 = arith.addi %parallel_loop3A_421, %parallel_loop3A_74 : vector<16xi32>
      tpu.vector_store_idx %arg7[%parallel_loop3A_402, %parallel_loop3A_422], %parallel_loop3A_419 : memref<64x128xf32, #tpu.memory_space<vmem>>[vector<16xi32>, vector<16xi32>], vector<16xf32>,
      %parallel_loop3A_423 = arith.constant 32 : i32
      %parallel_loop3A_424 = vector.broadcast %parallel_loop3A_423 : i32 to vector<16xi32>
      %parallel_loop3A_425 = arith.addi %parallel_loop3A_424, %parallel_loop3A_73 : vector<16xi32>
      %parallel_loop3A_426 = arith.constant 112 : i32
      %parallel_loop3A_427 = vector.broadcast %parallel_loop3A_426 : i32 to vector<16xi32>
      %parallel_loop3A_428 = arith.addi %parallel_loop3A_427, %iota3A : vector<16xi32>
      %parallel_loop3A_429 = tpu.vector_load_idx %arg5[%parallel_loop3A_425, %parallel_loop3A_428] : memref<64x128xf32, #tpu.memory_space<vmem>>[vector<16xi32>, vector<16xi32>], vector<16xf32>,
      %parallel_loop3A_430 = arith.constant 32 : i32
      %parallel_loop3A_431 = vector.broadcast %parallel_loop3A_430 : i32 to vector<16xi32>
      %parallel_loop3A_432 = arith.addi %parallel_loop3A_431, %parallel_loop3A_74 : vector<16xi32>
      tpu.vector_store_idx %arg7[%parallel_loop3A_402, %parallel_loop3A_432], %parallel_loop3A_429 : memref<64x128xf32, #tpu.memory_space<vmem>>[vector<16xi32>, vector<16xi32>], vector<16xf32>,
      %parallel_loop3A_433 = arith.constant 48 : i32
      %parallel_loop3A_434 = vector.broadcast %parallel_loop3A_433 : i32 to vector<16xi32>
      %parallel_loop3A_435 = arith.addi %parallel_loop3A_434, %parallel_loop3A_73 : vector<16xi32>
      %parallel_loop3A_436 = arith.constant 112 : i32
      %parallel_loop3A_437 = vector.broadcast %parallel_loop3A_436 : i32 to vector<16xi32>
      %parallel_loop3A_438 = arith.addi %parallel_loop3A_437, %iota3A : vector<16xi32>
      %parallel_loop3A_439 = tpu.vector_load_idx %arg5[%parallel_loop3A_435, %parallel_loop3A_438] : memref<64x128xf32, #tpu.memory_space<vmem>>[vector<16xi32>, vector<16xi32>], vector<16xf32>,
      %parallel_loop3A_440 = arith.constant 48 : i32
      %parallel_loop3A_441 = vector.broadcast %parallel_loop3A_440 : i32 to vector<16xi32>
      %parallel_loop3A_442 = arith.addi %parallel_loop3A_441, %parallel_loop3A_74 : vector<16xi32>
      tpu.vector_store_idx %arg7[%parallel_loop3A_402, %parallel_loop3A_442], %parallel_loop3A_439 : memref<64x128xf32, #tpu.memory_space<vmem>>[vector<16xi32>, vector<16xi32>], vector<16xf32>,
    } {sc.loop_unroll_factor = 1 : i64, sc.parallel_access}
    %add3A_44 = arith.constant 244 : i32
    %add3A_45 = arith.addi %mul3A_2, %add3A_44 : i32
    %min3A_46 = arith.constant 7811 : i32
    %min3A_47 = arith.minsi %add3A_45, %min3A_46 : i32
    %mul3A_48 = arith.constant 64 : i32
    %mul3A_49 = arith.muli %min3A_47, %mul3A_48 : i32
    %dma_start3A_50 = arith.constant 0 : i32
    %dma_start3A_51 = tpu.memref_slice %arg4[%mul3A_49, %dma_start3A_50] : memref<500000x128xf32, #tpu.memory_space<hbm>> -> memref<64x128xf32, #tpu.memory_space<hbm>>
    %dma_start3A_52 = arith.constant 0 : i32
    %dma_start3A_53 = tpu.memref_slice %arg4[%mul3A_49, %dma_start3A_52] : memref<500000x128xf32, #tpu.memory_space<hbm>> -> memref<64x128xf32, #tpu.memory_space<hbm>>
    tpu.enqueue_dma source(%arg7 : memref<64x128xf32, #tpu.memory_space<vmem>>) target(%dma_start3A_53 : memref<64x128xf32, #tpu.memory_space<hbm>>) target_semaphore(%arg11 : memref<!tpu.dma_semaphore, #tpu.memory_space<semaphore_mem>>)
    %dma_wait3A_54 = arith.constant 0 : i32
    %dma_wait3A_55 = arith.constant 0 : i32
    %dma_wait3A_56 = tpu.memref_slice %arg4[%dma_wait3A_54, %dma_wait3A_55] : memref<500000x128xf32, #tpu.memory_space<hbm>> -> memref<64x128xf32, #tpu.memory_space<hbm>>
    %dma_wait3A_57 = arith.constant 0 : i32
    %dma_wait3A_58 = arith.constant 0 : i32
    %dma_wait3A_59 = tpu.memref_slice %arg4[%dma_wait3A_57, %dma_wait3A_58] : memref<500000x128xf32, #tpu.memory_space<hbm>> -> memref<64x128xf32, #tpu.memory_space<hbm>>
    tpu.wait_dma2 semaphore(%arg11 : memref<!tpu.dma_semaphore, #tpu.memory_space<semaphore_mem>>) src(%arg7 : memref<64x128xf32, #tpu.memory_space<vmem>>) dst(%dma_wait3A_59 : memref<64x128xf32, #tpu.memory_space<hbm>>)
    %dma_wait3A_60 = arith.constant 0 : i32
    %dma_wait3A_61 = arith.constant 0 : i32
    %dma_wait3A_62 = tpu.memref_slice %arg4[%dma_wait3A_60, %dma_wait3A_61] : memref<500000x128xf32, #tpu.memory_space<hbm>> -> memref<64x128xf32, #tpu.memory_space<hbm>>
    %dma_wait3A_63 = arith.constant 0 : i32
    %dma_wait3A_64 = arith.constant 0 : i32
    %dma_wait3A_65 = tpu.memref_slice %arg4[%dma_wait3A_63, %dma_wait3A_64] : memref<500000x128xf32, #tpu.memory_space<hbm>> -> memref<64x128xf32, #tpu.memory_space<hbm>>
    tpu.wait_dma2 semaphore(%arg12 : memref<!tpu.dma_semaphore, #tpu.memory_space<semaphore_mem>>) src(%arg8 : memref<64x128xf32, #tpu.memory_space<vmem>>) dst(%dma_wait3A_65 : memref<64x128xf32, #tpu.memory_space<hbm>>)
    %eq3A = arith.constant 31 : i32
    %eq3A_66 = arith.cmpi eq, %add3A, %eq3A : i32
    %convert_element_type3A = arith.extui %eq3A_66 : i1 to i32
    %cond3A = arith.constant 0 : i32
    %cond3A_67 = arith.cmpi ne, %convert_element_type3A, %cond3A : i32
    scf.if %cond3A_67 {
      "tpu.region"() ({
        %run_scoped3A = tpu.sem_alloc : memref<!tpu.dma_semaphore, #tpu.memory_space<semaphore_mem>>
        %dma_start3A_68 = arith.constant 499968 : i32
        %dma_start3A_69 = arith.constant 0 : i32
        %dma_start3A_70 = tpu.memref_slice %arg4[%dma_start3A_68, %dma_start3A_69] : memref<500000x128xf32, #tpu.memory_space<hbm>> -> memref<32x128xf32, #tpu.memory_space<hbm>>
        tpu.enqueue_dma source(%arg3 : memref<32x128xf32, #tpu.memory_space<hbm>>) target(%dma_start3A_70 : memref<32x128xf32, #tpu.memory_space<hbm>>) target_semaphore(%run_scoped3A : memref<!tpu.dma_semaphore, #tpu.memory_space<semaphore_mem>>)
        %dma_wait3A_71 = arith.constant 499968 : i32
        %dma_wait3A_72 = arith.constant 0 : i32
        %dma_wait3A_73 = tpu.memref_slice %arg4[%dma_wait3A_71, %dma_wait3A_72] : memref<500000x128xf32, #tpu.memory_space<hbm>> -> memref<32x128xf32, #tpu.memory_space<hbm>>
        tpu.wait_dma2 semaphore(%run_scoped3A : memref<!tpu.dma_semaphore, #tpu.memory_space<semaphore_mem>>) src(%arg3 : memref<32x128xf32, #tpu.memory_space<hbm>>) dst(%dma_wait3A_73 : memref<32x128xf32, #tpu.memory_space<hbm>>)
        tpu.yield
      }) : () -> ()
    } else {
    }
    return
  }
}

</mosaic_0001>

<sc_bundles>
// kernel: _relayout.3.cloned.1.call-start
scs
__scs_entry_jumppad:
0x0: {  	(pc) =	sbr.rel $0x88, $3  }
0x1: {  	(tag) =	ssettag $0x0;
	lr =	simm.s32 $0x1  }
0x2: {  	[smem:$0x3F9F] =	sst lr;
	_ =	strace $0xD0000000  }
0x3: {  	_ = 	snop  }
0x4: {  	_ = 	snop  }
0x5: {  	_ = 	snop  }
0x6: {  	_ = 	snop  }
0x7: {  	_ = 	snop  }
__scs_overlays_trampoline_lowered:
0x8: {  	[smem:$0x3FAE] =	sst s0  }
0x9: {  	[smem:$0x3FAF] =	sst s1  }
0xa: {  	[smem:$0x3FB0] =	sst s2  }
0xb: {  	[smem:$0x3FB1] =	sst s3  }
0xc: {  	[smem:$0x3FB2] =	sst s4  }
0xd: {  	[smem:$0x3FB3] =	sst s5  }
0xe: {  	[smem:$0x3FB4] =	sst s6  }
0xf: {  	[smem:$0x3FB5] =	sst s7  }
0x10: {  	[smem:$0x3FB6] =	sst s8  }
0x11: {  	[smem:$0x3FB7] =	sst s9;
	s0 =	simm.s32 @!p0 $0x0  }
0x12: {  	s1 =	sld [smem:$0x3F9D];
	s0 =	simm.s32 @p0 $0x1  }
0x13: {  	[smem:$0x3FB8] =	sst s0;
	s0 =	simm.s32 @!p1 $0x0  }
0x14: {  	s2 =	sld [smem:$0x3F9C];
	s0 =	simm.s32 @p1 $0x1  }
0x15: {  	[smem:$0x3FB9] =	sst s0;
	s0 =	simm.s32 @!p2 $0x0  }
0x16: {  	s3 =	sld [smem:$0x3FDB];
	s0 =	simm.s32 @p2 $0x1  }
0x17: {  	s4 =	simm.s32 $0x1BF5;
	[smem:$0x3FBB] =	sst s0  }
0x18: {  	s0 =	sld [smem:$0x3F9E];
	_ =	swait.ge [sflag:s4], $0x0  }
0x19: {  	s7 =	sld [smem:$0x3F9F]  }
0x1a: {  	s8 =	sadd.s32 $0xFFFFE003, lr  }
0x1b: {  	s9 =	sadd.s32 $0xFFFFFEF7, lr;
	s5 =	simm.s32 $0xFFFFFFFF;
	p2 =	slt.u32 s8, $0xFFFFF086  }
0x1c: {  	p1 =	slt.u32 s9, $0xF7A;
	s5 =	simm.s32 @!p2 $0x0  }
0x1d: {  	s5 =	simm.s32 @p1 $0x1;
	p0 =	seq.s32 s7, s2  }
0x1e: {  	s7 =	smul.u32 @!p0 $0xF7A, s2;
	p2 =	seq.s32 @!p0 s5, $0x0  }
0x1f: {  	s9 =	smul.u32 $0xF7A, s1;
	s8 =	simm.s32 @!p0 $0x1BF5;
	p2 =	por !p2, p0  }
0x20: {  	[sflag:s8] =	ssyncset.s32 @!p0 $0xFFFFF086;
	s6 =	sadd.s32 @!p0 s3, s7;
	s7 =	simm.s32 @!p0 $0x108  }
0x21: {  	s3 =	sadd.s32 s3, s9;
	s6 =	sadd.s32 @!p0 $0x88, s6;
	s7 =	simm.s32 @p2 $0x1082  }
0x22: {  	[simem:s7], [sflag:s8] =	dma.local @!p0 [hbm:s6], $0xF7A  }
0x23: {  	s9 =	sor.u32 $0xD0000000, s2;
	s6 =	simm.s32 $0x108;
	_ =	swait.ge @!p0 [sflag:s8], $0x0  }
0x24: {  	s3 =	sadd.s32 $0x88, s3;
	s6 =	simm.s32 @!p1 $0x1082;
	[sflag:s4] =	ssyncset.s32 $0xFFFFF086  }
0x25: {  	[simem:s6], [sflag:s4] =	dma.local [hbm:s3], $0xF7A  }
0x26: {  	[smem:$0x3F9F] =	sst s1;
	(tag) =	ssettag s2;
	_ =	strace s9  }
0x27: {  	s1 =	sld [smem:$0x3FAF]  }
0x28: {  	s2 =	sld [smem:$0x3FB0]  }
0x29: {  	s4 =	sld [smem:$0x3FB2]  }
0x2a: {  	p0 =	seq.s32 s5, $0x0;
	s5 =	sld [smem:$0x3FB3]  }
0x2b: {  	s6 =	sld [smem:$0x3FB4]  }
0x2c: {  	s7 =	sld [smem:$0x3FB5]  }
0x2d: {  	s3 =	simm.s32 $0x108;
	s8 =	sld [smem:$0x3FB6]  }
0x2e: {  	s3 =	simm.s32 @!p0 $0x1082;
	s9 =	sld [smem:$0x3FB7]  }
0x2f: {  	lr =	sadd.s32 s0, s3;
	s0 =	sld [smem:$0x3FAE]  }
0x30: {  	s3 =	sld [smem:$0x3FB1]  }
0x31: {  	[smem:$0x3FBA] =	sst s10  }
0x32: {  	s10 =	sld [smem:$0x3FB8];
	_ =	sdelay $0x3  }
0x33: {  	p0 =	seq.s32 s10, $0x1;
	s10 =	sld [smem:$0x3FBA];
	_ =	sdelay $0x3  }
0x34: {  	[smem:$0x3FBA] =	sst s10  }
0x35: {  	s10 =	sld [smem:$0x3FB9];
	_ =	sdelay $0x3  }
0x36: {  	p1 =	seq.s32 s10, $0x1;
	s10 =	sld [smem:$0x3FBA];
	_ =	sdelay $0x3  }
0x37: {  	[smem:$0x3FBA] =	sst s10  }
0x38: {  	s10 =	sld [smem:$0x3FBB]  }
0x39: {  	_ = 	snop;
	(pc) =	sbr.ind lr, $3  }
0x3a: {  	_ = 	snop  }
0x3b: {  	_ = 	snop  }
0x3c: {  	p2 =	seq.s32 s10, $0x1;
	s10 =	sld [smem:$0x3FBA]  }
0x3d: {  	_ =	shalt  }
0x3e: {  	_ =	shalt  }
0x3f: {  	_ =	shalt  }
0x40: {  	_ =	shalt  }
0x41: {  	_ =	shalt  }
0x42: {  	_ =	shalt  }
0x43: {  	_ =	shalt  }
0x44: {  	_ =	shalt  }
0x45: {  	_ =	shalt  }
0x46: {  	_ =	shalt  }
0x47: {  	_ =	shalt  }
0x48: {  	_ =	shalt  }
0x49: {  	_ =	shalt  }
0x4a: {  	_ =	shalt  }
0x4b: {  	_ =	shalt  }
0x4c: {  	_ =	shalt  }
0x4d: {  	_ =	shalt  }
0x4e: {  	_ =	shalt  }
0x4f: {  	_ =	shalt  }
0x50: {  	_ =	shalt  }
0x51: {  	_ =	shalt  }
0x52: {  	_ =	shalt  }
0x53: {  	_ =	shalt  }
0x54: {  	_ =	shalt  }
0x55: {  	_ =	shalt  }
0x56: {  	_ =	shalt  }
0x57: {  	_ =	shalt  }
0x58: {  	_ =	shalt  }
0x59: {  	_ =	shalt  }
0x5a: {  	_ =	shalt  }
0x5b: {  	_ =	shalt  }
0x5c: {  	_ =	shalt  }
0x5d: {  	_ =	shalt  }
0x5e: {  	_ =	shalt  }
0x5f: {  	_ =	shalt  }
0x60: {  	_ =	shalt  }
0x61: {  	_ =	shalt  }
0x62: {  	_ =	shalt  }
0x63: {  	_ =	shalt  }
0x64: {  	_ =	shalt  }
0x65: {  	_ =	shalt  }
0x66: {  	_ =	shalt  }
0x67: {  	_ =	shalt  }
0x68: {  	_ =	shalt  }
0x69: {  	_ =	shalt  }
0x6a: {  	_ =	shalt  }
0x6b: {  	_ =	shalt  }
0x6c: {  	_ =	shalt  }
0x6d: {  	_ =	shalt  }
0x6e: {  	_ =	shalt  }
0x6f: {  	_ =	shalt  }
0x70: {  	_ =	shalt  }
0x71: {  	_ =	shalt  }
0x72: {  	_ =	shalt  }
0x73: {  	_ =	shalt  }
0x74: {  	_ =	shalt  }
0x75: {  	_ =	shalt  }
0x76: {  	_ =	shalt  }
0x77: {  	_ =	shalt  }
0x78: {  	_ =	shalt  }
0x79: {  	_ =	shalt  }
0x7a: {  	_ =	shalt  }
0x7b: {  	_ =	shalt  }
0x7c: {  	_ =	shalt  }
0x7d: {  	_ =	shalt  }
0x7e: {  	_ =	shalt  }
0x7f: {  	_ =	shalt  }
0x80: {  	_ =	shalt  }
0x81: {  	_ =	shalt  }
0x82: {  	_ =	shalt  }
0x83: {  	_ =	shalt  }
0x84: {  	_ =	shalt  }
0x85: {  	_ =	shalt  }
0x86: {  	_ =	shalt  }
0x87: {  	_ =	shalt  }
.Lfunc_end0:
.L_simem_size_0:
called_computation_lowered:
.L_overlay_start_0:
0x88: {  	s2 =	sld [smem:$0x3FD9]  }
0x89: {  	s3 =	sld [smem:$0x3FFE];
	_ =	sdelay $0x1  }
0x8a: {  	s1 =	srdreg.scid  }
0x8b: {  	s0 =	sand.u32 $0x1, s1  }
0x8c: {  	s18 =	sshll.u32 s0, $0xA;
	s2 =	sadd.s32 s3, s2  }
0x8d: {  	s2 =	sadd.s32 s2, s18  }
0x8e: {  	[smem:$0x3FC6] =	sst s2  }
0x8f: {  	_ = 	snop  }
0x90: {  	s2 =	sld [smem:$0x3FC9]  }
0x91: {  	s19 =	sld [smem:$0x3FC8]  }
0x92: {  	s4 =	sld [smem:$0x3FD0];
	(tm) =	ssettm $0x1  }
0x93: {  	s5 =	sld [smem:$0x3FFB];
	_ =	sdelay $0x3  }
0x94: {  	_ =	strace s5  }
0x95: {  	s5 =	sld [smem:$0x3FFC];
	_ =	sdelay $0x3  }
0x96: {  	_ =	strace s5  }
0x97: {  	s5 =	sld [smem:$0x3FFD];
	_ =	sdelay $0x3  }
0x98: {  	_ =	strace s5  }
0x99: {  	_ =	strace $0x8FFFFFFF  }
0x9a: {  	s20 =	sld [smem:$0x3FDB];
	_ =	sdelay $0x1  }
0x9b: {  	s6 =	simm.s32 $_scs_section_size  }
0x9c: {  	s7 =	simm.s32 $_size__tile_overlayer_lowered;
	s8 =	simm.s32 $_tile_overlayer_lowered  }
0x9d: {  	s23 =	simm.s32 $0x1BFF;
	s22 =	sshll.u32 s8, $0x1;
	s5 =	sadd.s32 s6, s20  }
0x9e: {  	s9 =	simm.s32 $0x0;
	s21 =	sshll.u32 s7, $0x1;
	s7 =	sadd.s32 s22, s5  }
0x9f: {  	[timem:s9], [sflag:s23] =	dma.local [hbm:s7], s21  }
0xa0: {  	_ =	swait.ge [sflag:s23], s21  }
0xa1: {  	s6 =	ssub.s32 $0x0, s21;
	[sflag:s23] =	ssyncset.done $0x0  }
0xa2: {  	[sflag:s23] =	ssyncadd.s32 s6;
	_ =	sdelay $0x1  }
0xa3: {  	s24 =	simm.s32 $0x1B8B  }
0xa4: {  	_ =	swait.ge [sflag:s24], $0x1  }
0xa5: {  	[sflag:s24] =	ssyncset.done $0x0  }
0xa6: {  	s25 =	simm.s32 $0x1B8E;
	[sflag:s24] =	ssyncadd.s32 $0xFFFFFFFF  }
0xa7: {  	s26 =	simm.s32 $execute0_lowered;
	[smem:$0x3FD2] =	sst s25  }
0xa8: {  	s6 =	sshll.u32 s26, $0x1;
	_ =	strace $0x80000046;
	[dreg:$0x1] =	wrdreg $0xFFFFFFFF  }
0xa9: {  	s28 =	simm.s32 $_size_execute0_lowered;
	s5 =	sadd.s32 s5, s6;
	[dreg:$0x0] =	wrdreg $0x0  }
0xaa: {  	s6 =	sshll.u32 s28, $0x1;
	[dreg:$0x2] =	wrdreg s5  }
0xab: {  	[dreg:$0x3] =	wrdreg s6  }
0xac: {  	[dreg:$0x4] =	wrdreg $0xC0  }
0xad: {  	_ =	task [dreg:s9], $0x5FFFF  }
0xae: {  	[dreg:$0x1] =	wrdreg $0xFFFFFFFF  }
0xaf: {  	[dreg:$0x0] =	wrdreg $0x60  }
0xb0: {  	[dreg:$0x2] =	wrdreg s2  }
0xb1: {  	[dreg:$0x3] =	wrdreg s19  }
0xb2: {  	[dreg:$0x4] =	wrdreg s4  }
0xb3: {  	[dreg:$0x5] =	wrdreg $0x9  }
0xb4: {  	_ =	task.clear_ibuf [dreg:s9], $0x6FFFF;
	_ =	strace $0x90000046  }
0xb5: {  	s29 =	simm.s32 $0x9;
	_ =	strace $0x80000048  }
0xb6: {  	_ =	swait.ge [sflag:s29], $0x1  }
0xb7: {  	[sflag:s29] =	ssyncadd.s32 $0xFFFFFFFF  }
0xb8: {  	_ =	strace $0x90000048  }
0xb9: {  	_ =	sfence  }
0xba: {  	s30 =	sld [smem:$0x0];
	_ =	sdelay $0x2  }
0xbb: {  	s31 =	sshll.u32 s1, $0xD;
	s1 =	sshrl.u32 s1, $0x2  }
0xbc: {  	s3 =	sand.u32 $0x4000, s31;
	s1 =	sadd.s32 s1, s30  }
0xbd: {  	s0 =	sor.u32 s3, s0;
	s1 =	sshll.u32 s1, $0x11  }
0xbe: {  	s0 =	sor.u32 s1, s0  }
0xbf: {  	s0 =	sadd.s32 $0x8F2B, s0  }
0xc0: {  	[sflag:s0] =	ssyncadd.remote.s32 $0x1  }
0xc1: {  	_ =	sfence.sel $0xFFFF  }
0xc2: {  	[dreg:$0x0] =	wrdreg $0xFFFFFFFF;
	(pc) =	sbr.abs _section_cstart, $3  }
0xc3: {  	[dreg:$0x1] =	wrdreg $0xFFFFFFFF  }
0xc4: {  	_ =	task.clear_ibuf [dreg:s9], $0x2FFFF;
	_ =	strace $0x9FFFFFFF  }
0xc5: {  	(tm) =	ssettm $0x7FFFFFFF  }
tec
execute0_lowered:
.L_overlay_start_1:
0x0: {  	(tag) =	ssettag $0x1  }
0x1: {  	v62 =	vlaneseq.u32  }
0x2: {  	v0 =	vor.u32 $0x1000, v62  }
0x3: {  	v57 =	vor.u32 $0x1010, v62;
	[tilespmem:$0x1FC40] =	vst v0  }
0x4: {  	v59 =	vor.u32 $0x1810, v62;
	[tilespmem:$0x1FC50] =	vst v57  }
0x5: {  	v63 =	vor.u32 $0x30, v62;
	[tilespmem:$0x1FC70] =	vst v59  }
0x6: {  	v40 =	vmul.u32 $0x40, v62;
	v32 =	vor.u32 $0x830, v62;
	[tilespmem:$0x1FCA0] =	vst v63  }
0x7: {  	s0 =	rddreg [dreg:$0x0];
	v33 =	vor.u32 $0x1040, v62;
	[tilespmem:$0x1FCB0] =	vst v32  }
0x8: {  	s3 =	srdreg.scid;
	s2 =	stileid.u32;
	[tilespmem:$0x1FCC0] =	vst v33;
	v58 =	vor.u32 $0x420, v40  }
0x9: {  	s1 =	rddreg [dreg:$0x1];
	s6 =	sand.u32 $0x1, s3;
	s5 =	sshll.u32 s2, $0x1;
	v60 =	vor.u32 $0x800, v40;
	[tilespmem:$0x1FC60] =	vst v58  }
0xa: {  	s4 =	rddreg [dreg:$0x2];
	s22 =	sor.u32 s6, s5;
	s5 =	simm.s32 $0x0;
	v61 =	vor.u32 $0x810, v40;
	[tilespmem:$0x1FC80] =	vst v60  }
0xb: {  	[smem:$0x7FF] =	sst s5;
	v34 =	vor.u32 $0x1400, v40;
	[tilespmem:$0x1FC90] =	vst v61  }
0xc: {  	s3 =	rddreg [dreg:$0x3];
	v36 =	vor.u32 $0x1050, v62;
	_ =	strace $0x80000047;
	[tilespmem:$0x1FCD0] =	vst v34  }
0xd: {  	v38 =	vor.u32 $0x1420, v40;
	[tilespmem:$0x1FCE0] =	vst v36  }
0xe: {  	v42 =	vor.u32 $0x1850, v62;
	[tilespmem:$0x1FCF0] =	vst v38  }
0xf: {  	v43 =	vor.u32 $0x1430, v40;
	[tilespmem:$0x1FD00] =	vst v42  }
0x10: {  	v44 =	vor.u32 $0x60, v62;
	[tilespmem:$0x1FD10] =	vst v43  }
0x11: {  	v46 =	vor.u32 $0x860, v62;
	[tilespmem:$0x1FD20] =	vst v44  }
0x12: {  	v51 =	vor.u32 $0x1060, v62;
	[tilespmem:$0x1FD30] =	vst v46  }
0x13: {  	v52 =	vor.u32 $0x1860, v62;
	[tilespmem:$0x1FD40] =	vst v51  }
0x14: {  	v55 =	vor.u32 $0x1830, v40;
	[tilespmem:$0x1FD50] =	vst v52  }
0x15: {  	v57 =	vor.u32 $0x70, v62;
	[tilespmem:$0x1FD60] =	vst v55  }
0x16: {  	v59 =	vor.u32 $0x1C00, v40;
	[tilespmem:$0x1FD70] =	vst v57  }
0x17: {  	v60 =	vor.u32 $0x870, v62;
	[tilespmem:$0x1FD80] =	vst v59  }
0x18: {  	v61 =	vor.u32 $0x1C10, v40;
	[tilespmem:$0x1FD90] =	vst v60  }
0x19: {  	[tilespmem:$0x1FDA0] =	vst v61  }
0x1a: {  	v41 =	vor.u32 $0x800, v62;
	[tilespmem:$0x1FDB0] =	vst v40  }
0x1b: {  	v21 =	vor.u32 $0xC20, v40;
	[tilespmem:$0x1FDC0] =	vst v41  }
0x1c: {  	v22 =	vor.u32 $0x1830, v62;
	[tilespmem:$0x1FDD0] =	vst v21  }
0x1d: {  	v23 =	vor.u32 $0xC30, v40;
	[tilespmem:$0x1FDE0] =	vst v22  }
0x1e: {  	v24 =	vor.u32 $0x40, v62;
	[tilespmem:$0x1FDF0] =	vst v23  }
0x1f: {  	v54 =	vor.u32 $0x1000, v40;
	[tilespmem:$0x1FE00] =	vst v24  }
0x20: {  	v58 =	vor.u32 $0x840, v62;
	[tilespmem:$0x1FE10] =	vst v54  }
0x21: {  	v26 =	vor.u32 $0x1010, v40;
	[tilespmem:$0x1FE20] =	vst v58  }
0x22: {  	v56 =	vor.u32 $0x1020, v40;
	[tilespmem:$0x1FE30] =	vst v26  }
0x23: {  	v28 =	vor.u32 $0x1840, v62;
	[tilespmem:$0x1FE40] =	vst v56  }
0x24: {  	v50 =	vor.u32 $0x1030, v40;
	[tilespmem:$0x1FE50] =	vst v28  }
0x25: {  	v32 =	vor.u32 $0x50, v62;
	[tilespmem:$0x1FE60] =	vst v50  }
0x26: {  	v53 =	vor.u32 $0x850, v62;
	[tilespmem:$0x1FE70] =	vst v32  }
0x27: {  	v4 =	vor.u32 $0x1870, v62;
	[tilespmem:$0x1FE80] =	vst v53  }
0x28: {  	v33 =	vor.u32 $0x1410, v40;
	[tilespmem:$0x1FEB0] =	vst v4  }
0x29: {  	v16 =	vor.u32 $0x1020, v62;
	[tilespmem:$0x1FED0] =	vst v33  }
0x2a: {  	v17 =	vor.u32 $0x820, v40;
	[tilespmem:$0x1FEE0] =	vst v16  }
0x2b: {  	v19 =	vor.u32 $0x1030, v62;
	[tilespmem:$0x1FEF0] =	vst v17  }
0x2c: {  	v35 =	vor.u32 $0x1820, v62;
	[tilespmem:$0x1FF00] =	vst v19  }
0x2d: {  	v37 =	vor.u32 $0x810, v62;
	[tilespmem:$0x1FF10] =	vst v35  }
0x2e: {  	v5 =	vor.u32 $0x1810, v40;
	[tilespmem:$0x1FF20] =	vst v37  }
0x2f: {  	v63 =	vor.u32 $0x1800, v40;
	[tilespmem:$0x1FF40] =	vst v5  }
0x30: {  	v31 =	vor.u32 $0x830, v40;
	[tilespmem:$0x1FF50] =	vst v63  }
0x31: {  	v18 =	vor.u32 $0xC00, v40;
	[tilespmem:$0x1FF60] =	vst v31  }
0x32: {  	v20 =	vor.u32 $0xC10, v40;
	[tilespmem:$0x1FF70] =	vst v18  }
0x33: {  	v7 =	vor.u32 $0x400, v40;
	[tilespmem:$0x1FF80] =	vst v20  }
0x34: {  	v47 =	vor.u32 $0x20, v40;
	[tilespmem:$0x1FF90] =	vst v7  }
0x35: {  	v45 =	vor.u32 $0x1800, v62;
	[tilespmem:$0x1FFA0] =	vst v47  }
0x36: {  	s14 =	simm.s32 $0x400;
	s15 =	simm.s32 $0x7A1400;
	s16 =	simm.s32 $0x1;
	v30 =	vor.u32 $0x410, v40;
	[tilespmem:$0x1FFB0] =	vst v45  }
0x37: {  	s17 =	simm.s32 $0x2000;
	s18 =	simm.s32 $0x4000;
	s19 =	simm.s32 $0x2;
	v11 =	vor.u32 $0x430, v40;
	[tilespmem:$0x1FFC0] =	vst v30  }
0x38: {  	s20 =	simm.s32 $0x6000;
	v12 =	vor.u32 $0x20, v62;
	s7 =	ssub.s32 $0x2, s6;
	s6 =	smul.u32 $0xF5, s22;
	[tilespmem:$0x1FFD0] =	vst v11  }
0x39: {  	s21 =	simm.s32 $0x3;
	s23 =	simm.s32 $0x0;
	v15 =	vor.u32 $0x820, v62;
	s9 =	smul.u32 $0x7A80, s22;
	[tilespmem:$0x1FFE0] =	vst v12  }
0x3a: {  	s8 =	sshrl.u32 s7, $0x1;
	p0 =	sne.s32 s22, $0x1F;
	s22 =	simm.s32 $0x4;
	v43 =	vor.u32 $0x1070, v62;
	[tilespmem:$0x1FFF0] =	vst v15  }
0x3b: {  	s13 =	ssub.s32 s7, s8;
	s10 =	smin.u32 s6, $0x1D8F;
	s7 =	sadd.s32 s0, s9;
	v42 =	vor.u32 $0x1C20, v40;
	[tilespmem:$0x1FE90] =	vst v43  }
0x3c: {  	s8 =	sadd.s32 $0x1, s6;
	s9 =	sadd.s32 $0x2, s6;
	v60 =	vor.u32 $0x1C30, v40;
	s10 =	sadd.s32 $0xF4, s10;
	[tilespmem:$0x1FEA0] =	vst v42  }
0x3d: {  	s13 =	smax.u32 s13, $0x1;
	v38 =	vor.u32 $0x1820, v40;
	[tilespmem:$0x1FEC0] =	vst v60;
	s11 =	sshll.u32 s10, $0x7;
	s12 =	sshll.u32 s10, $0xA  }
0x3e: {  	v49 =	vor.u32 $0x10, v62;
	v39 =	vor.u32 $0x10, v40;
	v48 =	vor.u32 $0x30, v40;
	[tilespmem:$0x1FF30] =	vst v38;
	s10 =	sadd.s32 s0, s11;
	s11 =	sadd.s32 s4, s12;
	s12 =	sadd.s32 $0x7A1000, s4  }
.LBB2_1:
0x3f: {  	v9 =	vld [tilespmem:$0x1FC50]  }
0x40: {  	v14 =	vld [tilespmem:$0x1FC60]  }
0x41: {  	v13 =	vld [tilespmem:$0x1FC70]  }
0x42: {  	v36 =	vld [tilespmem:$0x1FC80]  }
0x43: {  	[tilespmem:s5], [sflag:$0x1] =	stream.strided.gather [hbm4b:s7+s14], $0x2000, s15, s14, $0x38;
	v61 =	vld [tilespmem:$0x1FC90]  }
0x44: {  	s24 =	simm.s32 $0x0;
	v57 =	vld [tilespmem:$0x1FCC0]  }
.LBB2_2:
0x45: {  	s25 =	simm.s32 $0x0  }
0x46: {  	v5 =	vadd.s32 s25, v62  }
0x47: {  	_ =	swait.ge [sflag:s16], $0x2000;
	v10 =	vand.u32 $0xF, v5  }
0x48: {  	s26 =	sshll.u32 s24, $0x1;
	p1 =	seq.s32 s24, $0x0;
	[sflag:s16] =	ssyncset.done $0x0;
	v27 =	vmov v13;
	v13 =	vshll.u32 v10, $0x7  }
0x49: {  	s28 =	simm.s32 @!p1 $0x3;
	s31 =	sadd.s32 s26, s8;
	[sflag:s16] =	ssyncadd.s32 $0xFFFFE000;
	v0 =	vor.u32 v62, v13  }
0x4a: {  	s25 =	smin.u32 s31, $0x1E83;
	_ =	swait.ge @!p1 [sflag:s28], $0x2000  }
0x4b: {  	s29 =	sshll.u32 s25, $0x7;
	[sflag:s28] =	ssyncset.done @!p1 $0x0  }
0x4c: {  	[sflag:s28] =	ssyncadd.s32 @!p1 $0xFFFFE000;
	s28 =	sadd.s32 s0, s29  }
0x4d: {  	[tilespmem:s17], [sflag:$0x2] =	stream.strided.gather [hbm4b:s28+s14], $0x2000, s15, s14, $0x38;
	[tilespmem:$0x8000] =	vst v63  }
0x4e: {  	v1 =	vor.u32 v40, v10;
	v0 =	vld.idx.msk [tilespmem:v0+s5+$0x0], $0xffff;
	_ =	sdelay $0x4  }
0x4f: {  	v2 =	vor.u32 v41, v13;
	[tilespmem:v1+s18+$0x0] =	vst.idx.msk $0xffff, v0  }
0x50: {  	v52 =	vld [tilespmem:$0x1FC40];
	_ =	sdelay $0x3  }
0x51: {  	v1 =	vor.u32 v39, v5;
	v0 =	vld.idx.msk [tilespmem:v2+s5+$0x0], $0xffff  }
0x52: {  	v2 =	vor.u32 v52, v13;
	_ =	sdelay $0x3  }
0x53: {  	[tilespmem:v1+s18+$0x0] =	vst.idx.msk $0xffff, v0  }
0x54: {  	v1 =	vor.u32 v47, v10;
	v0 =	vld.idx.msk [tilespmem:v2+s5+$0x0], $0xffff  }
0x55: {  	v2 =	vor.u32 v45, v13;
	_ =	sdelay $0x3  }
0x56: {  	[tilespmem:v1+s18+$0x0] =	vst.idx.msk $0xffff, v0  }
0x57: {  	v4 =	vor.u32 v48, v5;
	v3 =	vld.idx.msk [tilespmem:v2+s5+$0x0], $0xffff  }
0x58: {  	v6 =	vor.u32 v49, v13  }
0x59: {  	s28 =	simm.s32 $0x1  }
0x5a: {  	v0 =	vadd.s32 s28, v62  }
0x5b: {  	v2 =	vand.u32 $0xF, v0  }
0x5c: {  	v1 =	vshll.u32 v2, $0x7;
	[tilespmem:v4+s18+$0x0] =	vst.idx.msk $0xffff, v3  }
0x5d: {  	v3 =	vor.u32 v62, v1;
	v4 =	vld.idx.msk [tilespmem:v6+s5+$0x0], $0xffff;
	v6 =	vor.u32 v7, v10  }
0x5e: {  	v38 =	vmov v7;
	v7 =	vor.u32 v37, v13;
	_ =	sdelay $0x3  }
0x5f: {  	v8 =	vor.u32 v40, v2;
	v3 =	vld.idx.msk [tilespmem:v3+s5+$0x0], $0xffff;
	[tilespmem:v6+s18+$0x0] =	vst.idx.msk $0xffff, v4  }
0x60: {  	v4 =	vor.u32 v41, v1;
	v6 =	vld.idx.msk [tilespmem:v7+s5+$0x0], $0xffff;
	v7 =	vor.u32 v30, v5  }
0x61: {  	v32 =	vmov v9;
	v9 =	vor.u32 v9, v13;
	_ =	sdelay $0x2  }
0x62: {  	[tilespmem:v8+s18+$0x0] =	vst.idx.msk $0xffff, v3  }
0x63: {  	v3 =	vld.idx.msk [tilespmem:v4+s5+$0x0], $0xffff;
	v4 =	vor.u32 v39, v0;
	[tilespmem:v7+s18+$0x0] =	vst.idx.msk $0xffff, v6  }
0x64: {  	v8 =	vor.u32 v14, v10;
	v6 =	vor.u32 v52, v1;
	v7 =	vld.idx.msk [tilespmem:v9+s5+$0x0], $0xffff  }
0x65: {  	v9 =	vor.u32 v27, v13;
	_ =	sdelay $0x2  }
0x66: {  	[tilespmem:v4+s18+$0x0] =	vst.idx.msk $0xffff, v3  }
0x67: {  	v4 =	vor.u32 v47, v2;
	v3 =	vld.idx.msk [tilespmem:v6+s5+$0x0], $0xffff;
	[tilespmem:v8+s18+$0x0] =	vst.idx.msk $0xffff, v7  }
0x68: {  	v6 =	vor.u32 v45, v1;
	v8 =	vor.u32 v11, v5;
	v7 =	vld.idx.msk [tilespmem:v9+s5+$0x0], $0xffff  }
0x69: {  	v9 =	vor.u32 v12, v13;
	_ =	sdelay $0x2  }
0x6a: {  	[tilespmem:v4+s18+$0x0] =	vst.idx.msk $0xffff, v3  }
0x6b: {  	v4 =	vld.idx.msk [tilespmem:v6+s5+$0x0], $0xffff;
	v6 =	vor.u32 v48, v0;
	[tilespmem:v8+s18+$0x0] =	vst.idx.msk $0xffff, v7  }
0x6c: {  	v44 =	vmov v11;
	v11 =	vor.u32 v36, v10;
	v8 =	vor.u32 v49, v1;
	v9 =	vld.idx.msk [tilespmem:v9+s5+$0x0], $0xffff  }
0x6d: {  	v34 =	vmov v12;
	s28 =	simm.s32 $0x2;
	v12 =	vor.u32 v15, v13  }
0x6e: {  	v3 =	vadd.s32 s28, v62  }
0x6f: {  	v7 =	vand.u32 $0xF, v3  }
0x70: {  	v50 =	vmov v14;
	[tilespmem:v6+s18+$0x0] =	vst.idx.msk $0xffff, v4;
	v4 =	vshll.u32 v7, $0x7  }
0x71: {  	v14 =	vor.u32 v38, v2;
	v6 =	vld.idx.msk [tilespmem:v8+s5+$0x0], $0xffff;
	v8 =	vor.u32 v62, v4;
	[tilespmem:v11+s18+$0x0] =	vst.idx.msk $0xffff, v9  }
0x72: {  	v9 =	vor.u32 v37, v1;
	v11 =	vld.idx.msk [tilespmem:v12+s5+$0x0], $0xffff;
	v12 =	vor.u32 v61, v5  }
0x73: {  	v60 =	vmov v15;
	v15 =	vor.u32 v16, v13;
	_ =	sdelay $0x2  }
0x74: {  	v42 =	vmov v16;
	v8 =	vld.idx.msk [tilespmem:v8+s5+$0x0], $0xffff;
	[tilespmem:v14+s18+$0x0] =	vst.idx.msk $0xffff, v6;
	v6 =	vor.u32 v40, v7  }
0x75: {  	v16 =	vor.u32 v30, v0;
	v14 =	vor.u32 v41, v4;
	v9 =	vld.idx.msk [tilespmem:v9+s5+$0x0], $0xffff;
	[tilespmem:v12+s18+$0x0] =	vst.idx.msk $0xffff, v11  }
0x76: {  	v11 =	vor.u32 v32, v1;
	v12 =	vld.idx.msk [tilespmem:v15+s5+$0x0], $0xffff;
	v15 =	vor.u32 v17, v10  }
0x77: {  	v51 =	vmov v17;
	v17 =	vor.u32 v35, v13;
	_ =	sdelay $0x1  }
0x78: {  	[tilespmem:v6+s18+$0x0] =	vst.idx.msk $0xffff, v8  }
0x79: {  	v6 =	vld.idx.msk [tilespmem:v14+s5+$0x0], $0xffff;
	[tilespmem:v16+s18+$0x0] =	vst.idx.msk $0xffff, v9  }
0x7a: {  	v8 =	vor.u32 v39, v3;
	v9 =	vld.idx.msk [tilespmem:v11+s5+$0x0], $0xffff;
	[tilespmem:v15+s18+$0x0] =	vst.idx.msk $0xffff, v12  }
0x7b: {  	v11 =	vor.u32 v50, v2;
	v15 =	vld.idx.msk [tilespmem:v17+s5+$0x0], $0xffff  }
0x7c: {  	v16 =	vor.u32 v31, v5;
	v59 =	vld [tilespmem:$0x1FCA0];
	_ =	sdelay $0x2  }
0x7d: {  	v29 =	vmov v27;
	v14 =	vor.u32 v52, v4;
	[tilespmem:v8+s18+$0x0] =	vst.idx.msk $0xffff, v6  }
0x7e: {  	v12 =	vor.u32 v29, v1;
	[tilespmem:v11+s18+$0x0] =	vst.idx.msk $0xffff, v9  }
0x7f: {  	v17 =	vor.u32 v59, v13;
	[tilespmem:v16+s18+$0x0] =	vst.idx.msk $0xffff, v15  }
0x80: {  	v27 =	vmov v36;
	v36 =	vld [tilespmem:$0x1FCB0];
	_ =	sdelay $0x1  }
0x81: {  	v8 =	vor.u32 v47, v7;
	v6 =	vld.idx.msk [tilespmem:v14+s5+$0x0], $0xffff  }
0x82: {  	v11 =	vor.u32 v45, v4;
	v9 =	vld.idx.msk [tilespmem:v12+s5+$0x0], $0xffff;
	v12 =	vor.u32 v44, v0  }
0x83: {  	v14 =	vor.u32 v34, v1;
	v16 =	vor.u32 v18, v10;
	v15 =	vld.idx.msk [tilespmem:v17+s5+$0x0], $0xffff  }
0x84: {  	v17 =	vor.u32 v36, v13;
	_ =	sdelay $0x1  }
0x85: {  	[tilespmem:v8+s18+$0x0] =	vst.idx.msk $0xffff, v6  }
0x86: {  	v53 =	vmov v30;
	v30 =	vmov v18;
	v11 =	vld.idx.msk [tilespmem:v11+s5+$0x0], $0xffff;
	[tilespmem:v12+s18+$0x0] =	vst.idx.msk $0xffff, v9;
	v9 =	vor.u32 v48, v3  }
0x87: {  	v18 =	vor.u32 v27, v2;
	v12 =	vld.idx.msk [tilespmem:v14+s5+$0x0], $0xffff;
	v14 =	vor.u32 v49, v4;
	[tilespmem:v16+s18+$0x0] =	vst.idx.msk $0xffff, v15  }
0x88: {  	s28 =	simm.s32 $0x3;
	v15 =	vor.u32 v60, v1;
	v16 =	vld.idx.msk [tilespmem:v17+s5+$0x0], $0xffff;
	v17 =	vor.u32 v20, v5  }
0x89: {  	v25 =	vmov v19;
	v19 =	vor.u32 v19, v13;
	v6 =	vadd.s32 s28, v62  }
0x8a: {  	v8 =	vand.u32 $0xF, v6  }
0x8b: {  	v55 =	vmov v20;
	[tilespmem:v9+s18+$0x0] =	vst.idx.msk $0xffff, v11;
	v9 =	vshll.u32 v8, $0x7  }
0x8c: {  	v11 =	vld.idx.msk [tilespmem:v14+s5+$0x0], $0xffff;
	[tilespmem:v18+s18+$0x0] =	vst.idx.msk $0xffff, v12;
	v12 =	vor.u32 v62, v9;
	v14 =	vor.u32 v38, v7  }
0x8d: {  	v18 =	vor.u32 v37, v4;
	v20 =	vor.u32 v61, v0;
	v15 =	vld.idx.msk [tilespmem:v15+s5+$0x0], $0xffff;
	[tilespmem:v17+s18+$0x0] =	vst.idx.msk $0xffff, v16  }
0x8e: {  	v16 =	vor.u32 v42, v1;
	v17 =	vld.idx.msk [tilespmem:v19+s5+$0x0], $0xffff;
	v19 =	vor.u32 v21, v10  }
0x8f: {  	v33 =	vmov v34;
	v34 =	vmov v21;
	v21 =	vor.u32 v22, v13;
	_ =	sdelay $0x1  }
0x90: {  	v12 =	vld.idx.msk [tilespmem:v12+s5+$0x0], $0xffff;
	[tilespmem:v14+s18+$0x0] =	vst.idx.msk $0xffff, v11;
	v11 =	vor.u32 v40, v8  }
0x91: {  	v43 =	vmov v56;
	v14 =	vld.idx.msk [tilespmem:v18+s5+$0x0], $0xffff;
	v18 =	vor.u32 v53, v3;
	[tilespmem:v20+s18+$0x0] =	vst.idx.msk $0xffff, v15  }
0x92: {  	v56 =	vmov v27;
	v27 =	vmov v22;
	v22 =	vor.u32 v51, v2;
	v16 =	vld.idx.msk [tilespmem:v16+s5+$0x0], $0xffff;
	[tilespmem:v19+s18+$0x0] =	vst.idx.msk $0xffff, v17  }
0x93: {  	v15 =	vor.u32 v41, v9;
	v19 =	vld.idx.msk [tilespmem:v21+s5+$0x0], $0xffff;
	v21 =	vor.u32 v23, v5;
	_ =	sdelay $0x1  }
0x94: {  	[tilespmem:v11+s18+$0x0] =	vst.idx.msk $0xffff, v12  }
0x95: {  	v63 =	vmovc v28;
	v28 =	vmov v32;
	v46 =	vmov v61;
	v32 =	vmov v31;
	[tilespmem:v18+s18+$0x0] =	vst.idx.msk $0xffff, v14  }
0x96: {  	v31 =	vmovc v50;
	v61 =	vmov v42;
	v42 =	vmov v28;
	v20 =	vor.u32 v28, v4;
	[tilespmem:v22+s18+$0x0] =	vst.idx.msk $0xffff, v16  }
0x97: {  	v18 =	vor.u32 v32, v0;
	v17 =	vor.u32 v35, v1;
	v11 =	vld.idx.msk [tilespmem:v15+s5+$0x0], $0xffff;
	[tilespmem:v21+s18+$0x0] =	vst.idx.msk $0xffff, v19  }
0x98: {  	v28 =	vmovc v35;
	v35 =	vmovc v23;
	v23 =	vor.u32 v24, v13;
	v15 =	vor.u32 v50, v7;
	v50 =	vmov v32;
	v32 =	vld [tilespmem:$0x1FE10]  }
0x99: {  	v12 =	vor.u32 v39, v6;
	_ =	sdelay $0x1  }
0x9a: {  	v14 =	vld.idx.msk [tilespmem:v20+s5+$0x0], $0xffff;
	v16 =	vor.u32 v52, v9  }
0x9b: {  	v20 =	vor.u32 v29, v4;
	v17 =	vld.idx.msk [tilespmem:v17+s5+$0x0], $0xffff  }
0x9c: {  	v19 =	vor.u32 v59, v1;
	v21 =	vld.idx.msk [tilespmem:v23+s5+$0x0], $0xffff;
	v22 =	vor.u32 v32, v10  }
0x9d: {  	[tilespmem:v12+s18+$0x0] =	vst.idx.msk $0xffff, v11;
	v11 =	vor.u32 v58, v13;
	_ =	sdelay $0x1  }
0x9e: {  	[tilespmem:v15+s18+$0x0] =	vst.idx.msk $0xffff, v14;
	v14 =	vor.u32 v47, v8;
	v12 =	vld.idx.msk [tilespmem:v16+s5+$0x0], $0xffff  }
0x9f: {  	v15 =	vld.idx.msk [tilespmem:v20+s5+$0x0], $0xffff;
	v16 =	vor.u32 v45, v9;
	[tilespmem:v18+s18+$0x0] =	vst.idx.msk $0xffff, v17;
	v17 =	vor.u32 v44, v3  }
0xa0: {  	v20 =	vor.u32 v30, v2;
	v18 =	vld.idx.msk [tilespmem:v19+s5+$0x0], $0xffff;
	v19 =	vor.u32 v33, v4;
	[tilespmem:v22+s18+$0x0] =	vst.idx.msk $0xffff, v21  }
0xa1: {  	v21 =	vor.u32 v36, v1;
	v22 =	vor.u32 v26, v5;
	v11 =	vld.idx.msk [tilespmem:v11+s5+$0x0], $0xffff  }
0xa2: {  	v23 =	vor.u32 v57, v13  }
0xa3: {  	[tilespmem:v14+s18+$0x0] =	vst.idx.msk $0xffff, v12  }
0xa4: {  	v12 =	vld.idx.msk [tilespmem:v16+s5+$0x0], $0xffff;
	[tilespmem:v17+s18+$0x0] =	vst.idx.msk $0xffff, v15;
	v15 =	vor.u32 v48, v6  }
0xa5: {  	v16 =	vld.idx.msk [tilespmem:v19+s5+$0x0], $0xffff;
	[tilespmem:v20+s18+$0x0] =	vst.idx.msk $0xffff, v18;
	v18 =	vor.u32 v56, v7  }
0xa6: {  	v19 =	vld.idx.msk [tilespmem:v21+s5+$0x0], $0xffff;
	v21 =	vor.u32 v55, v0;
	[tilespmem:v22+s18+$0x0] =	vst.idx.msk $0xffff, v11  }
0xa7: {  	v30 =	vor.u32 v43, v10;
	v23 =	vld.idx.msk [tilespmem:v23+s5+$0x0], $0xffff;
	_ =	sdelay $0x1  }
0xa8: {  	v17 =	vor.u32 v49, v9;
	[tilespmem:v15+s18+$0x0] =	vst.idx.msk $0xffff, v12  }
0xa9: {  	v20 =	vor.u32 v60, v4;
	[tilespmem:v18+s18+$0x0] =	vst.idx.msk $0xffff, v16  }
0xaa: {  	v22 =	vor.u32 v25, v1;
	[tilespmem:v21+s18+$0x0] =	vst.idx.msk $0xffff, v19  }
0xab: {  	v33 =	vmov v25;
	v25 =	vor.u32 v63, v13;
	[tilespmem:v30+s18+$0x0] =	vst.idx.msk $0xffff, v23  }
0xac: {  	v53 =	vmov v56;
	v56 =	vld [tilespmem:$0x1FE60]  }
0xad: {  	s28 =	simm.s32 $0x4;
	v15 =	vld.idx.msk [tilespmem:v17+s5+$0x0], $0xffff;
	v17 =	vor.u32 v38, v8  }
0xae: {  	v18 =	vld.idx.msk [tilespmem:v20+s5+$0x0], $0xffff;
	v20 =	vor.u32 v46, v3;
	v11 =	vadd.s32 s28, v62  }
0xaf: {  	v54 =	vmov v26;
	v29 =	vmov v57;
	v14 =	vand.u32 $0xF, v11;
	v21 =	vld.idx.msk [tilespmem:v22+s5+$0x0], $0xffff  }
0xb0: {  	v57 =	vmovc v37;
	v26 =	vor.u32 v34, v2;
	v12 =	vshll.u32 v14, $0x7;
	v19 =	vor.u32 v37, v9;
	v37 =	vld.idx.msk [tilespmem:v25+s5+$0x0], $0xffff  }
0xb1: {  	v36 =	vmov v63;
	v16 =	vor.u32 v62, v12;
	v63 =	vld [tilespmem:$0x1FE70];
	v25 =	vor.u32 v56, v5  }
0xb2: {  	[tilespmem:v17+s18+$0x0] =	vst.idx.msk $0xffff, v15  }
0xb3: {  	[tilespmem:v20+s18+$0x0] =	vst.idx.msk $0xffff, v18  }
0xb4: {  	v22 =	vor.u32 v61, v4;
	v30 =	vld [tilespmem:$0x1FFC0]  }
0xb5: {  	v23 =	vor.u32 v27, v1;
	[tilespmem:v26+s18+$0x0] =	vst.idx.msk $0xffff, v21  }
0xb6: {  	v15 =	vor.u32 v40, v14;
	v16 =	vld.idx.msk [tilespmem:v16+s5+$0x0], $0xffff;
	v27 =	vor.u32 v63, v13;
	[tilespmem:v25+s18+$0x0] =	vst.idx.msk $0xffff, v37  }
0xb7: {  	v62 =	vmov v61;
	v61 =	vmov v34;
	v34 =	vld [tilespmem:$0x1FCD0]  }
0xb8: {  	v17 =	vld.idx.msk [tilespmem:v19+s5+$0x0], $0xffff  }
0xb9: {  	v18 =	vor.u32 v41, v12;
	v20 =	vld.idx.msk [tilespmem:v22+s5+$0x0], $0xffff;
	v19 =	vor.u32 v30, v6  }
0xba: {  	v21 =	vor.u32 v42, v9;
	v22 =	vor.u32 v51, v7;
	v26 =	vor.u32 v28, v4;
	v23 =	vld.idx.msk [tilespmem:v23+s5+$0x0], $0xffff  }
0xbb: {  	v51 =	vmov v28;
	v28 =	vor.u32 v35, v0;
	v25 =	vld.idx.msk [tilespmem:v27+s5+$0x0], $0xffff;
	[tilespmem:v15+s18+$0x0] =	vst.idx.msk $0xffff, v16  }
0xbc: {  	v35 =	vld [tilespmem:$0x1FE80];
	v27 =	vor.u32 v34, v10;
	_ =	sdelay $0x1  }
0xbd: {  	[tilespmem:v19+s18+$0x0] =	vst.idx.msk $0xffff, v17  }
0xbe: {  	v42 =	vor.u32 v24, v1;
	v16 =	vld.idx.msk [tilespmem:v18+s5+$0x0], $0xffff;
	[tilespmem:v22+s18+$0x0] =	vst.idx.msk $0xffff, v20  }
0xbf: {  	v17 =	vor.u32 v39, v11;
	[tilespmem:v28+s18+$0x0] =	vst.idx.msk $0xffff, v23;
	v18 =	vld.idx.msk [tilespmem:v21+s5+$0x0], $0xffff  }
0xc0: {  	v19 =	vor.u32 v31, v8;
	v37 =	vld [tilespmem:$0x1FC70];
	v15 =	vor.u32 v35, v13;
	[tilespmem:v27+s18+$0x0] =	vst.idx.msk $0xffff, v25  }
0xc1: {  	v20 =	vor.u32 v52, v12;
	v52 =	vld [tilespmem:$0x1FED0]  }
0xc2: {  	v22 =	vor.u32 v50, v3;
	v21 =	vld.idx.msk [tilespmem:v26+s5+$0x0], $0xffff  }
0xc3: {  	v24 =	vld.idx.msk [tilespmem:v42+s5+$0x0], $0xffff;
	v26 =	vor.u32 v32, v2  }
0xc4: {  	[tilespmem:v17+s18+$0x0] =	vst.idx.msk $0xffff, v16  }
0xc5: {  	v15 =	vld.idx.msk [tilespmem:v15+s5+$0x0], $0xffff;
	[tilespmem:v19+s18+$0x0] =	vst.idx.msk $0xffff, v18  }
0xc6: {  	v28 =	vor.u32 v59, v4;
	v59 =	vld [tilespmem:$0x1FCE0];
	v27 =	vor.u32 v52, v5  }
0xc7: {  	[tilespmem:v22+s18+$0x0] =	vst.idx.msk $0xffff, v21  }
0xc8: {  	v23 =	vor.u32 v37, v9;
	v17 =	vld.idx.msk [tilespmem:v20+s5+$0x0], $0xffff;
	[tilespmem:v26+s18+$0x0] =	vst.idx.msk $0xffff, v24  }
0xc9: {  	v25 =	vor.u32 v58, v1;
	v58 =	vld [tilespmem:$0x1FFE0]  }
0xca: {  	v42 =	vld [tilespmem:$0x1FF70]  }
0xcb: {  	v18 =	vor.u32 v47, v14;
	v50 =	vld [tilespmem:$0x1FCB0];
	v16 =	vor.u32 v59, v13;
	[tilespmem:v27+s18+$0x0] =	vst.idx.msk $0xffff, v15  }
0xcc: {  	v21 =	vor.u32 v44, v6;
	v44 =	vmov v35;
	v35 =	vld [tilespmem:$0x1FCF0]  }
0xcd: {  	v19 =	vld.idx.msk [tilespmem:v23+s5+$0x0], $0xffff  }
0xce: {  	v22 =	vld.idx.msk [tilespmem:v28+s5+$0x0], $0xffff  }
0xcf: {  	v25 =	vld.idx.msk [tilespmem:v25+s5+$0x0], $0xffff;
	v24 =	vor.u32 v42, v7  }
0xd0: {  	v28 =	vor.u32 v54, v0;
	v16 =	vld.idx.msk [tilespmem:v16+s5+$0x0], $0xffff;
	[tilespmem:v18+s18+$0x0] =	vst.idx.msk $0xffff, v17  }
0xd1: {  	v20 =	vor.u32 v45, v12;
	v17 =	vld [tilespmem:$0x1FD00];
	v27 =	vor.u32 v35, v10;
	_ =	sdelay $0x1  }
0xd2: {  	v23 =	vor.u32 v58, v9;
	[tilespmem:v21+s18+$0x0] =	vst.idx.msk $0xffff, v19  }
0xd3: {  	v26 =	vor.u32 v50, v4;
	[tilespmem:v24+s18+$0x0] =	vst.idx.msk $0xffff, v22  }
0xd4: {  	v15 =	vor.u32 v29, v1;
	[tilespmem:v28+s18+$0x0] =	vst.idx.msk $0xffff, v25  }
0xd5: {  	v18 =	vld.idx.msk [tilespmem:v20+s5+$0x0], $0xffff;
	v19 =	vor.u32 v48, v11;
	v17 =	vor.u32 v17, v13;
	[tilespmem:v27+s18+$0x0] =	vst.idx.msk $0xffff, v16  }
0xd6: {  	v28 =	vor.u32 v43, v2;
	v43 =	vld [tilespmem:$0x1FD10]  }
0xd7: {  	v20 =	vld.idx.msk [tilespmem:v23+s5+$0x0], $0xffff  }
0xd8: {  	v22 =	vor.u32 v53, v8;
	v23 =	vld.idx.msk [tilespmem:v26+s5+$0x0], $0xffff  }
0xd9: {  	v21 =	vor.u32 v49, v12;
	v25 =	vor.u32 v55, v3;
	v26 =	vld.idx.msk [tilespmem:v15+s5+$0x0], $0xffff  }
0xda: {  	s28 =	simm.s32 $0x5;
	v24 =	vor.u32 v60, v9;
	v27 =	vor.u32 v33, v4;
	v33 =	vlaneseq.u32;
	v29 =	vld.idx.msk [tilespmem:v17+s5+$0x0], $0xffff;
	[tilespmem:v19+s18+$0x0] =	vst.idx.msk $0xffff, v18  }
0xdb: {  	v53 =	vmovc v30;
	v30 =	vor.u32 v36, v1;
	v15 =	vadd.s32 s28, v33;
	v36 =	vld [tilespmem:$0x1FD20];
	v31 =	vor.u32 v43, v5  }
0xdc: {  	v16 =	vand.u32 $0xF, v15  }
0xdd: {  	[tilespmem:v22+s18+$0x0] =	vst.idx.msk $0xffff, v20;
	v17 =	vshll.u32 v16, $0x7  }
0xde: {  	v19 =	vld.idx.msk [tilespmem:v21+s5+$0x0], $0xffff;
	[tilespmem:v25+s18+$0x0] =	vst.idx.msk $0xffff, v23;
	v20 =	vor.u32 v33, v17  }
0xdf: {  	[tilespmem:v28+s18+$0x0] =	vst.idx.msk $0xffff, v26;
	v22 =	vld.idx.msk [tilespmem:v24+s5+$0x0], $0xffff  }
0xe0: {  	v21 =	vor.u32 v38, v14;
	v25 =	vld.idx.msk [tilespmem:v27+s5+$0x0], $0xffff;
	v18 =	vor.u32 v36, v13;
	[tilespmem:v31+s18+$0x0] =	vst.idx.msk $0xffff, v29  }
0xe1: {  	v24 =	vor.u32 v46, v6;
	v27 =	vor.u32 v61, v7;
	v61 =	vld [tilespmem:$0x1FF50]  }
0xe2: {  	v23 =	vor.u32 v57, v12;
	v28 =	vld.idx.msk [tilespmem:v30+s5+$0x0], $0xffff  }
0xe3: {  	v20 =	vld.idx.msk [tilespmem:v20+s5+$0x0], $0xffff  }
0xe4: {  	v30 =	vor.u32 v56, v0;
	v29 =	vld [tilespmem:$0x1FDE0]  }
0xe5: {  	v26 =	vor.u32 v62, v9;
	v18 =	vld.idx.msk [tilespmem:v18+s5+$0x0], $0xffff;
	[tilespmem:v21+s18+$0x0] =	vst.idx.msk $0xffff, v19  }
0xe6: {  	v31 =	vor.u32 v63, v1;
	v19 =	vld [tilespmem:$0x1FD30];
	[tilespmem:v24+s18+$0x0] =	vst.idx.msk $0xffff, v22;
	v63 =	vor.u32 v61, v10  }
0xe7: {  	v21 =	vor.u32 v40, v16;
	v23 =	vld.idx.msk [tilespmem:v23+s5+$0x0], $0xffff;
	[tilespmem:v27+s18+$0x0] =	vst.idx.msk $0xffff, v25  }
0xe8: {  	v38 =	vld [tilespmem:$0x1FEF0]  }
0xe9: {  	v24 =	vor.u32 v53, v11;
	v53 =	vld [tilespmem:$0x1FC50];
	[tilespmem:v30+s18+$0x0] =	vst.idx.msk $0xffff, v28  }
0xea: {  	v30 =	vld [tilespmem:$0x1FDF0];
	v29 =	vor.u32 v29, v4  }
0xeb: {  	v26 =	vld.idx.msk [tilespmem:v26+s5+$0x0], $0xffff;
	v19 =	vor.u32 v19, v13;
	[tilespmem:v63+s18+$0x0] =	vst.idx.msk $0xffff, v18  }
0xec: {  	v22 =	vor.u32 v41, v17;
	v18 =	vld [tilespmem:$0x1FE00];
	[tilespmem:v21+s18+$0x0] =	vst.idx.msk $0xffff, v20  }
0xed: {  	v27 =	vor.u32 v38, v8;
	v21 =	vld [tilespmem:$0x1FF40]  }
0xee: {  	v31 =	vld.idx.msk [tilespmem:v31+s5+$0x0], $0xffff  }
0xef: {  	v30 =	vor.u32 v30, v3;
	v29 =	vld.idx.msk [tilespmem:v29+s5+$0x0], $0xffff  }
0xf0: {  	v57 =	vor.u32 v34, v2;
	v19 =	vld.idx.msk [tilespmem:v19+s5+$0x0], $0xffff  }
0xf1: {  	v22 =	vld.idx.msk [tilespmem:v22+s5+$0x0], $0xffff;
	[tilespmem:v24+s18+$0x0] =	vst.idx.msk $0xffff, v23  }
0xf2: {  	v23 =	vld [tilespmem:$0x1FD40];
	[tilespmem:v27+s18+$0x0] =	vst.idx.msk $0xffff, v26;
	v21 =	vor.u32 v21, v5  }
0xf3: {  	v55 =	vld [tilespmem:$0x1FC60]  }
0xf4: {  	v27 =	vld [tilespmem:$0x1FC40];
	[tilespmem:v30+s18+$0x0] =	vst.idx.msk $0xffff, v29  }
0xf5: {  	v25 =	vor.u32 v53, v12;
	v63 =	vld [tilespmem:$0x1FF60];
	[tilespmem:v57+s18+$0x0] =	vst.idx.msk $0xffff, v31  }
0xf6: {  	v28 =	vor.u32 v51, v9;
	v31 =	vld [tilespmem:$0x1FE10]  }
0xf7: {  	v18 =	vor.u32 v18, v4;
	v32 =	vld [tilespmem:$0x1FCA0];
	[tilespmem:v21+s18+$0x0] =	vst.idx.msk $0xffff, v19  }
0xf8: {  	v20 =	vor.u32 v44, v1;
	v24 =	vor.u32 v39, v15;
	v21 =	vld [tilespmem:$0x1FE20];
	_ =	sdelay $0x1  }
0xf9: {  	v25 =	vld.idx.msk [tilespmem:v25+s5+$0x0], $0xffff;
	v23 =	vor.u32 v23, v13;
	v26 =	vor.u32 v55, v14  }
0xfa: {  	v28 =	vld.idx.msk [tilespmem:v28+s5+$0x0], $0xffff;
	v29 =	vor.u32 v63, v6  }
0xfb: {  	v18 =	vld.idx.msk [tilespmem:v18+s5+$0x0], $0xffff;
	v31 =	vor.u32 v31, v7  }
0xfc: {  	v20 =	vld.idx.msk [tilespmem:v20+s5+$0x0], $0xffff;
	v19 =	vor.u32 v52, v0;
	[tilespmem:v24+s18+$0x0] =	vst.idx.msk $0xffff, v22;
	v21 =	vor.u32 v21, v4  }
0xfd: {  	v22 =	vld [tilespmem:$0x1FF30]  }
0xfe: {  	v27 =	vor.u32 v27, v17;
	v23 =	vld.idx.msk [tilespmem:v23+s5+$0x0], $0xffff;
	[tilespmem:v26+s18+$0x0] =	vst.idx.msk $0xffff, v25  }
0xff: {  	v26 =	vld [tilespmem:$0x1FD50];
	[tilespmem:v29+s18+$0x0] =	vst.idx.msk $0xffff, v28  }
0x100: {  	v30 =	vor.u32 v37, v12;
	v57 =	vld [tilespmem:$0x1FFD0];
	[tilespmem:v31+s18+$0x0] =	vst.idx.msk $0xffff, v18  }
0x101: {  	v32 =	vor.u32 v32, v9;
	[tilespmem:v19+s18+$0x0] =	vst.idx.msk $0xffff, v20;
	v19 =	vld.idx.msk [tilespmem:v21+s5+$0x0], $0xffff  }
0x102: {  	v24 =	vor.u32 v59, v1;
	v22 =	vor.u32 v22, v10;
	v21 =	vld [tilespmem:$0x1FE30]  }
0x103: {  	v25 =	vld.idx.msk [tilespmem:v27+s5+$0x0], $0xffff;
	v27 =	vor.u32 v47, v16;
	_ =	sdelay $0x1  }
0x104: {  	v28 =	vld.idx.msk [tilespmem:v30+s5+$0x0], $0xffff;
	v30 =	vor.u32 v57, v11  }
0x105: {  	v61 =	vor.u32 v42, v8;
	v18 =	vld.idx.msk [tilespmem:v32+s5+$0x0], $0xffff  }
0x106: {  	[tilespmem:v22+s18+$0x0] =	vst.idx.msk $0xffff, v23;
	v22 =	vld.idx.msk [tilespmem:v24+s5+$0x0], $0xffff;
	v21 =	vor.u32 v21, v3  }
0x107: {  	v23 =	vld [tilespmem:$0x1FCC0];
	[tilespmem:v27+s18+$0x0] =	vst.idx.msk $0xffff, v25  }
0x108: {  	v25 =	vld [tilespmem:$0x1FD00]  }
0x109: {  	v27 =	vld [tilespmem:$0x1FD60];
	[tilespmem:v30+s18+$0x0] =	vst.idx.msk $0xffff, v28  }
0x10a: {  	v28 =	vld [tilespmem:$0x1FD70];
	[tilespmem:v61+s18+$0x0] =	vst.idx.msk $0xffff, v18  }
0x10b: {  	v26 =	vor.u32 v26, v13;
	v24 =	vor.u32 v35, v2;
	v52 =	vld [tilespmem:$0x1FC80];
	[tilespmem:v21+s18+$0x0] =	vst.idx.msk $0xffff, v19  }
0x10c: {  	v18 =	vld [tilespmem:$0x1FF80]  }
0x10d: {  	v29 =	vor.u32 v45, v17;
	_ =	sdelay $0x2  }
0x10e: {  	v20 =	vor.u32 v50, v9;
	v26 =	vld.idx.msk [tilespmem:v26+s5+$0x0], $0xffff;
	[tilespmem:v24+s18+$0x0] =	vst.idx.msk $0xffff, v22  }
0x10f: {  	v27 =	vor.u32 v27, v5;
	v44 =	vor.u32 v18, v6;
	v18 =	vld [tilespmem:$0x1FF00]  }
0x110: {  	v29 =	vld.idx.msk [tilespmem:v29+s5+$0x0], $0xffff;
	v30 =	vor.u32 v48, v15;
	_ =	sdelay $0x1  }
0x111: {  	v31 =	vor.u32 v58, v12  }
0x112: {  	v34 =	vld.idx.msk [tilespmem:v20+s5+$0x0], $0xffff  }
0x113: {  	v23 =	vor.u32 v23, v4;
	v59 =	vor.u32 v18, v9;
	v18 =	vld [tilespmem:$0x1FE40];
	[tilespmem:v27+s18+$0x0] =	vst.idx.msk $0xffff, v26  }
0x114: {  	v25 =	vor.u32 v25, v1;
	v19 =	vld [tilespmem:$0x1FE50];
	[tilespmem:v30+s18+$0x0] =	vst.idx.msk $0xffff, v29  }
0x115: {  	v28 =	vor.u32 v28, v13;
	v20 =	vld [tilespmem:$0x1FD80]  }
0x116: {  	v32 =	vor.u32 v49, v17;
	v31 =	vld.idx.msk [tilespmem:v31+s5+$0x0], $0xffff;
	v33 =	vor.u32 v52, v14;
	_ =	sdelay $0x1  }
0x117: {  	v61 =	vld.idx.msk [tilespmem:v23+s5+$0x0], $0xffff;
	v24 =	vor.u32 v18, v7  }
0x118: {  	v23 =	vld.idx.msk [tilespmem:v25+s5+$0x0], $0xffff;
	v26 =	vor.u32 v43, v0  }
0x119: {  	v28 =	vld.idx.msk [tilespmem:v28+s5+$0x0], $0xffff;
	v22 =	vor.u32 v20, v10  }
0x11a: {  	[tilespmem:v33+s18+$0x0] =	vst.idx.msk $0xffff, v31;
	v32 =	vld.idx.msk [tilespmem:v32+s5+$0x0], $0xffff  }
0x11b: {  	v54 =	vmov v37;
	v37 =	vmov v42;
	v42 =	vor.u32 v60, v12;
	v21 =	vld [tilespmem:$0x1FD90];
	[tilespmem:v44+s18+$0x0] =	vst.idx.msk $0xffff, v34  }
0x11c: {  	v44 =	vld [tilespmem:$0x1FF90];
	[tilespmem:v24+s18+$0x0] =	vst.idx.msk $0xffff, v61  }
0x11d: {  	s28 =	simm.s32 $0x6;
	v25 =	vlaneseq.u32;
	v50 =	vld [tilespmem:$0x1FF20];
	[tilespmem:v26+s18+$0x0] =	vst.idx.msk $0xffff, v23  }
0x11e: {  	v18 =	vadd.s32 s28, v25;
	v27 =	vor.u32 v19, v4;
	v23 =	vld [tilespmem:$0x1FDD0];
	[tilespmem:v22+s18+$0x0] =	vst.idx.msk $0xffff, v28  }
0x11f: {  	v36 =	vor.u32 v36, v1;
	v19 =	vand.u32 $0xF, v18;
	v22 =	vld [tilespmem:$0x1FDE0]  }
0x120: {  	v30 =	vor.u32 v46, v11;
	v31 =	vor.u32 v62, v12;
	v29 =	vld.idx.msk [tilespmem:v42+s5+$0x0], $0xffff;
	v20 =	vshll.u32 v19, $0x7  }
0x121: {  	v21 =	vor.u32 v21, v13;
	v35 =	vor.u32 v25, v20;
	v25 =	vld.idx.msk [tilespmem:v59+s5+$0x0], $0xffff;
	v59 =	vmov v52  }
0x122: {  	v33 =	vor.u32 v44, v16;
	v61 =	vmovc v46;
	v24 =	vor.u32 v56, v3;
	v56 =	vmovc v54;
	v54 =	vmov v53;
	v53 =	vld [tilespmem:$0x1FFC0]  }
0x123: {  	v42 =	vlaneseq.u32;
	v46 =	vmovc v63;
	v34 =	vor.u32 v50, v17;
	v26 =	vor.u32 v23, v8;
	v23 =	vld.idx.msk [tilespmem:v27+s5+$0x0], $0xffff;
	v27 =	vmovc v44  }
0x124: {  	s28 =	simm.s32 $0x7;
	v63 =	vmovc v38;
	v52 =	vmovc v50;
	v44 =	vmov v37;
	v28 =	vor.u32 v22, v9;
	v22 =	vld.idx.msk [tilespmem:v36+s5+$0x0], $0xffff;
	v43 =	vmov v27  }
.LBB2_3:
0x125: {  	v27 =	vld [tilespmem:$0x1FE70];
	_ =	sdelay $0x4  }
0x126: {  	v36 =	vor.u32 v27, v4;
	v27 =	vld [tilespmem:$0x1FF50]  }
0x127: {  	v50 =	vld [tilespmem:$0x1FD30];
	_ =	sdelay $0x1  }
0x128: {  	v21 =	vld.idx.msk [tilespmem:v21+s5+$0x0], $0xffff  }
0x129: {  	v38 =	vld [tilespmem:$0x1FDA0]  }
0x12a: {  	v37 =	vor.u32 v27, v2;
	v27 =	vmovc v12;
	v12 =	vmov v17;
	v17 =	vmov v20;
	v20 =	vld.idx.msk [tilespmem:v35+s5+$0x0], $0xffff  }
0x12b: {  	[tilespmem:v33+s18+$0x0] =	vst.idx.msk $0xffff, v32;
	v32 =	vor.u32 v50, v1;
	v50 =	vor.u32 v40, v19;
	v40 =	vld [tilespmem:$0x1FCD0]  }
0x12c: {  	v34 =	vld.idx.msk [tilespmem:v34+s5+$0x0], $0xffff  }
0x12d: {  	[tilespmem:v30+s18+$0x0] =	vst.idx.msk $0xffff, v29;
	v29 =	vld [tilespmem:$0x1FE90]  }
0x12e: {  	v30 =	vor.u32 v41, v17;
	v41 =	vld [tilespmem:$0x1FD40]  }
0x12f: {  	v31 =	vld.idx.msk [tilespmem:v31+s5+$0x0], $0xffff;
	[tilespmem:v26+s18+$0x0] =	vst.idx.msk $0xffff, v25  }
0x130: {  	v33 =	vor.u32 v38, v5;
	v28 =	vld.idx.msk [tilespmem:v28+s5+$0x0], $0xffff  }
0x131: {  	[tilespmem:v24+s18+$0x0] =	vst.idx.msk $0xffff, v23;
	v24 =	vld [tilespmem:$0x1FDF0]  }
0x132: {  	v36 =	vld.idx.msk [tilespmem:v36+s5+$0x0], $0xffff  }
0x133: {  	[tilespmem:v37+s18+$0x0] =	vst.idx.msk $0xffff, v22;
	v22 =	vld [tilespmem:$0x1FE00]  }
0x134: {  	v37 =	vor.u32 v40, v7;
	v40 =	vld [tilespmem:$0x1FED0]  }
0x135: {  	v29 =	vor.u32 v29, v13;
	v32 =	vld.idx.msk [tilespmem:v32+s5+$0x0], $0xffff;
	[tilespmem:v33+s18+$0x0] =	vst.idx.msk $0xffff, v21  }
0x136: {  	v38 =	vor.u32 v53, v15;
	[tilespmem:v50+s18+$0x0] =	vst.idx.msk $0xffff, v20;
	v50 =	vld [tilespmem:$0x1FEA0]  }
0x137: {  	v25 =	vor.u32 v54, v12;
	v20 =	vld [tilespmem:$0x1FE80]  }
0x138: {  	v26 =	vor.u32 v63, v14;
	v21 =	vld [tilespmem:$0x1FF40]  }
0x139: {  	v23 =	vor.u32 v51, v27;
	v24 =	vor.u32 v24, v6;
	v30 =	vld.idx.msk [tilespmem:v30+s5+$0x0], $0xffff  }
0x13a: {  	v22 =	vor.u32 v22, v9;
	v29 =	vld.idx.msk [tilespmem:v29+s5+$0x0], $0xffff  }
0x13b: {  	[tilespmem:v38+s18+$0x0] =	vst.idx.msk $0xffff, v34;
	v34 =	vor.u32 v50, v10;
	v10 =	vld [tilespmem:$0x1FEB0]  }
0x13c: {  	v20 =	vor.u32 v20, v4;
	v25 =	vld.idx.msk [tilespmem:v25+s5+$0x0], $0xffff  }
0x13d: {  	v21 =	vor.u32 v21, v0;
	[tilespmem:v26+s18+$0x0] =	vst.idx.msk $0xffff, v31;
	v31 =	vld [tilespmem:$0x1FE10]  }
0x13e: {  	v33 =	vor.u32 v41, v1;
	v23 =	vld.idx.msk [tilespmem:v23+s5+$0x0], $0xffff;
	[tilespmem:v24+s18+$0x0] =	vst.idx.msk $0xffff, v28  }
0x13f: {  	v38 =	vor.u32 v39, v18;
	v22 =	vld.idx.msk [tilespmem:v22+s5+$0x0], $0xffff  }
0x140: {  	[tilespmem:v37+s18+$0x0] =	vst.idx.msk $0xffff, v36;
	v13 =	vor.u32 v10, v13;
	v10 =	vmov v2;
	v2 =	vmov v7;
	v7 =	vld [tilespmem:$0x1FC40]  }
0x141: {  	v20 =	vld.idx.msk [tilespmem:v20+s5+$0x0], $0xffff  }
0x142: {  	v26 =	vor.u32 v55, v16;
	[tilespmem:v21+s18+$0x0] =	vst.idx.msk $0xffff, v32;
	v21 =	vld [tilespmem:$0x1FCA0]  }
0x143: {  	v33 =	vld.idx.msk [tilespmem:v33+s5+$0x0], $0xffff  }
0x144: {  	[tilespmem:v34+s18+$0x0] =	vst.idx.msk $0xffff, v29;
	v29 =	vld [tilespmem:$0x1FE20]  }
0x145: {  	[tilespmem:v38+s18+$0x0] =	vst.idx.msk $0xffff, v30;
	v30 =	vld [tilespmem:$0x1FF30]  }
0x146: {  	v13 =	vld.idx.msk [tilespmem:v13+s5+$0x0], $0xffff  }
0x147: {  	v7 =	vor.u32 v7, v17;
	[tilespmem:v26+s18+$0x0] =	vst.idx.msk $0xffff, v25;
	v25 =	vld [tilespmem:$0x1FCE0]  }
0x148: {  	v24 =	vor.u32 v46, v11;
	v26 =	vld [tilespmem:$0x1FEC0]  }
0x149: {  	v28 =	vor.u32 v56, v12;
	v31 =	vor.u32 v31, v8  }
0x14a: {  	v32 =	vor.u32 v40, v3;
	v21 =	vor.u32 v21, v27  }
0x14b: {  	v29 =	vor.u32 v29, v9;
	v30 =	vor.u32 v30, v10  }
0x14c: {  	v25 =	vor.u32 v25, v4;
	v34 =	vld.idx.msk [tilespmem:v7+s5+$0x0], $0xffff  }
0x14d: {  	v26 =	vor.u32 v26, v5;
	v5 =	vmov v0;
	[tilespmem:v24+s18+$0x0] =	vst.idx.msk $0xffff, v23;
	v0 =	vld [tilespmem:$0x1FD50]  }
0x14e: {  	v24 =	vld.idx.msk [tilespmem:v28+s5+$0x0], $0xffff;
	[tilespmem:v31+s18+$0x0] =	vst.idx.msk $0xffff, v22  }
0x14f: {  	v21 =	vld.idx.msk [tilespmem:v21+s5+$0x0], $0xffff;
	[tilespmem:v32+s18+$0x0] =	vst.idx.msk $0xffff, v20  }
0x150: {  	v29 =	vld.idx.msk [tilespmem:v29+s5+$0x0], $0xffff;
	[tilespmem:v30+s18+$0x0] =	vst.idx.msk $0xffff, v33  }
0x151: {  	v25 =	vld.idx.msk [tilespmem:v25+s5+$0x0], $0xffff  }
0x152: {  	[tilespmem:v26+s18+$0x0] =	vst.idx.msk $0xffff, v13;
	v13 =	vld [tilespmem:$0x1FCC0];
	_ =	sdelay $0x1  }
0x153: {  	v7 =	vor.u32 v0, v1;
	v0 =	vmovc v3;
	v3 =	vmovc v6;
	v6 =	vmov v11;
	v11 =	vmov v15;
	v15 =	vld [tilespmem:$0x1FCB0];
	_ =	sdelay $0x2  }
0x154: {  	v26 =	vor.u32 v13, v9;
	v13 =	vld [tilespmem:$0x1FCF0];
	_ =	sdelay $0x1  }
0x155: {  	v30 =	vor.u32 v15, v27;
	v15 =	vld [tilespmem:$0x1FE30]  }
0x156: {  	v23 =	vor.u32 v47, v19;
	v35 =	vld.idx.msk [tilespmem:v7+s5+$0x0], $0xffff  }
0x157: {  	v22 =	vor.u32 v45, v17;
	v28 =	vor.u32 v57, v11;
	v7 =	vmov v8;
	v8 =	vld [tilespmem:$0x1FD00]  }
0x158: {  	v50 =	vor.u32 v13, v2;
	v13 =	vld [tilespmem:$0x1FD70];
	_ =	sdelay $0x2  }
0x159: {  	[tilespmem:v23+s18+$0x0] =	vst.idx.msk $0xffff, v34  }
0x15a: {  	v22 =	vld.idx.msk [tilespmem:v22+s5+$0x0], $0xffff;
	[tilespmem:v28+s18+$0x0] =	vst.idx.msk $0xffff, v24;
	v41 =	vor.u32 v15, v3  }
0x15b: {  	v15 =	vmovc v18;
	v18 =	vor.u32 v8, v4;
	v24 =	vor.u32 v13, v1;
	v13 =	vmovc v1;
	v1 =	vmov v4;
	v4 =	vld [tilespmem:$0x1FF80]  }
0x15c: {  	v20 =	vor.u32 v58, v12  }
0x15d: {  	v31 =	vor.u32 v44, v14;
	_ =	sdelay $0x2  }
0x15e: {  	v36 =	vor.u32 v4, v6;
	v4 =	vld [tilespmem:$0x1FF00]  }
0x15f: {  	v34 =	vld.idx.msk [tilespmem:v20+s5+$0x0], $0xffff  }
0x160: {  	[tilespmem:v31+s18+$0x0] =	vst.idx.msk $0xffff, v21;
	v8 =	vld [tilespmem:$0x1FD60]  }
0x161: {  	v30 =	vld.idx.msk [tilespmem:v30+s5+$0x0], $0xffff;
	[tilespmem:v41+s18+$0x0] =	vst.idx.msk $0xffff, v29  }
0x162: {  	v26 =	vld.idx.msk [tilespmem:v26+s5+$0x0], $0xffff  }
0x163: {  	[tilespmem:v50+s18+$0x0] =	vst.idx.msk $0xffff, v25;
	v25 =	vor.u32 v4, v27;
	v4 =	vld [tilespmem:$0x1FE40];
	_ =	sdelay $0x4  }
0x164: {  	v23 =	vor.u32 v8, v5;
	v37 =	vor.u32 v4, v7;
	v4 =	vld [tilespmem:$0x1FE50];
	_ =	sdelay $0x3  }
0x165: {  	v38 =	vld.idx.msk [tilespmem:v18+s5+$0x0], $0xffff  }
0x166: {  	[tilespmem:v23+s18+$0x0] =	vst.idx.msk $0xffff, v35;
	v23 =	vor.u32 v4, v9;
	v4 =	vld [tilespmem:$0x1FD10];
	_ =	sdelay $0x3  }
0x167: {  	v21 =	vor.u32 v49, v17;
	v28 =	vor.u32 v48, v15;
	v50 =	vmov v49  }
0x168: {  	v49 =	vmovc v48;
	v48 =	vmovc v45;
	v45 =	vmov v39;
	v39 =	vor.u32 v4, v0;
	v4 =	vmov v9;
	v9 =	vld [tilespmem:$0x1FD20]  }
0x169: {  	v8 =	vmov v14;
	v14 =	vmov v16  }
0x16a: {  	v31 =	vor.u32 v59, v14  }
0x16b: {  	v29 =	vor.u32 v60, v12  }
0x16c: {  	v40 =	vld.idx.msk [tilespmem:v24+s5+$0x0], $0xffff  }
0x16d: {  	[tilespmem:v28+s18+$0x0] =	vst.idx.msk $0xffff, v22;
	v22 =	vor.u32 v9, v1;
	v9 =	vld [tilespmem:$0x1FD80]  }
0x16e: {  	v24 =	vld [tilespmem:$0x1FDD0]  }
0x16f: {  	v32 =	vld.idx.msk [tilespmem:v21+s5+$0x0], $0xffff;
	[tilespmem:v31+s18+$0x0] =	vst.idx.msk $0xffff, v34  }
0x170: {  	v29 =	vld.idx.msk [tilespmem:v29+s5+$0x0], $0xffff;
	[tilespmem:v36+s18+$0x0] =	vst.idx.msk $0xffff, v30  }
0x171: {  	v25 =	vld.idx.msk [tilespmem:v25+s5+$0x0], $0xffff  }
0x172: {  	v41 =	vor.u32 v9, v10;
	v9 =	vld [tilespmem:$0x1FD90]  }
0x173: {  	[tilespmem:v37+s18+$0x0] =	vst.idx.msk $0xffff, v26;
	v26 =	vor.u32 v24, v8;
	v24 =	vld [tilespmem:$0x1FDE0];
	_ =	sdelay $0x3  }
0x174: {  	v21 =	vor.u32 v9, v13;
	v9 =	vmov v27  }
0x175: {  	p1 =	sne.s32 s28, $0xF;
	v18 =	vadd.s32 s28, v42;
	v28 =	vor.u32 v24, v9;
	v24 =	vld [tilespmem:$0x1FE60]  }
.Ltmp0:
0x176: {  	v16 =	vmov v19;
	v19 =	vand.u32 $0xF, v18;
	(pc) =	sbr.rel @p1 .LBB2_3-.Ltmp0, $4  }
0x177: {  	v20 =	vshll.u32 v19, $0x7;
	v23 =	vld.idx.msk [tilespmem:v23+s5+$0x0], $0xffff;
	[tilespmem:v39+s18+$0x0] =	vst.idx.msk $0xffff, v38  }
0x178: {  	v33 =	vor.u32 v43, v16;
	v35 =	vor.u32 v42, v20;
	v34 =	vor.u32 v52, v17;
	v22 =	vld.idx.msk [tilespmem:v22+s5+$0x0], $0xffff  }
0x179: {  	v31 =	vor.u32 v62, v12;
	v30 =	vor.u32 v61, v11;
	[tilespmem:v41+s18+$0x0] =	vst.idx.msk $0xffff, v40;
	v41 =	vld [tilespmem:$0x1FDC0]  }
0x17a: {  	s28 =	sadd.s32 $0x1, s28;
	v39 =	vmovc v45;
	v45 =	vmovc v48;
	v48 =	vmov v49;
	v49 =	vmov v50;
	v40 =	vld [tilespmem:$0x1FDB0];
	v24 =	vor.u32 v24, v3  }
0x17b: {  	_ =	sdelay $0x3  }
0x17c: {  	v27 =	vld.idx.msk [tilespmem:v35+s5+$0x0], $0xffff;
	v50 =	vor.u32 v40, v19;
	_ =	sdelay $0x4  }
0x17d: {  	v36 =	vor.u32 v41, v20;
	[tilespmem:v50+s18+$0x0] =	vst.idx.msk $0xffff, v27  }
0x17e: {  	v50 =	vld [tilespmem:$0x1FC40];
	_ =	sdelay $0x3  }
0x17f: {  	v42 =	vor.u32 v39, v18;
	v27 =	vld.idx.msk [tilespmem:v36+s5+$0x0], $0xffff  }
0x180: {  	v36 =	vor.u32 v50, v20;
	_ =	sdelay $0x3  }
0x181: {  	[tilespmem:v42+s18+$0x0] =	vst.idx.msk $0xffff, v27  }
0x182: {  	v42 =	vor.u32 v47, v19;
	v27 =	vld.idx.msk [tilespmem:v36+s5+$0x0], $0xffff  }
0x183: {  	v50 =	vor.u32 v45, v20;
	_ =	sdelay $0x3  }
0x184: {  	[tilespmem:v42+s18+$0x0] =	vst.idx.msk $0xffff, v27  }
0x185: {  	v42 =	vor.u32 v48, v18;
	v27 =	vld.idx.msk [tilespmem:v50+s5+$0x0], $0xffff  }
0x186: {  	v37 =	vmov v48;
	v48 =	vor.u32 v49, v20;
	_ =	sdelay $0x3  }
0x187: {  	[tilespmem:v42+s18+$0x0] =	vst.idx.msk $0xffff, v27  }
0x188: {  	v50 =	vor.u32 v43, v19;
	v27 =	vld.idx.msk [tilespmem:v48+s5+$0x0], $0xffff;
	_ =	sdelay $0x2  }
0x189: {  	[tilespmem:v33+s18+$0x0] =	vst.idx.msk $0xffff, v32  }
0x18a: {  	v52 =	vor.u32 v52, v20;
	v32 =	vld.idx.msk [tilespmem:v34+s5+$0x0], $0xffff;
	v42 =	vor.u32 v53, v15  }
0x18b: {  	[tilespmem:v50+s18+$0x0] =	vst.idx.msk $0xffff, v27;
	v27 =	vor.u32 v54, v17;
	_ =	sdelay $0x3  }
0x18c: {  	[tilespmem:v42+s18+$0x0] =	vst.idx.msk $0xffff, v32;
	v50 =	vor.u32 v53, v18;
	v48 =	vld.idx.msk [tilespmem:v52+s5+$0x0], $0xffff  }
0x18d: {  	v32 =	vor.u32 v55, v16;
	v52 =	vmovc v53;
	v53 =	vmov v54;
	v54 =	vor.u32 v54, v20;
	v27 =	vld.idx.msk [tilespmem:v27+s5+$0x0], $0xffff  }
0x18e: {  	v42 =	vor.u32 v56, v17;
	_ =	sdelay $0x2  }
0x18f: {  	[tilespmem:v50+s18+$0x0] =	vst.idx.msk $0xffff, v48  }
0x190: {  	v34 =	vld.idx.msk [tilespmem:v54+s5+$0x0], $0xffff;
	v54 =	vmov v55;
	v55 =	vor.u32 v55, v19;
	[tilespmem:v32+s18+$0x0] =	vst.idx.msk $0xffff, v27  }
0x191: {  	v50 =	vmov v56;
	v56 =	vor.u32 v56, v20;
	v32 =	vor.u32 v57, v15;
	v27 =	vld.idx.msk [tilespmem:v42+s5+$0x0], $0xffff  }
0x192: {  	v42 =	vor.u32 v58, v17;
	_ =	sdelay $0x2  }
0x193: {  	[tilespmem:v55+s18+$0x0] =	vst.idx.msk $0xffff, v34  }
0x194: {  	v48 =	vor.u32 v57, v18;
	v34 =	vld.idx.msk [tilespmem:v56+s5+$0x0], $0xffff;
	[tilespmem:v32+s18+$0x0] =	vst.idx.msk $0xffff, v27  }
0x195: {  	v55 =	vor.u32 v58, v20;
	v56 =	vor.u32 v59, v16;
	v27 =	vld.idx.msk [tilespmem:v42+s5+$0x0], $0xffff  }
0x196: {  	v38 =	vmov v57;
	v57 =	vmov v58;
	v58 =	vor.u32 v60, v17;
	_ =	sdelay $0x2  }
0x197: {  	[tilespmem:v48+s18+$0x0] =	vst.idx.msk $0xffff, v34  }
0x198: {  	v59 =	vor.u32 v59, v19;
	v34 =	vld.idx.msk [tilespmem:v55+s5+$0x0], $0xffff;
	[tilespmem:v56+s18+$0x0] =	vst.idx.msk $0xffff, v27  }
0x199: {  	v42 =	vor.u32 v60, v20;
	v48 =	vor.u32 v61, v15;
	v27 =	vld.idx.msk [tilespmem:v58+s5+$0x0], $0xffff  }
0x19a: {  	v55 =	vor.u32 v62, v17;
	_ =	sdelay $0x1  }
0x19b: {  	[tilespmem:v30+s18+$0x0] =	vst.idx.msk $0xffff, v29  }
0x19c: {  	v30 =	vor.u32 v63, v14;
	v29 =	vld.idx.msk [tilespmem:v31+s5+$0x0], $0xffff;
	[tilespmem:v59+s18+$0x0] =	vst.idx.msk $0xffff, v34  }
0x19d: {  	v56 =	vor.u32 v61, v18;
	v34 =	vld.idx.msk [tilespmem:v42+s5+$0x0], $0xffff;
	[tilespmem:v48+s18+$0x0] =	vst.idx.msk $0xffff, v27  }
0x19e: {  	v59 =	vor.u32 v63, v16;
	v31 =	vld.idx.msk [tilespmem:v55+s5+$0x0], $0xffff;
	_ =	sdelay $0x2  }
0x19f: {  	[tilespmem:v30+s18+$0x0] =	vst.idx.msk $0xffff, v29  }
0x1a0: {  	v58 =	vor.u32 v62, v20;
	[tilespmem:v56+s18+$0x0] =	vst.idx.msk $0xffff, v34  }
0x1a1: {  	v27 =	vor.u32 v51, v12;
	[tilespmem:v59+s18+$0x0] =	vst.idx.msk $0xffff, v31  }
0x1a2: {  	v48 =	vor.u32 v51, v17;
	v56 =	vld [tilespmem:$0x1FCA0];
	_ =	sdelay $0x2  }
0x1a3: {  	v35 =	vor.u32 v63, v19;
	v34 =	vld.idx.msk [tilespmem:v58+s5+$0x0], $0xffff  }
0x1a4: {  	v29 =	vor.u32 v46, v11;
	v42 =	vor.u32 v51, v20;
	v27 =	vld.idx.msk [tilespmem:v27+s5+$0x0], $0xffff  }
0x1a5: {  	v31 =	vld.idx.msk [tilespmem:v48+s5+$0x0], $0xffff;
	v48 =	vor.u32 v46, v15;
	v30 =	vor.u32 v56, v12;
	_ =	sdelay $0x2  }
0x1a6: {  	v63 =	vmov v51;
	[tilespmem:v35+s18+$0x0] =	vst.idx.msk $0xffff, v34;
	v51 =	vor.u32 v56, v17  }
0x1a7: {  	v55 =	vor.u32 v46, v18;
	v34 =	vld.idx.msk [tilespmem:v42+s5+$0x0], $0xffff;
	[tilespmem:v29+s18+$0x0] =	vst.idx.msk $0xffff, v27  }
0x1a8: {  	v29 =	vor.u32 v44, v14;
	[tilespmem:v48+s18+$0x0] =	vst.idx.msk $0xffff, v31;
	v27 =	vld.idx.msk [tilespmem:v30+s5+$0x0], $0xffff  }
0x1a9: {  	v59 =	vld [tilespmem:$0x1FCB0];
	_ =	sdelay $0x1  }
0x1aa: {  	v61 =	vor.u32 v44, v16;
	v60 =	vor.u32 v56, v20;
	v31 =	vld.idx.msk [tilespmem:v51+s5+$0x0], $0xffff  }
0x1ab: {  	[tilespmem:v55+s18+$0x0] =	vst.idx.msk $0xffff, v34  }
0x1ac: {  	[tilespmem:v29+s18+$0x0] =	vst.idx.msk $0xffff, v27  }
0x1ad: {  	v30 =	vor.u32 v59, v12;
	v42 =	vld [tilespmem:$0x1FF80];
	_ =	sdelay $0x1  }
0x1ae: {  	v34 =	vld.idx.msk [tilespmem:v60+s5+$0x0], $0xffff;
	[tilespmem:v61+s18+$0x0] =	vst.idx.msk $0xffff, v31  }
0x1af: {  	v48 =	vor.u32 v44, v19;
	v62 =	vor.u32 v59, v17;
	v55 =	vld [tilespmem:$0x1FF00]  }
0x1b0: {  	v51 =	vor.u32 v59, v20  }
0x1b1: {  	v27 =	vld.idx.msk [tilespmem:v30+s5+$0x0], $0xffff;
	v29 =	vor.u32 v42, v11;
	_ =	sdelay $0x2  }
0x1b2: {  	v31 =	vld.idx.msk [tilespmem:v62+s5+$0x0], $0xffff;
	[tilespmem:v48+s18+$0x0] =	vst.idx.msk $0xffff, v34;
	v58 =	vor.u32 v42, v15;
	v30 =	vor.u32 v55, v12  }
0x1b3: {  	v34 =	vld.idx.msk [tilespmem:v51+s5+$0x0], $0xffff;
	v61 =	vor.u32 v42, v18  }
0x1b4: {  	v62 =	vor.u32 v55, v20;
	[tilespmem:v29+s18+$0x0] =	vst.idx.msk $0xffff, v27  }
0x1b5: {  	v48 =	vld [tilespmem:$0x1FDD0];
	_ =	sdelay $0x1  }
0x1b6: {  	v27 =	vld.idx.msk [tilespmem:v30+s5+$0x0], $0xffff;
	[tilespmem:v58+s18+$0x0] =	vst.idx.msk $0xffff, v31  }
0x1b7: {  	v60 =	vor.u32 v55, v17;
	v51 =	vld [tilespmem:$0x1FDE0];
	[tilespmem:v61+s18+$0x0] =	vst.idx.msk $0xffff, v34  }
0x1b8: {  	[tilespmem:v26+s18+$0x0] =	vst.idx.msk $0xffff, v25;
	v34 =	vld.idx.msk [tilespmem:v62+s5+$0x0], $0xffff  }
0x1b9: {  	v62 =	vld [tilespmem:$0x1FDF0];
	v29 =	vor.u32 v48, v14;
	_ =	sdelay $0x2  }
0x1ba: {  	v31 =	vld.idx.msk [tilespmem:v60+s5+$0x0], $0xffff;
	v55 =	vor.u32 v48, v16;
	v30 =	vor.u32 v51, v12  }
0x1bb: {  	v60 =	vor.u32 v48, v19  }
0x1bc: {  	v25 =	vld.idx.msk [tilespmem:v28+s5+$0x0], $0xffff;
	v61 =	vor.u32 v51, v20;
	v26 =	vor.u32 v62, v6;
	[tilespmem:v29+s18+$0x0] =	vst.idx.msk $0xffff, v27  }
0x1bd: {  	v48 =	vld [tilespmem:$0x1FE00];
	_ =	sdelay $0x1  }
0x1be: {  	v28 =	vld.idx.msk [tilespmem:v30+s5+$0x0], $0xffff;
	[tilespmem:v55+s18+$0x0] =	vst.idx.msk $0xffff, v31  }
0x1bf: {  	v58 =	vor.u32 v51, v17;
	[tilespmem:v60+s18+$0x0] =	vst.idx.msk $0xffff, v34  }
0x1c0: {  	v34 =	vld.idx.msk [tilespmem:v61+s5+$0x0], $0xffff;
	[tilespmem:v26+s18+$0x0] =	vst.idx.msk $0xffff, v25  }
0x1c1: {  	v29 =	vor.u32 v62, v11;
	v61 =	vld [tilespmem:$0x1FE10];
	v27 =	vor.u32 v48, v9;
	_ =	sdelay $0x2  }
0x1c2: {  	v51 =	vor.u32 v62, v15;
	v31 =	vld.idx.msk [tilespmem:v58+s5+$0x0], $0xffff  }
0x1c3: {  	v58 =	vor.u32 v62, v18;
	v30 =	vor.u32 v48, v12  }
0x1c4: {  	v60 =	vor.u32 v48, v20;
	[tilespmem:v29+s18+$0x0] =	vst.idx.msk $0xffff, v28;
	v26 =	vor.u32 v61, v8;
	v25 =	vld.idx.msk [tilespmem:v27+s5+$0x0], $0xffff  }
0x1c5: {  	v62 =	vld [tilespmem:$0x1FE20];
	_ =	sdelay $0x1  }
0x1c6: {  	[tilespmem:v51+s18+$0x0] =	vst.idx.msk $0xffff, v31  }
0x1c7: {  	v55 =	vor.u32 v48, v17;
	[tilespmem:v58+s18+$0x0] =	vst.idx.msk $0xffff, v34;
	v28 =	vld.idx.msk [tilespmem:v30+s5+$0x0], $0xffff  }
0x1c8: {  	v34 =	vld.idx.msk [tilespmem:v60+s5+$0x0], $0xffff;
	[tilespmem:v26+s18+$0x0] =	vst.idx.msk $0xffff, v25  }
0x1c9: {  	v29 =	vor.u32 v61, v14;
	v27 =	vor.u32 v62, v9;
	v60 =	vld [tilespmem:$0x1FE30];
	_ =	sdelay $0x2  }
0x1ca: {  	v48 =	vor.u32 v61, v16;
	v31 =	vld.idx.msk [tilespmem:v55+s5+$0x0], $0xffff  }
0x1cb: {  	v55 =	vor.u32 v61, v19;
	v30 =	vor.u32 v62, v12  }
0x1cc: {  	v58 =	vor.u32 v62, v20;
	v25 =	vld.idx.msk [tilespmem:v27+s5+$0x0], $0xffff;
	[tilespmem:v29+s18+$0x0] =	vst.idx.msk $0xffff, v28;
	v26 =	vor.u32 v60, v6  }
0x1cd: {  	v61 =	vld [tilespmem:$0x1FCC0];
	_ =	sdelay $0x1  }
0x1ce: {  	[tilespmem:v48+s18+$0x0] =	vst.idx.msk $0xffff, v31  }
0x1cf: {  	v51 =	vor.u32 v62, v17;
	v28 =	vld.idx.msk [tilespmem:v30+s5+$0x0], $0xffff;
	[tilespmem:v55+s18+$0x0] =	vst.idx.msk $0xffff, v34  }
0x1d0: {  	v34 =	vld.idx.msk [tilespmem:v58+s5+$0x0], $0xffff;
	[tilespmem:v26+s18+$0x0] =	vst.idx.msk $0xffff, v25  }
0x1d1: {  	v29 =	vor.u32 v60, v11;
	v27 =	vor.u32 v61, v9;
	v58 =	vld [tilespmem:$0x1FE40];
	_ =	sdelay $0x2  }
0x1d2: {  	v31 =	vld.idx.msk [tilespmem:v51+s5+$0x0], $0xffff;
	v62 =	vor.u32 v60, v15;
	v30 =	vor.u32 v61, v12  }
0x1d3: {  	v51 =	vor.u32 v60, v18;
	v48 =	vor.u32 v61, v17  }
0x1d4: {  	v55 =	vor.u32 v61, v20;
	v25 =	vld.idx.msk [tilespmem:v27+s5+$0x0], $0xffff;
	[tilespmem:v29+s18+$0x0] =	vst.idx.msk $0xffff, v28;
	v26 =	vor.u32 v58, v8  }
0x1d5: {  	v60 =	vld [tilespmem:$0x1FE50];
	_ =	sdelay $0x1  }
0x1d6: {  	v28 =	vld.idx.msk [tilespmem:v30+s5+$0x0], $0xffff;
	[tilespmem:v62+s18+$0x0] =	vst.idx.msk $0xffff, v31;
	v29 =	vor.u32 v58, v14  }
0x1d7: {  	[tilespmem:v51+s18+$0x0] =	vst.idx.msk $0xffff, v34;
	v31 =	vld.idx.msk [tilespmem:v48+s5+$0x0], $0xffff;
	v61 =	vor.u32 v58, v16  }
0x1d8: {  	v34 =	vld.idx.msk [tilespmem:v55+s5+$0x0], $0xffff;
	v48 =	vor.u32 v58, v19;
	[tilespmem:v26+s18+$0x0] =	vst.idx.msk $0xffff, v25  }
0x1d9: {  	v27 =	vor.u32 v60, v9;
	v55 =	vld [tilespmem:$0x1FE70]  }
0x1da: {  	v58 =	vld [tilespmem:$0x1FE60]  }
0x1db: {  	[tilespmem:v29+s18+$0x0] =	vst.idx.msk $0xffff, v28  }
0x1dc: {  	v30 =	vor.u32 v60, v12;
	[tilespmem:v61+s18+$0x0] =	vst.idx.msk $0xffff, v31  }
0x1dd: {  	v62 =	vor.u32 v60, v17;
	[tilespmem:v48+s18+$0x0] =	vst.idx.msk $0xffff, v34  }
0x1de: {  	v51 =	vor.u32 v60, v20;
	v26 =	vld.idx.msk [tilespmem:v27+s5+$0x0], $0xffff;
	[tilespmem:v24+s18+$0x0] =	vst.idx.msk $0xffff, v23  }
0x1df: {  	v48 =	vld [tilespmem:$0x1FCD0];
	v25 =	vor.u32 v55, v4;
	v27 =	vor.u32 v58, v6  }
0x1e0: {  	v28 =	vor.u32 v55, v9  }
0x1e1: {  	v29 =	vld.idx.msk [tilespmem:v30+s5+$0x0], $0xffff;
	v30 =	vor.u32 v58, v11  }
0x1e2: {  	v32 =	vld.idx.msk [tilespmem:v62+s5+$0x0], $0xffff;
	v60 =	vor.u32 v58, v15  }
0x1e3: {  	v35 =	vld.idx.msk [tilespmem:v51+s5+$0x0], $0xffff;
	v62 =	vor.u32 v58, v18  }
0x1e4: {  	v31 =	vor.u32 v55, v12;
	v24 =	vld.idx.msk [tilespmem:v25+s5+$0x0], $0xffff;
	v25 =	vor.u32 v48, v7;
	[tilespmem:v27+s18+$0x0] =	vst.idx.msk $0xffff, v26  }
0x1e5: {  	v27 =	vld.idx.msk [tilespmem:v28+s5+$0x0], $0xffff;
	v28 =	vor.u32 v48, v8  }
0x1e6: {  	v51 =	vld [tilespmem:$0x1FE80];
	[tilespmem:v30+s18+$0x0] =	vst.idx.msk $0xffff, v29  }
0x1e7: {  	[tilespmem:v60+s18+$0x0] =	vst.idx.msk $0xffff, v32  }
0x1e8: {  	v61 =	vor.u32 v55, v17;
	[tilespmem:v62+s18+$0x0] =	vst.idx.msk $0xffff, v35  }
0x1e9: {  	v23 =	vor.u32 v55, v20;
	v30 =	vld.idx.msk [tilespmem:v31+s5+$0x0], $0xffff;
	v31 =	vor.u32 v48, v14;
	[tilespmem:v25+s18+$0x0] =	vst.idx.msk $0xffff, v24  }
0x1ea: {  	v58 =	vld [tilespmem:$0x1FF50];
	[tilespmem:v28+s18+$0x0] =	vst.idx.msk $0xffff, v27  }
0x1eb: {  	v60 =	vor.u32 v48, v16;
	v62 =	vor.u32 v48, v19;
	v26 =	vor.u32 v51, v4;
	v48 =	vld [tilespmem:$0x1FED0]  }
0x1ec: {  	v29 =	vor.u32 v51, v9  }
0x1ed: {  	v33 =	vld.idx.msk [tilespmem:v61+s5+$0x0], $0xffff  }
0x1ee: {  	v23 =	vld.idx.msk [tilespmem:v23+s5+$0x0], $0xffff;
	v55 =	vor.u32 v51, v12;
	[tilespmem:v31+s18+$0x0] =	vst.idx.msk $0xffff, v30  }
0x1ef: {  	v61 =	vor.u32 v51, v17;
	v25 =	vor.u32 v51, v20;
	v51 =	vld [tilespmem:$0x1FCE0];
	v24 =	vor.u32 v58, v2  }
0x1f0: {  	v26 =	vld.idx.msk [tilespmem:v26+s5+$0x0], $0xffff;
	v27 =	vor.u32 v48, v3  }
0x1f1: {  	v29 =	vld.idx.msk [tilespmem:v29+s5+$0x0], $0xffff;
	v30 =	vor.u32 v48, v6  }
0x1f2: {  	[tilespmem:v60+s18+$0x0] =	vst.idx.msk $0xffff, v33  }
0x1f3: {  	[tilespmem:v62+s18+$0x0] =	vst.idx.msk $0xffff, v23  }
0x1f4: {  	v32 =	vld.idx.msk [tilespmem:v55+s5+$0x0], $0xffff;
	[tilespmem:v24+s18+$0x0] =	vst.idx.msk $0xffff, v22  }
0x1f5: {  	v34 =	vld.idx.msk [tilespmem:v61+s5+$0x0], $0xffff;
	v28 =	vor.u32 v51, v4;
	[tilespmem:v27+s18+$0x0] =	vst.idx.msk $0xffff, v26  }
0x1f6: {  	v33 =	vor.u32 v48, v11;
	v61 =	vld [tilespmem:$0x1FDA0];
	[tilespmem:v30+s18+$0x0] =	vst.idx.msk $0xffff, v29  }
0x1f7: {  	v60 =	vld [tilespmem:$0x1FCF0]  }
0x1f8: {  	v21 =	vld.idx.msk [tilespmem:v21+s5+$0x0], $0xffff;
	v31 =	vor.u32 v51, v9  }
0x1f9: {  	v55 =	vor.u32 v48, v15;
	v24 =	vld.idx.msk [tilespmem:v25+s5+$0x0], $0xffff  }
0x1fa: {  	v25 =	vor.u32 v48, v18;
	v28 =	vld.idx.msk [tilespmem:v28+s5+$0x0], $0xffff  }
0x1fb: {  	v23 =	vor.u32 v51, v12;
	v42 =	vld [tilespmem:$0x1FD30];
	[tilespmem:v33+s18+$0x0] =	vst.idx.msk $0xffff, v32;
	v26 =	vor.u32 v61, v5  }
0x1fc: {  	v27 =	vor.u32 v51, v20;
	v36 =	vld [tilespmem:$0x1FD00];
	v30 =	vor.u32 v60, v7  }
0x1fd: {  	v31 =	vld.idx.msk [tilespmem:v31+s5+$0x0], $0xffff;
	v46 =	vor.u32 v60, v8  }
0x1fe: {  	[tilespmem:v55+s18+$0x0] =	vst.idx.msk $0xffff, v34  }
0x1ff: {  	v22 =	vor.u32 v51, v17;
	[tilespmem:v25+s18+$0x0] =	vst.idx.msk $0xffff, v24  }
0x200: {  	v23 =	vld.idx.msk [tilespmem:v23+s5+$0x0], $0xffff;
	v29 =	vor.u32 v42, v1;
	[tilespmem:v26+s18+$0x0] =	vst.idx.msk $0xffff, v21  }
0x201: {  	v62 =	vor.u32 v36, v4;
	v26 =	vld.idx.msk [tilespmem:v27+s5+$0x0], $0xffff;
	[tilespmem:v30+s18+$0x0] =	vst.idx.msk $0xffff, v28  }
0x202: {  	v55 =	vor.u32 v60, v14;
	v48 =	vld [tilespmem:$0x1FF40];
	[tilespmem:v46+s18+$0x0] =	vst.idx.msk $0xffff, v31  }
0x203: {  	v25 =	vor.u32 v60, v16;
	v34 =	vor.u32 v36, v9;
	v27 =	vor.u32 v60, v19;
	v60 =	vld [tilespmem:$0x1FD10]  }
0x204: {  	v22 =	vld.idx.msk [tilespmem:v22+s5+$0x0], $0xffff  }
0x205: {  	v29 =	vld.idx.msk [tilespmem:v29+s5+$0x0], $0xffff  }
0x206: {  	v32 =	vld.idx.msk [tilespmem:v62+s5+$0x0], $0xffff  }
0x207: {  	v46 =	vld [tilespmem:$0x1FE90];
	v28 =	vor.u32 v48, v0  }
0x208: {  	v30 =	vor.u32 v36, v20;
	[tilespmem:v55+s18+$0x0] =	vst.idx.msk $0xffff, v23;
	v34 =	vld.idx.msk [tilespmem:v34+s5+$0x0], $0xffff;
	v62 =	vor.u32 v60, v3  }
0x209: {  	v51 =	vld [tilespmem:$0x1FD20];
	v55 =	vor.u32 v60, v6  }
0x20a: {  	[tilespmem:v25+s18+$0x0] =	vst.idx.msk $0xffff, v22  }
0x20b: {  	v24 =	vor.u32 v36, v12;
	[tilespmem:v27+s18+$0x0] =	vst.idx.msk $0xffff, v26  }
0x20c: {  	v21 =	vor.u32 v36, v17;
	[tilespmem:v28+s18+$0x0] =	vst.idx.msk $0xffff, v29  }
0x20d: {  	v25 =	vor.u32 v60, v11;
	v27 =	vor.u32 v60, v15;
	v29 =	vld.idx.msk [tilespmem:v30+s5+$0x0], $0xffff;
	[tilespmem:v62+s18+$0x0] =	vst.idx.msk $0xffff, v32  }
0x20e: {  	v23 =	vor.u32 v51, v4;
	v30 =	vor.u32 v60, v18;
	v60 =	vld [tilespmem:$0x1FEA0];
	[tilespmem:v55+s18+$0x0] =	vst.idx.msk $0xffff, v34  }
0x20f: {  	v31 =	vor.u32 v46, v13;
	v35 =	vld [tilespmem:$0x1FD40]  }
0x210: {  	v24 =	vld.idx.msk [tilespmem:v24+s5+$0x0], $0xffff  }
0x211: {  	v21 =	vld.idx.msk [tilespmem:v21+s5+$0x0], $0xffff  }
0x212: {  	v22 =	vor.u32 v51, v9;
	v26 =	vor.u32 v51, v12  }
0x213: {  	v28 =	vor.u32 v51, v17;
	v62 =	vor.u32 v51, v20;
	v51 =	vor.u32 v58, v7;
	v23 =	vld.idx.msk [tilespmem:v23+s5+$0x0], $0xffff  }
0x214: {  	v31 =	vld.idx.msk [tilespmem:v31+s5+$0x0], $0xffff;
	v10 =	vor.u32 v60, v10;
	v36 =	vor.u32 v35, v1  }
0x215: {  	[tilespmem:v25+s18+$0x0] =	vst.idx.msk $0xffff, v24  }
0x216: {  	[tilespmem:v27+s18+$0x0] =	vst.idx.msk $0xffff, v21  }
0x217: {  	[tilespmem:v30+s18+$0x0] =	vst.idx.msk $0xffff, v29  }
0x218: {  	v22 =	vld.idx.msk [tilespmem:v22+s5+$0x0], $0xffff;
	[tilespmem:v51+s18+$0x0] =	vst.idx.msk $0xffff, v23  }
0x219: {  	v24 =	vor.u32 v42, v4;
	v25 =	vor.u32 v58, v8;
	[tilespmem:v10+s18+$0x0] =	vst.idx.msk $0xffff, v31;
	v33 =	vld.idx.msk [tilespmem:v36+s5+$0x0], $0xffff  }
0x21a: {  	v36 =	vld [tilespmem:$0x1FF30]  }
0x21b: {  	v27 =	vor.u32 v58, v14;
	v26 =	vld.idx.msk [tilespmem:v26+s5+$0x0], $0xffff  }
0x21c: {  	v28 =	vld.idx.msk [tilespmem:v28+s5+$0x0], $0xffff;
	v30 =	vor.u32 v58, v16  }
0x21d: {  	v55 =	vor.u32 v58, v19;
	v31 =	vld.idx.msk [tilespmem:v62+s5+$0x0], $0xffff  }
0x21e: {  	v21 =	vor.u32 v42, v9;
	[tilespmem:v25+s18+$0x0] =	vst.idx.msk $0xffff, v22;
	v22 =	vld.idx.msk [tilespmem:v24+s5+$0x0], $0xffff;
	v24 =	vor.u32 v48, v3  }
0x21f: {  	v29 =	vor.u32 v42, v12;
	v51 =	vld [tilespmem:$0x1FEB0];
	v23 =	vor.u32 v36, v2  }
0x220: {  	[tilespmem:v27+s18+$0x0] =	vst.idx.msk $0xffff, v26  }
0x221: {  	v10 =	vor.u32 v42, v17;
	[tilespmem:v30+s18+$0x0] =	vst.idx.msk $0xffff, v28  }
0x222: {  	v58 =	vor.u32 v42, v20;
	[tilespmem:v55+s18+$0x0] =	vst.idx.msk $0xffff, v31  }
0x223: {  	v25 =	vor.u32 v35, v4;
	v21 =	vld.idx.msk [tilespmem:v21+s5+$0x0], $0xffff;
	[tilespmem:v24+s18+$0x0] =	vst.idx.msk $0xffff, v22  }
0x224: {  	v26 =	vor.u32 v48, v6;
	v28 =	vld.idx.msk [tilespmem:v29+s5+$0x0], $0xffff;
	v13 =	vor.u32 v51, v13;
	[tilespmem:v23+s18+$0x0] =	vst.idx.msk $0xffff, v33  }
0x225: {  	v42 =	vld [tilespmem:$0x1FEC0]  }
0x226: {  	v29 =	vor.u32 v48, v11;
	v10 =	vld.idx.msk [tilespmem:v10+s5+$0x0], $0xffff  }
0x227: {  	v31 =	vor.u32 v48, v15;
	v32 =	vld.idx.msk [tilespmem:v58+s5+$0x0], $0xffff  }
0x228: {  	v62 =	vor.u32 v48, v18;
	v24 =	vld.idx.msk [tilespmem:v25+s5+$0x0], $0xffff  }
0x229: {  	v25 =	vor.u32 v36, v7;
	v13 =	vld.idx.msk [tilespmem:v13+s5+$0x0], $0xffff;
	[tilespmem:v26+s18+$0x0] =	vst.idx.msk $0xffff, v21  }
0x22a: {  	v27 =	vor.u32 v35, v9;
	v48 =	vld [tilespmem:$0x1FD50];
	v5 =	vor.u32 v42, v5  }
0x22b: {  	[tilespmem:v29+s18+$0x0] =	vst.idx.msk $0xffff, v28  }
0x22c: {  	v30 =	vor.u32 v35, v12;
	[tilespmem:v31+s18+$0x0] =	vst.idx.msk $0xffff, v10  }
0x22d: {  	v23 =	vor.u32 v35, v17;
	[tilespmem:v62+s18+$0x0] =	vst.idx.msk $0xffff, v32  }
0x22e: {  	v22 =	vor.u32 v35, v20;
	[tilespmem:v25+s18+$0x0] =	vst.idx.msk $0xffff, v24  }
0x22f: {  	v27 =	vld.idx.msk [tilespmem:v27+s5+$0x0], $0xffff;
	v21 =	vor.u32 v48, v1;
	[tilespmem:v5+s18+$0x0] =	vst.idx.msk $0xffff, v13  }
0x230: {  	v28 =	vor.u32 v36, v8;
	v26 =	vor.u32 v48, v4;
	v58 =	vld [tilespmem:$0x1FD60]  }
0x231: {  	v29 =	vld.idx.msk [tilespmem:v30+s5+$0x0], $0xffff  }
0x232: {  	v30 =	vor.u32 v36, v14;
	v23 =	vld.idx.msk [tilespmem:v23+s5+$0x0], $0xffff;
	v10 =	vor.u32 v48, v9  }
0x233: {  	v55 =	vor.u32 v36, v16;
	v13 =	vld.idx.msk [tilespmem:v22+s5+$0x0], $0xffff  }
0x234: {  	v22 =	vor.u32 v36, v19;
	v21 =	vld.idx.msk [tilespmem:v21+s5+$0x0], $0xffff  }
0x235: {  	[tilespmem:v28+s18+$0x0] =	vst.idx.msk $0xffff, v27;
	v26 =	vld.idx.msk [tilespmem:v26+s5+$0x0], $0xffff;
	v24 =	vor.u32 v58, v0  }
0x236: {  	v33 =	vld [tilespmem:$0x1FD70];
	v28 =	vor.u32 v58, v3  }
0x237: {  	[tilespmem:v30+s18+$0x0] =	vst.idx.msk $0xffff, v29;
	v10 =	vld.idx.msk [tilespmem:v10+s5+$0x0], $0xffff;
	v30 =	vor.u32 v58, v6  }
0x238: {  	[tilespmem:v55+s18+$0x0] =	vst.idx.msk $0xffff, v23  }
0x239: {  	v31 =	vor.u32 v48, v12;
	[tilespmem:v22+s18+$0x0] =	vst.idx.msk $0xffff, v13  }
0x23a: {  	v5 =	vor.u32 v48, v17;
	[tilespmem:v24+s18+$0x0] =	vst.idx.msk $0xffff, v21  }
0x23b: {  	v25 =	vor.u32 v48, v20;
	[tilespmem:v28+s18+$0x0] =	vst.idx.msk $0xffff, v26  }
0x23c: {  	v27 =	vor.u32 v33, v1;
	v36 =	vld [tilespmem:$0x1FD80];
	[tilespmem:v30+s18+$0x0] =	vst.idx.msk $0xffff, v10  }
0x23d: {  	v29 =	vor.u32 v33, v4;
	v48 =	vld [tilespmem:$0x1FD90]  }
0x23e: {  	v31 =	vld.idx.msk [tilespmem:v31+s5+$0x0], $0xffff;
	v62 =	vor.u32 v58, v11;
	v23 =	vor.u32 v33, v9  }
0x23f: {  	v5 =	vld.idx.msk [tilespmem:v5+s5+$0x0], $0xffff;
	v22 =	vor.u32 v58, v15;
	v13 =	vor.u32 v33, v12  }
0x240: {  	v21 =	vor.u32 v33, v17;
	v24 =	vld.idx.msk [tilespmem:v25+s5+$0x0], $0xffff;
	v25 =	vor.u32 v58, v18  }
0x241: {  	v28 =	vor.u32 v33, v20;
	v27 =	vld.idx.msk [tilespmem:v27+s5+$0x0], $0xffff;
	v26 =	vor.u32 v36, v2  }
0x242: {  	v29 =	vld.idx.msk [tilespmem:v29+s5+$0x0], $0xffff;
	v30 =	vor.u32 v36, v7;
	v10 =	vor.u32 v48, v1  }
0x243: {  	[tilespmem:v62+s18+$0x0] =	vst.idx.msk $0xffff, v31;
	v23 =	vld.idx.msk [tilespmem:v23+s5+$0x0], $0xffff;
	v55 =	vor.u32 v36, v8;
	v31 =	vor.u32 v48, v4  }
0x244: {  	[tilespmem:v22+s18+$0x0] =	vst.idx.msk $0xffff, v5;
	v13 =	vld.idx.msk [tilespmem:v13+s5+$0x0], $0xffff;
	v22 =	vor.u32 v36, v14;
	v5 =	vor.u32 v48, v9  }
0x245: {  	[tilespmem:v25+s18+$0x0] =	vst.idx.msk $0xffff, v24;
	v21 =	vld.idx.msk [tilespmem:v21+s5+$0x0], $0xffff;
	v25 =	vor.u32 v36, v16;
	v24 =	vor.u32 v48, v12  }
0x246: {  	[tilespmem:v26+s18+$0x0] =	vst.idx.msk $0xffff, v27;
	v26 =	vor.u32 v48, v17;
	v27 =	vld.idx.msk [tilespmem:v28+s5+$0x0], $0xffff;
	v28 =	vor.u32 v36, v19  }
0x247: {  	[tilespmem:v30+s18+$0x0] =	vst.idx.msk $0xffff, v29;
	v29 =	vor.u32 v61, v0;
	v30 =	vor.u32 v48, v20;
	v10 =	vld.idx.msk [tilespmem:v10+s5+$0x0], $0xffff  }
0x248: {  	v58 =	vor.u32 v61, v3;
	[tilespmem:v55+s18+$0x0] =	vst.idx.msk $0xffff, v23;
	v23 =	vor.u32 v46, v1;
	v31 =	vld.idx.msk [tilespmem:v31+s5+$0x0], $0xffff  }
0x249: {  	[tilespmem:v22+s18+$0x0] =	vst.idx.msk $0xffff, v13;
	v13 =	vor.u32 v46, v4;
	v22 =	vor.u32 v61, v6;
	v5 =	vld.idx.msk [tilespmem:v5+s5+$0x0], $0xffff  }
0x24a: {  	[tilespmem:v25+s18+$0x0] =	vst.idx.msk $0xffff, v21;
	v21 =	vor.u32 v46, v9;
	v25 =	vor.u32 v61, v11;
	v24 =	vld.idx.msk [tilespmem:v24+s5+$0x0], $0xffff  }
0x24b: {  	[tilespmem:v28+s18+$0x0] =	vst.idx.msk $0xffff, v27;
	v27 =	vor.u32 v46, v12;
	v26 =	vld.idx.msk [tilespmem:v26+s5+$0x0], $0xffff;
	v28 =	vor.u32 v61, v15  }
0x24c: {  	[tilespmem:v29+s18+$0x0] =	vst.idx.msk $0xffff, v10;
	v10 =	vor.u32 v46, v17;
	v29 =	vld.idx.msk [tilespmem:v30+s5+$0x0], $0xffff;
	v30 =	vor.u32 v61, v18  }
0x24d: {  	v2 =	vor.u32 v60, v2;
	[tilespmem:v58+s18+$0x0] =	vst.idx.msk $0xffff, v31;
	v31 =	vor.u32 v46, v20;
	v23 =	vld.idx.msk [tilespmem:v23+s5+$0x0], $0xffff  }
0x24e: {  	v7 =	vor.u32 v60, v7;
	v1 =	vor.u32 v51, v1;
	[tilespmem:v22+s18+$0x0] =	vst.idx.msk $0xffff, v5;
	v5 =	vld.idx.msk [tilespmem:v13+s5+$0x0], $0xffff  }
0x24f: {  	v8 =	vor.u32 v60, v8;
	v4 =	vor.u32 v51, v4;
	[tilespmem:v25+s18+$0x0] =	vst.idx.msk $0xffff, v24;
	v13 =	vld.idx.msk [tilespmem:v21+s5+$0x0], $0xffff  }
0x250: {  	v14 =	vor.u32 v60, v14;
	v9 =	vor.u32 v51, v9;
	[tilespmem:v28+s18+$0x0] =	vst.idx.msk $0xffff, v26;
	v21 =	vld.idx.msk [tilespmem:v27+s5+$0x0], $0xffff  }
0x251: {  	v16 =	vor.u32 v60, v16;
	v12 =	vor.u32 v51, v12;
	[tilespmem:v30+s18+$0x0] =	vst.idx.msk $0xffff, v29;
	v10 =	vld.idx.msk [tilespmem:v10+s5+$0x0], $0xffff  }
0x252: {  	v19 =	vor.u32 v60, v19;
	[tilespmem:v2+s18+$0x0] =	vst.idx.msk $0xffff, v23;
	v2 =	vor.u32 v51, v17;
	v17 =	vld.idx.msk [tilespmem:v31+s5+$0x0], $0xffff  }
0x253: {  	v0 =	vor.u32 v42, v0;
	[tilespmem:v7+s18+$0x0] =	vst.idx.msk $0xffff, v5;
	v5 =	vor.u32 v51, v20;
	v1 =	vld.idx.msk [tilespmem:v1+s5+$0x0], $0xffff  }
0x254: {  	v3 =	vor.u32 v42, v3;
	[tilespmem:v8+s18+$0x0] =	vst.idx.msk $0xffff, v13;
	v4 =	vld.idx.msk [tilespmem:v4+s5+$0x0], $0xffff  }
0x255: {  	v6 =	vor.u32 v42, v6;
	v7 =	vld.idx.msk [tilespmem:v9+s5+$0x0], $0xffff;
	[tilespmem:v14+s18+$0x0] =	vst.idx.msk $0xffff, v21  }
0x256: {  	v9 =	vor.u32 v42, v11;
	[tilespmem:v16+s18+$0x0] =	vst.idx.msk $0xffff, v10;
	v8 =	vld.idx.msk [tilespmem:v12+s5+$0x0], $0xffff  }
0x257: {  	v10 =	vor.u32 v42, v15;
	[tilespmem:v19+s18+$0x0] =	vst.idx.msk $0xffff, v17;
	v2 =	vld.idx.msk [tilespmem:v2+s5+$0x0], $0xffff  }
0x258: {  	[tilespmem:v0+s18+$0x0] =	vst.idx.msk $0xffff, v1;
	v0 =	vld.idx.msk [tilespmem:v5+s5+$0x0], $0xffff;
	v1 =	vor.u32 v42, v18  }
0x259: {  	[tilespmem:v3+s18+$0x0] =	vst.idx.msk $0xffff, v4  }
0x25a: {  	s28 =	sadd.s32 s6, s26;
	[tilespmem:v6+s18+$0x0] =	vst.idx.msk $0xffff, v7  }
0x25b: {  	s28 =	smin.u32 s28, $0x1E83;
	[tilespmem:v9+s18+$0x0] =	vst.idx.msk $0xffff, v8  }
0x25c: {  	p1 =	seq.s32 s24, $0x79;
	s28 =	sshll.u32 s28, $0xA;
	[tilespmem:v10+s18+$0x0] =	vst.idx.msk $0xffff, v2  }
0x25d: {  	s26 =	sadd.s32 @!p1 s26, s9;
	s28 =	sadd.s32 s4, s28;
	[tilespmem:v1+s18+$0x0] =	vst.idx.msk $0xffff, v0  }
0x25e: {  	[hbm4b:s28+s5] =	stream.linear.scatter [tilespmem:s18], [sflag:$0x3], $0x2000, $0x38;
	[tilespmem:$0x8000] =	vst v63  }
0x25f: {  	s29 =	simm.s32 @!p1 $0x7A1400;
	s26 =	smin.u32 @!p1 s26, $0x1E83;
	_ =	swait.ge [sflag:s19], $0x2000  }
0x260: {  	s30 =	simm.s32 @!p1 $0x0;
	s26 =	sshll.u32 @!p1 s26, $0x7;
	[sflag:s19] =	ssyncset.done $0x0  }
0x261: {  	s26 =	sadd.s32 @!p1 s0, s26;
	s28 =	simm.s32 @!p1 $0x400;
	[sflag:s19] =	ssyncadd.s32 $0xFFFFE000  }
0x262: {  	[tilespmem:s30], [sflag:$0x1] =	stream.strided.gather @!p1 [hbm4b:s26+s28], $0x2000, s29, s28, $0x38;
	[tilespmem:$0x8000] =	vst v63  }
0x263: {  	v0 =	vlaneseq.u32;
	s29 =	simm.s32 $0x0  }
0x264: {  	v6 =	vadd.s32 s29, v0  }
0x265: {  	v10 =	vand.u32 $0xF, v6  }
0x266: {  	v14 =	vshll.u32 v10, $0x7  }
0x267: {  	p2 =	seq.s32 @!p1 s24, $0x0;
	v0 =	vor.u32 v0, v14  }
0x268: {  	p1 =	por p1, !p2  }
0x269: {  	_ =	swait.ge @p1 [sflag:s22], $0x2000  }
0x26a: {  	[sflag:s22] =	ssyncset.done @p1 $0x0  }
0x26b: {  	[sflag:s22] =	ssyncadd.s32 @p1 $0xFFFFE000  }
0x26c: {  	v1 =	vor.u32 v40, v10;
	v0 =	vld.idx.msk [tilespmem:v0+s17+$0x0], $0xffff;
	_ =	sdelay $0x4  }
0x26d: {  	v2 =	vor.u32 v41, v14;
	[tilespmem:v1+s20+$0x0] =	vst.idx.msk $0xffff, v0  }
0x26e: {  	v25 =	vld [tilespmem:$0x1FC40];
	_ =	sdelay $0x3  }
0x26f: {  	v1 =	vor.u32 v39, v6;
	v0 =	vld.idx.msk [tilespmem:v2+s17+$0x0], $0xffff  }
0x270: {  	v2 =	vor.u32 v25, v14;
	_ =	sdelay $0x3  }
0x271: {  	[tilespmem:v1+s20+$0x0] =	vst.idx.msk $0xffff, v0  }
0x272: {  	v1 =	vor.u32 v47, v10;
	v0 =	vld.idx.msk [tilespmem:v2+s17+$0x0], $0xffff  }
0x273: {  	v2 =	vor.u32 v45, v14;
	_ =	sdelay $0x3  }
0x274: {  	[tilespmem:v1+s20+$0x0] =	vst.idx.msk $0xffff, v0  }
0x275: {  	v4 =	vor.u32 v37, v6;
	v3 =	vld.idx.msk [tilespmem:v2+s17+$0x0], $0xffff;
	_ =	sdelay $0x4  }
0x276: {  	v5 =	vor.u32 v49, v14;
	[tilespmem:v4+s20+$0x0] =	vst.idx.msk $0xffff, v3  }
0x277: {  	v7 =	vlaneseq.u32;
	s30 =	simm.s32 $0x1;
	v22 =	vld [tilespmem:$0x1FF20]  }
0x278: {  	v0 =	vadd.s32 s30, v7  }
0x279: {  	v2 =	vand.u32 $0xF, v0  }
0x27a: {  	v1 =	vshll.u32 v2, $0x7  }
0x27b: {  	v3 =	vor.u32 v7, v1;
	v4 =	vld.idx.msk [tilespmem:v5+s17+$0x0], $0xffff;
	v5 =	vor.u32 v43, v10  }
0x27c: {  	v7 =	vor.u32 v22, v14;
	_ =	sdelay $0x3  }
0x27d: {  	v8 =	vor.u32 v40, v2;
	v3 =	vld.idx.msk [tilespmem:v3+s17+$0x0], $0xffff;
	[tilespmem:v5+s20+$0x0] =	vst.idx.msk $0xffff, v4  }
0x27e: {  	v4 =	vor.u32 v41, v1;
	v5 =	vld.idx.msk [tilespmem:v7+s17+$0x0], $0xffff;
	v7 =	vor.u32 v52, v6  }
0x27f: {  	v9 =	vor.u32 v53, v14;
	_ =	sdelay $0x2  }
0x280: {  	[tilespmem:v8+s20+$0x0] =	vst.idx.msk $0xffff, v3  }
0x281: {  	v3 =	vld.idx.msk [tilespmem:v4+s17+$0x0], $0xffff;
	v4 =	vor.u32 v39, v0;
	[tilespmem:v7+s20+$0x0] =	vst.idx.msk $0xffff, v5  }
0x282: {  	v8 =	vor.u32 v54, v10;
	v5 =	vor.u32 v25, v1;
	v7 =	vld.idx.msk [tilespmem:v9+s17+$0x0], $0xffff  }
0x283: {  	v9 =	vor.u32 v50, v14;
	_ =	sdelay $0x2  }
0x284: {  	[tilespmem:v4+s20+$0x0] =	vst.idx.msk $0xffff, v3  }
0x285: {  	v4 =	vor.u32 v47, v2;
	v3 =	vld.idx.msk [tilespmem:v5+s17+$0x0], $0xffff;
	[tilespmem:v8+s20+$0x0] =	vst.idx.msk $0xffff, v7  }
0x286: {  	v8 =	vor.u32 v38, v6;
	v7 =	vld.idx.msk [tilespmem:v9+s17+$0x0], $0xffff;
	_ =	sdelay $0x3  }
0x287: {  	[tilespmem:v4+s20+$0x0] =	vst.idx.msk $0xffff, v3  }
0x288: {  	v5 =	vor.u32 v45, v1;
	[tilespmem:v8+s20+$0x0] =	vst.idx.msk $0xffff, v7  }
0x289: {  	v9 =	vor.u32 v57, v14;
	v60 =	vld [tilespmem:$0x1FC80];
	_ =	sdelay $0x3  }
0x28a: {  	v4 =	vld.idx.msk [tilespmem:v5+s17+$0x0], $0xffff;
	v5 =	vor.u32 v37, v0  }
0x28b: {  	v9 =	vld.idx.msk [tilespmem:v9+s17+$0x0], $0xffff;
	v11 =	vor.u32 v60, v10  }
0x28c: {  	v33 =	vld [tilespmem:$0x1FFF0];
	_ =	sdelay $0x2  }
0x28d: {  	[tilespmem:v5+s20+$0x0] =	vst.idx.msk $0xffff, v4  }
0x28e: {  	v8 =	vor.u32 v49, v1;
	[tilespmem:v11+s20+$0x0] =	vst.idx.msk $0xffff, v9  }
0x28f: {  	s31 =	simm.s32 $0x2;
	v13 =	vlaneseq.u32;
	v12 =	vor.u32 v33, v14;
	v31 =	vld [tilespmem:$0x1FC90]  }
0x290: {  	v3 =	vadd.s32 s31, v13  }
0x291: {  	v7 =	vand.u32 $0xF, v3  }
0x292: {  	v4 =	vshll.u32 v7, $0x7  }
0x293: {  	v5 =	vld.idx.msk [tilespmem:v8+s17+$0x0], $0xffff;
	v8 =	vor.u32 v13, v4;
	v13 =	vor.u32 v43, v2  }
0x294: {  	v11 =	vld.idx.msk [tilespmem:v12+s17+$0x0], $0xffff;
	v12 =	vor.u32 v31, v6  }
0x295: {  	v28 =	vld [tilespmem:$0x1FEE0];
	_ =	sdelay $0x2  }
0x296: {  	[tilespmem:v13+s20+$0x0] =	vst.idx.msk $0xffff, v5  }
0x297: {  	v9 =	vor.u32 v22, v1;
	[tilespmem:v12+s20+$0x0] =	vst.idx.msk $0xffff, v11  }
0x298: {  	v18 =	vmov v59;
	v15 =	vor.u32 v28, v14;
	v59 =	vld [tilespmem:$0x1FEF0];
	_ =	sdelay $0x2  }
0x299: {  	v8 =	vld.idx.msk [tilespmem:v8+s17+$0x0], $0xffff;
	v5 =	vor.u32 v40, v7  }
0x29a: {  	v16 =	vor.u32 v52, v0;
	v9 =	vld.idx.msk [tilespmem:v9+s17+$0x0], $0xffff  }
0x29b: {  	v12 =	vld.idx.msk [tilespmem:v15+s17+$0x0], $0xffff;
	v15 =	vor.u32 v59, v10;
	_ =	sdelay $0x2  }
0x29c: {  	[tilespmem:v5+s20+$0x0] =	vst.idx.msk $0xffff, v8  }
0x29d: {  	v13 =	vor.u32 v41, v4;
	[tilespmem:v16+s20+$0x0] =	vst.idx.msk $0xffff, v9  }
0x29e: {  	v11 =	vor.u32 v53, v1;
	[tilespmem:v15+s20+$0x0] =	vst.idx.msk $0xffff, v12  }
0x29f: {  	v17 =	vor.u32 v63, v14;
	v51 =	vld [tilespmem:$0x1FF60];
	_ =	sdelay $0x2  }
0x2a0: {  	v8 =	vor.u32 v39, v3;
	v5 =	vld.idx.msk [tilespmem:v13+s17+$0x0], $0xffff  }
0x2a1: {  	v13 =	vor.u32 v25, v4;
	v9 =	vld.idx.msk [tilespmem:v11+s17+$0x0], $0xffff;
	v11 =	vor.u32 v54, v2  }
0x2a2: {  	v19 =	vmov v56;
	v12 =	vor.u32 v50, v1;
	v15 =	vld.idx.msk [tilespmem:v17+s17+$0x0], $0xffff;
	v16 =	vor.u32 v51, v6  }
0x2a3: {  	v17 =	vor.u32 v19, v14;
	_ =	sdelay $0x1  }
0x2a4: {  	[tilespmem:v8+s20+$0x0] =	vst.idx.msk $0xffff, v5  }
0x2a5: {  	[tilespmem:v11+s20+$0x0] =	vst.idx.msk $0xffff, v9;
	v8 =	vor.u32 v47, v7;
	v5 =	vld.idx.msk [tilespmem:v13+s17+$0x0], $0xffff  }
0x2a6: {  	v9 =	vld.idx.msk [tilespmem:v12+s17+$0x0], $0xffff;
	v12 =	vor.u32 v38, v0;
	[tilespmem:v16+s20+$0x0] =	vst.idx.msk $0xffff, v15  }
0x2a7: {  	v16 =	vor.u32 v44, v10;
	v15 =	vld.idx.msk [tilespmem:v17+s17+$0x0], $0xffff;
	_ =	sdelay $0x2  }
0x2a8: {  	[tilespmem:v8+s20+$0x0] =	vst.idx.msk $0xffff, v5  }
0x2a9: {  	v11 =	vor.u32 v45, v4;
	[tilespmem:v12+s20+$0x0] =	vst.idx.msk $0xffff, v9  }
0x2aa: {  	v13 =	vor.u32 v57, v1;
	[tilespmem:v16+s20+$0x0] =	vst.idx.msk $0xffff, v15  }
0x2ab: {  	v17 =	vor.u32 v18, v14;
	v26 =	vld [tilespmem:$0x1FF80];
	_ =	sdelay $0x2  }
0x2ac: {  	v11 =	vld.idx.msk [tilespmem:v11+s17+$0x0], $0xffff;
	v9 =	vor.u32 v37, v3  }
0x2ad: {  	v46 =	vmov v18;
	v12 =	vld.idx.msk [tilespmem:v13+s17+$0x0], $0xffff;
	v18 =	vor.u32 v60, v2  }
0x2ae: {  	v16 =	vld.idx.msk [tilespmem:v17+s17+$0x0], $0xffff;
	v17 =	vor.u32 v26, v6  }
0x2af: {  	v55 =	vmov v25;
	v25 =	vld [tilespmem:$0x1FF00];
	_ =	sdelay $0x1  }
0x2b0: {  	[tilespmem:v9+s20+$0x0] =	vst.idx.msk $0xffff, v11  }
0x2b1: {  	v13 =	vor.u32 v49, v4;
	[tilespmem:v18+s20+$0x0] =	vst.idx.msk $0xffff, v12  }
0x2b2: {  	v15 =	vor.u32 v33, v1;
	[tilespmem:v17+s20+$0x0] =	vst.idx.msk $0xffff, v16  }
0x2b3: {  	v20 =	vlaneseq.u32;
	v42 =	vmovc v50;
	s28 =	simm.s32 $0x3;
	v50 =	vmov v19;
	v19 =	vor.u32 v25, v14;
	v29 =	vld [tilespmem:$0x1FDD0]  }
0x2b4: {  	v5 =	vadd.s32 s28, v20  }
0x2b5: {  	v8 =	vand.u32 $0xF, v5  }
0x2b6: {  	v9 =	vshll.u32 v8, $0x7;
	v11 =	vld.idx.msk [tilespmem:v13+s17+$0x0], $0xffff;
	v13 =	vor.u32 v43, v7  }
0x2b7: {  	v12 =	vor.u32 v20, v9;
	v20 =	vor.u32 v31, v0;
	v15 =	vld.idx.msk [tilespmem:v15+s17+$0x0], $0xffff  }
0x2b8: {  	v17 =	vld.idx.msk [tilespmem:v19+s17+$0x0], $0xffff;
	v19 =	vor.u32 v29, v10  }
0x2b9: {  	v27 =	vld [tilespmem:$0x1FDE0];
	_ =	sdelay $0x1  }
0x2ba: {  	[tilespmem:v13+s20+$0x0] =	vst.idx.msk $0xffff, v11  }
0x2bb: {  	v18 =	vor.u32 v22, v4;
	[tilespmem:v20+s20+$0x0] =	vst.idx.msk $0xffff, v15  }
0x2bc: {  	v16 =	vor.u32 v28, v1;
	[tilespmem:v19+s20+$0x0] =	vst.idx.msk $0xffff, v17  }
0x2bd: {  	v62 =	vmov v44;
	v21 =	vor.u32 v27, v14;
	v44 =	vld [tilespmem:$0x1FDF0];
	_ =	sdelay $0x1  }
0x2be: {  	v12 =	vld.idx.msk [tilespmem:v12+s17+$0x0], $0xffff;
	v11 =	vor.u32 v40, v8  }
0x2bf: {  	v13 =	vld.idx.msk [tilespmem:v18+s17+$0x0], $0xffff;
	v18 =	vor.u32 v52, v3  }
0x2c0: {  	v30 =	vmov v22;
	v22 =	vor.u32 v59, v2;
	v16 =	vld.idx.msk [tilespmem:v16+s17+$0x0], $0xffff  }
0x2c1: {  	v15 =	vor.u32 v41, v9;
	v19 =	vld.idx.msk [tilespmem:v21+s17+$0x0], $0xffff;
	v21 =	vor.u32 v44, v6  }
0x2c2: {  	v58 =	vld [tilespmem:$0x1FE00]  }
0x2c3: {  	[tilespmem:v11+s20+$0x0] =	vst.idx.msk $0xffff, v12  }
0x2c4: {  	[tilespmem:v18+s20+$0x0] =	vst.idx.msk $0xffff, v13  }
0x2c5: {  	v20 =	vor.u32 v53, v4;
	[tilespmem:v22+s20+$0x0] =	vst.idx.msk $0xffff, v16  }
0x2c6: {  	v17 =	vor.u32 v63, v1;
	v11 =	vld.idx.msk [tilespmem:v15+s17+$0x0], $0xffff;
	[tilespmem:v21+s20+$0x0] =	vst.idx.msk $0xffff, v19  }
0x2c7: {  	v12 =	vor.u32 v39, v5;
	v23 =	vor.u32 v58, v14;
	v22 =	vld [tilespmem:$0x1FE10];
	_ =	sdelay $0x2  }
0x2c8: {  	v13 =	vld.idx.msk [tilespmem:v20+s17+$0x0], $0xffff;
	v15 =	vor.u32 v54, v7  }
0x2c9: {  	v18 =	vor.u32 v51, v0;
	v17 =	vld.idx.msk [tilespmem:v17+s17+$0x0], $0xffff  }
0x2ca: {  	v21 =	vld.idx.msk [tilespmem:v23+s17+$0x0], $0xffff;
	[tilespmem:v12+s20+$0x0] =	vst.idx.msk $0xffff, v11;
	v22 =	vor.u32 v22, v10  }
0x2cb: {  	v35 =	vld [tilespmem:$0x1FE20];
	_ =	sdelay $0x1  }
0x2cc: {  	v16 =	vor.u32 v55, v9;
	[tilespmem:v15+s20+$0x0] =	vst.idx.msk $0xffff, v13  }
0x2cd: {  	v20 =	vor.u32 v42, v4;
	[tilespmem:v18+s20+$0x0] =	vst.idx.msk $0xffff, v17  }
0x2ce: {  	v19 =	vor.u32 v50, v1;
	[tilespmem:v22+s20+$0x0] =	vst.idx.msk $0xffff, v21  }
0x2cf: {  	v32 =	vmov v43;
	v43 =	vmov v55;
	v11 =	vor.u32 v35, v14;
	v55 =	vld [tilespmem:$0x1FE30];
	_ =	sdelay $0x1  }
0x2d0: {  	v12 =	vld.idx.msk [tilespmem:v16+s17+$0x0], $0xffff;
	v13 =	vor.u32 v47, v8  }
0x2d1: {  	v17 =	vor.u32 v38, v3;
	v15 =	vld.idx.msk [tilespmem:v20+s17+$0x0], $0xffff  }
0x2d2: {  	v20 =	vor.u32 v62, v2;
	v18 =	vld.idx.msk [tilespmem:v19+s17+$0x0], $0xffff  }
0x2d3: {  	v11 =	vld.idx.msk [tilespmem:v11+s17+$0x0], $0xffff;
	v22 =	vor.u32 v55, v6  }
0x2d4: {  	v56 =	vld [tilespmem:$0x1FCC0]  }
0x2d5: {  	[tilespmem:v13+s20+$0x0] =	vst.idx.msk $0xffff, v12  }
0x2d6: {  	[tilespmem:v17+s20+$0x0] =	vst.idx.msk $0xffff, v15  }
0x2d7: {  	v16 =	vor.u32 v45, v9;
	[tilespmem:v20+s20+$0x0] =	vst.idx.msk $0xffff, v18  }
0x2d8: {  	v19 =	vor.u32 v57, v4;
	[tilespmem:v22+s20+$0x0] =	vst.idx.msk $0xffff, v11  }
0x2d9: {  	v23 =	vor.u32 v56, v14;
	v59 =	vld [tilespmem:$0x1FE40]  }
0x2da: {  	v36 =	vmov v62;
	v21 =	vor.u32 v46, v1;
	v62 =	vld [tilespmem:$0x1FE50];
	_ =	sdelay $0x1  }
0x2db: {  	v15 =	vor.u32 v37, v5;
	v12 =	vld.idx.msk [tilespmem:v16+s17+$0x0], $0xffff  }
0x2dc: {  	v18 =	vor.u32 v60, v7;
	v16 =	vld.idx.msk [tilespmem:v19+s17+$0x0], $0xffff  }
0x2dd: {  	v23 =	vld.idx.msk [tilespmem:v23+s17+$0x0], $0xffff;
	v24 =	vor.u32 v59, v10  }
0x2de: {  	v19 =	vld.idx.msk [tilespmem:v21+s17+$0x0], $0xffff;
	v21 =	vor.u32 v26, v0;
	v22 =	vor.u32 v25, v1;
	v25 =	vor.u32 v62, v14;
	_ =	sdelay $0x1  }
0x2df: {  	v17 =	vor.u32 v49, v9;
	[tilespmem:v15+s20+$0x0] =	vst.idx.msk $0xffff, v12  }
0x2e0: {  	v20 =	vor.u32 v33, v4;
	[tilespmem:v18+s20+$0x0] =	vst.idx.msk $0xffff, v16  }
0x2e1: {  	[tilespmem:v24+s20+$0x0] =	vst.idx.msk $0xffff, v23  }
0x2e2: {  	s29 =	simm.s32 $0x4;
	v26 =	vlaneseq.u32;
	[tilespmem:v21+s20+$0x0] =	vst.idx.msk $0xffff, v19;
	v24 =	vld.idx.msk [tilespmem:v25+s17+$0x0], $0xffff  }
0x2e3: {  	v11 =	vadd.s32 s29, v26;
	v25 =	vld [tilespmem:$0x1FE60]  }
0x2e4: {  	v13 =	vand.u32 $0xF, v11;
	v15 =	vld.idx.msk [tilespmem:v17+s17+$0x0], $0xffff;
	v17 =	vor.u32 v32, v8  }
0x2e5: {  	v12 =	vshll.u32 v13, $0x7;
	v18 =	vld.idx.msk [tilespmem:v20+s17+$0x0], $0xffff;
	v20 =	vor.u32 v31, v3  }
0x2e6: {  	v16 =	vor.u32 v26, v12;
	v26 =	vor.u32 v29, v2;
	v21 =	vld.idx.msk [tilespmem:v22+s17+$0x0], $0xffff;
	_ =	sdelay $0x1  }
0x2e7: {  	v32 =	vld [tilespmem:$0x1FE70];
	v25 =	vor.u32 v25, v6  }
0x2e8: {  	[tilespmem:v17+s20+$0x0] =	vst.idx.msk $0xffff, v15  }
0x2e9: {  	v19 =	vor.u32 v30, v9;
	[tilespmem:v20+s20+$0x0] =	vst.idx.msk $0xffff, v18  }
0x2ea: {  	v22 =	vor.u32 v28, v4;
	[tilespmem:v26+s20+$0x0] =	vst.idx.msk $0xffff, v21  }
0x2eb: {  	v23 =	vor.u32 v27, v1;
	v21 =	vor.u32 v53, v9;
	v53 =	vld [tilespmem:$0x1FEF0]  }
0x2ec: {  	v16 =	vld.idx.msk [tilespmem:v16+s17+$0x0], $0xffff;
	v15 =	vor.u32 v40, v13;
	v27 =	vor.u32 v32, v14;
	[tilespmem:v25+s20+$0x0] =	vst.idx.msk $0xffff, v24  }
0x2ed: {  	v48 =	vmov v54;
	v54 =	vld [tilespmem:$0x1FCD0]  }
0x2ee: {  	v17 =	vld.idx.msk [tilespmem:v19+s17+$0x0], $0xffff  }
0x2ef: {  	v19 =	vor.u32 v52, v5;
	v20 =	vld.idx.msk [tilespmem:v22+s17+$0x0], $0xffff  }
0x2f0: {  	v18 =	vor.u32 v41, v12;
	v23 =	vld.idx.msk [tilespmem:v23+s17+$0x0], $0xffff;
	v22 =	vor.u32 v53, v7  }
0x2f1: {  	v28 =	vor.u32 v44, v0;
	v25 =	vld.idx.msk [tilespmem:v27+s17+$0x0], $0xffff;
	[tilespmem:v15+s20+$0x0] =	vst.idx.msk $0xffff, v16  }
0x2f2: {  	v24 =	vor.u32 v58, v1;
	v58 =	vld [tilespmem:$0x1FE80];
	v27 =	vor.u32 v54, v10;
	_ =	sdelay $0x1  }
0x2f3: {  	[tilespmem:v19+s20+$0x0] =	vst.idx.msk $0xffff, v17  }
0x2f4: {  	v26 =	vor.u32 v63, v4;
	v16 =	vld.idx.msk [tilespmem:v18+s17+$0x0], $0xffff;
	[tilespmem:v22+s20+$0x0] =	vst.idx.msk $0xffff, v20  }
0x2f5: {  	v17 =	vor.u32 v39, v11;
	v19 =	vor.u32 v48, v8;
	[tilespmem:v28+s20+$0x0] =	vst.idx.msk $0xffff, v23;
	v18 =	vld.idx.msk [tilespmem:v21+s17+$0x0], $0xffff  }
0x2f6: {  	v20 =	vor.u32 v43, v12;
	v43 =	vld [tilespmem:$0x1FE10];
	v15 =	vor.u32 v58, v14;
	[tilespmem:v27+s20+$0x0] =	vst.idx.msk $0xffff, v25  }
0x2f7: {  	v33 =	vld [tilespmem:$0x1FED0];
	_ =	sdelay $0x1  }
0x2f8: {  	v21 =	vld.idx.msk [tilespmem:v26+s17+$0x0], $0xffff  }
0x2f9: {  	v22 =	vor.u32 v51, v3;
	v23 =	vor.u32 v42, v9;
	v24 =	vld.idx.msk [tilespmem:v24+s17+$0x0], $0xffff;
	[tilespmem:v17+s20+$0x0] =	vst.idx.msk $0xffff, v16  }
0x2fa: {  	v28 =	vor.u32 v50, v4;
	v26 =	vor.u32 v43, v2;
	v15 =	vld.idx.msk [tilespmem:v15+s17+$0x0], $0xffff;
	[tilespmem:v19+s20+$0x0] =	vst.idx.msk $0xffff, v18  }
0x2fb: {  	v25 =	vor.u32 v35, v1;
	v34 =	vld [tilespmem:$0x1FCE0];
	v27 =	vor.u32 v33, v6;
	_ =	sdelay $0x1  }
0x2fc: {  	v18 =	vor.u32 v47, v13;
	v17 =	vld.idx.msk [tilespmem:v20+s17+$0x0], $0xffff  }
0x2fd: {  	[tilespmem:v22+s20+$0x0] =	vst.idx.msk $0xffff, v21;
	v19 =	vld.idx.msk [tilespmem:v23+s17+$0x0], $0xffff  }
0x2fe: {  	v21 =	vor.u32 v38, v5;
	[tilespmem:v26+s20+$0x0] =	vst.idx.msk $0xffff, v24;
	v22 =	vld.idx.msk [tilespmem:v28+s17+$0x0], $0xffff  }
0x2ff: {  	v24 =	vor.u32 v36, v7;
	v25 =	vld.idx.msk [tilespmem:v25+s17+$0x0], $0xffff;
	v16 =	vor.u32 v34, v14;
	[tilespmem:v27+s20+$0x0] =	vst.idx.msk $0xffff, v15  }
0x300: {  	v61 =	vmov v37;
	v20 =	vor.u32 v45, v12;
	v28 =	vor.u32 v55, v0;
	v37 =	vld [tilespmem:$0x1FCF0]  }
0x301: {  	[tilespmem:v18+s20+$0x0] =	vst.idx.msk $0xffff, v17  }
0x302: {  	v36 =	vld [tilespmem:$0x1FD00]  }
0x303: {  	v23 =	vor.u32 v57, v9;
	[tilespmem:v21+s20+$0x0] =	vst.idx.msk $0xffff, v19  }
0x304: {  	v26 =	vor.u32 v46, v4;
	v16 =	vld.idx.msk [tilespmem:v16+s17+$0x0], $0xffff;
	[tilespmem:v24+s20+$0x0] =	vst.idx.msk $0xffff, v22  }
0x305: {  	v15 =	vor.u32 v56, v1;
	v18 =	vld.idx.msk [tilespmem:v20+s17+$0x0], $0xffff;
	[tilespmem:v28+s20+$0x0] =	vst.idx.msk $0xffff, v25;
	v27 =	vor.u32 v37, v10  }
0x306: {  	v24 =	vld [tilespmem:$0x1FFF0]  }
0x307: {  	v25 =	vld [tilespmem:$0x1FF80];
	v17 =	vor.u32 v36, v14  }
0x308: {  	v19 =	vor.u32 v61, v11;
	v20 =	vld.idx.msk [tilespmem:v23+s17+$0x0], $0xffff  }
0x309: {  	v23 =	vld.idx.msk [tilespmem:v26+s17+$0x0], $0xffff  }
0x30a: {  	v21 =	vor.u32 v49, v12;
	v22 =	vor.u32 v60, v8;
	v26 =	vld.idx.msk [tilespmem:v15+s17+$0x0], $0xffff;
	[tilespmem:v27+s20+$0x0] =	vst.idx.msk $0xffff, v16  }
0x30b: {  	v15 =	vld [tilespmem:$0x1FF00]  }
0x30c: {  	v24 =	vor.u32 v24, v9;
	v25 =	vor.u32 v25, v3;
	v29 =	vld.idx.msk [tilespmem:v17+s17+$0x0], $0xffff  }
0x30d: {  	v38 =	vld [tilespmem:$0x1FD10];
	[tilespmem:v19+s20+$0x0] =	vst.idx.msk $0xffff, v18  }
0x30e: {  	v28 =	vor.u32 v59, v2;
	v51 =	vld [tilespmem:$0x1FD20]  }
0x30f: {  	v19 =	vld.idx.msk [tilespmem:v21+s17+$0x0], $0xffff;
	[tilespmem:v22+s20+$0x0] =	vst.idx.msk $0xffff, v20  }
0x310: {  	v30 =	vor.u32 v62, v1;
	v21 =	vld [tilespmem:$0x1FF90]  }
0x311: {  	v22 =	vld.idx.msk [tilespmem:v24+s17+$0x0], $0xffff;
	[tilespmem:v25+s20+$0x0] =	vst.idx.msk $0xffff, v23;
	v27 =	vor.u32 v15, v4  }
0x312: {  	v23 =	vld [tilespmem:$0x1FF20];
	v31 =	vor.u32 v38, v6  }
0x313: {  	v24 =	vld [tilespmem:$0x1FC90];
	[tilespmem:v28+s20+$0x0] =	vst.idx.msk $0xffff, v26  }
0x314: {  	v26 =	vld [tilespmem:$0x1FEE0]  }
0x315: {  	v28 =	vld.idx.msk [tilespmem:v30+s17+$0x0], $0xffff  }
0x316: {  	s30 =	simm.s32 $0x5;
	v55 =	vlaneseq.u32;
	v25 =	vld.idx.msk [tilespmem:v27+s17+$0x0], $0xffff  }
0x317: {  	v15 =	vadd.s32 s30, v55;
	v21 =	vor.u32 v21, v13;
	v27 =	vld [tilespmem:$0x1FDD0];
	[tilespmem:v31+s20+$0x0] =	vst.idx.msk $0xffff, v29  }
0x318: {  	v16 =	vand.u32 $0xF, v15;
	v29 =	vld [tilespmem:$0x1FDE0]  }
0x319: {  	v18 =	vor.u32 v51, v14;
	v17 =	vshll.u32 v16, $0x7;
	v30 =	vld [tilespmem:$0x1FE60]  }
0x31a: {  	v20 =	vor.u32 v55, v17  }
0x31b: {  	v23 =	vor.u32 v23, v12;
	v24 =	vor.u32 v24, v5;
	v56 =	vld [tilespmem:$0x1FF50]  }
0x31c: {  	v26 =	vor.u32 v26, v9;
	[tilespmem:v21+s20+$0x0] =	vst.idx.msk $0xffff, v19;
	v27 =	vor.u32 v27, v7  }
0x31d: {  	v19 =	vld [tilespmem:$0x1FD30]  }
0x31e: {  	v18 =	vld.idx.msk [tilespmem:v18+s17+$0x0], $0xffff;
	v29 =	vor.u32 v29, v4;
	v30 =	vor.u32 v30, v0  }
0x31f: {  	v20 =	vld.idx.msk [tilespmem:v20+s17+$0x0], $0xffff  }
0x320: {  	v31 =	vor.u32 v32, v1;
	v23 =	vld.idx.msk [tilespmem:v23+s17+$0x0], $0xffff;
	[tilespmem:v24+s20+$0x0] =	vst.idx.msk $0xffff, v22;
	v59 =	vor.u32 v56, v10  }
0x321: {  	v26 =	vld.idx.msk [tilespmem:v26+s17+$0x0], $0xffff;
	[tilespmem:v27+s20+$0x0] =	vst.idx.msk $0xffff, v25  }
0x322: {  	v21 =	vor.u32 v40, v16;
	v19 =	vor.u32 v19, v14;
	v25 =	vld [tilespmem:$0x1FC50]  }
0x323: {  	v24 =	vor.u32 v52, v11;
	v29 =	vld.idx.msk [tilespmem:v29+s17+$0x0], $0xffff;
	[tilespmem:v30+s20+$0x0] =	vst.idx.msk $0xffff, v28  }
0x324: {  	v27 =	vor.u32 v53, v8;
	v28 =	vld [tilespmem:$0x1FF10]  }
0x325: {  	v31 =	vld.idx.msk [tilespmem:v31+s17+$0x0], $0xffff;
	[tilespmem:v59+s20+$0x0] =	vst.idx.msk $0xffff, v18  }
0x326: {  	v30 =	vor.u32 v44, v3;
	v18 =	vld [tilespmem:$0x1FE00]  }
0x327: {  	v19 =	vld.idx.msk [tilespmem:v19+s17+$0x0], $0xffff;
	[tilespmem:v21+s20+$0x0] =	vst.idx.msk $0xffff, v20  }
0x328: {  	v35 =	vld [tilespmem:$0x1FF40];
	[tilespmem:v24+s20+$0x0] =	vst.idx.msk $0xffff, v23  }
0x329: {  	v60 =	vor.u32 v54, v2;
	v22 =	vor.u32 v41, v17;
	v23 =	vld [tilespmem:$0x1FD40];
	[tilespmem:v27+s20+$0x0] =	vst.idx.msk $0xffff, v26  }
0x32a: {  	v26 =	vld [tilespmem:$0x1FC60]  }
0x32b: {  	v63 =	vmov v52;
	v42 =	vmov v25;
	v25 =	vor.u32 v25, v12;
	v52 =	vld [tilespmem:$0x1FC40];
	[tilespmem:v30+s20+$0x0] =	vst.idx.msk $0xffff, v29  }
0x32c: {  	v28 =	vor.u32 v28, v9;
	v29 =	vld [tilespmem:$0x1FF60]  }
0x32d: {  	v30 =	vld [tilespmem:$0x1FC70];
	v18 =	vor.u32 v18, v4;
	v21 =	vor.u32 v35, v6  }
0x32e: {  	v22 =	vld.idx.msk [tilespmem:v22+s17+$0x0], $0xffff;
	[tilespmem:v60+s20+$0x0] =	vst.idx.msk $0xffff, v31  }
0x32f: {  	v20 =	vor.u32 v58, v1;
	v24 =	vor.u32 v39, v15;
	v32 =	vld [tilespmem:$0x1FCA0]  }
0x330: {  	v25 =	vld.idx.msk [tilespmem:v25+s17+$0x0], $0xffff;
	v54 =	vmov v26;
	v26 =	vor.u32 v26, v13  }
0x331: {  	v28 =	vld.idx.msk [tilespmem:v28+s17+$0x0], $0xffff;
	v29 =	vor.u32 v29, v5  }
0x332: {  	v55 =	vmov v30;
	v30 =	vor.u32 v30, v12;
	v18 =	vld.idx.msk [tilespmem:v18+s17+$0x0], $0xffff;
	[tilespmem:v21+s20+$0x0] =	vst.idx.msk $0xffff, v19  }
0x333: {  	v31 =	vor.u32 v43, v7;
	v21 =	vld [tilespmem:$0x1FE20]  }
0x334: {  	v20 =	vld.idx.msk [tilespmem:v20+s17+$0x0], $0xffff;
	[tilespmem:v24+s20+$0x0] =	vst.idx.msk $0xffff, v22  }
0x335: {  	v23 =	vor.u32 v23, v14;
	v44 =	vld [tilespmem:$0x1FF30];
	[tilespmem:v26+s20+$0x0] =	vst.idx.msk $0xffff, v25  }
0x336: {  	v27 =	vor.u32 v52, v17;
	v26 =	vld [tilespmem:$0x1FD50]  }
0x337: {  	v32 =	vor.u32 v32, v9;
	[tilespmem:v29+s20+$0x0] =	vst.idx.msk $0xffff, v28;
	v28 =	vld.idx.msk [tilespmem:v30+s17+$0x0], $0xffff  }
0x338: {  	v19 =	vor.u32 v33, v0;
	v30 =	vld [tilespmem:$0x1FFD0];
	[tilespmem:v31+s20+$0x0] =	vst.idx.msk $0xffff, v18;
	v21 =	vor.u32 v21, v4  }
0x339: {  	v46 =	vld [tilespmem:$0x1FF70]  }
0x33a: {  	v23 =	vld.idx.msk [tilespmem:v23+s17+$0x0], $0xffff  }
0x33b: {  	v25 =	vld.idx.msk [tilespmem:v27+s17+$0x0], $0xffff;
	v22 =	vor.u32 v44, v10  }
0x33c: {  	v27 =	vor.u32 v47, v16;
	v18 =	vld.idx.msk [tilespmem:v32+s17+$0x0], $0xffff  }
0x33d: {  	[tilespmem:v19+s20+$0x0] =	vst.idx.msk $0xffff, v20;
	v56 =	vmov v30;
	v30 =	vor.u32 v30, v11;
	v19 =	vld.idx.msk [tilespmem:v21+s17+$0x0], $0xffff  }
0x33e: {  	v32 =	vor.u32 v46, v8;
	v21 =	vld [tilespmem:$0x1FE30];
	_ =	sdelay $0x1  }
0x33f: {  	v20 =	vld [tilespmem:$0x1FCB0];
	[tilespmem:v22+s20+$0x0] =	vst.idx.msk $0xffff, v23  }
0x340: {  	v23 =	vld [tilespmem:$0x1FCC0];
	[tilespmem:v27+s20+$0x0] =	vst.idx.msk $0xffff, v25  }
0x341: {  	v27 =	vld [tilespmem:$0x1FD60];
	[tilespmem:v30+s20+$0x0] =	vst.idx.msk $0xffff, v28  }
0x342: {  	v28 =	vld [tilespmem:$0x1FD70];
	[tilespmem:v32+s20+$0x0] =	vst.idx.msk $0xffff, v18;
	v21 =	vor.u32 v21, v3  }
0x343: {  	v18 =	vld [tilespmem:$0x1FC80];
	_ =	sdelay $0x3  }
0x344: {  	v24 =	vor.u32 v34, v1;
	[tilespmem:v21+s20+$0x0] =	vst.idx.msk $0xffff, v19  }
0x345: {  	v43 =	vmovc v57;
	v31 =	vor.u32 v57, v12;
	v57 =	vmov v18;
	v33 =	vor.u32 v18, v13;
	v18 =	vld [tilespmem:$0x1FFF0];
	_ =	sdelay $0x3  }
0x346: {  	v22 =	vld.idx.msk [tilespmem:v24+s17+$0x0], $0xffff;
	v24 =	vor.u32 v37, v2  }
0x347: {  	v25 =	vor.u32 v36, v1;
	v59 =	vmov v18;
	v36 =	vor.u32 v18, v12;
	v18 =	vld [tilespmem:$0x1FF80];
	_ =	sdelay $0x3  }
0x348: {  	v26 =	vor.u32 v26, v14;
	[tilespmem:v24+s20+$0x0] =	vst.idx.msk $0xffff, v22  }
0x349: {  	v50 =	vmovc v45;
	v29 =	vor.u32 v45, v17;
	v45 =	vmov v18;
	v35 =	vor.u32 v18, v5;
	v18 =	vld [tilespmem:$0x1FF00];
	_ =	sdelay $0x3  }
0x34a: {  	v48 =	vmov v61;
	v20 =	vor.u32 v20, v9;
	v26 =	vld.idx.msk [tilespmem:v26+s17+$0x0], $0xffff  }
0x34b: {  	v23 =	vor.u32 v23, v4;
	v27 =	vor.u32 v27, v6;
	v58 =	vmovc v18;
	v22 =	vor.u32 v18, v9;
	v18 =	vld [tilespmem:$0x1FE40]  }
0x34c: {  	v29 =	vld.idx.msk [tilespmem:v29+s17+$0x0], $0xffff;
	v30 =	vor.u32 v48, v15;
	_ =	sdelay $0x1  }
0x34d: {  	v31 =	vld.idx.msk [tilespmem:v31+s17+$0x0], $0xffff  }
0x34e: {  	v34 =	vld.idx.msk [tilespmem:v20+s17+$0x0], $0xffff  }
0x34f: {  	v23 =	vld.idx.msk [tilespmem:v23+s17+$0x0], $0xffff;
	[tilespmem:v27+s20+$0x0] =	vst.idx.msk $0xffff, v26;
	v24 =	vor.u32 v18, v7  }
0x350: {  	v53 =	vld.idx.msk [tilespmem:v25+s17+$0x0], $0xffff;
	[tilespmem:v30+s20+$0x0] =	vst.idx.msk $0xffff, v29  }
0x351: {  	v25 =	vld [tilespmem:$0x1FF90]  }
0x352: {  	v20 =	vld [tilespmem:$0x1FD80];
	[tilespmem:v33+s20+$0x0] =	vst.idx.msk $0xffff, v31  }
0x353: {  	v21 =	vld [tilespmem:$0x1FD90];
	[tilespmem:v35+s20+$0x0] =	vst.idx.msk $0xffff, v34  }
0x354: {  	[tilespmem:v24+s20+$0x0] =	vst.idx.msk $0xffff, v23  }
0x355: {  	v26 =	vor.u32 v38, v0;
	v23 =	vld [tilespmem:$0x1FF20]  }
0x356: {  	s31 =	simm.s32 $0x6;
	v61 =	vlaneseq.u32  }
0x357: {  	v18 =	vadd.s32 s31, v61  }
0x358: {  	v44 =	vmov v39;
	v28 =	vor.u32 v28, v14;
	v19 =	vand.u32 $0xF, v18  }
0x359: {  	v39 =	vor.u32 v20, v10;
	v46 =	vmovc v25;
	v33 =	vor.u32 v25, v16;
	v25 =	vld.idx.msk [tilespmem:v22+s17+$0x0], $0xffff;
	v20 =	vshll.u32 v19, $0x7  }
0x35a: {  	v35 =	vor.u32 v61, v20;
	v61 =	vmov v23;
	v34 =	vor.u32 v23, v17;
	v23 =	vld [tilespmem:$0x1FC90];
	[tilespmem:v26+s20+$0x0] =	vst.idx.msk $0xffff, v53  }
0x35b: {  	v22 =	vld [tilespmem:$0x1FEE0];
	_ =	sdelay $0x3  }
0x35c: {  	v28 =	vld.idx.msk [tilespmem:v28+s17+$0x0], $0xffff  }
0x35d: {  	v38 =	vor.u32 v51, v1;
	v51 =	vmov v22;
	v31 =	vor.u32 v22, v12;
	v22 =	vld [tilespmem:$0x1FDD0];
	_ =	sdelay $0x3  }
0x35e: {  	[tilespmem:v39+s20+$0x0] =	vst.idx.msk $0xffff, v28  }
0x35f: {  	v53 =	vmov v22;
	v26 =	vor.u32 v22, v8;
	v22 =	vld [tilespmem:$0x1FDE0];
	_ =	sdelay $0x1  }
0x360: {  	v32 =	vor.u32 v49, v17;
	_ =	sdelay $0x1  }
0x361: {  	v27 =	vor.u32 v62, v4  }
0x362: {  	v62 =	vmov v22;
	v28 =	vor.u32 v22, v9;
	v22 =	vld [tilespmem:$0x1FE60];
	_ =	sdelay $0x1  }
0x363: {  	v32 =	vld.idx.msk [tilespmem:v32+s17+$0x0], $0xffff  }
0x364: {  	v29 =	vld.idx.msk [tilespmem:v36+s17+$0x0], $0xffff  }
0x365: {  	v60 =	vmov v47;
	v47 =	vmov v23;
	v30 =	vor.u32 v23, v11;
	v23 =	vld.idx.msk [tilespmem:v27+s17+$0x0], $0xffff  }
0x366: {  	s26 =	simm.s32 $0x7;
	v21 =	vor.u32 v21, v14;
	v24 =	vor.u32 v22, v3;
	v22 =	vld.idx.msk [tilespmem:v38+s17+$0x0], $0xffff  }
.LBB2_5:
0x367: {  	v27 =	vld [tilespmem:$0x1FE70];
	_ =	sdelay $0x4  }
0x368: {  	v36 =	vor.u32 v27, v4;
	v27 =	vld [tilespmem:$0x1FF50];
	_ =	sdelay $0x2  }
0x369: {  	v21 =	vld.idx.msk [tilespmem:v21+s17+$0x0], $0xffff  }
0x36a: {  	v38 =	vld [tilespmem:$0x1FD30]  }
0x36b: {  	v39 =	vld [tilespmem:$0x1FDA0];
	v37 =	vor.u32 v27, v2  }
0x36c: {  	v27 =	vmov v12;
	v12 =	vmov v17;
	v17 =	vmov v20;
	v20 =	vld.idx.msk [tilespmem:v35+s17+$0x0], $0xffff;
	[tilespmem:v33+s20+$0x0] =	vst.idx.msk $0xffff, v32  }
0x36d: {  	v34 =	vld.idx.msk [tilespmem:v34+s17+$0x0], $0xffff  }
0x36e: {  	[tilespmem:v30+s20+$0x0] =	vst.idx.msk $0xffff, v29;
	v29 =	vld [tilespmem:$0x1FE90]  }
0x36f: {  	v30 =	vor.u32 v41, v17;
	v41 =	vld [tilespmem:$0x1FCD0]  }
0x370: {  	v31 =	vld.idx.msk [tilespmem:v31+s17+$0x0], $0xffff  }
0x371: {  	[tilespmem:v26+s20+$0x0] =	vst.idx.msk $0xffff, v25;
	v26 =	vld [tilespmem:$0x1FEF0]  }
0x372: {  	v32 =	vor.u32 v38, v1;
	v28 =	vld.idx.msk [tilespmem:v28+s17+$0x0], $0xffff  }
0x373: {  	v33 =	vor.u32 v39, v6;
	[tilespmem:v24+s20+$0x0] =	vst.idx.msk $0xffff, v23;
	v23 =	vld [tilespmem:$0x1FF10]  }
0x374: {  	v24 =	vld [tilespmem:$0x1FDF0]  }
0x375: {  	v40 =	vor.u32 v40, v19;
	v36 =	vld.idx.msk [tilespmem:v36+s17+$0x0], $0xffff  }
0x376: {  	[tilespmem:v37+s20+$0x0] =	vst.idx.msk $0xffff, v22;
	v22 =	vld [tilespmem:$0x1FE00]  }
0x377: {  	v32 =	vld.idx.msk [tilespmem:v32+s17+$0x0], $0xffff  }
0x378: {  	v29 =	vor.u32 v29, v14;
	[tilespmem:v33+s20+$0x0] =	vst.idx.msk $0xffff, v21;
	v21 =	vld [tilespmem:$0x1FF40]  }
0x379: {  	v38 =	vor.u32 v63, v15;
	v37 =	vor.u32 v41, v7;
	v41 =	vld [tilespmem:$0x1FEA0]  }
0x37a: {  	[tilespmem:v40+s20+$0x0] =	vst.idx.msk $0xffff, v20;
	v20 =	vld [tilespmem:$0x1FE80]  }
0x37b: {  	v40 =	vld [tilespmem:$0x1FD40]  }
0x37c: {  	v30 =	vld.idx.msk [tilespmem:v30+s17+$0x0], $0xffff  }
0x37d: {  	v25 =	vor.u32 v42, v12;
	v26 =	vor.u32 v26, v13;
	v23 =	vor.u32 v23, v27;
	v29 =	vld.idx.msk [tilespmem:v29+s17+$0x0], $0xffff  }
0x37e: {  	v24 =	vor.u32 v24, v5;
	[tilespmem:v38+s20+$0x0] =	vst.idx.msk $0xffff, v34;
	v34 =	vor.u32 v41, v10;
	v10 =	vld [tilespmem:$0x1FEB0]  }
0x37f: {  	v22 =	vor.u32 v22, v9  }
0x380: {  	v21 =	vor.u32 v21, v0;
	v20 =	vor.u32 v20, v4  }
0x381: {  	v33 =	vor.u32 v40, v1  }
0x382: {  	v38 =	vor.u32 v44, v18;
	v25 =	vld.idx.msk [tilespmem:v25+s17+$0x0], $0xffff;
	[tilespmem:v26+s20+$0x0] =	vst.idx.msk $0xffff, v31  }
0x383: {  	v23 =	vld.idx.msk [tilespmem:v23+s17+$0x0], $0xffff;
	[tilespmem:v24+s20+$0x0] =	vst.idx.msk $0xffff, v28;
	v14 =	vor.u32 v10, v14  }
0x384: {  	v26 =	vor.u32 v54, v16;
	v22 =	vld.idx.msk [tilespmem:v22+s17+$0x0], $0xffff;
	[tilespmem:v37+s20+$0x0] =	vst.idx.msk $0xffff, v36  }
0x385: {  	v20 =	vld.idx.msk [tilespmem:v20+s17+$0x0], $0xffff;
	[tilespmem:v21+s20+$0x0] =	vst.idx.msk $0xffff, v32  }
0x386: {  	v33 =	vld.idx.msk [tilespmem:v33+s17+$0x0], $0xffff;
	[tilespmem:v34+s20+$0x0] =	vst.idx.msk $0xffff, v29  }
0x387: {  	v39 =	vld [tilespmem:$0x1FED0];
	[tilespmem:v38+s20+$0x0] =	vst.idx.msk $0xffff, v30  }
0x388: {  	v14 =	vld.idx.msk [tilespmem:v14+s17+$0x0], $0xffff  }
0x389: {  	[tilespmem:v26+s20+$0x0] =	vst.idx.msk $0xffff, v25;
	v26 =	vld [tilespmem:$0x1FEC0]  }
0x38a: {  	v31 =	vld [tilespmem:$0x1FE10]  }
0x38b: {  	v24 =	vld [tilespmem:$0x1FF60]  }
0x38c: {  	v21 =	vld [tilespmem:$0x1FCA0]  }
0x38d: {  	v10 =	vmov v2;
	v2 =	vmov v7;
	v7 =	vor.u32 v52, v17;
	v29 =	vld [tilespmem:$0x1FE20]  }
0x38e: {  	v26 =	vor.u32 v26, v6;
	v6 =	vmov v0;
	v0 =	vld [tilespmem:$0x1FD50]  }
0x38f: {  	v30 =	vld [tilespmem:$0x1FF30]  }
0x390: {  	v24 =	vor.u32 v24, v11;
	v25 =	vld [tilespmem:$0x1FCE0]  }
0x391: {  	v28 =	vor.u32 v55, v12;
	v31 =	vor.u32 v31, v8  }
0x392: {  	v32 =	vor.u32 v39, v3;
	v21 =	vor.u32 v21, v27;
	v34 =	vld.idx.msk [tilespmem:v7+s17+$0x0], $0xffff  }
0x393: {  	v7 =	vor.u32 v0, v1;
	v0 =	vmovc v3;
	v3 =	vmovc v5;
	v5 =	vmov v11;
	v11 =	vmov v15;
	v15 =	vld [tilespmem:$0x1FF70]  }
0x394: {  	v29 =	vor.u32 v29, v9;
	v30 =	vor.u32 v30, v10  }
0x395: {  	[tilespmem:v24+s20+$0x0] =	vst.idx.msk $0xffff, v23;
	v25 =	vor.u32 v25, v4  }
0x396: {  	v24 =	vld.idx.msk [tilespmem:v28+s17+$0x0], $0xffff;
	[tilespmem:v31+s20+$0x0] =	vst.idx.msk $0xffff, v22  }
0x397: {  	v21 =	vld.idx.msk [tilespmem:v21+s17+$0x0], $0xffff  }
0x398: {  	[tilespmem:v32+s20+$0x0] =	vst.idx.msk $0xffff, v20;
	v31 =	vor.u32 v15, v13;
	v15 =	vld [tilespmem:$0x1FCB0]  }
0x399: {  	v29 =	vld.idx.msk [tilespmem:v29+s17+$0x0], $0xffff;
	[tilespmem:v30+s20+$0x0] =	vst.idx.msk $0xffff, v33  }
0x39a: {  	v25 =	vld.idx.msk [tilespmem:v25+s17+$0x0], $0xffff;
	[tilespmem:v26+s20+$0x0] =	vst.idx.msk $0xffff, v14  }
0x39b: {  	v35 =	vld.idx.msk [tilespmem:v7+s17+$0x0], $0xffff  }
0x39c: {  	v7 =	vmov v8;
	v8 =	vld [tilespmem:$0x1FD00]  }
0x39d: {  	v30 =	vor.u32 v15, v27;
	v15 =	vld [tilespmem:$0x1FE30];
	_ =	sdelay $0x3  }
0x39e: {  	v14 =	vld [tilespmem:$0x1FCC0]  }
0x39f: {  	v23 =	vor.u32 v60, v19;
	v40 =	vor.u32 v15, v3;
	v15 =	vmovc v18;
	v18 =	vor.u32 v8, v4;
	v8 =	vld [tilespmem:$0x1FD60];
	_ =	sdelay $0x3  }
0x3a0: {  	v22 =	vor.u32 v50, v17;
	v28 =	vor.u32 v56, v11;
	v26 =	vor.u32 v14, v9;
	v14 =	vld [tilespmem:$0x1FCF0]  }
0x3a1: {  	[tilespmem:v23+s20+$0x0] =	vst.idx.msk $0xffff, v34;
	v23 =	vor.u32 v8, v6;
	v8 =	vmov v13;
	v13 =	vld [tilespmem:$0x1FD70];
	_ =	sdelay $0x3  }
0x3a2: {  	v22 =	vld.idx.msk [tilespmem:v22+s17+$0x0], $0xffff;
	[tilespmem:v28+s20+$0x0] =	vst.idx.msk $0xffff, v24  }
0x3a3: {  	v41 =	vor.u32 v14, v2;
	v14 =	vmovc v1;
	v24 =	vor.u32 v13, v1;
	v1 =	vmov v4;
	v4 =	vld [tilespmem:$0x1FE40]  }
0x3a4: {  	v20 =	vor.u32 v43, v12;
	_ =	sdelay $0x3  }
0x3a5: {  	v37 =	vor.u32 v4, v7;
	v4 =	vld [tilespmem:$0x1FE50]  }
0x3a6: {  	v34 =	vld.idx.msk [tilespmem:v20+s17+$0x0], $0xffff;
	[tilespmem:v31+s20+$0x0] =	vst.idx.msk $0xffff, v21  }
0x3a7: {  	v30 =	vld.idx.msk [tilespmem:v30+s17+$0x0], $0xffff;
	[tilespmem:v40+s20+$0x0] =	vst.idx.msk $0xffff, v29  }
0x3a8: {  	v26 =	vld.idx.msk [tilespmem:v26+s17+$0x0], $0xffff;
	[tilespmem:v41+s20+$0x0] =	vst.idx.msk $0xffff, v25  }
0x3a9: {  	v38 =	vld.idx.msk [tilespmem:v18+s17+$0x0], $0xffff  }
0x3aa: {  	[tilespmem:v23+s20+$0x0] =	vst.idx.msk $0xffff, v35;
	v23 =	vor.u32 v4, v9;
	v4 =	vld [tilespmem:$0x1FD10];
	_ =	sdelay $0x4  }
0x3ab: {  	v28 =	vor.u32 v48, v15;
	v39 =	vor.u32 v4, v0;
	v4 =	vmov v9;
	v9 =	vld [tilespmem:$0x1FD20];
	_ =	sdelay $0x3  }
0x3ac: {  	v21 =	vor.u32 v49, v17;
	v13 =	vmov v16;
	v40 =	vld.idx.msk [tilespmem:v24+s17+$0x0], $0xffff  }
0x3ad: {  	v31 =	vor.u32 v57, v13;
	[tilespmem:v28+s20+$0x0] =	vst.idx.msk $0xffff, v22;
	v22 =	vor.u32 v9, v1;
	v9 =	vld [tilespmem:$0x1FD80]  }
0x3ae: {  	v36 =	vor.u32 v45, v5;
	v29 =	vor.u32 v59, v12  }
0x3af: {  	v25 =	vor.u32 v58, v27  }
0x3b0: {  	v24 =	vld [tilespmem:$0x1FE60]  }
0x3b1: {  	v33 =	vlaneseq.u32;
	v32 =	vld.idx.msk [tilespmem:v21+s17+$0x0], $0xffff  }
0x3b2: {  	v18 =	vadd.s32 s26, v33;
	[tilespmem:v31+s20+$0x0] =	vst.idx.msk $0xffff, v34;
	v41 =	vor.u32 v9, v10;
	v9 =	vld [tilespmem:$0x1FD90]  }
0x3b3: {  	p1 =	sne.s32 s26, $0xF;
	v16 =	vmov v19;
	v19 =	vand.u32 $0xF, v18;
	v29 =	vld.idx.msk [tilespmem:v29+s17+$0x0], $0xffff;
	[tilespmem:v36+s20+$0x0] =	vst.idx.msk $0xffff, v30  }
.Ltmp1:
0x3b4: {  	v20 =	vshll.u32 v19, $0x7;
	v25 =	vld.idx.msk [tilespmem:v25+s17+$0x0], $0xffff;
	[tilespmem:v37+s20+$0x0] =	vst.idx.msk $0xffff, v26;
	(pc) =	sbr.rel @p1 .LBB2_5-.Ltmp1, $4  }
0x3b5: {  	v35 =	vor.u32 v33, v20;
	v23 =	vld.idx.msk [tilespmem:v23+s17+$0x0], $0xffff;
	[tilespmem:v39+s20+$0x0] =	vst.idx.msk $0xffff, v38  }
0x3b6: {  	v33 =	vor.u32 v46, v16;
	v34 =	vor.u32 v61, v17;
	v31 =	vor.u32 v51, v12;
	v22 =	vld.idx.msk [tilespmem:v22+s17+$0x0], $0xffff  }
0x3b7: {  	v30 =	vor.u32 v47, v11;
	v21 =	vor.u32 v9, v14;
	v9 =	vmov v27;
	[tilespmem:v41+s20+$0x0] =	vst.idx.msk $0xffff, v40;
	v41 =	vld [tilespmem:$0x1FDC0]  }
0x3b8: {  	s26 =	sadd.s32 $0x1, s26;
	v26 =	vor.u32 v53, v8;
	v24 =	vor.u32 v24, v3;
	v40 =	vld [tilespmem:$0x1FDB0];
	v28 =	vor.u32 v62, v9  }
0x3b9: {  	_ =	sdelay $0x3  }
0x3ba: {  	v27 =	vld.idx.msk [tilespmem:v35+s17+$0x0], $0xffff;
	v35 =	vor.u32 v40, v19  }
0x3bb: {  	v36 =	vor.u32 v41, v20;
	_ =	sdelay $0x3  }
0x3bc: {  	[tilespmem:v35+s20+$0x0] =	vst.idx.msk $0xffff, v27  }
0x3bd: {  	v39 =	vmov v44;
	v44 =	vor.u32 v44, v18;
	v27 =	vld.idx.msk [tilespmem:v36+s17+$0x0], $0xffff  }
0x3be: {  	v52 =	vor.u32 v52, v20;
	_ =	sdelay $0x3  }
0x3bf: {  	[tilespmem:v44+s20+$0x0] =	vst.idx.msk $0xffff, v27  }
0x3c0: {  	v44 =	vor.u32 v60, v19;
	v27 =	vld.idx.msk [tilespmem:v52+s17+$0x0], $0xffff  }
0x3c1: {  	v52 =	vor.u32 v50, v20;
	_ =	sdelay $0x3  }
0x3c2: {  	[tilespmem:v44+s20+$0x0] =	vst.idx.msk $0xffff, v27  }
0x3c3: {  	v60 =	vor.u32 v48, v18;
	v27 =	vld.idx.msk [tilespmem:v52+s17+$0x0], $0xffff  }
0x3c4: {  	v44 =	vor.u32 v49, v20;
	_ =	sdelay $0x3  }
0x3c5: {  	[tilespmem:v60+s20+$0x0] =	vst.idx.msk $0xffff, v27  }
0x3c6: {  	v50 =	vor.u32 v46, v19;
	v27 =	vld.idx.msk [tilespmem:v44+s17+$0x0], $0xffff  }
0x3c7: {  	v52 =	vor.u32 v61, v20;
	_ =	sdelay $0x2  }
0x3c8: {  	[tilespmem:v33+s20+$0x0] =	vst.idx.msk $0xffff, v32  }
0x3c9: {  	v32 =	vld.idx.msk [tilespmem:v34+s17+$0x0], $0xffff;
	v60 =	vor.u32 v63, v15;
	[tilespmem:v50+s20+$0x0] =	vst.idx.msk $0xffff, v27  }
0x3ca: {  	v63 =	vor.u32 v63, v18;
	v27 =	vor.u32 v42, v17;
	v61 =	vld.idx.msk [tilespmem:v52+s17+$0x0], $0xffff  }
0x3cb: {  	v42 =	vor.u32 v42, v20;
	_ =	sdelay $0x2  }
0x3cc: {  	[tilespmem:v60+s20+$0x0] =	vst.idx.msk $0xffff, v32  }
0x3cd: {  	v44 =	vor.u32 v54, v16;
	v27 =	vld.idx.msk [tilespmem:v27+s17+$0x0], $0xffff;
	[tilespmem:v63+s20+$0x0] =	vst.idx.msk $0xffff, v61  }
0x3ce: {  	v46 =	vor.u32 v55, v17;
	v50 =	vor.u32 v54, v19;
	v34 =	vld.idx.msk [tilespmem:v42+s17+$0x0], $0xffff  }
0x3cf: {  	v52 =	vor.u32 v55, v20;
	_ =	sdelay $0x2  }
0x3d0: {  	[tilespmem:v44+s20+$0x0] =	vst.idx.msk $0xffff, v27  }
0x3d1: {  	v54 =	vor.u32 v56, v15;
	v27 =	vld.idx.msk [tilespmem:v46+s17+$0x0], $0xffff;
	[tilespmem:v50+s20+$0x0] =	vst.idx.msk $0xffff, v34  }
0x3d2: {  	v56 =	vor.u32 v56, v18;
	v55 =	vor.u32 v43, v17;
	v34 =	vld.idx.msk [tilespmem:v52+s17+$0x0], $0xffff  }
0x3d3: {  	v60 =	vor.u32 v43, v20;
	_ =	sdelay $0x2  }
0x3d4: {  	[tilespmem:v54+s20+$0x0] =	vst.idx.msk $0xffff, v27  }
0x3d5: {  	v61 =	vor.u32 v57, v16;
	v27 =	vld.idx.msk [tilespmem:v55+s17+$0x0], $0xffff;
	[tilespmem:v56+s20+$0x0] =	vst.idx.msk $0xffff, v34  }
0x3d6: {  	v63 =	vor.u32 v59, v17;
	v42 =	vor.u32 v57, v19;
	v34 =	vld.idx.msk [tilespmem:v60+s17+$0x0], $0xffff;
	_ =	sdelay $0x2  }
0x3d7: {  	[tilespmem:v30+s20+$0x0] =	vst.idx.msk $0xffff, v29  }
0x3d8: {  	[tilespmem:v61+s20+$0x0] =	vst.idx.msk $0xffff, v27  }
0x3d9: {  	v43 =	vor.u32 v59, v20;
	v27 =	vld.idx.msk [tilespmem:v63+s17+$0x0], $0xffff;
	[tilespmem:v42+s20+$0x0] =	vst.idx.msk $0xffff, v34  }
0x3da: {  	v44 =	vor.u32 v47, v15;
	v37 =	vld [tilespmem:$0x1FEF0];
	_ =	sdelay $0x3  }
0x3db: {  	v46 =	vor.u32 v51, v17;
	v50 =	vor.u32 v47, v18;
	v34 =	vld.idx.msk [tilespmem:v43+s17+$0x0], $0xffff  }
0x3dc: {  	v29 =	vld.idx.msk [tilespmem:v31+s17+$0x0], $0xffff;
	[tilespmem:v44+s20+$0x0] =	vst.idx.msk $0xffff, v27;
	v30 =	vor.u32 v37, v13  }
0x3dd: {  	v38 =	vld [tilespmem:$0x1FF10];
	_ =	sdelay $0x2  }
0x3de: {  	v51 =	vor.u32 v51, v20;
	v31 =	vld.idx.msk [tilespmem:v46+s17+$0x0], $0xffff;
	v52 =	vor.u32 v37, v16;
	[tilespmem:v50+s20+$0x0] =	vst.idx.msk $0xffff, v34  }
0x3df: {  	[tilespmem:v30+s20+$0x0] =	vst.idx.msk $0xffff, v29  }
0x3e0: {  	v27 =	vor.u32 v38, v12;
	v57 =	vld [tilespmem:$0x1FF60]  }
0x3e1: {  	v54 =	vor.u32 v38, v17;
	_ =	sdelay $0x1  }
0x3e2: {  	v34 =	vld.idx.msk [tilespmem:v51+s17+$0x0], $0xffff;
	[tilespmem:v52+s20+$0x0] =	vst.idx.msk $0xffff, v31  }
0x3e3: {  	v55 =	vor.u32 v37, v19;
	v59 =	vld [tilespmem:$0x1FCA0]  }
0x3e4: {  	v56 =	vor.u32 v38, v20;
	v27 =	vld.idx.msk [tilespmem:v27+s17+$0x0], $0xffff;
	v29 =	vor.u32 v57, v11  }
0x3e5: {  	v31 =	vld.idx.msk [tilespmem:v54+s17+$0x0], $0xffff;
	v60 =	vor.u32 v57, v15;
	_ =	sdelay $0x2  }
0x3e6: {  	[tilespmem:v55+s20+$0x0] =	vst.idx.msk $0xffff, v34  }
0x3e7: {  	v34 =	vld.idx.msk [tilespmem:v56+s17+$0x0], $0xffff;
	[tilespmem:v29+s20+$0x0] =	vst.idx.msk $0xffff, v27  }
0x3e8: {  	v30 =	vor.u32 v59, v12;
	v43 =	vld [tilespmem:$0x1FF70];
	[tilespmem:v60+s20+$0x0] =	vst.idx.msk $0xffff, v31  }
0x3e9: {  	v63 =	vor.u32 v57, v18;
	v61 =	vor.u32 v59, v17;
	v44 =	vld [tilespmem:$0x1FCB0]  }
0x3ea: {  	v42 =	vor.u32 v59, v20;
	_ =	sdelay $0x2  }
0x3eb: {  	v27 =	vld.idx.msk [tilespmem:v30+s17+$0x0], $0xffff;
	v29 =	vor.u32 v43, v13  }
0x3ec: {  	v31 =	vld.idx.msk [tilespmem:v61+s17+$0x0], $0xffff;
	[tilespmem:v63+s20+$0x0] =	vst.idx.msk $0xffff, v34;
	v46 =	vor.u32 v43, v16;
	v30 =	vor.u32 v44, v12  }
0x3ed: {  	v34 =	vld.idx.msk [tilespmem:v42+s17+$0x0], $0xffff;
	v50 =	vor.u32 v43, v19;
	v47 =	vor.u32 v44, v17  }
0x3ee: {  	v51 =	vor.u32 v44, v20;
	_ =	sdelay $0x1  }
0x3ef: {  	[tilespmem:v29+s20+$0x0] =	vst.idx.msk $0xffff, v27  }
0x3f0: {  	v29 =	vor.u32 v45, v11;
	[tilespmem:v46+s20+$0x0] =	vst.idx.msk $0xffff, v31;
	v27 =	vld.idx.msk [tilespmem:v30+s17+$0x0], $0xffff  }
0x3f1: {  	v52 =	vor.u32 v45, v15;
	[tilespmem:v50+s20+$0x0] =	vst.idx.msk $0xffff, v34;
	v31 =	vld.idx.msk [tilespmem:v47+s17+$0x0], $0xffff  }
0x3f2: {  	v55 =	vor.u32 v45, v18;
	v30 =	vor.u32 v58, v12;
	v34 =	vld.idx.msk [tilespmem:v51+s17+$0x0], $0xffff;
	_ =	sdelay $0x1  }
0x3f3: {  	[tilespmem:v26+s20+$0x0] =	vst.idx.msk $0xffff, v25  }
0x3f4: {  	[tilespmem:v29+s20+$0x0] =	vst.idx.msk $0xffff, v27  }
0x3f5: {  	v54 =	vor.u32 v58, v17;
	[tilespmem:v52+s20+$0x0] =	vst.idx.msk $0xffff, v31  }
0x3f6: {  	v56 =	vor.u32 v58, v20;
	[tilespmem:v55+s20+$0x0] =	vst.idx.msk $0xffff, v34;
	v27 =	vld.idx.msk [tilespmem:v30+s17+$0x0], $0xffff  }
0x3f7: {  	v29 =	vor.u32 v53, v13;
	v61 =	vld [tilespmem:$0x1FDF0];
	_ =	sdelay $0x2  }
0x3f8: {  	v57 =	vor.u32 v53, v16;
	v31 =	vld.idx.msk [tilespmem:v54+s17+$0x0], $0xffff  }
0x3f9: {  	v59 =	vor.u32 v53, v19;
	v34 =	vld.idx.msk [tilespmem:v56+s17+$0x0], $0xffff  }
0x3fa: {  	v25 =	vld.idx.msk [tilespmem:v28+s17+$0x0], $0xffff;
	v30 =	vor.u32 v62, v12;
	v26 =	vor.u32 v61, v5;
	[tilespmem:v29+s20+$0x0] =	vst.idx.msk $0xffff, v27  }
0x3fb: {  	v60 =	vld [tilespmem:$0x1FE00];
	_ =	sdelay $0x1  }
0x3fc: {  	[tilespmem:v57+s20+$0x0] =	vst.idx.msk $0xffff, v31  }
0x3fd: {  	v58 =	vor.u32 v62, v17;
	[tilespmem:v59+s20+$0x0] =	vst.idx.msk $0xffff, v34  }
0x3fe: {  	v42 =	vor.u32 v62, v20;
	v28 =	vld.idx.msk [tilespmem:v30+s17+$0x0], $0xffff;
	[tilespmem:v26+s20+$0x0] =	vst.idx.msk $0xffff, v25  }
0x3ff: {  	v29 =	vor.u32 v61, v11;
	v27 =	vor.u32 v60, v9;
	v50 =	vld [tilespmem:$0x1FE10];
	_ =	sdelay $0x2  }
0x400: {  	v44 =	vor.u32 v61, v15;
	v31 =	vld.idx.msk [tilespmem:v58+s17+$0x0], $0xffff  }
0x401: {  	v46 =	vor.u32 v61, v18;
	v34 =	vld.idx.msk [tilespmem:v42+s17+$0x0], $0xffff  }
0x402: {  	v30 =	vor.u32 v60, v12;
	[tilespmem:v29+s20+$0x0] =	vst.idx.msk $0xffff, v28;
	v25 =	vld.idx.msk [tilespmem:v27+s17+$0x0], $0xffff;
	v26 =	vor.u32 v50, v8  }
0x403: {  	v58 =	vld [tilespmem:$0x1FE20];
	_ =	sdelay $0x1  }
0x404: {  	[tilespmem:v44+s20+$0x0] =	vst.idx.msk $0xffff, v31  }
0x405: {  	v45 =	vor.u32 v60, v17;
	[tilespmem:v46+s20+$0x0] =	vst.idx.msk $0xffff, v34  }
0x406: {  	v47 =	vor.u32 v60, v20;
	v28 =	vld.idx.msk [tilespmem:v30+s17+$0x0], $0xffff;
	[tilespmem:v26+s20+$0x0] =	vst.idx.msk $0xffff, v25  }
0x407: {  	v29 =	vor.u32 v50, v13;
	v27 =	vor.u32 v58, v9;
	v54 =	vld [tilespmem:$0x1FE30];
	_ =	sdelay $0x2  }
0x408: {  	v31 =	vld.idx.msk [tilespmem:v45+s17+$0x0], $0xffff;
	v51 =	vor.u32 v50, v16  }
0x409: {  	v34 =	vld.idx.msk [tilespmem:v47+s17+$0x0], $0xffff;
	v63 =	vor.u32 v50, v19  }
0x40a: {  	v30 =	vor.u32 v58, v12;
	v25 =	vld.idx.msk [tilespmem:v27+s17+$0x0], $0xffff;
	[tilespmem:v29+s20+$0x0] =	vst.idx.msk $0xffff, v28;
	v26 =	vor.u32 v54, v5  }
0x40b: {  	v57 =	vld [tilespmem:$0x1FCC0];
	_ =	sdelay $0x1  }
0x40c: {  	[tilespmem:v51+s20+$0x0] =	vst.idx.msk $0xffff, v31  }
0x40d: {  	v43 =	vmov v62;
	v62 =	vor.u32 v58, v17;
	[tilespmem:v63+s20+$0x0] =	vst.idx.msk $0xffff, v34  }
0x40e: {  	v42 =	vor.u32 v58, v20;
	v28 =	vld.idx.msk [tilespmem:v30+s17+$0x0], $0xffff;
	[tilespmem:v26+s20+$0x0] =	vst.idx.msk $0xffff, v25  }
0x40f: {  	v29 =	vor.u32 v54, v11;
	v27 =	vor.u32 v57, v9;
	v52 =	vld [tilespmem:$0x1FE40];
	_ =	sdelay $0x2  }
0x410: {  	v31 =	vld.idx.msk [tilespmem:v62+s17+$0x0], $0xffff;
	v44 =	vor.u32 v54, v15;
	v30 =	vor.u32 v57, v12  }
0x411: {  	v34 =	vld.idx.msk [tilespmem:v42+s17+$0x0], $0xffff;
	v46 =	vor.u32 v54, v18;
	v45 =	vor.u32 v57, v17  }
0x412: {  	v47 =	vor.u32 v57, v20;
	v25 =	vld.idx.msk [tilespmem:v27+s17+$0x0], $0xffff;
	[tilespmem:v29+s20+$0x0] =	vst.idx.msk $0xffff, v28;
	v26 =	vor.u32 v52, v8  }
0x413: {  	v51 =	vld [tilespmem:$0x1FE50];
	_ =	sdelay $0x1  }
0x414: {  	v28 =	vld.idx.msk [tilespmem:v30+s17+$0x0], $0xffff;
	[tilespmem:v44+s20+$0x0] =	vst.idx.msk $0xffff, v31;
	v29 =	vor.u32 v52, v13  }
0x415: {  	[tilespmem:v46+s20+$0x0] =	vst.idx.msk $0xffff, v34;
	v31 =	vld.idx.msk [tilespmem:v45+s17+$0x0], $0xffff;
	v56 =	vor.u32 v52, v16  }
0x416: {  	v34 =	vld.idx.msk [tilespmem:v47+s17+$0x0], $0xffff;
	v62 =	vor.u32 v52, v19;
	[tilespmem:v26+s20+$0x0] =	vst.idx.msk $0xffff, v25  }
0x417: {  	v27 =	vor.u32 v51, v9;
	v44 =	vld [tilespmem:$0x1FE70]  }
0x418: {  	v50 =	vld [tilespmem:$0x1FE60]  }
0x419: {  	[tilespmem:v29+s20+$0x0] =	vst.idx.msk $0xffff, v28  }
0x41a: {  	v30 =	vor.u32 v51, v12;
	[tilespmem:v56+s20+$0x0] =	vst.idx.msk $0xffff, v31  }
0x41b: {  	v59 =	vor.u32 v51, v17;
	[tilespmem:v62+s20+$0x0] =	vst.idx.msk $0xffff, v34  }
0x41c: {  	v63 =	vor.u32 v51, v20;
	v26 =	vld.idx.msk [tilespmem:v27+s17+$0x0], $0xffff;
	[tilespmem:v24+s20+$0x0] =	vst.idx.msk $0xffff, v23  }
0x41d: {  	v62 =	vld [tilespmem:$0x1FCD0];
	v25 =	vor.u32 v44, v4;
	v27 =	vor.u32 v50, v5  }
0x41e: {  	v28 =	vor.u32 v44, v9  }
0x41f: {  	v29 =	vld.idx.msk [tilespmem:v30+s17+$0x0], $0xffff;
	v30 =	vor.u32 v50, v11  }
0x420: {  	v32 =	vld.idx.msk [tilespmem:v59+s17+$0x0], $0xffff;
	v47 =	vor.u32 v50, v15  }
0x421: {  	v35 =	vld.idx.msk [tilespmem:v63+s17+$0x0], $0xffff;
	v59 =	vor.u32 v50, v18  }
0x422: {  	v56 =	vor.u32 v44, v17;
	v24 =	vld.idx.msk [tilespmem:v25+s17+$0x0], $0xffff;
	v25 =	vor.u32 v62, v7;
	[tilespmem:v27+s20+$0x0] =	vst.idx.msk $0xffff, v26  }
0x423: {  	v27 =	vld.idx.msk [tilespmem:v28+s17+$0x0], $0xffff;
	v28 =	vor.u32 v62, v8  }
0x424: {  	v53 =	vld [tilespmem:$0x1FE80];
	[tilespmem:v30+s20+$0x0] =	vst.idx.msk $0xffff, v29  }
0x425: {  	v31 =	vor.u32 v44, v12;
	[tilespmem:v47+s20+$0x0] =	vst.idx.msk $0xffff, v32  }
0x426: {  	[tilespmem:v59+s20+$0x0] =	vst.idx.msk $0xffff, v35  }
0x427: {  	v23 =	vor.u32 v44, v20;
	v33 =	vld.idx.msk [tilespmem:v56+s17+$0x0], $0xffff;
	[tilespmem:v25+s20+$0x0] =	vst.idx.msk $0xffff, v24  }
0x428: {  	v56 =	vld [tilespmem:$0x1FF50];
	[tilespmem:v28+s20+$0x0] =	vst.idx.msk $0xffff, v27  }
0x429: {  	v26 =	vor.u32 v53, v4;
	v55 =	vld [tilespmem:$0x1FED0]  }
0x42a: {  	v30 =	vld.idx.msk [tilespmem:v31+s17+$0x0], $0xffff;
	v31 =	vor.u32 v62, v13;
	v29 =	vor.u32 v53, v9  }
0x42b: {  	v45 =	vor.u32 v62, v16  }
0x42c: {  	v47 =	vor.u32 v62, v19;
	v23 =	vld.idx.msk [tilespmem:v23+s17+$0x0], $0xffff  }
0x42d: {  	v24 =	vor.u32 v56, v2  }
0x42e: {  	v26 =	vld.idx.msk [tilespmem:v26+s17+$0x0], $0xffff;
	v27 =	vor.u32 v55, v3  }
0x42f: {  	[tilespmem:v31+s20+$0x0] =	vst.idx.msk $0xffff, v30;
	v29 =	vld.idx.msk [tilespmem:v29+s17+$0x0], $0xffff;
	v30 =	vor.u32 v55, v5  }
0x430: {  	v59 =	vld [tilespmem:$0x1FCE0];
	[tilespmem:v45+s20+$0x0] =	vst.idx.msk $0xffff, v33  }
0x431: {  	v63 =	vor.u32 v53, v12;
	[tilespmem:v47+s20+$0x0] =	vst.idx.msk $0xffff, v23  }
0x432: {  	v46 =	vor.u32 v53, v17;
	[tilespmem:v24+s20+$0x0] =	vst.idx.msk $0xffff, v22  }
0x433: {  	v21 =	vld.idx.msk [tilespmem:v21+s17+$0x0], $0xffff;
	v25 =	vor.u32 v53, v20;
	[tilespmem:v27+s20+$0x0] =	vst.idx.msk $0xffff, v26  }
0x434: {  	v47 =	vld [tilespmem:$0x1FDA0];
	[tilespmem:v30+s20+$0x0] =	vst.idx.msk $0xffff, v29  }
0x435: {  	v28 =	vor.u32 v59, v4;
	v45 =	vld [tilespmem:$0x1FCF0]  }
0x436: {  	v32 =	vld.idx.msk [tilespmem:v63+s17+$0x0], $0xffff;
	v62 =	vor.u32 v55, v11;
	v31 =	vor.u32 v59, v9  }
0x437: {  	v34 =	vld.idx.msk [tilespmem:v46+s17+$0x0], $0xffff;
	v63 =	vor.u32 v55, v15  }
0x438: {  	v24 =	vld.idx.msk [tilespmem:v25+s17+$0x0], $0xffff;
	v25 =	vor.u32 v55, v18  }
0x439: {  	v23 =	vor.u32 v59, v12;
	v36 =	vld [tilespmem:$0x1FD30];
	v26 =	vor.u32 v47, v6  }
0x43a: {  	v27 =	vor.u32 v59, v20;
	v28 =	vld.idx.msk [tilespmem:v28+s17+$0x0], $0xffff;
	v30 =	vor.u32 v45, v7  }
0x43b: {  	v22 =	vor.u32 v59, v17;
	[tilespmem:v62+s20+$0x0] =	vst.idx.msk $0xffff, v32;
	v31 =	vld.idx.msk [tilespmem:v31+s17+$0x0], $0xffff;
	v59 =	vor.u32 v45, v8  }
0x43c: {  	v46 =	vld [tilespmem:$0x1FD00];
	[tilespmem:v63+s20+$0x0] =	vst.idx.msk $0xffff, v34  }
0x43d: {  	[tilespmem:v25+s20+$0x0] =	vst.idx.msk $0xffff, v24  }
0x43e: {  	v23 =	vld.idx.msk [tilespmem:v23+s17+$0x0], $0xffff;
	v29 =	vor.u32 v36, v1;
	[tilespmem:v26+s20+$0x0] =	vst.idx.msk $0xffff, v21  }
0x43f: {  	v42 =	vor.u32 v45, v13;
	v26 =	vld.idx.msk [tilespmem:v27+s17+$0x0], $0xffff;
	[tilespmem:v30+s20+$0x0] =	vst.idx.msk $0xffff, v28  }
0x440: {  	v63 =	vld [tilespmem:$0x1FF40];
	[tilespmem:v59+s20+$0x0] =	vst.idx.msk $0xffff, v31  }
0x441: {  	v25 =	vor.u32 v45, v16;
	v55 =	vor.u32 v46, v4;
	v27 =	vor.u32 v45, v19;
	v45 =	vld [tilespmem:$0x1FD10]  }
0x442: {  	v22 =	vld.idx.msk [tilespmem:v22+s17+$0x0], $0xffff  }
0x443: {  	v34 =	vor.u32 v46, v9;
	v24 =	vor.u32 v46, v12;
	v29 =	vld.idx.msk [tilespmem:v29+s17+$0x0], $0xffff  }
0x444: {  	v21 =	vor.u32 v46, v17;
	v30 =	vor.u32 v46, v20;
	v46 =	vld [tilespmem:$0x1FE90];
	[tilespmem:v42+s20+$0x0] =	vst.idx.msk $0xffff, v23  }
0x445: {  	v59 =	vld [tilespmem:$0x1FD20];
	v28 =	vor.u32 v63, v0  }
0x446: {  	v32 =	vld.idx.msk [tilespmem:v55+s17+$0x0], $0xffff;
	v55 =	vor.u32 v45, v3;
	_ =	sdelay $0x1  }
0x447: {  	[tilespmem:v25+s20+$0x0] =	vst.idx.msk $0xffff, v22  }
0x448: {  	[tilespmem:v27+s20+$0x0] =	vst.idx.msk $0xffff, v26  }
0x449: {  	v34 =	vld.idx.msk [tilespmem:v34+s17+$0x0], $0xffff;
	v62 =	vor.u32 v45, v5;
	v23 =	vor.u32 v59, v4;
	[tilespmem:v28+s20+$0x0] =	vst.idx.msk $0xffff, v29  }
0x44a: {  	v31 =	vor.u32 v46, v14;
	v29 =	vld.idx.msk [tilespmem:v30+s17+$0x0], $0xffff;
	[tilespmem:v55+s20+$0x0] =	vst.idx.msk $0xffff, v32  }
0x44b: {  	v25 =	vor.u32 v45, v11;
	v27 =	vor.u32 v45, v15;
	v30 =	vor.u32 v45, v18;
	v45 =	vld [tilespmem:$0x1FEA0]  }
0x44c: {  	v24 =	vld.idx.msk [tilespmem:v24+s17+$0x0], $0xffff  }
0x44d: {  	v21 =	vld.idx.msk [tilespmem:v21+s17+$0x0], $0xffff  }
0x44e: {  	v22 =	vor.u32 v59, v9;
	v26 =	vor.u32 v59, v12;
	[tilespmem:v62+s20+$0x0] =	vst.idx.msk $0xffff, v34;
	v23 =	vld.idx.msk [tilespmem:v23+s17+$0x0], $0xffff  }
0x44f: {  	v42 =	vor.u32 v59, v20;
	v28 =	vor.u32 v59, v17;
	v59 =	vor.u32 v56, v7;
	v35 =	vld [tilespmem:$0x1FD40]  }
0x450: {  	v31 =	vld.idx.msk [tilespmem:v31+s17+$0x0], $0xffff;
	v10 =	vor.u32 v45, v10  }
0x451: {  	[tilespmem:v25+s20+$0x0] =	vst.idx.msk $0xffff, v24  }
0x452: {  	[tilespmem:v27+s20+$0x0] =	vst.idx.msk $0xffff, v21  }
0x453: {  	[tilespmem:v30+s20+$0x0] =	vst.idx.msk $0xffff, v29  }
0x454: {  	v22 =	vld.idx.msk [tilespmem:v22+s17+$0x0], $0xffff;
	[tilespmem:v59+s20+$0x0] =	vst.idx.msk $0xffff, v23;
	v55 =	vor.u32 v35, v1  }
0x455: {  	v24 =	vor.u32 v36, v4;
	v25 =	vor.u32 v56, v8;
	[tilespmem:v10+s20+$0x0] =	vst.idx.msk $0xffff, v31;
	v31 =	vld.idx.msk [tilespmem:v42+s17+$0x0], $0xffff  }
0x456: {  	v42 =	vld [tilespmem:$0x1FF30]  }
0x457: {  	v27 =	vor.u32 v56, v13;
	v26 =	vld.idx.msk [tilespmem:v26+s17+$0x0], $0xffff  }
0x458: {  	v28 =	vld.idx.msk [tilespmem:v28+s17+$0x0], $0xffff;
	v30 =	vor.u32 v56, v16  }
0x459: {  	v62 =	vor.u32 v56, v19;
	v33 =	vld.idx.msk [tilespmem:v55+s17+$0x0], $0xffff  }
0x45a: {  	v21 =	vor.u32 v36, v9;
	[tilespmem:v25+s20+$0x0] =	vst.idx.msk $0xffff, v22;
	v22 =	vld.idx.msk [tilespmem:v24+s17+$0x0], $0xffff;
	v24 =	vor.u32 v63, v3  }
0x45b: {  	v29 =	vor.u32 v36, v12;
	v37 =	vld [tilespmem:$0x1FEB0];
	v23 =	vor.u32 v42, v2  }
0x45c: {  	[tilespmem:v27+s20+$0x0] =	vst.idx.msk $0xffff, v26  }
0x45d: {  	v10 =	vor.u32 v36, v17;
	[tilespmem:v30+s20+$0x0] =	vst.idx.msk $0xffff, v28  }
0x45e: {  	v55 =	vor.u32 v36, v20;
	[tilespmem:v62+s20+$0x0] =	vst.idx.msk $0xffff, v31  }
0x45f: {  	v25 =	vor.u32 v35, v4;
	v21 =	vld.idx.msk [tilespmem:v21+s17+$0x0], $0xffff;
	[tilespmem:v24+s20+$0x0] =	vst.idx.msk $0xffff, v22  }
0x460: {  	v26 =	vor.u32 v63, v5;
	v28 =	vld.idx.msk [tilespmem:v29+s17+$0x0], $0xffff;
	v14 =	vor.u32 v37, v14;
	[tilespmem:v23+s20+$0x0] =	vst.idx.msk $0xffff, v33  }
0x461: {  	v36 =	vld [tilespmem:$0x1FEC0]  }
0x462: {  	v29 =	vor.u32 v63, v11;
	v10 =	vld.idx.msk [tilespmem:v10+s17+$0x0], $0xffff  }
0x463: {  	v31 =	vor.u32 v63, v15;
	v32 =	vld.idx.msk [tilespmem:v55+s17+$0x0], $0xffff  }
0x464: {  	v56 =	vor.u32 v63, v18;
	v27 =	vor.u32 v35, v9;
	v24 =	vld.idx.msk [tilespmem:v25+s17+$0x0], $0xffff  }
0x465: {  	v30 =	vor.u32 v35, v12;
	v25 =	vor.u32 v42, v7;
	v14 =	vld.idx.msk [tilespmem:v14+s17+$0x0], $0xffff;
	[tilespmem:v26+s20+$0x0] =	vst.idx.msk $0xffff, v21  }
0x466: {  	v22 =	vor.u32 v35, v20;
	v59 =	vld [tilespmem:$0x1FD50];
	v6 =	vor.u32 v36, v6  }
0x467: {  	[tilespmem:v29+s20+$0x0] =	vst.idx.msk $0xffff, v28  }
0x468: {  	[tilespmem:v31+s20+$0x0] =	vst.idx.msk $0xffff, v10  }
0x469: {  	v27 =	vld.idx.msk [tilespmem:v27+s17+$0x0], $0xffff;
	[tilespmem:v56+s20+$0x0] =	vst.idx.msk $0xffff, v32  }
0x46a: {  	v62 =	vor.u32 v42, v16;
	v23 =	vor.u32 v35, v17;
	[tilespmem:v25+s20+$0x0] =	vst.idx.msk $0xffff, v24;
	v29 =	vld.idx.msk [tilespmem:v30+s17+$0x0], $0xffff  }
0x46b: {  	v28 =	vor.u32 v42, v8;
	v21 =	vor.u32 v59, v1;
	[tilespmem:v6+s20+$0x0] =	vst.idx.msk $0xffff, v14;
	v14 =	vld.idx.msk [tilespmem:v22+s17+$0x0], $0xffff  }
0x46c: {  	v30 =	vor.u32 v42, v13;
	v26 =	vor.u32 v59, v4;
	v22 =	vor.u32 v42, v19;
	v42 =	vld [tilespmem:$0x1FD60];
	_ =	sdelay $0x1  }
0x46d: {  	v10 =	vor.u32 v59, v9  }
0x46e: {  	v23 =	vld.idx.msk [tilespmem:v23+s17+$0x0], $0xffff  }
0x46f: {  	v21 =	vld.idx.msk [tilespmem:v21+s17+$0x0], $0xffff  }
0x470: {  	[tilespmem:v28+s20+$0x0] =	vst.idx.msk $0xffff, v27;
	v26 =	vld.idx.msk [tilespmem:v26+s17+$0x0], $0xffff;
	v24 =	vor.u32 v42, v0  }
0x471: {  	v33 =	vld [tilespmem:$0x1FD70];
	v28 =	vor.u32 v42, v3  }
0x472: {  	[tilespmem:v30+s20+$0x0] =	vst.idx.msk $0xffff, v29;
	v10 =	vld.idx.msk [tilespmem:v10+s17+$0x0], $0xffff;
	v30 =	vor.u32 v42, v5  }
0x473: {  	[tilespmem:v62+s20+$0x0] =	vst.idx.msk $0xffff, v23  }
0x474: {  	v31 =	vor.u32 v59, v12;
	[tilespmem:v22+s20+$0x0] =	vst.idx.msk $0xffff, v14  }
0x475: {  	v6 =	vor.u32 v59, v17;
	[tilespmem:v24+s20+$0x0] =	vst.idx.msk $0xffff, v21  }
0x476: {  	v25 =	vor.u32 v59, v20;
	[tilespmem:v28+s20+$0x0] =	vst.idx.msk $0xffff, v26  }
0x477: {  	v27 =	vor.u32 v33, v1;
	v56 =	vld [tilespmem:$0x1FD80];
	[tilespmem:v30+s20+$0x0] =	vst.idx.msk $0xffff, v10  }
0x478: {  	v29 =	vor.u32 v33, v4;
	v59 =	vld [tilespmem:$0x1FD90]  }
0x479: {  	v31 =	vld.idx.msk [tilespmem:v31+s17+$0x0], $0xffff;
	v55 =	vor.u32 v42, v11;
	v23 =	vor.u32 v33, v9  }
0x47a: {  	v6 =	vld.idx.msk [tilespmem:v6+s17+$0x0], $0xffff;
	v22 =	vor.u32 v42, v15;
	v14 =	vor.u32 v33, v12  }
0x47b: {  	v21 =	vor.u32 v33, v17;
	v24 =	vld.idx.msk [tilespmem:v25+s17+$0x0], $0xffff;
	v25 =	vor.u32 v42, v18  }
0x47c: {  	v28 =	vor.u32 v33, v20;
	v27 =	vld.idx.msk [tilespmem:v27+s17+$0x0], $0xffff;
	v26 =	vor.u32 v56, v2  }
0x47d: {  	v29 =	vld.idx.msk [tilespmem:v29+s17+$0x0], $0xffff;
	v30 =	vor.u32 v56, v7;
	v10 =	vor.u32 v59, v1  }
0x47e: {  	[tilespmem:v55+s20+$0x0] =	vst.idx.msk $0xffff, v31;
	v23 =	vld.idx.msk [tilespmem:v23+s17+$0x0], $0xffff;
	v62 =	vor.u32 v56, v8;
	v31 =	vor.u32 v59, v4  }
0x47f: {  	[tilespmem:v22+s20+$0x0] =	vst.idx.msk $0xffff, v6;
	v14 =	vld.idx.msk [tilespmem:v14+s17+$0x0], $0xffff;
	v22 =	vor.u32 v56, v13;
	v6 =	vor.u32 v59, v9  }
0x480: {  	[tilespmem:v25+s20+$0x0] =	vst.idx.msk $0xffff, v24;
	v21 =	vld.idx.msk [tilespmem:v21+s17+$0x0], $0xffff;
	v25 =	vor.u32 v56, v16;
	v24 =	vor.u32 v59, v12  }
0x481: {  	[tilespmem:v26+s20+$0x0] =	vst.idx.msk $0xffff, v27;
	v26 =	vor.u32 v59, v17;
	v27 =	vld.idx.msk [tilespmem:v28+s17+$0x0], $0xffff;
	v28 =	vor.u32 v56, v19  }
0x482: {  	[tilespmem:v30+s20+$0x0] =	vst.idx.msk $0xffff, v29;
	v29 =	vor.u32 v47, v0;
	v30 =	vor.u32 v59, v20;
	v10 =	vld.idx.msk [tilespmem:v10+s17+$0x0], $0xffff  }
0x483: {  	v38 =	vor.u32 v47, v3;
	[tilespmem:v62+s20+$0x0] =	vst.idx.msk $0xffff, v23;
	v23 =	vor.u32 v46, v1;
	v31 =	vld.idx.msk [tilespmem:v31+s17+$0x0], $0xffff  }
0x484: {  	[tilespmem:v22+s20+$0x0] =	vst.idx.msk $0xffff, v14;
	v14 =	vor.u32 v46, v4;
	v22 =	vor.u32 v47, v5;
	v6 =	vld.idx.msk [tilespmem:v6+s17+$0x0], $0xffff  }
0x485: {  	[tilespmem:v25+s20+$0x0] =	vst.idx.msk $0xffff, v21;
	v21 =	vor.u32 v46, v9;
	v25 =	vor.u32 v47, v11;
	v24 =	vld.idx.msk [tilespmem:v24+s17+$0x0], $0xffff  }
0x486: {  	[tilespmem:v28+s20+$0x0] =	vst.idx.msk $0xffff, v27;
	v27 =	vor.u32 v46, v12;
	v26 =	vld.idx.msk [tilespmem:v26+s17+$0x0], $0xffff;
	v28 =	vor.u32 v47, v15  }
0x487: {  	[tilespmem:v29+s20+$0x0] =	vst.idx.msk $0xffff, v10;
	v10 =	vor.u32 v46, v17;
	v29 =	vld.idx.msk [tilespmem:v30+s17+$0x0], $0xffff;
	v30 =	vor.u32 v47, v18  }
0x488: {  	v42 =	vor.u32 v45, v2;
	[tilespmem:v38+s20+$0x0] =	vst.idx.msk $0xffff, v31;
	v31 =	vor.u32 v46, v20;
	v23 =	vld.idx.msk [tilespmem:v23+s17+$0x0], $0xffff  }
0x489: {  	v7 =	vor.u32 v45, v7;
	[tilespmem:v22+s20+$0x0] =	vst.idx.msk $0xffff, v6;
	v46 =	vor.u32 v37, v1;
	v6 =	vld.idx.msk [tilespmem:v14+s17+$0x0], $0xffff  }
0x48a: {  	v8 =	vor.u32 v45, v8;
	v4 =	vor.u32 v37, v4;
	[tilespmem:v25+s20+$0x0] =	vst.idx.msk $0xffff, v24;
	v14 =	vld.idx.msk [tilespmem:v21+s17+$0x0], $0xffff  }
0x48b: {  	v13 =	vor.u32 v45, v13;
	v9 =	vor.u32 v37, v9;
	[tilespmem:v28+s20+$0x0] =	vst.idx.msk $0xffff, v26;
	v21 =	vld.idx.msk [tilespmem:v27+s17+$0x0], $0xffff  }
0x48c: {  	v16 =	vor.u32 v45, v16;
	v12 =	vor.u32 v37, v12;
	[tilespmem:v30+s20+$0x0] =	vst.idx.msk $0xffff, v29;
	v10 =	vld.idx.msk [tilespmem:v10+s17+$0x0], $0xffff  }
0x48d: {  	v19 =	vor.u32 v45, v19;
	v47 =	vor.u32 v37, v17;
	[tilespmem:v42+s20+$0x0] =	vst.idx.msk $0xffff, v23;
	v17 =	vld.idx.msk [tilespmem:v31+s17+$0x0], $0xffff  }
0x48e: {  	v55 =	vor.u32 v36, v0;
	[tilespmem:v7+s20+$0x0] =	vst.idx.msk $0xffff, v6;
	v6 =	vor.u32 v37, v20;
	v1 =	vld.idx.msk [tilespmem:v46+s17+$0x0], $0xffff  }
0x48f: {  	v56 =	vor.u32 v36, v3;
	[tilespmem:v8+s20+$0x0] =	vst.idx.msk $0xffff, v14;
	v4 =	vld.idx.msk [tilespmem:v4+s17+$0x0], $0xffff  }
0x490: {  	v5 =	vor.u32 v36, v5;
	v7 =	vld.idx.msk [tilespmem:v9+s17+$0x0], $0xffff;
	[tilespmem:v13+s20+$0x0] =	vst.idx.msk $0xffff, v21  }
0x491: {  	v9 =	vor.u32 v36, v11;
	[tilespmem:v16+s20+$0x0] =	vst.idx.msk $0xffff, v10;
	v8 =	vld.idx.msk [tilespmem:v12+s17+$0x0], $0xffff  }
0x492: {  	v10 =	vor.u32 v36, v15;
	[tilespmem:v19+s20+$0x0] =	vst.idx.msk $0xffff, v17;
	v2 =	vld.idx.msk [tilespmem:v47+s17+$0x0], $0xffff  }
0x493: {  	v62 =	vor.u32 v36, v18;
	[tilespmem:v55+s20+$0x0] =	vst.idx.msk $0xffff, v1;
	v59 =	vld.idx.msk [tilespmem:v6+s17+$0x0], $0xffff  }
0x494: {  	[tilespmem:v56+s20+$0x0] =	vst.idx.msk $0xffff, v4  }
0x495: {  	[tilespmem:v5+s20+$0x0] =	vst.idx.msk $0xffff, v7  }
0x496: {  	[tilespmem:v9+s20+$0x0] =	vst.idx.msk $0xffff, v8  }
0x497: {  	[tilespmem:v10+s20+$0x0] =	vst.idx.msk $0xffff, v2  }
0x498: {  	[tilespmem:v62+s20+$0x0] =	vst.idx.msk $0xffff, v59  }
0x499: {  	v47 =	vld [tilespmem:$0x1FFA0]  }
0x49a: {  	v45 =	vld [tilespmem:$0x1FFB0]  }
0x49b: {  	v7 =	vld [tilespmem:$0x1FF90]  }
0x49c: {  	v37 =	vld [tilespmem:$0x1FF20]  }
0x49d: {  	v30 =	vld [tilespmem:$0x1FFC0]  }
0x49e: {  	v9 =	vld [tilespmem:$0x1FC50]  }
0x49f: {  	v14 =	vld [tilespmem:$0x1FC60]  }
0x4a0: {  	v13 =	vld [tilespmem:$0x1FC70]  }
0x4a1: {  	v11 =	vld [tilespmem:$0x1FFD0]  }
0x4a2: {  	v12 =	vld [tilespmem:$0x1FFE0]  }
0x4a3: {  	v36 =	vld [tilespmem:$0x1FC80]  }
0x4a4: {  	v15 =	vld [tilespmem:$0x1FFF0]  }
0x4a5: {  	v16 =	vld [tilespmem:$0x1FEE0]  }
0x4a6: {  	v17 =	vld [tilespmem:$0x1FEF0]  }
0x4a7: {  	s24 =	sadd.s32 $0x1, s24;
	v35 =	vld [tilespmem:$0x1FF10]  }
0x4a8: {  	p1 =	sne.s32 s24, $0x7A;
	v31 =	vld [tilespmem:$0x1FF60]  }
.Ltmp2:
0x4a9: {  	v18 =	vld [tilespmem:$0x1FF70];
	(pc) =	sbr.rel @p1 .LBB2_2-.Ltmp2, $4  }
0x4aa: {  	v20 =	vld [tilespmem:$0x1FF80]  }
0x4ab: {  	s25 =	sshll.u32 s25, $0xA;
	v19 =	vld [tilespmem:$0x1FF00]  }
0x4ac: {  	s25 =	sadd.s32 s4, s25;
	v22 =	vmov v43;
	v24 =	vmov v60;
	v21 =	vld [tilespmem:$0x1FDD0]  }
0x4ad: {  	v26 =	vmovc v54;
	v28 =	vmovc v51;
	v23 =	vmov v61;
	v56 =	vmov v52;
	v62 =	vlaneseq.u32;
	[hbm4b:s25+s5] =	stream.linear.scatter [tilespmem:s20], [sflag:$0x4], $0x2000, $0x38;
	v61 =	vld [tilespmem:$0x1FC90]  }
0x4ae: {  	s24 =	simm.s32 $0x0  }
0x4af: {  	v5 =	vadd.s32 s24, v62  }
0x4b0: {  	_ =	swait.ge [sflag:s21], $0x2000;
	v10 =	vand.u32 $0xF, v5  }
0x4b1: {  	v32 =	vmov v44;
	v44 =	vmov v14;
	[sflag:s21] =	ssyncset.done $0x0;
	v14 =	vshll.u32 v10, $0x7  }
0x4b2: {  	[sflag:s21] =	ssyncadd.s32 $0xFFFFE000;
	v0 =	vor.u32 v62, v14  }
0x4b3: {  	[tilespmem:s24], [sflag:$0x1] =	stream.strided.gather [hbm4b:s10+s14], $0x2000, s15, s14, $0x38;
	[tilespmem:$0x8000] =	vst v63  }
0x4b4: {  	_ =	swait.ge [sflag:s16], $0x2000  }
0x4b5: {  	[sflag:s16] =	ssyncset.done $0x0  }
0x4b6: {  	[sflag:s16] =	ssyncadd.s32 $0xFFFFE000  }
0x4b7: {  	v1 =	vor.u32 v40, v10;
	v0 =	vld.idx.msk [tilespmem:v0+s5+$0x0], $0xffff;
	_ =	sdelay $0x4  }
0x4b8: {  	v2 =	vor.u32 v41, v14;
	[tilespmem:v1+s18+$0x0] =	vst.idx.msk $0xffff, v0  }
0x4b9: {  	v60 =	vld [tilespmem:$0x1FC40];
	_ =	sdelay $0x3  }
0x4ba: {  	v1 =	vor.u32 v39, v5;
	v0 =	vld.idx.msk [tilespmem:v2+s5+$0x0], $0xffff  }
0x4bb: {  	v2 =	vor.u32 v60, v14;
	_ =	sdelay $0x3  }
0x4bc: {  	[tilespmem:v1+s18+$0x0] =	vst.idx.msk $0xffff, v0  }
0x4bd: {  	v1 =	vor.u32 v47, v10;
	v0 =	vld.idx.msk [tilespmem:v2+s5+$0x0], $0xffff  }
0x4be: {  	v2 =	vor.u32 v45, v14;
	_ =	sdelay $0x3  }
0x4bf: {  	[tilespmem:v1+s18+$0x0] =	vst.idx.msk $0xffff, v0  }
0x4c0: {  	v4 =	vor.u32 v48, v5;
	v3 =	vld.idx.msk [tilespmem:v2+s5+$0x0], $0xffff  }
0x4c1: {  	v6 =	vor.u32 v49, v14  }
0x4c2: {  	s25 =	simm.s32 $0x1  }
0x4c3: {  	v0 =	vadd.s32 s25, v62  }
0x4c4: {  	v2 =	vand.u32 $0xF, v0  }
0x4c5: {  	v1 =	vshll.u32 v2, $0x7;
	[tilespmem:v4+s18+$0x0] =	vst.idx.msk $0xffff, v3  }
0x4c6: {  	v3 =	vor.u32 v62, v1;
	v4 =	vld.idx.msk [tilespmem:v6+s5+$0x0], $0xffff;
	v6 =	vor.u32 v7, v10  }
0x4c7: {  	v38 =	vmov v7;
	v7 =	vor.u32 v37, v14;
	_ =	sdelay $0x3  }
0x4c8: {  	v8 =	vor.u32 v40, v2;
	v3 =	vld.idx.msk [tilespmem:v3+s5+$0x0], $0xffff;
	[tilespmem:v6+s18+$0x0] =	vst.idx.msk $0xffff, v4  }
0x4c9: {  	v4 =	vor.u32 v41, v1;
	v6 =	vld.idx.msk [tilespmem:v7+s5+$0x0], $0xffff;
	v7 =	vor.u32 v30, v5  }
0x4ca: {  	v27 =	vmov v9;
	v9 =	vor.u32 v9, v14;
	_ =	sdelay $0x2  }
0x4cb: {  	[tilespmem:v8+s18+$0x0] =	vst.idx.msk $0xffff, v3  }
0x4cc: {  	v3 =	vld.idx.msk [tilespmem:v4+s5+$0x0], $0xffff;
	v4 =	vor.u32 v39, v0;
	[tilespmem:v7+s18+$0x0] =	vst.idx.msk $0xffff, v6  }
0x4cd: {  	v8 =	vor.u32 v44, v10;
	v6 =	vor.u32 v60, v1;
	v7 =	vld.idx.msk [tilespmem:v9+s5+$0x0], $0xffff  }
0x4ce: {  	v9 =	vor.u32 v13, v14;
	_ =	sdelay $0x2  }
0x4cf: {  	[tilespmem:v4+s18+$0x0] =	vst.idx.msk $0xffff, v3  }
0x4d0: {  	v4 =	vor.u32 v47, v2;
	v3 =	vld.idx.msk [tilespmem:v6+s5+$0x0], $0xffff;
	[tilespmem:v8+s18+$0x0] =	vst.idx.msk $0xffff, v7  }
0x4d1: {  	v6 =	vor.u32 v45, v1;
	v8 =	vor.u32 v11, v5;
	v7 =	vld.idx.msk [tilespmem:v9+s5+$0x0], $0xffff  }
0x4d2: {  	v9 =	vor.u32 v12, v14;
	_ =	sdelay $0x2  }
0x4d3: {  	[tilespmem:v4+s18+$0x0] =	vst.idx.msk $0xffff, v3  }
0x4d4: {  	v4 =	vld.idx.msk [tilespmem:v6+s5+$0x0], $0xffff;
	v6 =	vor.u32 v48, v0;
	[tilespmem:v8+s18+$0x0] =	vst.idx.msk $0xffff, v7  }
0x4d5: {  	v43 =	vmov v11;
	v11 =	vor.u32 v36, v10;
	v8 =	vor.u32 v49, v1;
	v9 =	vld.idx.msk [tilespmem:v9+s5+$0x0], $0xffff  }
0x4d6: {  	s26 =	simm.s32 $0x2;
	v29 =	vmov v27;
	v27 =	vmov v12;
	v12 =	vor.u32 v15, v14  }
0x4d7: {  	v3 =	vadd.s32 s26, v62  }
0x4d8: {  	v7 =	vand.u32 $0xF, v3  }
0x4d9: {  	v25 =	vmov v13;
	[tilespmem:v6+s18+$0x0] =	vst.idx.msk $0xffff, v4;
	v4 =	vshll.u32 v7, $0x7  }
0x4da: {  	v13 =	vor.u32 v38, v2;
	v6 =	vld.idx.msk [tilespmem:v8+s5+$0x0], $0xffff;
	v8 =	vor.u32 v62, v4;
	[tilespmem:v11+s18+$0x0] =	vst.idx.msk $0xffff, v9  }
0x4db: {  	v9 =	vor.u32 v37, v1;
	v11 =	vld.idx.msk [tilespmem:v12+s5+$0x0], $0xffff;
	v12 =	vor.u32 v61, v5  }
0x4dc: {  	v51 =	vmov v15;
	v15 =	vor.u32 v16, v14;
	_ =	sdelay $0x2  }
0x4dd: {  	v8 =	vld.idx.msk [tilespmem:v8+s5+$0x0], $0xffff;
	[tilespmem:v13+s18+$0x0] =	vst.idx.msk $0xffff, v6;
	v6 =	vor.u32 v40, v7  }
0x4de: {  	v59 =	vmov v16;
	v16 =	vor.u32 v30, v0;
	v9 =	vld.idx.msk [tilespmem:v9+s5+$0x0], $0xffff;
	[tilespmem:v12+s18+$0x0] =	vst.idx.msk $0xffff, v11  }
0x4df: {  	v12 =	vld.idx.msk [tilespmem:v15+s5+$0x0], $0xffff;
	v15 =	vor.u32 v17, v10;
	_ =	sdelay $0x2  }
0x4e0: {  	[tilespmem:v6+s18+$0x0] =	vst.idx.msk $0xffff, v8  }
0x4e1: {  	v13 =	vor.u32 v41, v4;
	[tilespmem:v16+s18+$0x0] =	vst.idx.msk $0xffff, v9  }
0x4e2: {  	v34 =	vmov v17;
	v17 =	vor.u32 v35, v14;
	[tilespmem:v15+s18+$0x0] =	vst.idx.msk $0xffff, v12  }
0x4e3: {  	v11 =	vor.u32 v29, v1;
	v54 =	vld [tilespmem:$0x1FCA0];
	_ =	sdelay $0x2  }
0x4e4: {  	v8 =	vor.u32 v39, v3;
	v6 =	vld.idx.msk [tilespmem:v13+s5+$0x0], $0xffff  }
0x4e5: {  	v16 =	vor.u32 v31, v5;
	v15 =	vld.idx.msk [tilespmem:v17+s5+$0x0], $0xffff  }
0x4e6: {  	v9 =	vld.idx.msk [tilespmem:v11+s5+$0x0], $0xffff;
	v11 =	vor.u32 v44, v2;
	v17 =	vor.u32 v54, v14;
	_ =	sdelay $0x2  }
0x4e7: {  	v13 =	vor.u32 v60, v4;
	[tilespmem:v8+s18+$0x0] =	vst.idx.msk $0xffff, v6  }
0x4e8: {  	v12 =	vor.u32 v25, v1;
	[tilespmem:v16+s18+$0x0] =	vst.idx.msk $0xffff, v15  }
0x4e9: {  	[tilespmem:v11+s18+$0x0] =	vst.idx.msk $0xffff, v9;
	v15 =	vld.idx.msk [tilespmem:v17+s5+$0x0], $0xffff  }
0x4ea: {  	v17 =	vld [tilespmem:$0x1FCB0];
	_ =	sdelay $0x1  }
0x4eb: {  	v8 =	vor.u32 v47, v7;
	v6 =	vld.idx.msk [tilespmem:v13+s5+$0x0], $0xffff  }
0x4ec: {  	v11 =	vor.u32 v45, v4;
	v9 =	vld.idx.msk [tilespmem:v12+s5+$0x0], $0xffff;
	v12 =	vor.u32 v43, v0  }
0x4ed: {  	v13 =	vor.u32 v27, v1;
	v16 =	vor.u32 v18, v10  }
0x4ee: {  	v17 =	vor.u32 v17, v14;
	_ =	sdelay $0x1  }
0x4ef: {  	[tilespmem:v8+s18+$0x0] =	vst.idx.msk $0xffff, v6  }
0x4f0: {  	v52 =	vmov v63;
	v63 =	vmov v18;
	[tilespmem:v12+s18+$0x0] =	vst.idx.msk $0xffff, v9;
	v9 =	vor.u32 v48, v3;
	v11 =	vld.idx.msk [tilespmem:v11+s5+$0x0], $0xffff  }
0x4f1: {  	v18 =	vor.u32 v36, v2;
	v12 =	vld.idx.msk [tilespmem:v13+s5+$0x0], $0xffff;
	v13 =	vor.u32 v49, v4;
	[tilespmem:v16+s18+$0x0] =	vst.idx.msk $0xffff, v15  }
0x4f2: {  	s28 =	simm.s32 $0x3;
	v15 =	vor.u32 v51, v1;
	v16 =	vld.idx.msk [tilespmem:v17+s5+$0x0], $0xffff;
	v17 =	vor.u32 v20, v5  }
0x4f3: {  	v6 =	vadd.s32 s28, v62;
	v8 =	vmov v19;
	v19 =	vor.u32 v19, v14  }
0x4f4: {  	v57 =	vmovc v37;
	v37 =	vmov v29;
	v29 =	vmov v8;
	v8 =	vand.u32 $0xF, v6  }
0x4f5: {  	v42 =	vmov v20;
	[tilespmem:v9+s18+$0x0] =	vst.idx.msk $0xffff, v11;
	v9 =	vshll.u32 v8, $0x7  }
0x4f6: {  	[tilespmem:v18+s18+$0x0] =	vst.idx.msk $0xffff, v12;
	v11 =	vld.idx.msk [tilespmem:v13+s5+$0x0], $0xffff;
	v12 =	vor.u32 v62, v9;
	v13 =	vor.u32 v38, v7  }
0x4f7: {  	v18 =	vor.u32 v57, v4;
	v15 =	vld.idx.msk [tilespmem:v15+s5+$0x0], $0xffff;
	v20 =	vor.u32 v61, v0;
	[tilespmem:v17+s18+$0x0] =	vst.idx.msk $0xffff, v16  }
0x4f8: {  	v16 =	vor.u32 v59, v1;
	v17 =	vld.idx.msk [tilespmem:v19+s5+$0x0], $0xffff;
	v19 =	vor.u32 v21, v10  }
0x4f9: {  	v33 =	vmov v21;
	v21 =	vor.u32 v22, v14;
	_ =	sdelay $0x1  }
0x4fa: {  	v12 =	vld.idx.msk [tilespmem:v12+s5+$0x0], $0xffff;
	[tilespmem:v13+s18+$0x0] =	vst.idx.msk $0xffff, v11;
	v11 =	vor.u32 v40, v8  }
0x4fb: {  	v13 =	vld.idx.msk [tilespmem:v18+s5+$0x0], $0xffff;
	v18 =	vor.u32 v30, v3;
	[tilespmem:v20+s18+$0x0] =	vst.idx.msk $0xffff, v15  }
0x4fc: {  	v46 =	vmov v27;
	v27 =	vmov v22;
	v22 =	vor.u32 v34, v2;
	v16 =	vld.idx.msk [tilespmem:v16+s5+$0x0], $0xffff;
	[tilespmem:v19+s18+$0x0] =	vst.idx.msk $0xffff, v17  }
0x4fd: {  	v19 =	vld.idx.msk [tilespmem:v21+s5+$0x0], $0xffff;
	v21 =	vor.u32 v23, v5;
	_ =	sdelay $0x1  }
0x4fe: {  	[tilespmem:v11+s18+$0x0] =	vst.idx.msk $0xffff, v12  }
0x4ff: {  	v15 =	vor.u32 v41, v9;
	[tilespmem:v18+s18+$0x0] =	vst.idx.msk $0xffff, v13  }
0x500: {  	v20 =	vor.u32 v37, v4;
	[tilespmem:v22+s18+$0x0] =	vst.idx.msk $0xffff, v16  }
0x501: {  	v55 =	vmov v23;
	v18 =	vor.u32 v31, v0;
	v17 =	vor.u32 v35, v1;
	v31 =	vld [tilespmem:$0x1FC70];
	[tilespmem:v21+s18+$0x0] =	vst.idx.msk $0xffff, v19  }
0x502: {  	v25 =	vmovc v43;
	v43 =	vmovc v30;
	v30 =	vmov v60;
	v23 =	vor.u32 v24, v14;
	v16 =	vor.u32 v60, v9;
	v60 =	vld [tilespmem:$0x1FE10];
	_ =	sdelay $0x1  }
0x503: {  	v12 =	vor.u32 v39, v6;
	v11 =	vld.idx.msk [tilespmem:v15+s5+$0x0], $0xffff  }
0x504: {  	v13 =	vld.idx.msk [tilespmem:v20+s5+$0x0], $0xffff;
	v15 =	vor.u32 v44, v7  }
0x505: {  	v17 =	vld.idx.msk [tilespmem:v17+s5+$0x0], $0xffff  }
0x506: {  	v21 =	vld.idx.msk [tilespmem:v23+s5+$0x0], $0xffff;
	v22 =	vor.u32 v60, v10;
	_ =	sdelay $0x1  }
0x507: {  	[tilespmem:v12+s18+$0x0] =	vst.idx.msk $0xffff, v11  }
0x508: {  	[tilespmem:v15+s18+$0x0] =	vst.idx.msk $0xffff, v13  }
0x509: {  	v20 =	vor.u32 v31, v4;
	[tilespmem:v18+s18+$0x0] =	vst.idx.msk $0xffff, v17  }
0x50a: {  	v19 =	vor.u32 v54, v1;
	[tilespmem:v22+s18+$0x0] =	vst.idx.msk $0xffff, v21  }
0x50b: {  	v37 =	vld [tilespmem:$0x1FCB0]  }
0x50c: {  	v11 =	vor.u32 v58, v14;
	v12 =	vld.idx.msk [tilespmem:v16+s5+$0x0], $0xffff  }
0x50d: {  	v13 =	vor.u32 v47, v8;
	v35 =	vld [tilespmem:$0x1FCC0]  }
0x50e: {  	v16 =	vor.u32 v45, v9;
	v17 =	vor.u32 v25, v3;
	v15 =	vld.idx.msk [tilespmem:v20+s5+$0x0], $0xffff  }
0x50f: {  	v18 =	vld.idx.msk [tilespmem:v19+s5+$0x0], $0xffff;
	v19 =	vor.u32 v46, v4;
	v20 =	vor.u32 v63, v2  }
0x510: {  	v21 =	vor.u32 v37, v1  }
0x511: {  	v22 =	vor.u32 v26, v5;
	v11 =	vld.idx.msk [tilespmem:v11+s5+$0x0], $0xffff  }
0x512: {  	[tilespmem:v13+s18+$0x0] =	vst.idx.msk $0xffff, v12;
	v23 =	vor.u32 v35, v14  }
0x513: {  	v12 =	vld.idx.msk [tilespmem:v16+s5+$0x0], $0xffff;
	[tilespmem:v17+s18+$0x0] =	vst.idx.msk $0xffff, v15;
	v15 =	vor.u32 v48, v6  }
0x514: {  	[tilespmem:v20+s18+$0x0] =	vst.idx.msk $0xffff, v18;
	v17 =	vor.u32 v49, v9;
	v18 =	vor.u32 v36, v7;
	v16 =	vld.idx.msk [tilespmem:v19+s5+$0x0], $0xffff  }
0x515: {  	s29 =	simm.s32 $0x4;
	v20 =	vor.u32 v51, v4;
	v19 =	vld.idx.msk [tilespmem:v21+s5+$0x0], $0xffff;
	v21 =	vor.u32 v42, v0  }
0x516: {  	[tilespmem:v22+s18+$0x0] =	vst.idx.msk $0xffff, v11;
	v22 =	vor.u32 v29, v1;
	v11 =	vadd.s32 s29, v62  }
0x517: {  	v46 =	vmov v24;
	v24 =	vor.u32 v56, v10;
	v13 =	vand.u32 $0xF, v11;
	v23 =	vld.idx.msk [tilespmem:v23+s5+$0x0], $0xffff  }
0x518: {  	v25 =	vor.u32 v28, v14;
	[tilespmem:v15+s18+$0x0] =	vst.idx.msk $0xffff, v12;
	v12 =	vshll.u32 v13, $0x7  }
0x519: {  	v15 =	vld.idx.msk [tilespmem:v17+s5+$0x0], $0xffff;
	[tilespmem:v18+s18+$0x0] =	vst.idx.msk $0xffff, v16;
	v16 =	vor.u32 v62, v12;
	v17 =	vor.u32 v38, v8  }
0x51a: {  	v18 =	vld.idx.msk [tilespmem:v20+s5+$0x0], $0xffff;
	v20 =	vor.u32 v61, v3;
	[tilespmem:v21+s18+$0x0] =	vst.idx.msk $0xffff, v19;
	v19 =	vor.u32 v57, v9  }
0x51b: {  	v29 =	vmov v26;
	v26 =	vor.u32 v33, v2;
	v21 =	vld.idx.msk [tilespmem:v22+s5+$0x0], $0xffff;
	v22 =	vor.u32 v59, v4  }
0x51c: {  	[tilespmem:v24+s18+$0x0] =	vst.idx.msk $0xffff, v23  }
0x51d: {  	v24 =	vld.idx.msk [tilespmem:v25+s5+$0x0], $0xffff;
	v25 =	vor.u32 v50, v5  }
0x51e: {  	v16 =	vld.idx.msk [tilespmem:v16+s5+$0x0], $0xffff;
	[tilespmem:v17+s18+$0x0] =	vst.idx.msk $0xffff, v15  }
0x51f: {  	[tilespmem:v20+s18+$0x0] =	vst.idx.msk $0xffff, v18;
	v23 =	vor.u32 v27, v1;
	v17 =	vld.idx.msk [tilespmem:v19+s5+$0x0], $0xffff  }
0x520: {  	v20 =	vld.idx.msk [tilespmem:v22+s5+$0x0], $0xffff;
	[tilespmem:v26+s18+$0x0] =	vst.idx.msk $0xffff, v21  }
0x521: {  	v15 =	vor.u32 v40, v13;
	v21 =	vld [tilespmem:$0x1FC50]  }
0x522: {  	v19 =	vor.u32 v43, v6;
	v22 =	vor.u32 v34, v7;
	v34 =	vld [tilespmem:$0x1FF10];
	[tilespmem:v25+s18+$0x0] =	vst.idx.msk $0xffff, v24  }
0x523: {  	v51 =	vmovc v42;
	v42 =	vmovc v57;
	v57 =	vmov v61;
	v61 =	vmov v56;
	v27 =	vor.u32 v32, v14;
	v56 =	vld [tilespmem:$0x1FCD0]  }
0x524: {  	v38 =	vmov v32;
	v32 =	vmov v28;
	v28 =	vor.u32 v55, v0;
	v23 =	vld.idx.msk [tilespmem:v23+s5+$0x0], $0xffff;
	_ =	sdelay $0x1  }
0x525: {  	[tilespmem:v15+s18+$0x0] =	vst.idx.msk $0xffff, v16  }
0x526: {  	v18 =	vor.u32 v41, v12;
	[tilespmem:v19+s18+$0x0] =	vst.idx.msk $0xffff, v17  }
0x527: {  	v25 =	vld.idx.msk [tilespmem:v27+s5+$0x0], $0xffff;
	[tilespmem:v22+s18+$0x0] =	vst.idx.msk $0xffff, v20;
	v21 =	vor.u32 v21, v9;
	v27 =	vor.u32 v56, v10  }
0x528: {  	[tilespmem:v28+s18+$0x0] =	vst.idx.msk $0xffff, v23  }
0x529: {  	v26 =	vor.u32 v34, v4;
	v43 =	vld [tilespmem:$0x1FF60]  }
0x52a: {  	v24 =	vor.u32 v46, v1  }
0x52b: {  	v16 =	vld.idx.msk [tilespmem:v18+s5+$0x0], $0xffff  }
0x52c: {  	v15 =	vor.u32 v53, v14;
	v17 =	vor.u32 v39, v11;
	v18 =	vld.idx.msk [tilespmem:v21+s5+$0x0], $0xffff;
	[tilespmem:v27+s18+$0x0] =	vst.idx.msk $0xffff, v25  }
0x52d: {  	v19 =	vor.u32 v44, v8;
	v20 =	vor.u32 v30, v12;
	v44 =	vld [tilespmem:$0x1FED0]  }
0x52e: {  	v21 =	vld.idx.msk [tilespmem:v26+s5+$0x0], $0xffff;
	v22 =	vor.u32 v43, v3  }
0x52f: {  	v24 =	vld.idx.msk [tilespmem:v24+s5+$0x0], $0xffff;
	v26 =	vor.u32 v60, v2;
	_ =	sdelay $0x1  }
0x530: {  	v15 =	vld.idx.msk [tilespmem:v15+s5+$0x0], $0xffff;
	[tilespmem:v17+s18+$0x0] =	vst.idx.msk $0xffff, v16  }
0x531: {  	v23 =	vor.u32 v31, v9;
	v17 =	vld.idx.msk [tilespmem:v20+s5+$0x0], $0xffff;
	[tilespmem:v19+s18+$0x0] =	vst.idx.msk $0xffff, v18;
	v27 =	vor.u32 v44, v5  }
0x532: {  	v28 =	vor.u32 v54, v4;
	v54 =	vld [tilespmem:$0x1FCE0];
	[tilespmem:v22+s18+$0x0] =	vst.idx.msk $0xffff, v21  }
0x533: {  	v18 =	vor.u32 v47, v13;
	v21 =	vld [tilespmem:$0x1FFD0];
	[tilespmem:v26+s18+$0x0] =	vst.idx.msk $0xffff, v24  }
0x534: {  	v60 =	vmov v56;
	v56 =	vld [tilespmem:$0x1FFE0]  }
0x535: {  	v25 =	vor.u32 v58, v1  }
0x536: {  	v19 =	vld.idx.msk [tilespmem:v23+s5+$0x0], $0xffff;
	[tilespmem:v27+s18+$0x0] =	vst.idx.msk $0xffff, v15  }
0x537: {  	v26 =	vor.u32 v37, v4;
	v16 =	vor.u32 v54, v14;
	v37 =	vld [tilespmem:$0x1FCF0]  }
0x538: {  	v20 =	vor.u32 v45, v12;
	v22 =	vld.idx.msk [tilespmem:v28+s5+$0x0], $0xffff;
	v21 =	vor.u32 v21, v6;
	[tilespmem:v18+s18+$0x0] =	vst.idx.msk $0xffff, v17  }
0x539: {  	v24 =	vor.u32 v63, v7;
	v23 =	vor.u32 v56, v9;
	v63 =	vld [tilespmem:$0x1FD00]  }
0x53a: {  	v28 =	vor.u32 v29, v0;
	v25 =	vld.idx.msk [tilespmem:v25+s5+$0x0], $0xffff;
	_ =	sdelay $0x1  }
0x53b: {  	v15 =	vor.u32 v35, v1;
	v16 =	vld.idx.msk [tilespmem:v16+s5+$0x0], $0xffff;
	v27 =	vor.u32 v37, v10  }
0x53c: {  	v18 =	vld.idx.msk [tilespmem:v20+s5+$0x0], $0xffff;
	[tilespmem:v21+s18+$0x0] =	vst.idx.msk $0xffff, v19  }
0x53d: {  	[tilespmem:v24+s18+$0x0] =	vst.idx.msk $0xffff, v22;
	v20 =	vld.idx.msk [tilespmem:v23+s5+$0x0], $0xffff;
	v17 =	vor.u32 v63, v14  }
0x53e: {  	[tilespmem:v28+s18+$0x0] =	vst.idx.msk $0xffff, v25;
	v19 =	vor.u32 v48, v11;
	v23 =	vld.idx.msk [tilespmem:v26+s5+$0x0], $0xffff  }
0x53f: {  	v24 =	vld [tilespmem:$0x1FFF0]  }
0x540: {  	v22 =	vor.u32 v36, v8;
	v21 =	vor.u32 v49, v12;
	v26 =	vld.idx.msk [tilespmem:v15+s5+$0x0], $0xffff;
	[tilespmem:v27+s18+$0x0] =	vst.idx.msk $0xffff, v16  }
0x541: {  	v25 =	vor.u32 v51, v3;
	v51 =	vld [tilespmem:$0x1FF00]  }
0x542: {  	v29 =	vld.idx.msk [tilespmem:v17+s5+$0x0], $0xffff  }
0x543: {  	v16 =	vld [tilespmem:$0x1FD10];
	[tilespmem:v19+s18+$0x0] =	vst.idx.msk $0xffff, v18  }
0x544: {  	v28 =	vor.u32 v61, v2;
	v17 =	vld [tilespmem:$0x1FD20]  }
0x545: {  	v19 =	vld.idx.msk [tilespmem:v21+s5+$0x0], $0xffff;
	[tilespmem:v22+s18+$0x0] =	vst.idx.msk $0xffff, v20  }
0x546: {  	v30 =	vor.u32 v32, v1;
	v21 =	vld [tilespmem:$0x1FF90]  }
0x547: {  	v24 =	vor.u32 v24, v9  }
0x548: {  	[tilespmem:v25+s18+$0x0] =	vst.idx.msk $0xffff, v23;
	v27 =	vor.u32 v51, v4;
	v31 =	vor.u32 v16, v5  }
0x549: {  	[tilespmem:v28+s18+$0x0] =	vst.idx.msk $0xffff, v26  }
0x54a: {  	v26 =	vld [tilespmem:$0x1FEE0];
	v18 =	vor.u32 v17, v14  }
0x54b: {  	s30 =	simm.s32 $0x5;
	v28 =	vld.idx.msk [tilespmem:v30+s5+$0x0], $0xffff;
	v21 =	vor.u32 v21, v13  }
0x54c: {  	v59 =	vmov v33;
	v15 =	vadd.s32 s30, v62;
	v22 =	vld.idx.msk [tilespmem:v24+s5+$0x0], $0xffff;
	v24 =	vor.u32 v57, v6  }
0x54d: {  	v16 =	vand.u32 $0xF, v15;
	v25 =	vld.idx.msk [tilespmem:v27+s5+$0x0], $0xffff;
	v27 =	vor.u32 v59, v7;
	[tilespmem:v31+s18+$0x0] =	vst.idx.msk $0xffff, v29  }
0x54e: {  	v17 =	vshll.u32 v16, $0x7;
	v29 =	vld [tilespmem:$0x1FDE0]  }
0x54f: {  	v20 =	vor.u32 v62, v17;
	v18 =	vld.idx.msk [tilespmem:v18+s5+$0x0], $0xffff  }
0x550: {  	v30 =	vor.u32 v50, v0;
	v31 =	vor.u32 v38, v1;
	v38 =	vld [tilespmem:$0x1FF50];
	[tilespmem:v21+s18+$0x0] =	vst.idx.msk $0xffff, v19  }
0x551: {  	v19 =	vld [tilespmem:$0x1FD30];
	[tilespmem:v24+s18+$0x0] =	vst.idx.msk $0xffff, v22  }
0x552: {  	v23 =	vor.u32 v42, v12;
	v55 =	vld [tilespmem:$0x1FFC0];
	[tilespmem:v27+s18+$0x0] =	vst.idx.msk $0xffff, v25  }
0x553: {  	v26 =	vor.u32 v26, v9;
	v27 =	vld [tilespmem:$0x1FEF0]  }
0x554: {  	v20 =	vld.idx.msk [tilespmem:v20+s5+$0x0], $0xffff;
	v21 =	vor.u32 v40, v16  }
0x555: {  	v22 =	vor.u32 v41, v17;
	v25 =	vld [tilespmem:$0x1FC50];
	[tilespmem:v30+s18+$0x0] =	vst.idx.msk $0xffff, v28  }
0x556: {  	v62 =	vmov v42;
	v29 =	vor.u32 v29, v4;
	v42 =	vor.u32 v38, v10;
	v30 =	vld [tilespmem:$0x1FDF0]  }
0x557: {  	v23 =	vld.idx.msk [tilespmem:v23+s5+$0x0], $0xffff;
	v19 =	vor.u32 v19, v14;
	v24 =	vor.u32 v55, v11  }
0x558: {  	v26 =	vld.idx.msk [tilespmem:v26+s5+$0x0], $0xffff;
	v27 =	vor.u32 v27, v8  }
0x559: {  	v31 =	vld.idx.msk [tilespmem:v31+s5+$0x0], $0xffff;
	[tilespmem:v21+s18+$0x0] =	vst.idx.msk $0xffff, v20  }
0x55a: {  	v22 =	vld.idx.msk [tilespmem:v22+s5+$0x0], $0xffff  }
0x55b: {  	v25 =	vor.u32 v25, v12;
	v29 =	vld.idx.msk [tilespmem:v29+s5+$0x0], $0xffff;
	[tilespmem:v42+s18+$0x0] =	vst.idx.msk $0xffff, v18;
	v30 =	vor.u32 v30, v3  }
0x55c: {  	v18 =	vor.u32 v46, v4;
	v46 =	vor.u32 v60, v2;
	v19 =	vld.idx.msk [tilespmem:v19+s5+$0x0], $0xffff;
	[tilespmem:v24+s18+$0x0] =	vst.idx.msk $0xffff, v23  }
0x55d: {  	v23 =	vld [tilespmem:$0x1FD40];
	[tilespmem:v27+s18+$0x0] =	vst.idx.msk $0xffff, v26  }
0x55e: {  	v28 =	vor.u32 v34, v9;
	v59 =	vld [tilespmem:$0x1FC60]  }
0x55f: {  	v27 =	vld [tilespmem:$0x1FC40]  }
0x560: {  	v21 =	vor.u32 v52, v5;
	v25 =	vld.idx.msk [tilespmem:v25+s5+$0x0], $0xffff;
	[tilespmem:v30+s18+$0x0] =	vst.idx.msk $0xffff, v29  }
0x561: {  	v20 =	vor.u32 v53, v1;
	v24 =	vor.u32 v39, v15;
	v60 =	vld [tilespmem:$0x1FC70];
	[tilespmem:v46+s18+$0x0] =	vst.idx.msk $0xffff, v31  }
0x562: {  	v31 =	vld [tilespmem:$0x1FE10]  }
0x563: {  	v28 =	vld.idx.msk [tilespmem:v28+s5+$0x0], $0xffff;
	v23 =	vor.u32 v23, v14  }
0x564: {  	v18 =	vld.idx.msk [tilespmem:v18+s5+$0x0], $0xffff;
	v26 =	vor.u32 v59, v13;
	v27 =	vor.u32 v27, v17  }
0x565: {  	v32 =	vld [tilespmem:$0x1FCA0];
	[tilespmem:v21+s18+$0x0] =	vst.idx.msk $0xffff, v19  }
0x566: {  	v29 =	vor.u32 v43, v6;
	v20 =	vld.idx.msk [tilespmem:v20+s5+$0x0], $0xffff;
	[tilespmem:v24+s18+$0x0] =	vst.idx.msk $0xffff, v22;
	v30 =	vor.u32 v60, v12  }
0x567: {  	v22 =	vld [tilespmem:$0x1FF30];
	v31 =	vor.u32 v31, v7  }
0x568: {  	v23 =	vld.idx.msk [tilespmem:v23+s5+$0x0], $0xffff  }
0x569: {  	v19 =	vor.u32 v44, v0;
	v21 =	vor.u32 v58, v4;
	[tilespmem:v26+s18+$0x0] =	vst.idx.msk $0xffff, v25;
	v25 =	vld.idx.msk [tilespmem:v27+s5+$0x0], $0xffff  }
0x56a: {  	v26 =	vld [tilespmem:$0x1FD50]  }
0x56b: {  	[tilespmem:v29+s18+$0x0] =	vst.idx.msk $0xffff, v28;
	v28 =	vld.idx.msk [tilespmem:v30+s5+$0x0], $0xffff  }
0x56c: {  	v30 =	vld [tilespmem:$0x1FFD0];
	[tilespmem:v31+s18+$0x0] =	vst.idx.msk $0xffff, v18  }
0x56d: {  	v61 =	vmov v50;
	v32 =	vor.u32 v32, v9;
	v50 =	vld [tilespmem:$0x1FF70]  }
0x56e: {  	v22 =	vor.u32 v22, v10;
	[tilespmem:v19+s18+$0x0] =	vst.idx.msk $0xffff, v20;
	v19 =	vld.idx.msk [tilespmem:v21+s5+$0x0], $0xffff  }
0x56f: {  	v27 =	vor.u32 v47, v16;
	v21 =	vld [tilespmem:$0x1FE30];
	_ =	sdelay $0x2  }
0x570: {  	v24 =	vor.u32 v54, v1;
	v18 =	vld.idx.msk [tilespmem:v32+s5+$0x0], $0xffff;
	v43 =	vmov v30;
	v30 =	vor.u32 v30, v11  }
0x571: {  	v20 =	vld [tilespmem:$0x1FCB0];
	[tilespmem:v22+s18+$0x0] =	vst.idx.msk $0xffff, v23;
	v32 =	vor.u32 v50, v8  }
0x572: {  	v52 =	vld [tilespmem:$0x1FCC0];
	[tilespmem:v27+s18+$0x0] =	vst.idx.msk $0xffff, v25;
	v26 =	vor.u32 v26, v14;
	v21 =	vor.u32 v21, v3  }
0x573: {  	v27 =	vld [tilespmem:$0x1FD60];
	_ =	sdelay $0x1  }
0x574: {  	v22 =	vld.idx.msk [tilespmem:v24+s5+$0x0], $0xffff;
	[tilespmem:v30+s18+$0x0] =	vst.idx.msk $0xffff, v28  }
0x575: {  	v29 =	vor.u32 v45, v17;
	v28 =	vld [tilespmem:$0x1FD70];
	[tilespmem:v32+s18+$0x0] =	vst.idx.msk $0xffff, v18  }
0x576: {  	v24 =	vor.u32 v37, v2;
	v26 =	vld.idx.msk [tilespmem:v26+s5+$0x0], $0xffff;
	[tilespmem:v21+s18+$0x0] =	vst.idx.msk $0xffff, v19  }
0x577: {  	v27 =	vor.u32 v27, v5;
	v18 =	vld [tilespmem:$0x1FF80];
	_ =	sdelay $0x2  }
0x578: {  	v29 =	vld.idx.msk [tilespmem:v29+s5+$0x0], $0xffff  }
0x579: {  	v31 =	vor.u32 v56, v12;
	v25 =	vor.u32 v63, v1;
	v54 =	vld [tilespmem:$0x1FFF0];
	[tilespmem:v24+s18+$0x0] =	vst.idx.msk $0xffff, v22  }
0x57a: {  	v20 =	vor.u32 v20, v9;
	v63 =	vmov v18;
	v35 =	vor.u32 v18, v6;
	v18 =	vld [tilespmem:$0x1FE40];
	[tilespmem:v27+s18+$0x0] =	vst.idx.msk $0xffff, v26  }
0x57b: {  	v30 =	vor.u32 v48, v15;
	v19 =	vld [tilespmem:$0x1FE50];
	_ =	sdelay $0x2  }
0x57c: {  	v31 =	vld.idx.msk [tilespmem:v31+s5+$0x0], $0xffff  }
0x57d: {  	v23 =	vor.u32 v52, v4;
	v34 =	vld.idx.msk [tilespmem:v20+s5+$0x0], $0xffff  }
0x57e: {  	v27 =	vor.u32 v19, v4;
	v19 =	vld [tilespmem:$0x1FD10];
	[tilespmem:v30+s18+$0x0] =	vst.idx.msk $0xffff, v29  }
0x57f: {  	v33 =	vor.u32 v36, v13;
	v20 =	vld [tilespmem:$0x1FD20];
	_ =	sdelay $0x2  }
0x580: {  	v23 =	vld.idx.msk [tilespmem:v23+s5+$0x0], $0xffff;
	v22 =	vor.u32 v51, v9;
	v24 =	vor.u32 v18, v7  }
0x581: {  	v58 =	vld.idx.msk [tilespmem:v25+s5+$0x0], $0xffff;
	v26 =	vor.u32 v19, v0  }
0x582: {  	v38 =	vor.u32 v20, v1;
	v20 =	vld [tilespmem:$0x1FD80];
	[tilespmem:v33+s18+$0x0] =	vst.idx.msk $0xffff, v31  }
0x583: {  	v21 =	vld [tilespmem:$0x1FD90];
	[tilespmem:v35+s18+$0x0] =	vst.idx.msk $0xffff, v34  }
0x584: {  	v50 =	vmovc v48;
	v57 =	vmov v54;
	v48 =	vor.u32 v54, v12;
	v54 =	vmov v51;
	v51 =	vld [tilespmem:$0x1FF90]  }
0x585: {  	[tilespmem:v24+s18+$0x0] =	vst.idx.msk $0xffff, v23;
	v25 =	vld.idx.msk [tilespmem:v22+s5+$0x0], $0xffff  }
0x586: {  	v28 =	vor.u32 v28, v14;
	v37 =	vld [tilespmem:$0x1FC90];
	[tilespmem:v26+s18+$0x0] =	vst.idx.msk $0xffff, v58  }
0x587: {  	v22 =	vld [tilespmem:$0x1FEE0];
	_ =	sdelay $0x3  }
0x588: {  	v52 =	vmov v39;
	v28 =	vld.idx.msk [tilespmem:v28+s5+$0x0], $0xffff;
	v39 =	vor.u32 v20, v10  }
0x589: {  	v46 =	vmovc v62;
	v34 =	vor.u32 v62, v17;
	v62 =	vmov v22;
	v31 =	vor.u32 v22, v12;
	v22 =	vld [tilespmem:$0x1FDD0]  }
0x58a: {  	v32 =	vor.u32 v49, v17;
	_ =	sdelay $0x2  }
0x58b: {  	[tilespmem:v39+s18+$0x0] =	vst.idx.msk $0xffff, v28  }
0x58c: {  	s31 =	simm.s32 $0x6;
	v53 =	vmovc v56;
	v42 =	vlaneseq.u32;
	v56 =	vmov v22;
	v26 =	vor.u32 v22, v8;
	v22 =	vld [tilespmem:$0x1FDE0]  }
0x58d: {  	v18 =	vadd.s32 s31, v42;
	v32 =	vld.idx.msk [tilespmem:v32+s5+$0x0], $0xffff  }
0x58e: {  	v19 =	vand.u32 $0xF, v18;
	v29 =	vld.idx.msk [tilespmem:v48+s5+$0x0], $0xffff  }
0x58f: {  	v48 =	vmovc v50;
	v24 =	vor.u32 v61, v3;
	v61 =	vmov v55;
	v23 =	vld.idx.msk [tilespmem:v27+s5+$0x0], $0xffff;
	v20 =	vshll.u32 v19, $0x7  }
0x590: {  	v55 =	vmovc v36;
	v21 =	vor.u32 v21, v14;
	v35 =	vor.u32 v42, v20;
	v33 =	vor.u32 v51, v16;
	v58 =	vld [tilespmem:$0x1FC50]  }
0x591: {  	s24 =	simm.s32 $0x7;
	v30 =	vor.u32 v37, v11;
	v44 =	vmovc v37;
	v50 =	vmov v22;
	v28 =	vor.u32 v22, v9;
	v22 =	vld.idx.msk [tilespmem:v38+s5+$0x0], $0xffff  }
.LBB2_8:
0x592: {  	v27 =	vld [tilespmem:$0x1FE70];
	_ =	sdelay $0x4  }
0x593: {  	v36 =	vor.u32 v27, v4;
	v27 =	vld [tilespmem:$0x1FF50];
	_ =	sdelay $0x2  }
0x594: {  	v21 =	vld.idx.msk [tilespmem:v21+s5+$0x0], $0xffff  }
0x595: {  	v38 =	vld [tilespmem:$0x1FD30]  }
0x596: {  	v39 =	vld [tilespmem:$0x1FDA0];
	v37 =	vor.u32 v27, v2  }
0x597: {  	v27 =	vmov v12;
	v12 =	vmov v17;
	v17 =	vmov v20;
	v20 =	vld.idx.msk [tilespmem:v35+s5+$0x0], $0xffff;
	[tilespmem:v33+s18+$0x0] =	vst.idx.msk $0xffff, v32  }
0x598: {  	v34 =	vld.idx.msk [tilespmem:v34+s5+$0x0], $0xffff  }
0x599: {  	[tilespmem:v30+s18+$0x0] =	vst.idx.msk $0xffff, v29;
	v29 =	vld [tilespmem:$0x1FE90]  }
0x59a: {  	v30 =	vor.u32 v41, v17;
	v41 =	vld [tilespmem:$0x1FCD0]  }
0x59b: {  	v31 =	vld.idx.msk [tilespmem:v31+s5+$0x0], $0xffff  }
0x59c: {  	[tilespmem:v26+s18+$0x0] =	vst.idx.msk $0xffff, v25;
	v26 =	vld [tilespmem:$0x1FEF0]  }
0x59d: {  	v32 =	vor.u32 v38, v1;
	v28 =	vld.idx.msk [tilespmem:v28+s5+$0x0], $0xffff  }
0x59e: {  	v33 =	vor.u32 v39, v5;
	[tilespmem:v24+s18+$0x0] =	vst.idx.msk $0xffff, v23;
	v23 =	vld [tilespmem:$0x1FF10]  }
0x59f: {  	v24 =	vld [tilespmem:$0x1FDF0]  }
0x5a0: {  	v40 =	vor.u32 v40, v19;
	v36 =	vld.idx.msk [tilespmem:v36+s5+$0x0], $0xffff  }
0x5a1: {  	[tilespmem:v37+s18+$0x0] =	vst.idx.msk $0xffff, v22;
	v22 =	vld [tilespmem:$0x1FE00]  }
0x5a2: {  	v32 =	vld.idx.msk [tilespmem:v32+s5+$0x0], $0xffff  }
0x5a3: {  	v29 =	vor.u32 v29, v14;
	[tilespmem:v33+s18+$0x0] =	vst.idx.msk $0xffff, v21;
	v21 =	vld [tilespmem:$0x1FF40]  }
0x5a4: {  	v38 =	vor.u32 v61, v15;
	v37 =	vor.u32 v41, v7;
	v41 =	vld [tilespmem:$0x1FEA0]  }
0x5a5: {  	[tilespmem:v40+s18+$0x0] =	vst.idx.msk $0xffff, v20;
	v20 =	vld [tilespmem:$0x1FE80]  }
0x5a6: {  	v40 =	vld [tilespmem:$0x1FD40]  }
0x5a7: {  	v30 =	vld.idx.msk [tilespmem:v30+s5+$0x0], $0xffff  }
0x5a8: {  	v25 =	vor.u32 v58, v12;
	v26 =	vor.u32 v26, v13;
	v23 =	vor.u32 v23, v27;
	v29 =	vld.idx.msk [tilespmem:v29+s5+$0x0], $0xffff  }
0x5a9: {  	v24 =	vor.u32 v24, v6;
	[tilespmem:v38+s18+$0x0] =	vst.idx.msk $0xffff, v34;
	v34 =	vor.u32 v41, v10;
	v10 =	vld [tilespmem:$0x1FEB0]  }
0x5aa: {  	v22 =	vor.u32 v22, v9  }
0x5ab: {  	v21 =	vor.u32 v21, v0;
	v20 =	vor.u32 v20, v4  }
0x5ac: {  	v39 =	vld [tilespmem:$0x1FED0];
	v33 =	vor.u32 v40, v1  }
0x5ad: {  	v38 =	vor.u32 v52, v18;
	v25 =	vld.idx.msk [tilespmem:v25+s5+$0x0], $0xffff;
	[tilespmem:v26+s18+$0x0] =	vst.idx.msk $0xffff, v31  }
0x5ae: {  	v23 =	vld.idx.msk [tilespmem:v23+s5+$0x0], $0xffff;
	[tilespmem:v24+s18+$0x0] =	vst.idx.msk $0xffff, v28;
	v14 =	vor.u32 v10, v14  }
0x5af: {  	v26 =	vor.u32 v59, v16;
	v22 =	vld.idx.msk [tilespmem:v22+s5+$0x0], $0xffff;
	[tilespmem:v37+s18+$0x0] =	vst.idx.msk $0xffff, v36  }
0x5b0: {  	v20 =	vld.idx.msk [tilespmem:v20+s5+$0x0], $0xffff;
	[tilespmem:v21+s18+$0x0] =	vst.idx.msk $0xffff, v32  }
0x5b1: {  	v33 =	vld.idx.msk [tilespmem:v33+s5+$0x0], $0xffff;
	[tilespmem:v34+s18+$0x0] =	vst.idx.msk $0xffff, v29  }
0x5b2: {  	v10 =	vmov v2;
	v2 =	vmov v7;
	v7 =	vld [tilespmem:$0x1FC40];
	[tilespmem:v38+s18+$0x0] =	vst.idx.msk $0xffff, v30  }
0x5b3: {  	v14 =	vld.idx.msk [tilespmem:v14+s5+$0x0], $0xffff  }
0x5b4: {  	[tilespmem:v26+s18+$0x0] =	vst.idx.msk $0xffff, v25;
	v26 =	vld [tilespmem:$0x1FEC0]  }
0x5b5: {  	v31 =	vld [tilespmem:$0x1FE10]  }
0x5b6: {  	v24 =	vld [tilespmem:$0x1FF60]  }
0x5b7: {  	v21 =	vld [tilespmem:$0x1FCA0]  }
0x5b8: {  	v29 =	vld [tilespmem:$0x1FE20];
	v7 =	vor.u32 v7, v17  }
0x5b9: {  	v26 =	vor.u32 v26, v5;
	v5 =	vmov v0;
	v0 =	vld [tilespmem:$0x1FD50]  }
0x5ba: {  	v30 =	vld [tilespmem:$0x1FF30]  }
0x5bb: {  	v24 =	vor.u32 v24, v11;
	v25 =	vld [tilespmem:$0x1FCE0]  }
0x5bc: {  	v28 =	vor.u32 v60, v12;
	v31 =	vor.u32 v31, v8  }
0x5bd: {  	v32 =	vor.u32 v39, v3;
	v21 =	vor.u32 v21, v27;
	v34 =	vld.idx.msk [tilespmem:v7+s5+$0x0], $0xffff  }
0x5be: {  	v7 =	vor.u32 v0, v1;
	v0 =	vmovc v3;
	v3 =	vmovc v6;
	v6 =	vmov v11;
	v11 =	vmov v15;
	v15 =	vld [tilespmem:$0x1FF70]  }
0x5bf: {  	v29 =	vor.u32 v29, v9;
	v30 =	vor.u32 v30, v10  }
0x5c0: {  	v25 =	vor.u32 v25, v4;
	[tilespmem:v24+s18+$0x0] =	vst.idx.msk $0xffff, v23  }
0x5c1: {  	v24 =	vld.idx.msk [tilespmem:v28+s5+$0x0], $0xffff;
	[tilespmem:v31+s18+$0x0] =	vst.idx.msk $0xffff, v22  }
0x5c2: {  	v21 =	vld.idx.msk [tilespmem:v21+s5+$0x0], $0xffff  }
0x5c3: {  	[tilespmem:v32+s18+$0x0] =	vst.idx.msk $0xffff, v20;
	v31 =	vor.u32 v15, v13;
	v15 =	vld [tilespmem:$0x1FCB0]  }
0x5c4: {  	v29 =	vld.idx.msk [tilespmem:v29+s5+$0x0], $0xffff;
	[tilespmem:v30+s18+$0x0] =	vst.idx.msk $0xffff, v33  }
0x5c5: {  	v25 =	vld.idx.msk [tilespmem:v25+s5+$0x0], $0xffff;
	[tilespmem:v26+s18+$0x0] =	vst.idx.msk $0xffff, v14  }
0x5c6: {  	v35 =	vld.idx.msk [tilespmem:v7+s5+$0x0], $0xffff  }
0x5c7: {  	v7 =	vmov v8;
	v8 =	vld [tilespmem:$0x1FD00]  }
0x5c8: {  	v30 =	vor.u32 v15, v27;
	v15 =	vld [tilespmem:$0x1FE30];
	_ =	sdelay $0x3  }
0x5c9: {  	v14 =	vld [tilespmem:$0x1FCC0]  }
0x5ca: {  	v23 =	vor.u32 v47, v19;
	v40 =	vor.u32 v15, v3;
	v15 =	vmovc v18;
	v18 =	vor.u32 v8, v4;
	v8 =	vld [tilespmem:$0x1FD60];
	_ =	sdelay $0x3  }
0x5cb: {  	v22 =	vor.u32 v45, v17;
	v28 =	vor.u32 v43, v11;
	v26 =	vor.u32 v14, v9;
	v14 =	vld [tilespmem:$0x1FCF0]  }
0x5cc: {  	[tilespmem:v23+s18+$0x0] =	vst.idx.msk $0xffff, v34;
	v23 =	vor.u32 v8, v5;
	v8 =	vmov v13;
	v13 =	vld [tilespmem:$0x1FD70];
	_ =	sdelay $0x3  }
0x5cd: {  	v22 =	vld.idx.msk [tilespmem:v22+s5+$0x0], $0xffff;
	[tilespmem:v28+s18+$0x0] =	vst.idx.msk $0xffff, v24  }
0x5ce: {  	v41 =	vor.u32 v14, v2;
	v14 =	vmovc v1;
	v24 =	vor.u32 v13, v1;
	v1 =	vmov v4;
	v4 =	vld [tilespmem:$0x1FE40]  }
0x5cf: {  	v20 =	vor.u32 v53, v12;
	_ =	sdelay $0x3  }
0x5d0: {  	v37 =	vor.u32 v4, v7;
	v4 =	vld [tilespmem:$0x1FE50]  }
0x5d1: {  	v34 =	vld.idx.msk [tilespmem:v20+s5+$0x0], $0xffff;
	[tilespmem:v31+s18+$0x0] =	vst.idx.msk $0xffff, v21  }
0x5d2: {  	v30 =	vld.idx.msk [tilespmem:v30+s5+$0x0], $0xffff;
	[tilespmem:v40+s18+$0x0] =	vst.idx.msk $0xffff, v29  }
0x5d3: {  	v26 =	vld.idx.msk [tilespmem:v26+s5+$0x0], $0xffff;
	[tilespmem:v41+s18+$0x0] =	vst.idx.msk $0xffff, v25  }
0x5d4: {  	v38 =	vld.idx.msk [tilespmem:v18+s5+$0x0], $0xffff  }
0x5d5: {  	[tilespmem:v23+s18+$0x0] =	vst.idx.msk $0xffff, v35;
	v23 =	vor.u32 v4, v9;
	v4 =	vld [tilespmem:$0x1FD10];
	_ =	sdelay $0x4  }
0x5d6: {  	v28 =	vor.u32 v48, v15;
	v39 =	vor.u32 v4, v0;
	v4 =	vmov v9;
	v9 =	vld [tilespmem:$0x1FD20];
	_ =	sdelay $0x3  }
0x5d7: {  	v21 =	vor.u32 v49, v17;
	v13 =	vmov v16;
	v40 =	vld.idx.msk [tilespmem:v24+s5+$0x0], $0xffff  }
0x5d8: {  	v31 =	vor.u32 v55, v13;
	[tilespmem:v28+s18+$0x0] =	vst.idx.msk $0xffff, v22;
	v22 =	vor.u32 v9, v1;
	v9 =	vld [tilespmem:$0x1FD80]  }
0x5d9: {  	v36 =	vor.u32 v63, v6;
	v29 =	vor.u32 v57, v12  }
0x5da: {  	v25 =	vor.u32 v54, v27  }
0x5db: {  	v24 =	vld [tilespmem:$0x1FE60]  }
0x5dc: {  	v32 =	vld.idx.msk [tilespmem:v21+s5+$0x0], $0xffff  }
0x5dd: {  	[tilespmem:v31+s18+$0x0] =	vst.idx.msk $0xffff, v34;
	v41 =	vor.u32 v9, v10;
	v9 =	vld [tilespmem:$0x1FD90]  }
0x5de: {  	p1 =	sne.s32 s24, $0xF;
	v18 =	vadd.s32 s24, v42;
	v29 =	vld.idx.msk [tilespmem:v29+s5+$0x0], $0xffff;
	[tilespmem:v36+s18+$0x0] =	vst.idx.msk $0xffff, v30  }
.Ltmp3:
0x5df: {  	v16 =	vmov v19;
	v19 =	vand.u32 $0xF, v18;
	v25 =	vld.idx.msk [tilespmem:v25+s5+$0x0], $0xffff;
	[tilespmem:v37+s18+$0x0] =	vst.idx.msk $0xffff, v26;
	(pc) =	sbr.rel @p1 .LBB2_8-.Ltmp3, $4  }
0x5e0: {  	v20 =	vshll.u32 v19, $0x7;
	v33 =	vor.u32 v51, v16;
	v23 =	vld.idx.msk [tilespmem:v23+s5+$0x0], $0xffff;
	[tilespmem:v39+s18+$0x0] =	vst.idx.msk $0xffff, v38  }
0x5e1: {  	v35 =	vor.u32 v42, v20;
	v34 =	vor.u32 v46, v17;
	v31 =	vor.u32 v62, v12;
	v22 =	vld.idx.msk [tilespmem:v22+s5+$0x0], $0xffff  }
0x5e2: {  	v30 =	vor.u32 v44, v11;
	v21 =	vor.u32 v9, v14;
	v9 =	vmov v27;
	[tilespmem:v41+s18+$0x0] =	vst.idx.msk $0xffff, v40;
	v41 =	vld [tilespmem:$0x1FDC0]  }
0x5e3: {  	s24 =	sadd.s32 $0x1, s24;
	v26 =	vor.u32 v56, v8;
	v24 =	vor.u32 v24, v3;
	v40 =	vld [tilespmem:$0x1FDB0];
	v28 =	vor.u32 v50, v9  }
0x5e4: {  	_ =	sdelay $0x3  }
0x5e5: {  	v27 =	vld.idx.msk [tilespmem:v35+s5+$0x0], $0xffff;
	v42 =	vor.u32 v40, v19;
	_ =	sdelay $0x4  }
0x5e6: {  	v36 =	vor.u32 v41, v20;
	[tilespmem:v42+s18+$0x0] =	vst.idx.msk $0xffff, v27  }
0x5e7: {  	v39 =	vmov v52;
	v42 =	vor.u32 v52, v18;
	v52 =	vld [tilespmem:$0x1FC40];
	_ =	sdelay $0x3  }
0x5e8: {  	v27 =	vld.idx.msk [tilespmem:v36+s5+$0x0], $0xffff  }
0x5e9: {  	v36 =	vor.u32 v52, v20;
	_ =	sdelay $0x3  }
0x5ea: {  	[tilespmem:v42+s18+$0x0] =	vst.idx.msk $0xffff, v27  }
0x5eb: {  	v42 =	vor.u32 v47, v19;
	v27 =	vld.idx.msk [tilespmem:v36+s5+$0x0], $0xffff  }
0x5ec: {  	v52 =	vor.u32 v45, v20;
	_ =	sdelay $0x3  }
0x5ed: {  	[tilespmem:v42+s18+$0x0] =	vst.idx.msk $0xffff, v27  }
0x5ee: {  	v42 =	vor.u32 v48, v18;
	v27 =	vld.idx.msk [tilespmem:v52+s5+$0x0], $0xffff  }
0x5ef: {  	v52 =	vor.u32 v49, v20;
	_ =	sdelay $0x3  }
0x5f0: {  	[tilespmem:v42+s18+$0x0] =	vst.idx.msk $0xffff, v27  }
0x5f1: {  	v42 =	vor.u32 v51, v19;
	v27 =	vld.idx.msk [tilespmem:v52+s5+$0x0], $0xffff  }
0x5f2: {  	v46 =	vor.u32 v46, v20;
	_ =	sdelay $0x2  }
0x5f3: {  	[tilespmem:v33+s18+$0x0] =	vst.idx.msk $0xffff, v32  }
0x5f4: {  	v32 =	vld.idx.msk [tilespmem:v34+s5+$0x0], $0xffff;
	v51 =	vor.u32 v61, v15;
	[tilespmem:v42+s18+$0x0] =	vst.idx.msk $0xffff, v27  }
0x5f5: {  	v27 =	vor.u32 v58, v17;
	v42 =	vor.u32 v61, v18;
	v52 =	vld.idx.msk [tilespmem:v46+s5+$0x0], $0xffff  }
0x5f6: {  	v46 =	vor.u32 v58, v20;
	_ =	sdelay $0x2  }
0x5f7: {  	[tilespmem:v51+s18+$0x0] =	vst.idx.msk $0xffff, v32  }
0x5f8: {  	v51 =	vor.u32 v59, v16;
	v27 =	vld.idx.msk [tilespmem:v27+s5+$0x0], $0xffff;
	[tilespmem:v42+s18+$0x0] =	vst.idx.msk $0xffff, v52  }
0x5f9: {  	v58 =	vor.u32 v59, v19;
	v52 =	vor.u32 v60, v17;
	v34 =	vld.idx.msk [tilespmem:v46+s5+$0x0], $0xffff  }
0x5fa: {  	v59 =	vor.u32 v60, v20;
	_ =	sdelay $0x2  }
0x5fb: {  	[tilespmem:v51+s18+$0x0] =	vst.idx.msk $0xffff, v27  }
0x5fc: {  	v60 =	vor.u32 v43, v15;
	v27 =	vld.idx.msk [tilespmem:v52+s5+$0x0], $0xffff;
	[tilespmem:v58+s18+$0x0] =	vst.idx.msk $0xffff, v34  }
0x5fd: {  	v61 =	vor.u32 v53, v17;
	v42 =	vor.u32 v43, v18;
	v34 =	vld.idx.msk [tilespmem:v59+s5+$0x0], $0xffff  }
0x5fe: {  	v43 =	vor.u32 v53, v20;
	_ =	sdelay $0x2  }
0x5ff: {  	[tilespmem:v60+s18+$0x0] =	vst.idx.msk $0xffff, v27  }
0x600: {  	v46 =	vor.u32 v55, v16;
	v27 =	vld.idx.msk [tilespmem:v61+s5+$0x0], $0xffff;
	[tilespmem:v42+s18+$0x0] =	vst.idx.msk $0xffff, v34  }
0x601: {  	v51 =	vor.u32 v57, v17;
	v52 =	vor.u32 v55, v19;
	v34 =	vld.idx.msk [tilespmem:v43+s5+$0x0], $0xffff;
	_ =	sdelay $0x2  }
0x602: {  	[tilespmem:v30+s18+$0x0] =	vst.idx.msk $0xffff, v29  }
0x603: {  	[tilespmem:v46+s18+$0x0] =	vst.idx.msk $0xffff, v27  }
0x604: {  	v53 =	vor.u32 v57, v20;
	v27 =	vld.idx.msk [tilespmem:v51+s5+$0x0], $0xffff;
	[tilespmem:v52+s18+$0x0] =	vst.idx.msk $0xffff, v34  }
0x605: {  	v55 =	vor.u32 v44, v15;
	v37 =	vld [tilespmem:$0x1FEF0];
	_ =	sdelay $0x3  }
0x606: {  	v57 =	vor.u32 v62, v17;
	v58 =	vor.u32 v44, v18;
	v34 =	vld.idx.msk [tilespmem:v53+s5+$0x0], $0xffff  }
0x607: {  	v29 =	vld.idx.msk [tilespmem:v31+s5+$0x0], $0xffff;
	[tilespmem:v55+s18+$0x0] =	vst.idx.msk $0xffff, v27;
	v30 =	vor.u32 v37, v13  }
0x608: {  	v38 =	vld [tilespmem:$0x1FF10];
	_ =	sdelay $0x2  }
0x609: {  	v59 =	vor.u32 v62, v20;
	v31 =	vld.idx.msk [tilespmem:v57+s5+$0x0], $0xffff;
	v60 =	vor.u32 v37, v16;
	[tilespmem:v58+s18+$0x0] =	vst.idx.msk $0xffff, v34  }
0x60a: {  	[tilespmem:v30+s18+$0x0] =	vst.idx.msk $0xffff, v29  }
0x60b: {  	v27 =	vor.u32 v38, v12;
	v43 =	vld [tilespmem:$0x1FF60]  }
0x60c: {  	v61 =	vor.u32 v38, v17;
	_ =	sdelay $0x1  }
0x60d: {  	v34 =	vld.idx.msk [tilespmem:v59+s5+$0x0], $0xffff;
	[tilespmem:v60+s18+$0x0] =	vst.idx.msk $0xffff, v31  }
0x60e: {  	v62 =	vor.u32 v37, v19;
	v44 =	vld [tilespmem:$0x1FCA0]  }
0x60f: {  	v42 =	vor.u32 v38, v20;
	v27 =	vld.idx.msk [tilespmem:v27+s5+$0x0], $0xffff;
	v29 =	vor.u32 v43, v11  }
0x610: {  	v31 =	vld.idx.msk [tilespmem:v61+s5+$0x0], $0xffff;
	v46 =	vor.u32 v43, v15;
	_ =	sdelay $0x2  }
0x611: {  	[tilespmem:v62+s18+$0x0] =	vst.idx.msk $0xffff, v34  }
0x612: {  	v34 =	vld.idx.msk [tilespmem:v42+s5+$0x0], $0xffff;
	[tilespmem:v29+s18+$0x0] =	vst.idx.msk $0xffff, v27  }
0x613: {  	v30 =	vor.u32 v44, v12;
	v55 =	vld [tilespmem:$0x1FF70];
	[tilespmem:v46+s18+$0x0] =	vst.idx.msk $0xffff, v31  }
0x614: {  	v52 =	vor.u32 v43, v18;
	v51 =	vor.u32 v44, v17;
	v57 =	vld [tilespmem:$0x1FCB0]  }
0x615: {  	v53 =	vor.u32 v44, v20;
	_ =	sdelay $0x2  }
0x616: {  	v27 =	vld.idx.msk [tilespmem:v30+s5+$0x0], $0xffff;
	v29 =	vor.u32 v55, v13  }
0x617: {  	v31 =	vld.idx.msk [tilespmem:v51+s5+$0x0], $0xffff;
	[tilespmem:v52+s18+$0x0] =	vst.idx.msk $0xffff, v34;
	v58 =	vor.u32 v55, v16;
	v30 =	vor.u32 v57, v12  }
0x618: {  	v34 =	vld.idx.msk [tilespmem:v53+s5+$0x0], $0xffff;
	v60 =	vor.u32 v55, v19;
	v59 =	vor.u32 v57, v17  }
0x619: {  	v61 =	vor.u32 v57, v20;
	_ =	sdelay $0x1  }
0x61a: {  	[tilespmem:v29+s18+$0x0] =	vst.idx.msk $0xffff, v27  }
0x61b: {  	v29 =	vor.u32 v63, v11;
	[tilespmem:v58+s18+$0x0] =	vst.idx.msk $0xffff, v31;
	v27 =	vld.idx.msk [tilespmem:v30+s5+$0x0], $0xffff  }
0x61c: {  	v62 =	vor.u32 v63, v15;
	[tilespmem:v60+s18+$0x0] =	vst.idx.msk $0xffff, v34;
	v31 =	vld.idx.msk [tilespmem:v59+s5+$0x0], $0xffff  }
0x61d: {  	v43 =	vor.u32 v63, v18;
	v30 =	vor.u32 v54, v12;
	v34 =	vld.idx.msk [tilespmem:v61+s5+$0x0], $0xffff;
	_ =	sdelay $0x1  }
0x61e: {  	[tilespmem:v26+s18+$0x0] =	vst.idx.msk $0xffff, v25  }
0x61f: {  	[tilespmem:v29+s18+$0x0] =	vst.idx.msk $0xffff, v27  }
0x620: {  	v42 =	vor.u32 v54, v17;
	[tilespmem:v62+s18+$0x0] =	vst.idx.msk $0xffff, v31  }
0x621: {  	v44 =	vor.u32 v54, v20;
	[tilespmem:v43+s18+$0x0] =	vst.idx.msk $0xffff, v34;
	v27 =	vld.idx.msk [tilespmem:v30+s5+$0x0], $0xffff  }
0x622: {  	v29 =	vor.u32 v56, v13;
	v57 =	vld [tilespmem:$0x1FDF0];
	_ =	sdelay $0x2  }
0x623: {  	v46 =	vor.u32 v56, v16;
	v31 =	vld.idx.msk [tilespmem:v42+s5+$0x0], $0xffff  }
0x624: {  	v60 =	vor.u32 v56, v19;
	v30 =	vor.u32 v50, v12;
	v34 =	vld.idx.msk [tilespmem:v44+s5+$0x0], $0xffff  }
0x625: {  	v25 =	vld.idx.msk [tilespmem:v28+s5+$0x0], $0xffff;
	v26 =	vor.u32 v57, v6;
	[tilespmem:v29+s18+$0x0] =	vst.idx.msk $0xffff, v27  }
0x626: {  	v55 =	vld [tilespmem:$0x1FE00];
	_ =	sdelay $0x1  }
0x627: {  	v51 =	vor.u32 v50, v17;
	[tilespmem:v46+s18+$0x0] =	vst.idx.msk $0xffff, v31  }
0x628: {  	v62 =	vor.u32 v50, v20;
	v29 =	vor.u32 v57, v11;
	v28 =	vld.idx.msk [tilespmem:v30+s5+$0x0], $0xffff;
	[tilespmem:v60+s18+$0x0] =	vst.idx.msk $0xffff, v34  }
0x629: {  	[tilespmem:v26+s18+$0x0] =	vst.idx.msk $0xffff, v25  }
0x62a: {  	v27 =	vor.u32 v55, v9;
	v46 =	vld [tilespmem:$0x1FE10];
	_ =	sdelay $0x1  }
0x62b: {  	v31 =	vld.idx.msk [tilespmem:v51+s5+$0x0], $0xffff  }
0x62c: {  	v63 =	vor.u32 v57, v15;
	v34 =	vld.idx.msk [tilespmem:v62+s5+$0x0], $0xffff;
	[tilespmem:v29+s18+$0x0] =	vst.idx.msk $0xffff, v28  }
0x62d: {  	v43 =	vor.u32 v57, v18;
	v58 =	vld [tilespmem:$0x1FE20]  }
0x62e: {  	v30 =	vor.u32 v55, v12;
	v25 =	vld.idx.msk [tilespmem:v27+s5+$0x0], $0xffff;
	v26 =	vor.u32 v46, v8;
	_ =	sdelay $0x2  }
0x62f: {  	v42 =	vor.u32 v55, v17;
	[tilespmem:v63+s18+$0x0] =	vst.idx.msk $0xffff, v31  }
0x630: {  	v44 =	vor.u32 v55, v20;
	[tilespmem:v43+s18+$0x0] =	vst.idx.msk $0xffff, v34  }
0x631: {  	v28 =	vld.idx.msk [tilespmem:v30+s5+$0x0], $0xffff;
	v29 =	vor.u32 v46, v13;
	v27 =	vor.u32 v58, v9;
	[tilespmem:v26+s18+$0x0] =	vst.idx.msk $0xffff, v25  }
0x632: {  	v59 =	vld [tilespmem:$0x1FE30];
	_ =	sdelay $0x1  }
0x633: {  	v31 =	vld.idx.msk [tilespmem:v42+s5+$0x0], $0xffff  }
0x634: {  	v61 =	vmov v50;
	v50 =	vor.u32 v46, v16;
	v34 =	vld.idx.msk [tilespmem:v44+s5+$0x0], $0xffff  }
0x635: {  	v52 =	vor.u32 v46, v19;
	v25 =	vld.idx.msk [tilespmem:v27+s5+$0x0], $0xffff;
	[tilespmem:v29+s18+$0x0] =	vst.idx.msk $0xffff, v28  }
0x636: {  	v30 =	vor.u32 v58, v12;
	v54 =	vld [tilespmem:$0x1FCC0];
	v26 =	vor.u32 v59, v6;
	_ =	sdelay $0x2  }
0x637: {  	v51 =	vor.u32 v58, v17;
	[tilespmem:v50+s18+$0x0] =	vst.idx.msk $0xffff, v31  }
0x638: {  	v53 =	vor.u32 v58, v20;
	[tilespmem:v52+s18+$0x0] =	vst.idx.msk $0xffff, v34  }
0x639: {  	v28 =	vld.idx.msk [tilespmem:v30+s5+$0x0], $0xffff;
	v29 =	vor.u32 v59, v11;
	v27 =	vor.u32 v54, v9;
	[tilespmem:v26+s18+$0x0] =	vst.idx.msk $0xffff, v25  }
0x63a: {  	v52 =	vld [tilespmem:$0x1FE40];
	_ =	sdelay $0x1  }
0x63b: {  	v31 =	vld.idx.msk [tilespmem:v51+s5+$0x0], $0xffff  }
0x63c: {  	v34 =	vld.idx.msk [tilespmem:v53+s5+$0x0], $0xffff;
	v56 =	vor.u32 v59, v15;
	v30 =	vor.u32 v54, v12  }
0x63d: {  	v62 =	vor.u32 v59, v18;
	v60 =	vor.u32 v54, v17;
	v25 =	vld.idx.msk [tilespmem:v27+s5+$0x0], $0xffff;
	[tilespmem:v29+s18+$0x0] =	vst.idx.msk $0xffff, v28  }
0x63e: {  	v63 =	vor.u32 v54, v20;
	v46 =	vld [tilespmem:$0x1FE50];
	v26 =	vor.u32 v52, v8;
	_ =	sdelay $0x2  }
0x63f: {  	v28 =	vld.idx.msk [tilespmem:v30+s5+$0x0], $0xffff;
	[tilespmem:v56+s18+$0x0] =	vst.idx.msk $0xffff, v31;
	v29 =	vor.u32 v52, v13  }
0x640: {  	[tilespmem:v62+s18+$0x0] =	vst.idx.msk $0xffff, v34;
	v31 =	vld.idx.msk [tilespmem:v60+s5+$0x0], $0xffff;
	v42 =	vor.u32 v52, v16  }
0x641: {  	v34 =	vld.idx.msk [tilespmem:v63+s5+$0x0], $0xffff;
	v44 =	vor.u32 v52, v19;
	v27 =	vor.u32 v46, v9;
	[tilespmem:v26+s18+$0x0] =	vst.idx.msk $0xffff, v25  }
0x642: {  	v43 =	vor.u32 v46, v17;
	v56 =	vld [tilespmem:$0x1FE70]  }
0x643: {  	v60 =	vld [tilespmem:$0x1FE60]  }
0x644: {  	[tilespmem:v29+s18+$0x0] =	vst.idx.msk $0xffff, v28  }
0x645: {  	v30 =	vor.u32 v46, v12;
	[tilespmem:v42+s18+$0x0] =	vst.idx.msk $0xffff, v31  }
0x646: {  	v26 =	vld.idx.msk [tilespmem:v27+s5+$0x0], $0xffff;
	[tilespmem:v44+s18+$0x0] =	vst.idx.msk $0xffff, v34  }
0x647: {  	v54 =	vor.u32 v46, v20;
	[tilespmem:v24+s18+$0x0] =	vst.idx.msk $0xffff, v23;
	v32 =	vld.idx.msk [tilespmem:v43+s5+$0x0], $0xffff  }
0x648: {  	v43 =	vld [tilespmem:$0x1FCD0];
	v25 =	vor.u32 v56, v4;
	v27 =	vor.u32 v60, v6  }
0x649: {  	v28 =	vor.u32 v56, v9  }
0x64a: {  	v29 =	vld.idx.msk [tilespmem:v30+s5+$0x0], $0xffff;
	v30 =	vor.u32 v60, v11  }
0x64b: {  	v62 =	vor.u32 v60, v15  }
0x64c: {  	v35 =	vld.idx.msk [tilespmem:v54+s5+$0x0], $0xffff;
	v42 =	vor.u32 v60, v18  }
0x64d: {  	v63 =	vor.u32 v56, v17;
	v24 =	vld.idx.msk [tilespmem:v25+s5+$0x0], $0xffff;
	v25 =	vor.u32 v43, v7;
	[tilespmem:v27+s18+$0x0] =	vst.idx.msk $0xffff, v26  }
0x64e: {  	v27 =	vld.idx.msk [tilespmem:v28+s5+$0x0], $0xffff;
	v28 =	vor.u32 v43, v8  }
0x64f: {  	v44 =	vld [tilespmem:$0x1FE80];
	[tilespmem:v30+s18+$0x0] =	vst.idx.msk $0xffff, v29  }
0x650: {  	v31 =	vor.u32 v56, v12;
	[tilespmem:v62+s18+$0x0] =	vst.idx.msk $0xffff, v32  }
0x651: {  	[tilespmem:v42+s18+$0x0] =	vst.idx.msk $0xffff, v35  }
0x652: {  	v23 =	vor.u32 v56, v20;
	v33 =	vld.idx.msk [tilespmem:v63+s5+$0x0], $0xffff;
	[tilespmem:v25+s18+$0x0] =	vst.idx.msk $0xffff, v24  }
0x653: {  	v63 =	vld [tilespmem:$0x1FF50];
	[tilespmem:v28+s18+$0x0] =	vst.idx.msk $0xffff, v27  }
0x654: {  	v26 =	vor.u32 v44, v4;
	v56 =	vld [tilespmem:$0x1FED0]  }
0x655: {  	v30 =	vld.idx.msk [tilespmem:v31+s5+$0x0], $0xffff;
	v31 =	vor.u32 v43, v13;
	v29 =	vor.u32 v44, v9  }
0x656: {  	v50 =	vor.u32 v43, v16  }
0x657: {  	v54 =	vor.u32 v43, v19;
	v23 =	vld.idx.msk [tilespmem:v23+s5+$0x0], $0xffff  }
0x658: {  	v32 =	vor.u32 v44, v12;
	v24 =	vor.u32 v63, v2  }
0x659: {  	v25 =	vor.u32 v44, v20;
	v26 =	vld.idx.msk [tilespmem:v26+s5+$0x0], $0xffff;
	v27 =	vor.u32 v56, v3  }
0x65a: {  	[tilespmem:v31+s18+$0x0] =	vst.idx.msk $0xffff, v30;
	v29 =	vld.idx.msk [tilespmem:v29+s5+$0x0], $0xffff;
	v30 =	vor.u32 v56, v6  }
0x65b: {  	v60 =	vld [tilespmem:$0x1FCE0];
	[tilespmem:v50+s18+$0x0] =	vst.idx.msk $0xffff, v33  }
0x65c: {  	[tilespmem:v54+s18+$0x0] =	vst.idx.msk $0xffff, v23  }
0x65d: {  	v51 =	vor.u32 v44, v17;
	v32 =	vld.idx.msk [tilespmem:v32+s5+$0x0], $0xffff;
	[tilespmem:v24+s18+$0x0] =	vst.idx.msk $0xffff, v22  }
0x65e: {  	v62 =	vor.u32 v56, v11;
	v24 =	vld.idx.msk [tilespmem:v25+s5+$0x0], $0xffff;
	[tilespmem:v27+s18+$0x0] =	vst.idx.msk $0xffff, v26  }
0x65f: {  	v42 =	vor.u32 v56, v15;
	v25 =	vor.u32 v56, v18;
	v56 =	vld [tilespmem:$0x1FDA0];
	[tilespmem:v30+s18+$0x0] =	vst.idx.msk $0xffff, v29  }
0x660: {  	v28 =	vor.u32 v60, v4;
	v43 =	vld [tilespmem:$0x1FCF0]  }
0x661: {  	v21 =	vld.idx.msk [tilespmem:v21+s5+$0x0], $0xffff;
	v31 =	vor.u32 v60, v9  }
0x662: {  	v34 =	vld.idx.msk [tilespmem:v51+s5+$0x0], $0xffff  }
0x663: {  	v23 =	vor.u32 v60, v12;
	v36 =	vld [tilespmem:$0x1FD30];
	[tilespmem:v62+s18+$0x0] =	vst.idx.msk $0xffff, v32  }
0x664: {  	v22 =	vor.u32 v60, v17;
	v44 =	vld [tilespmem:$0x1FD00];
	v26 =	vor.u32 v56, v5  }
0x665: {  	v27 =	vor.u32 v60, v20;
	v28 =	vld.idx.msk [tilespmem:v28+s5+$0x0], $0xffff;
	v30 =	vor.u32 v43, v7  }
0x666: {  	v31 =	vld.idx.msk [tilespmem:v31+s5+$0x0], $0xffff;
	v51 =	vor.u32 v43, v8  }
0x667: {  	[tilespmem:v42+s18+$0x0] =	vst.idx.msk $0xffff, v34  }
0x668: {  	v23 =	vld.idx.msk [tilespmem:v23+s5+$0x0], $0xffff;
	[tilespmem:v25+s18+$0x0] =	vst.idx.msk $0xffff, v24;
	v29 =	vor.u32 v36, v1  }
0x669: {  	v22 =	vld.idx.msk [tilespmem:v22+s5+$0x0], $0xffff;
	v50 =	vor.u32 v44, v4;
	[tilespmem:v26+s18+$0x0] =	vst.idx.msk $0xffff, v21  }
0x66a: {  	v54 =	vor.u32 v43, v13;
	v26 =	vld.idx.msk [tilespmem:v27+s5+$0x0], $0xffff;
	[tilespmem:v30+s18+$0x0] =	vst.idx.msk $0xffff, v28  }
0x66b: {  	v60 =	vld [tilespmem:$0x1FF40];
	[tilespmem:v51+s18+$0x0] =	vst.idx.msk $0xffff, v31  }
0x66c: {  	v42 =	vld [tilespmem:$0x1FD10]  }
0x66d: {  	v29 =	vld.idx.msk [tilespmem:v29+s5+$0x0], $0xffff  }
0x66e: {  	v25 =	vor.u32 v43, v16;
	v32 =	vld.idx.msk [tilespmem:v50+s5+$0x0], $0xffff  }
0x66f: {  	v27 =	vor.u32 v43, v19;
	v43 =	vld [tilespmem:$0x1FE90];
	[tilespmem:v54+s18+$0x0] =	vst.idx.msk $0xffff, v23  }
0x670: {  	v53 =	vor.u32 v44, v9;
	v24 =	vor.u32 v44, v12;
	v50 =	vld [tilespmem:$0x1FD20];
	v28 =	vor.u32 v60, v0  }
0x671: {  	v21 =	vor.u32 v44, v17;
	v30 =	vor.u32 v44, v20;
	v44 =	vor.u32 v42, v3;
	_ =	sdelay $0x1  }
0x672: {  	[tilespmem:v25+s18+$0x0] =	vst.idx.msk $0xffff, v22  }
0x673: {  	[tilespmem:v27+s18+$0x0] =	vst.idx.msk $0xffff, v26  }
0x674: {  	v34 =	vld.idx.msk [tilespmem:v53+s5+$0x0], $0xffff;
	v51 =	vor.u32 v42, v6;
	v23 =	vor.u32 v50, v4;
	[tilespmem:v28+s18+$0x0] =	vst.idx.msk $0xffff, v29  }
0x675: {  	v31 =	vor.u32 v43, v14;
	v29 =	vld.idx.msk [tilespmem:v30+s5+$0x0], $0xffff;
	[tilespmem:v44+s18+$0x0] =	vst.idx.msk $0xffff, v32  }
0x676: {  	v25 =	vor.u32 v42, v11;
	v27 =	vor.u32 v42, v15;
	v30 =	vor.u32 v42, v18;
	v42 =	vld [tilespmem:$0x1FEA0]  }
0x677: {  	v24 =	vld.idx.msk [tilespmem:v24+s5+$0x0], $0xffff  }
0x678: {  	v21 =	vld.idx.msk [tilespmem:v21+s5+$0x0], $0xffff  }
0x679: {  	[tilespmem:v51+s18+$0x0] =	vst.idx.msk $0xffff, v34;
	v23 =	vld.idx.msk [tilespmem:v23+s5+$0x0], $0xffff  }
0x67a: {  	v62 =	vor.u32 v63, v7;
	v22 =	vor.u32 v50, v9;
	v35 =	vld [tilespmem:$0x1FD40]  }
0x67b: {  	v26 =	vor.u32 v50, v12;
	v31 =	vld.idx.msk [tilespmem:v31+s5+$0x0], $0xffff;
	v10 =	vor.u32 v42, v10  }
0x67c: {  	[tilespmem:v25+s18+$0x0] =	vst.idx.msk $0xffff, v24  }
0x67d: {  	v28 =	vor.u32 v50, v17;
	[tilespmem:v27+s18+$0x0] =	vst.idx.msk $0xffff, v21  }
0x67e: {  	v53 =	vor.u32 v50, v20;
	[tilespmem:v30+s18+$0x0] =	vst.idx.msk $0xffff, v29  }
0x67f: {  	v22 =	vld.idx.msk [tilespmem:v22+s5+$0x0], $0xffff;
	[tilespmem:v62+s18+$0x0] =	vst.idx.msk $0xffff, v23;
	v54 =	vor.u32 v35, v1  }
0x680: {  	v24 =	vor.u32 v36, v4;
	v25 =	vor.u32 v63, v8;
	v26 =	vld.idx.msk [tilespmem:v26+s5+$0x0], $0xffff;
	[tilespmem:v10+s18+$0x0] =	vst.idx.msk $0xffff, v31  }
0x681: {  	v44 =	vld [tilespmem:$0x1FF30]  }
0x682: {  	v27 =	vor.u32 v63, v13;
	v28 =	vld.idx.msk [tilespmem:v28+s5+$0x0], $0xffff  }
0x683: {  	v30 =	vor.u32 v63, v16;
	v31 =	vld.idx.msk [tilespmem:v53+s5+$0x0], $0xffff  }
0x684: {  	v50 =	vor.u32 v36, v20;
	v63 =	vor.u32 v63, v19;
	v33 =	vld.idx.msk [tilespmem:v54+s5+$0x0], $0xffff  }
0x685: {  	v21 =	vor.u32 v36, v9;
	[tilespmem:v25+s18+$0x0] =	vst.idx.msk $0xffff, v22;
	v22 =	vld.idx.msk [tilespmem:v24+s5+$0x0], $0xffff;
	v24 =	vor.u32 v60, v3  }
0x686: {  	v29 =	vor.u32 v36, v12;
	v10 =	vor.u32 v36, v17;
	v36 =	vld [tilespmem:$0x1FEB0];
	v23 =	vor.u32 v44, v2  }
0x687: {  	[tilespmem:v27+s18+$0x0] =	vst.idx.msk $0xffff, v26  }
0x688: {  	[tilespmem:v30+s18+$0x0] =	vst.idx.msk $0xffff, v28  }
0x689: {  	[tilespmem:v63+s18+$0x0] =	vst.idx.msk $0xffff, v31  }
0x68a: {  	v25 =	vor.u32 v35, v4;
	v21 =	vld.idx.msk [tilespmem:v21+s5+$0x0], $0xffff;
	[tilespmem:v24+s18+$0x0] =	vst.idx.msk $0xffff, v22  }
0x68b: {  	v26 =	vor.u32 v60, v6;
	v28 =	vld.idx.msk [tilespmem:v29+s5+$0x0], $0xffff;
	v14 =	vor.u32 v36, v14;
	[tilespmem:v23+s18+$0x0] =	vst.idx.msk $0xffff, v33  }
0x68c: {  	v37 =	vld [tilespmem:$0x1FEC0]  }
0x68d: {  	v29 =	vor.u32 v60, v11;
	v10 =	vld.idx.msk [tilespmem:v10+s5+$0x0], $0xffff  }
0x68e: {  	v31 =	vor.u32 v60, v15;
	v32 =	vld.idx.msk [tilespmem:v50+s5+$0x0], $0xffff  }
0x68f: {  	v51 =	vor.u32 v60, v18;
	v24 =	vld.idx.msk [tilespmem:v25+s5+$0x0], $0xffff  }
0x690: {  	v25 =	vor.u32 v44, v7;
	v14 =	vld.idx.msk [tilespmem:v14+s5+$0x0], $0xffff;
	[tilespmem:v26+s18+$0x0] =	vst.idx.msk $0xffff, v21  }
0x691: {  	v27 =	vor.u32 v35, v9;
	v53 =	vld [tilespmem:$0x1FD50];
	v5 =	vor.u32 v37, v5  }
0x692: {  	[tilespmem:v29+s18+$0x0] =	vst.idx.msk $0xffff, v28  }
0x693: {  	v30 =	vor.u32 v35, v12;
	[tilespmem:v31+s18+$0x0] =	vst.idx.msk $0xffff, v10  }
0x694: {  	v23 =	vor.u32 v35, v17;
	[tilespmem:v51+s18+$0x0] =	vst.idx.msk $0xffff, v32  }
0x695: {  	v22 =	vor.u32 v35, v20;
	[tilespmem:v25+s18+$0x0] =	vst.idx.msk $0xffff, v24  }
0x696: {  	v27 =	vld.idx.msk [tilespmem:v27+s5+$0x0], $0xffff;
	v21 =	vor.u32 v53, v1;
	[tilespmem:v5+s18+$0x0] =	vst.idx.msk $0xffff, v14  }
0x697: {  	v28 =	vor.u32 v44, v8;
	v26 =	vor.u32 v53, v4;
	v60 =	vld [tilespmem:$0x1FD60]  }
0x698: {  	v29 =	vld.idx.msk [tilespmem:v30+s5+$0x0], $0xffff  }
0x699: {  	v30 =	vor.u32 v44, v13;
	v23 =	vld.idx.msk [tilespmem:v23+s5+$0x0], $0xffff;
	v10 =	vor.u32 v53, v9  }
0x69a: {  	v54 =	vor.u32 v44, v16;
	v14 =	vld.idx.msk [tilespmem:v22+s5+$0x0], $0xffff  }
0x69b: {  	v22 =	vor.u32 v44, v19;
	v21 =	vld.idx.msk [tilespmem:v21+s5+$0x0], $0xffff  }
0x69c: {  	[tilespmem:v28+s18+$0x0] =	vst.idx.msk $0xffff, v27;
	v26 =	vld.idx.msk [tilespmem:v26+s5+$0x0], $0xffff;
	v24 =	vor.u32 v60, v0  }
0x69d: {  	v33 =	vld [tilespmem:$0x1FD70];
	v28 =	vor.u32 v60, v3  }
0x69e: {  	[tilespmem:v30+s18+$0x0] =	vst.idx.msk $0xffff, v29;
	v10 =	vld.idx.msk [tilespmem:v10+s5+$0x0], $0xffff;
	v30 =	vor.u32 v60, v6  }
0x69f: {  	[tilespmem:v54+s18+$0x0] =	vst.idx.msk $0xffff, v23  }
0x6a0: {  	v31 =	vor.u32 v53, v12;
	[tilespmem:v22+s18+$0x0] =	vst.idx.msk $0xffff, v14  }
0x6a1: {  	v5 =	vor.u32 v53, v17;
	[tilespmem:v24+s18+$0x0] =	vst.idx.msk $0xffff, v21  }
0x6a2: {  	v25 =	vor.u32 v53, v20;
	[tilespmem:v28+s18+$0x0] =	vst.idx.msk $0xffff, v26  }
0x6a3: {  	v27 =	vor.u32 v33, v1;
	v63 =	vld [tilespmem:$0x1FD80];
	[tilespmem:v30+s18+$0x0] =	vst.idx.msk $0xffff, v10  }
0x6a4: {  	v29 =	vor.u32 v33, v4;
	v38 =	vld [tilespmem:$0x1FD90]  }
0x6a5: {  	v31 =	vld.idx.msk [tilespmem:v31+s5+$0x0], $0xffff;
	v62 =	vor.u32 v60, v11;
	v23 =	vor.u32 v33, v9  }
0x6a6: {  	v5 =	vld.idx.msk [tilespmem:v5+s5+$0x0], $0xffff;
	v22 =	vor.u32 v60, v15;
	v14 =	vor.u32 v33, v12  }
0x6a7: {  	v21 =	vor.u32 v33, v17;
	v24 =	vld.idx.msk [tilespmem:v25+s5+$0x0], $0xffff;
	v25 =	vor.u32 v60, v18  }
0x6a8: {  	v28 =	vor.u32 v33, v20;
	v27 =	vld.idx.msk [tilespmem:v27+s5+$0x0], $0xffff;
	v26 =	vor.u32 v63, v2  }
0x6a9: {  	v29 =	vld.idx.msk [tilespmem:v29+s5+$0x0], $0xffff;
	v30 =	vor.u32 v63, v7;
	v10 =	vor.u32 v38, v1  }
0x6aa: {  	[tilespmem:v62+s18+$0x0] =	vst.idx.msk $0xffff, v31;
	v23 =	vld.idx.msk [tilespmem:v23+s5+$0x0], $0xffff;
	v44 =	vor.u32 v63, v8;
	v31 =	vor.u32 v38, v4  }
0x6ab: {  	[tilespmem:v22+s18+$0x0] =	vst.idx.msk $0xffff, v5;
	v14 =	vld.idx.msk [tilespmem:v14+s5+$0x0], $0xffff;
	v22 =	vor.u32 v63, v13;
	v5 =	vor.u32 v38, v9  }
0x6ac: {  	[tilespmem:v25+s18+$0x0] =	vst.idx.msk $0xffff, v24;
	v21 =	vld.idx.msk [tilespmem:v21+s5+$0x0], $0xffff;
	v25 =	vor.u32 v63, v16;
	v24 =	vor.u32 v38, v12  }
0x6ad: {  	[tilespmem:v26+s18+$0x0] =	vst.idx.msk $0xffff, v27;
	v26 =	vor.u32 v38, v17;
	v27 =	vld.idx.msk [tilespmem:v28+s5+$0x0], $0xffff;
	v28 =	vor.u32 v63, v19  }
0x6ae: {  	[tilespmem:v30+s18+$0x0] =	vst.idx.msk $0xffff, v29;
	v29 =	vor.u32 v56, v0;
	v30 =	vor.u32 v38, v20;
	v10 =	vld.idx.msk [tilespmem:v10+s5+$0x0], $0xffff  }
0x6af: {  	v50 =	vor.u32 v56, v3;
	[tilespmem:v44+s18+$0x0] =	vst.idx.msk $0xffff, v23;
	v23 =	vor.u32 v43, v1;
	v31 =	vld.idx.msk [tilespmem:v31+s5+$0x0], $0xffff  }
0x6b0: {  	[tilespmem:v22+s18+$0x0] =	vst.idx.msk $0xffff, v14;
	v14 =	vor.u32 v43, v4;
	v22 =	vor.u32 v56, v6;
	v5 =	vld.idx.msk [tilespmem:v5+s5+$0x0], $0xffff  }
0x6b1: {  	[tilespmem:v25+s18+$0x0] =	vst.idx.msk $0xffff, v21;
	v21 =	vor.u32 v43, v9;
	v25 =	vor.u32 v56, v11;
	v24 =	vld.idx.msk [tilespmem:v24+s5+$0x0], $0xffff  }
0x6b2: {  	[tilespmem:v28+s18+$0x0] =	vst.idx.msk $0xffff, v27;
	v27 =	vor.u32 v43, v12;
	v26 =	vld.idx.msk [tilespmem:v26+s5+$0x0], $0xffff;
	v28 =	vor.u32 v56, v15  }
0x6b3: {  	[tilespmem:v29+s18+$0x0] =	vst.idx.msk $0xffff, v10;
	v10 =	vor.u32 v43, v17;
	v29 =	vld.idx.msk [tilespmem:v30+s5+$0x0], $0xffff;
	v30 =	vor.u32 v56, v18  }
0x6b4: {  	v51 =	vor.u32 v42, v2;
	[tilespmem:v50+s18+$0x0] =	vst.idx.msk $0xffff, v31;
	v31 =	vor.u32 v43, v20;
	v23 =	vld.idx.msk [tilespmem:v23+s5+$0x0], $0xffff  }
0x6b5: {  	v53 =	vor.u32 v36, v1;
	v7 =	vor.u32 v42, v7;
	[tilespmem:v22+s18+$0x0] =	vst.idx.msk $0xffff, v5;
	v5 =	vld.idx.msk [tilespmem:v14+s5+$0x0], $0xffff  }
0x6b6: {  	v8 =	vor.u32 v42, v8;
	v4 =	vor.u32 v36, v4;
	[tilespmem:v25+s18+$0x0] =	vst.idx.msk $0xffff, v24;
	v14 =	vld.idx.msk [tilespmem:v21+s5+$0x0], $0xffff  }
0x6b7: {  	v13 =	vor.u32 v42, v13;
	v9 =	vor.u32 v36, v9;
	[tilespmem:v28+s18+$0x0] =	vst.idx.msk $0xffff, v26;
	v21 =	vld.idx.msk [tilespmem:v27+s5+$0x0], $0xffff  }
0x6b8: {  	v16 =	vor.u32 v42, v16;
	v12 =	vor.u32 v36, v12;
	[tilespmem:v30+s18+$0x0] =	vst.idx.msk $0xffff, v29;
	v10 =	vld.idx.msk [tilespmem:v10+s5+$0x0], $0xffff  }
0x6b9: {  	v54 =	vor.u32 v36, v17;
	v19 =	vor.u32 v42, v19;
	[tilespmem:v51+s18+$0x0] =	vst.idx.msk $0xffff, v23;
	v17 =	vld.idx.msk [tilespmem:v31+s5+$0x0], $0xffff  }
0x6ba: {  	v56 =	vor.u32 v37, v0;
	[tilespmem:v7+s18+$0x0] =	vst.idx.msk $0xffff, v5;
	v5 =	vor.u32 v36, v20;
	v1 =	vld.idx.msk [tilespmem:v53+s5+$0x0], $0xffff  }
0x6bb: {  	v60 =	vor.u32 v37, v3;
	[tilespmem:v8+s18+$0x0] =	vst.idx.msk $0xffff, v14;
	v4 =	vld.idx.msk [tilespmem:v4+s5+$0x0], $0xffff  }
0x6bc: {  	v6 =	vor.u32 v37, v6;
	v7 =	vld.idx.msk [tilespmem:v9+s5+$0x0], $0xffff;
	[tilespmem:v13+s18+$0x0] =	vst.idx.msk $0xffff, v21  }
0x6bd: {  	v9 =	vor.u32 v37, v11;
	[tilespmem:v16+s18+$0x0] =	vst.idx.msk $0xffff, v10;
	v8 =	vld.idx.msk [tilespmem:v12+s5+$0x0], $0xffff  }
0x6be: {  	v10 =	vor.u32 v37, v15;
	[tilespmem:v19+s18+$0x0] =	vst.idx.msk $0xffff, v17;
	v2 =	vld.idx.msk [tilespmem:v54+s5+$0x0], $0xffff  }
0x6bf: {  	v63 =	vor.u32 v37, v18;
	[tilespmem:v56+s18+$0x0] =	vst.idx.msk $0xffff, v1;
	v62 =	vld.idx.msk [tilespmem:v5+s5+$0x0], $0xffff  }
0x6c0: {  	[tilespmem:v60+s18+$0x0] =	vst.idx.msk $0xffff, v4  }
0x6c1: {  	[tilespmem:v6+s18+$0x0] =	vst.idx.msk $0xffff, v7  }
0x6c2: {  	[tilespmem:v9+s18+$0x0] =	vst.idx.msk $0xffff, v8  }
0x6c3: {  	[tilespmem:v10+s18+$0x0] =	vst.idx.msk $0xffff, v2  }
0x6c4: {  	[tilespmem:v63+s18+$0x0] =	vst.idx.msk $0xffff, v62  }
0x6c5: {  	[hbm4b:s11+s5] =	stream.linear.scatter [tilespmem:s18], [sflag:$0x3], $0x2000, $0x38;
	[tilespmem:$0x8000] =	vst v63  }
0x6c6: {  	_ =	swait.ge [sflag:s21], $0x2000  }
0x6c7: {  	[sflag:s21] =	ssyncset.done $0x0  }
0x6c8: {  	[sflag:s21] =	ssyncadd.s32 $0xFFFFE000  }
0x6c9: {  	_ =	swait.ge [sflag:s22], $0x2000  }
0x6ca: {  	s24 =	sshll.u32 @!p0 s2, $0x6;
	[sflag:s22] =	ssyncset.done $0x0  }
0x6cb: {  	s24 =	sor.u32 @!p0 $0x1C05, s24;
	[sflag:s22] =	ssyncadd.s32 $0xFFFFE000  }
0x6cc: {  	[hbm:s12], [sflag:s24] =	dma.local @!p0 [hbm:s1], $0x200  }
0x6cd: {  	s24 =	simm.s32 @!p0 $0x5  }
0x6ce: {  	_ =	swait.ge @!p0 [sflag:s24], $0x200  }
0x6cf: {  	v7 =	vld [tilespmem:$0x1FF90]  }
0x6d0: {  	v30 =	vld [tilespmem:$0x1FFC0]  }
0x6d1: {  	v37 =	vld [tilespmem:$0x1FF20]  }
0x6d2: {  	v11 =	vld [tilespmem:$0x1FFD0]  }
0x6d3: {  	v12 =	vld [tilespmem:$0x1FFE0]  }
0x6d4: {  	v15 =	vld [tilespmem:$0x1FFF0]  }
0x6d5: {  	v16 =	vld [tilespmem:$0x1FEE0]  }
0x6d6: {  	s23 =	sadd.s32 $0x1, s23;
	v17 =	vld [tilespmem:$0x1FEF0]  }
0x6d7: {  	p1 =	sne.s32 s23, s13;
	v18 =	vld [tilespmem:$0x1FF70]  }
.Ltmp4:
0x6d8: {  	v35 =	vld [tilespmem:$0x1FF10];
	(pc) =	sbr.rel @p1 .LBB2_1-.Ltmp4, $4  }
0x6d9: {  	v31 =	vld [tilespmem:$0x1FF60]  }
0x6da: {  	v19 =	vld [tilespmem:$0x1FF00]  }
0x6db: {  	v22 =	vmov v61;
	v24 =	vmov v55;
	[sflag:s24] =	ssyncset.done @!p0 $0x0;
	v20 =	vld [tilespmem:$0x1FF80]  }
0x6dc: {  	v26 =	vmovc v59;
	v28 =	vmovc v46;
	v23 =	vmov v57;
	v56 =	vmov v52;
	v62 =	vlaneseq.u32;
	v21 =	vld [tilespmem:$0x1FDD0];
	[sflag:s24] =	ssyncadd.s32 @!p0 $0xFFFFFE00  }
0x6dd: {  	_ =	sfence.sel $0x180000  }
0x6de: {  	[bflag:$0x0] =	sbarrier.arrive $0xFFFF  }
0x6df: {  	p0 =	sne.s32 s2, $0x0;
	_ =	strace $0x90000047  }
0x6e0: {  	s0 =	sadd.s32 @!p0 $0x100000, s3;
	[bflag:$0x2] =	sbarrier.arrive $0xFFFF  }
0x6e1: {  	[sflag:s0] =	ssyncadd.tile.s32 @!p0 $0x1;
	_ =	shalt  }
.Lfunc_end2:
_tile_overlayer_lowered:
.L_overlay_start_2:
0x6e2: {  	(tag) =	ssettag $0x2  }
0x6e3: {  	s0 =	rddreg [dreg:$0x0];
	s2 =	stileid.u32  }
0x6e4: {  	s1 =	rddreg [dreg:$0x1];
	p0 =	sne.s32 s2, $0x0  }
0x6e5: {  	s3 =	rddreg [dreg:$0x2];
	[bflag:$0x3] =	sbarrier.arrive $0xFFFF;
	s2 =	simm.s32 @!p0 $0x1C05  }
0x6e6: {  	[timem:s3], [sflag:s2] =	dma.local @!p0 [hbm:s0], s1  }
0x6e7: {  	s0 =	simm.s32 @!p0 $0x5  }
0x6e8: {  	_ =	swait.ge @!p0 [sflag:s0], s1  }
0x6e9: {  	s1 =	ssub.s32 @!p0 $0x0, s1;
	[sflag:s0] =	ssyncset.done @!p0 $0x0  }
0x6ea: {  	[sflag:s0] =	ssyncadd.s32 @!p0 s1  }
0x6eb: {  	[bflag:$0x3] =	sbarrier.arrive $0xFFFF  }
0x6ec: {  	_ =	shalt  }

</sc_bundles>
